<compile_context>
chip_gen: v7x
topology: tpu7x:2x2x1
jax: 0.10.2.dev20260603
libtpu: 0.0.44.dev20260713+nightly
codegen_flags: <defaults>
</compile_context>

<pallas_src>
import functools

import jax
import jax.numpy as jnp
from jax import lax
from jax.experimental import pallas as pl
from jax.experimental.pallas import tpu as pltpu
from jax.experimental.pallas import tpu_sc as plsc

N = 10000
E = 320000
D_IN = 128
D_ID = 16
D_EF = 16
D_MSG = 128
D_H = 256
HD = D_H // 2

NC = 2
NS = 16
LANES = 16
NW = NC * NS

SLICES = (192000, 128000)
ROWS_PER_TILE = 624
TAIL_ROWS = N - NS * ROWS_PER_TILE
ZR = 48


def _chunk_size(epw):
    for k in range(128, 0, -8):
        if epw % k == 0:
            return k
    raise ValueError(epw)


@functools.lru_cache(maxsize=None)
def _get_mesh():
    return plsc.VectorSubcoreMesh(core_axis_name="c", subcore_axis_name="s",
                                  num_cores=NC, num_subcores=NS)



def _make_gather_body(epw, kg, nchunk):
    nbuf = 3

    def body(pd_hbm, ps_hbm, ei_hbm, ej_hbm, pre_hbm,
             idxi_all, idxj_all, a0, b0, a1, b1, a2, b2,
             gsa0, gsb0, gsa1, gsb1, gsa2, gsb2, ss0, ss1, ss2):
        wid = lax.axis_index("s") * NC + lax.axis_index("c")
        base0 = wid * epw
        pltpu.sync_copy(ei_hbm.at[pl.ds(base0, epw)], idxi_all)
        pltpu.sync_copy(ej_hbm.at[pl.ds(base0, epw)], idxj_all)

        sets = ((a0, b0, gsa0, gsb0, ss0),
                (a1, b1, gsa1, gsb1, ss1),
                (a2, b2, gsa2, gsb2, ss2))

        def issue(setidx, it):
            a, b, gsa, gsb, _ = sets[setidx]
            off = it * kg
            pltpu.async_copy(pd_hbm.at[idxi_all.at[pl.ds(off, kg)]], a, gsa)
            pltpu.async_copy(ps_hbm.at[idxj_all.at[pl.ds(off, kg)]], b, gsb)

        def process(setidx, it, issue_next):
            a, b, gsa, gsb, ss = sets[setidx]
            nset = (setidx + 1) % nbuf
            na = sets[nset][0]
            nss = sets[nset][4]
            pltpu.make_async_copy(
                pd_hbm.at[idxi_all.at[pl.ds(0, kg)]], a, gsa).wait()
            pltpu.make_async_copy(
                ps_hbm.at[idxj_all.at[pl.ds(0, kg)]], b, gsb).wait()
            if issue_next:
                @pl.when(it >= nbuf - 1)
                def _wait_next_store():
                    pltpu.make_async_copy(
                        na, pre_hbm.at[pl.ds(base0, kg)], nss).wait()
                issue(nset, it + 1)

            def row(r, carry):
                for cc in range(HD // LANES):
                    sl = pl.ds(cc * LANES, LANES)
                    av = plsc.bitcast(a[r, sl], jnp.bfloat16)
                    bv = plsc.bitcast(b[r, sl], jnp.bfloat16)
                    a[r, sl] = plsc.bitcast(av + bv, jnp.float32)
                return carry

            lax.fori_loop(0, kg, row, 0, unroll=False)
            pltpu.async_copy(a, pre_hbm.at[pl.ds(base0 + it * kg, kg)], ss)

        issue(0, 0)
        ntriple = (nchunk - 2) // nbuf

        def body3(k, carry):
            process(0, 3 * k, True)
            process(1, 3 * k + 1, True)
            process(2, 3 * k + 2, True)
            return carry

        lax.fori_loop(0, ntriple, body3, 0, unroll=False)
        for it in range(nbuf * ntriple, nchunk):
            process(it % nbuf, it, it + 1 < nchunk)
        for a, _b, _gsa, _gsb, ss in sets:
            pltpu.make_async_copy(a, pre_hbm.at[pl.ds(base0, kg)], ss).wait()

    return body


@functools.lru_cache(maxsize=None)
def _build_gather(e_cnt):
    epw = e_cnt // NW
    kg = _chunk_size(epw)
    nchunk = epw // kg
    return pl.kernel(
        _make_gather_body(epw, kg, nchunk),
        out_type=jax.ShapeDtypeStruct((e_cnt, HD), jnp.float32),
        mesh=_get_mesh(),
        compiler_params=pltpu.CompilerParams(needs_layout_passes=False,
                                             use_tc_tiling_on_sc=True),
        scratch_types=(
            [pltpu.VMEM((epw,), jnp.int32)] * 2
            + [pltpu.VMEM((kg, HD), jnp.float32)] * 6
            + [pltpu.SemaphoreType.DMA] * 9
        ),
    )


def _sc_gather(pd, ps, ei, ej):
    return _build_gather(ei.shape[0])(pd, ps, ei, ej)



def _make_scatter_body(phases):

    def body(*refs):
        nph = len(phases)
        msgs_refs = refs[0:2 * nph:2]
        idx_hbm_refs = refs[1:2 * nph:2]
        agg_hbm = refs[2 * nph]
        idx_v_refs = refs[2 * nph + 1:3 * nph + 1]
        m0, m1, z_v, acc_sh, sm0, sm1, sa0, sa1, zsem = refs[3 * nph + 1:]
        c = lax.axis_index("c")
        s = lax.axis_index("s")
        wid = c * NS + s
        sets = ((m0, sm0, sa0), (m1, sm1, sa1))

        for ih, iv in zip(idx_hbm_refs, idx_v_refs):
            pltpu.sync_copy(ih.at[wid], iv)
        zero = jnp.zeros((LANES,), jnp.float32)

        def zrow(r, carry):
            for cc in range(D_MSG // LANES):
                z_v[r, pl.ds(cc * LANES, LANES)] = zero
            return carry

        lax.fori_loop(0, ZR, zrow, 0, unroll=False)
        row0 = s * ROWS_PER_TILE
        zcopies = [
            pltpu.async_copy(z_v, acc_sh.at[pl.ds(row0 + k * ZR, ZR)], zsem)
            for k in range(ROWS_PER_TILE // ZR)
        ]

        @pl.when(s == NS - 1)
        def _zero_tail():
            pltpu.async_copy(z_v.at[pl.ds(0, TAIL_ROWS)],
                             acc_sh.at[pl.ds(NS * ROWS_PER_TILE, TAIL_ROWS)],
                             zsem).wait()

        for zc in zcopies:
            zc.wait()
        plsc.subcore_barrier()

        for pi, (epw, ks, nchunk) in enumerate(phases):
            msgs_hbm = msgs_refs[pi]
            idx_v = idx_v_refs[pi]
            base0 = wid * epw

            def issue(setidx, it):
                m, sm, _ = sets[setidx]
                pltpu.async_copy(
                    msgs_hbm.at[pl.ds(base0 + it * ks, ks)], m, sm)

            def process(setidx, it, issue_next):
                m, sm, sa = sets[setidx]
                pltpu.make_async_copy(
                    msgs_hbm.at[pl.ds(base0, ks)], m, sm).wait()
                if issue_next:
                    om, _osm, osa = sets[1 - setidx]

                    @pl.when(it >= 1)
                    def _wait_other_add():
                        pltpu.make_async_copy(
                            om, acc_sh.at[idx_v.at[0]], osa).wait()
                    issue(1 - setidx, it + 1)
                pltpu.async_copy(m, acc_sh.at[idx_v.at[it]], sa, add=True)

            issue(0, 0)

            def body2(k, carry):
                process(0, 2 * k, True)
                process(1, 2 * k + 1, True)
                return carry

            ndouble = (nchunk - 1) // 2
            lax.fori_loop(0, ndouble, body2, 0, unroll=False)
            for it in range(2 * ndouble, nchunk):
                process(it % 2, it, it + 1 < nchunk)
            pltpu.make_async_copy(m1, acc_sh.at[idx_v.at[0]], sa1).wait()
            pltpu.make_async_copy(m0, acc_sh.at[idx_v.at[0]], sa0).wait()

        plsc.subcore_barrier()
        pltpu.sync_copy(acc_sh.at[pl.ds(row0, ROWS_PER_TILE)],
                        agg_hbm.at[c, pl.ds(row0, ROWS_PER_TILE)])

        @pl.when(s == NS - 1)
        def _copy_tail():
            pltpu.sync_copy(
                acc_sh.at[pl.ds(NS * ROWS_PER_TILE, TAIL_ROWS)],
                agg_hbm.at[c, pl.ds(NS * ROWS_PER_TILE, TAIL_ROWS)])

    return body


def _common_chunk(epws):
    for k in range(128, 0, -8):
        if all(epw % k == 0 for epw in epws):
            return k
    raise ValueError(epws)


@functools.lru_cache(maxsize=None)
def _build_scatter(e_cnts):
    epws = [e_cnt // NW for e_cnt in e_cnts]
    ks = _common_chunk(epws)
    phases = tuple((epw, ks, epw // ks) for epw in epws)
    return pl.kernel(
        _make_scatter_body(phases),
        out_type=jax.ShapeDtypeStruct((NC, N, D_MSG), jnp.float32),
        mesh=_get_mesh(),
        scratch_types=(
            [pltpu.VMEM((nchunk, ks), jnp.int32)
             for _, ks, nchunk in phases]
            + [pltpu.VMEM((ks, D_MSG), jnp.float32)] * 2
            + [pltpu.VMEM((ZR, D_MSG), jnp.float32),
               pltpu.VMEM_SHARED((N, D_MSG), jnp.float32)]
            + [pltpu.SemaphoreType.DMA] * 5
        ),
    )


def _sc_scatter(msgs_list, ei_list):
    e_cnts = tuple(ei.shape[0] for ei in ei_list)
    ks = _common_chunk([e // NW for e in e_cnts])
    args = []
    for msgs, ei, e_cnt in zip(msgs_list, ei_list, e_cnts):
        epw = e_cnt // NW
        args += [msgs, ei.reshape(NW, epw // ks, ks)]
    return _build_scatter(e_cnts)(*args)



_NBLK = 2000
_EBLK = 1280


def _bf16_pack(even, odd):
    be = lax.bitcast_convert_type(
        even.astype(jnp.bfloat16).astype(jnp.float32), jnp.uint32)
    bo = lax.bitcast_convert_type(
        odd.astype(jnp.bfloat16).astype(jnp.float32), jnp.uint32)
    w = (be >> jnp.uint32(16)) | (bo & jnp.uint32(0xFFFF0000))
    return lax.bitcast_convert_type(w, jnp.float32)


def _bf16_unpack(packed):
    u = lax.bitcast_convert_type(packed, jnp.uint32)
    even = lax.bitcast_convert_type(u << jnp.uint32(16), jnp.float32)
    odd = lax.bitcast_convert_type(u & jnp.uint32(0xFFFF0000), jnp.float32)
    return even, odd


def _dot_t(lhs_t, rhs):
    return lax.dot_general(lhs_t, rhs, (((0,), (0,)), ((), ())),
                           preferred_element_type=jnp.float32)


def _node_pre_body(x_ref, idt_ref, wxie_ref, wxio_ref, wxje_ref, wxjo_ref,
                   widie_ref, widio_ref, widje_ref, widjo_ref,
                   u1x_ref, ub1_ref, pd_ref, ps_ref, xu_ref):
    x = x_ref[...]
    idn = idt_ref[...]
    f32 = jnp.float32
    pd_e = (jnp.dot(x, wxie_ref[...], preferred_element_type=f32)
            + jnp.dot(idn, widie_ref[...], preferred_element_type=f32))
    pd_o = (jnp.dot(x, wxio_ref[...], preferred_element_type=f32)
            + jnp.dot(idn, widio_ref[...], preferred_element_type=f32))
    ps_e = (jnp.dot(x, wxje_ref[...], preferred_element_type=f32)
            + jnp.dot(idn, widje_ref[...], preferred_element_type=f32))
    ps_o = (jnp.dot(x, wxjo_ref[...], preferred_element_type=f32)
            + jnp.dot(idn, widjo_ref[...], preferred_element_type=f32))
    pd_ref[...] = _bf16_pack(pd_e, pd_o)
    ps_ref[...] = _bf16_pack(ps_e, ps_o)
    xu_ref[...] = (jnp.dot(x, u1x_ref[...], preferred_element_type=f32)
                   + ub1_ref[...])


def _node_precompute(x, id_t, wxi, wxj, widi, widj, u1x, ub1):
    grid = (N // _NBLK,)
    full = lambda shape: pl.BlockSpec(shape, lambda i: (0,) * len(shape))
    return pl.pallas_call(
        _node_pre_body,
        grid=grid,
        in_specs=[
            pl.BlockSpec((_NBLK, D_IN), lambda i: (i, 0)),
            pl.BlockSpec((_NBLK, D_ID), lambda i: (i, 0)),
            full((D_IN, HD)), full((D_IN, HD)),
            full((D_IN, HD)), full((D_IN, HD)),
            full((D_ID, HD)), full((D_ID, HD)),
            full((D_ID, HD)), full((D_ID, HD)),
            full((D_IN, D_H)), full((1, D_H)),
        ],
        out_specs=[
            pl.BlockSpec((_NBLK, HD), lambda i: (i, 0)),
            pl.BlockSpec((_NBLK, HD), lambda i: (i, 0)),
            pl.BlockSpec((_NBLK, D_H), lambda i: (i, 0)),
        ],
        out_shape=[
            jax.ShapeDtypeStruct((N, HD), jnp.float32),
            jax.ShapeDtypeStruct((N, HD), jnp.float32),
            jax.ShapeDtypeStruct((N, D_H), jnp.float32),
        ],
    )(x, id_t,
      wxi[:, 0::2], wxi[:, 1::2], wxj[:, 0::2], wxj[:, 1::2],
      widi[:, 0::2], widi[:, 1::2], widj[:, 0::2], widj[:, 1::2],
      u1x, ub1)


def _edge_mlp_body(pre_ref, eft_ref, wefe_ref, wefo_ref, b1e_ref, b1o_ref,
                   w2e_ref, w2o_ref, b2_ref, out_ref):
    eft = eft_ref[...]
    even, odd = _bf16_unpack(pre_ref[...])
    he = jnp.maximum(even + _dot_t(eft, wefe_ref[...]) + b1e_ref[...], 0.0)
    ho = jnp.maximum(odd + _dot_t(eft, wefo_ref[...]) + b1o_ref[...], 0.0)
    f32 = jnp.float32
    bf = jnp.bfloat16
    out_ref[...] = (jnp.dot(he.astype(bf), w2e_ref[...].astype(bf),
                            preferred_element_type=f32)
                    + jnp.dot(ho.astype(bf), w2o_ref[...].astype(bf),
                              preferred_element_type=f32)
                    + b2_ref[...])


def _edge_mlp(pre, ef_t, eblk0, wef, b1, w2, b2):
    e_cnt = pre.shape[0]
    grid = (e_cnt // _EBLK,)
    full = lambda shape: pl.BlockSpec(shape, lambda i: (0,) * len(shape))
    return pl.pallas_call(
        _edge_mlp_body,
        grid=grid,
        in_specs=[
            pl.BlockSpec((_EBLK, HD), lambda i: (i, 0)),
            pl.BlockSpec((D_EF, _EBLK), lambda i: (0, i + eblk0)),
            full((D_EF, HD)), full((D_EF, HD)),
            full((1, HD)), full((1, HD)),
            full((HD, D_MSG)), full((HD, D_MSG)), full((1, D_MSG)),
        ],
        out_specs=pl.BlockSpec((_EBLK, D_MSG), lambda i: (i, 0)),
        out_shape=jax.ShapeDtypeStruct((e_cnt, D_MSG), jnp.float32),
    )(pre, ef_t, wef[:, 0::2], wef[:, 1::2], b1[:, 0::2], b1[:, 1::2],
      w2[0::2], w2[1::2], b2)


def _make_update_body(nparts):
    def _update_body(xu_ref, agg_ref, u1a_ref, w2_ref, b2_ref, out_ref):
        f32 = jnp.float32
        agg = agg_ref[0]
        for k in range(1, nparts):
            agg = agg + agg_ref[k]
        h = jnp.maximum(
            xu_ref[...]
            + jnp.dot(agg, u1a_ref[...], preferred_element_type=f32), 0.0)
        out_ref[...] = (jnp.dot(h, w2_ref[...], preferred_element_type=f32)
                        + b2_ref[...])
    return _update_body


def _update_mlp(xu, aggp, u1a, w2, b2):
    grid = (N // _NBLK,)
    full = lambda shape: pl.BlockSpec(shape, lambda i: (0,) * len(shape))
    nparts = aggp.shape[0]
    return pl.pallas_call(
        _make_update_body(nparts),
        grid=grid,
        in_specs=[
            pl.BlockSpec((_NBLK, D_H), lambda i: (i, 0)),
            pl.BlockSpec((nparts, _NBLK, D_MSG), lambda i: (0, i, 0)),
            full((D_MSG, D_H)),
            full((D_H, D_MSG)), full((1, D_MSG)),
        ],
        out_specs=pl.BlockSpec((_NBLK, D_MSG), lambda i: (i, 0)),
        out_shape=jax.ShapeDtypeStruct((N, D_MSG), jnp.float32),
    )(xu, aggp, u1a, w2, b2)



def kernel(x, edge_index, identifiers, degrees, edge_features,
           msg_W1, msg_b1, msg_W2, msg_b2,
           upd_W1, upd_b1, upd_W2, upd_b2):
    ei = edge_index[1]
    ej = edge_index[0]
    wxi = msg_W1[0:D_IN]
    wxj = msg_W1[D_IN:2 * D_IN]
    widi = msg_W1[2 * D_IN:2 * D_IN + D_ID]
    widj = msg_W1[2 * D_IN + D_ID:2 * (D_IN + D_ID)]
    wef = msg_W1[2 * (D_IN + D_ID):]
    u1x = upd_W1[0:D_IN]
    u1a = upd_W1[D_IN:]
    b1 = msg_b1.reshape(1, D_H)
    b2 = msg_b2.reshape(1, D_MSG)
    ub1 = upd_b1.reshape(1, D_H)
    ub2 = upd_b2.reshape(1, D_MSG)

    pd, ps, xu = _node_precompute(x, identifiers, wxi, wxj, widi, widj,
                                  u1x, ub1)

    ef_t = edge_features.T
    msgs_list, ei_list = [], []
    lo = 0
    for es in SLICES:
        hi = lo + es
        pre_s = _sc_gather(pd, ps, ei[lo:hi], ej[lo:hi])
        msgs_list.append(
            _edge_mlp(pre_s, ef_t, lo // _EBLK, wef, b1, msg_W2, b2))
        ei_list.append(ei[lo:hi])
        lo = hi

    aggp = _sc_scatter(msgs_list, ei_list)
    return _update_mlp(xu, aggp, u1a, upd_W2, ub2)

# --- scband reference (transcript-rebuilt; emitter-appended) ---
"""Pipeline reference for scband-gsn-edge-sparse-63780264346296 (READ-ONLY COPY).

The authoritative reference and input builder live on the scoring server;
editing this copy changes nothing except your own understanding.
"""

import jax, jax.numpy as jnp
import numpy as np

N = 10000
E = 320000
D_IN = 128
D_ID = 16
D_EF = 16
D_MSG = 128
D_H = 256
D_UP = 128
MSG_IN = 2 * (D_IN + D_ID) + D_EF  # 304, msg_kind='general', id_scope='global'
UPD_IN = D_IN + D_MSG  # 256


def setup_inputs(seed: int = 0) -> dict:
    key = jax.random.key(seed)
    ks = jax.random.split(key, 14)
    x = jax.random.normal(ks[0], (N, D_IN), dtype=jnp.float32)
    edge_index = jax.random.randint(ks[1], (2, E), 0, N, dtype=jnp.int32)
    identifiers = jax.random.normal(ks[2], (N, D_ID), dtype=jnp.float32)
    degrees = jax.random.uniform(ks[3], (N,), dtype=jnp.float32)
    edge_features = jax.random.normal(ks[4], (E, D_EF), dtype=jnp.float32)
    # msg_fn: mlp(MSG_IN -> D_H -> D_MSG), relu, no bn
    msg_W1 = jax.random.normal(ks[5], (MSG_IN, D_H), dtype=jnp.float32) * (1.0 / np.sqrt(MSG_IN))
    msg_b1 = jnp.zeros((D_H,), dtype=jnp.float32)
    msg_W2 = jax.random.normal(ks[6], (D_H, D_MSG), dtype=jnp.float32) * (1.0 / np.sqrt(D_H))
    msg_b2 = jnp.zeros((D_MSG,), dtype=jnp.float32)
    # update_fn: mlp(UPD_IN -> D_H -> D_UP), relu, no bn
    upd_W1 = jax.random.normal(ks[7], (UPD_IN, D_H), dtype=jnp.float32) * (1.0 / np.sqrt(UPD_IN))
    upd_b1 = jnp.zeros((D_H,), dtype=jnp.float32)
    upd_W2 = jax.random.normal(ks[8], (D_H, D_UP), dtype=jnp.float32) * (1.0 / np.sqrt(D_H))
    upd_b2 = jnp.zeros((D_UP,), dtype=jnp.float32)
    return {
        "x": x,
        "edge_index": edge_index,
        "identifiers": identifiers,
        "degrees": degrees,
        "edge_features": edge_features,
        "msg_W1": msg_W1, "msg_b1": msg_b1, "msg_W2": msg_W2, "msg_b2": msg_b2,
        "upd_W1": upd_W1, "upd_b1": upd_b1, "upd_W2": upd_W2, "upd_b2": upd_b2,
    }


def reference(x, edge_index, identifiers, degrees, edge_features,
              msg_W1, msg_b1, msg_W2, msg_b2,
              upd_W1, upd_b1, upd_W2, upd_b2):
    # degree_as_tag=False -> degrees unused; retain_features irrelevant
    # flow='source_to_target' -> select=1: i = edge_index[1] (dst), j = edge_index[0] (src)
    ei = edge_index[1, :]
    ej = edge_index[0, :]
    x_i = jnp.take(x, ei, axis=0)
    x_j = jnp.take(x, ej, axis=0)
    id_i = jnp.take(identifiers, ei, axis=0)
    id_j = jnp.take(identifiers, ej, axis=0)
    # message (msg_kind='general', id_scope='global')
    m_in = jnp.concatenate([x_i, x_j, id_i, id_j, edge_features], axis=-1)
    h = jax.nn.relu(m_in @ msg_W1 + msg_b1)
    msgs = h @ msg_W2 + msg_b2
    # sparse sum over aggr_dim=0 of [N,N,d_msg] sparse tensor == segment-sum by edge_index[1]
    agg = jax.ops.segment_sum(msgs, ei, num_segments=x.shape[0])
    # update_fn(cat(x, agg))
    u_in = jnp.concatenate([x, agg], axis=-1)
    h2 = jax.nn.relu(u_in @ upd_W1 + upd_b1)
    out = h2 @ upd_W2 + upd_b2
    return out

if __name__ == "__main__":
    import jax
    _d = setup_inputs()
    print(jax.jit(kernel)(*tuple(_d.values())))

</pallas_src>

<mosaic_0001>
#map = affine_map<(d0, d1) -> (0, 0)>
#map1 = affine_map<(d0, d1) -> (0)>
module attributes {stable_mosaic.version = 14 : i64} {
  func.func @body(%arg0: i32, %arg1: i32, %arg2: memref<10000x128xf32, #tpu.memory_space<hbm>>, %arg3: memref<10000x128xf32, #tpu.memory_space<hbm>>, %arg4: memref<128000xi32, #tpu.memory_space<hbm>>, %arg5: memref<128000xi32, #tpu.memory_space<hbm>>, %arg6: memref<128000x128xf32, #tpu.memory_space<hbm>>, %arg7: memref<4000xi32, #tpu.memory_space<vmem>>, %arg8: memref<4000xi32, #tpu.memory_space<vmem>>, %arg9: memref<80x128xf32, #tpu.memory_space<vmem>>, %arg10: memref<80x128xf32, #tpu.memory_space<vmem>>, %arg11: memref<80x128xf32, #tpu.memory_space<vmem>>, %arg12: memref<80x128xf32, #tpu.memory_space<vmem>>, %arg13: memref<80x128xf32, #tpu.memory_space<vmem>>, %arg14: memref<80x128xf32, #tpu.memory_space<vmem>>, %arg15: memref<!tpu.dma_semaphore, #tpu.memory_space<semaphore_mem>>, %arg16: memref<!tpu.dma_semaphore, #tpu.memory_space<semaphore_mem>>, %arg17: memref<!tpu.dma_semaphore, #tpu.memory_space<semaphore_mem>>, %arg18: memref<!tpu.dma_semaphore, #tpu.memory_space<semaphore_mem>>, %arg19: memref<!tpu.dma_semaphore, #tpu.memory_space<semaphore_mem>>, %arg20: memref<!tpu.dma_semaphore, #tpu.memory_space<semaphore_mem>>, %arg21: memref<!tpu.dma_semaphore, #tpu.memory_space<semaphore_mem>>, %arg22: memref<!tpu.dma_semaphore, #tpu.memory_space<semaphore_mem>>, %arg23: memref<!tpu.dma_semaphore, #tpu.memory_space<semaphore_mem>>) attributes {dimension_semantics = [#tpu.dimension_semantics<core_parallel>, #tpu.dimension_semantics<subcore_parallel>], iteration_bounds = array<i64: 2, 16>, scalar_prefetch = 0 : i64, scratch_operands = 17 : i64, tpu.core_type = #tpu.core_type<sc_vector_subcore>, window_params = [{transform_indices = #map}, {transform_indices = #map}, {transform_indices = #map1}, {transform_indices = #map1}, {transform_indices = #map}]} {
    %mul3A = arith.constant 2 : i32
    %mul3A_0 = arith.muli %arg1, %mul3A : i32
    %add3A = arith.addi %mul3A_0, %arg0 : i32
    %mul3A_1 = arith.constant 4000 : i32
    %mul3A_2 = arith.muli %add3A, %mul3A_1 : i32
    "tpu.region"() ({
      %run_scoped3A = tpu.sem_alloc : memref<!tpu.dma_semaphore, #tpu.memory_space<semaphore_mem>>
      %dma_start3A_86 = tpu.memref_slice %arg4[%mul3A_2] : memref<128000xi32, #tpu.memory_space<hbm>> -> memref<4000xi32, #tpu.memory_space<hbm>>
      %dma_start3A_87 = tpu.memref_slice %arg4[%mul3A_2] : memref<128000xi32, #tpu.memory_space<hbm>> -> memref<4000xi32, #tpu.memory_space<hbm>>
      tpu.enqueue_dma source(%dma_start3A_87 : memref<4000xi32, #tpu.memory_space<hbm>>) target(%arg7 : memref<4000xi32, #tpu.memory_space<vmem>>) target_semaphore(%run_scoped3A : memref<!tpu.dma_semaphore, #tpu.memory_space<semaphore_mem>>)
      %dma_wait3A_88 = tpu.memref_slice %arg4[%mul3A_2] : memref<128000xi32, #tpu.memory_space<hbm>> -> memref<4000xi32, #tpu.memory_space<hbm>>
      %dma_wait3A_89 = tpu.memref_slice %arg4[%mul3A_2] : memref<128000xi32, #tpu.memory_space<hbm>> -> memref<4000xi32, #tpu.memory_space<hbm>>
      tpu.wait_dma2 semaphore(%run_scoped3A : memref<!tpu.dma_semaphore, #tpu.memory_space<semaphore_mem>>) src(%dma_wait3A_89 : memref<4000xi32, #tpu.memory_space<hbm>>) dst(%arg7 : memref<4000xi32, #tpu.memory_space<vmem>>)
      tpu.yield
    }) : () -> ()
    "tpu.region"() ({
      %run_scoped3A = tpu.sem_alloc : memref<!tpu.dma_semaphore, #tpu.memory_space<semaphore_mem>>
      %dma_start3A_86 = tpu.memref_slice %arg5[%mul3A_2] : memref<128000xi32, #tpu.memory_space<hbm>> -> memref<4000xi32, #tpu.memory_space<hbm>>
      %dma_start3A_87 = tpu.memref_slice %arg5[%mul3A_2] : memref<128000xi32, #tpu.memory_space<hbm>> -> memref<4000xi32, #tpu.memory_space<hbm>>
      tpu.enqueue_dma source(%dma_start3A_87 : memref<4000xi32, #tpu.memory_space<hbm>>) target(%arg8 : memref<4000xi32, #tpu.memory_space<vmem>>) target_semaphore(%run_scoped3A : memref<!tpu.dma_semaphore, #tpu.memory_space<semaphore_mem>>)
      %dma_wait3A_88 = tpu.memref_slice %arg5[%mul3A_2] : memref<128000xi32, #tpu.memory_space<hbm>> -> memref<4000xi32, #tpu.memory_space<hbm>>
      %dma_wait3A_89 = tpu.memref_slice %arg5[%mul3A_2] : memref<128000xi32, #tpu.memory_space<hbm>> -> memref<4000xi32, #tpu.memory_space<hbm>>
      tpu.wait_dma2 semaphore(%run_scoped3A : memref<!tpu.dma_semaphore, #tpu.memory_space<semaphore_mem>>) src(%dma_wait3A_89 : memref<4000xi32, #tpu.memory_space<hbm>>) dst(%arg8 : memref<4000xi32, #tpu.memory_space<vmem>>)
      tpu.yield
    }) : () -> ()
    %dma_start3A = arith.constant 0 : i32
    %dma_start3A_3 = tpu.memref_slice %arg7[%dma_start3A] : memref<4000xi32, #tpu.memory_space<vmem>> -> memref<80xi32, #tpu.memory_space<vmem>>
    %dma_start3A_4 = arith.constant 0 : i32
    %dma_start3A_5 = arith.constant 0 : i32
    %dma_start3A_6 = tpu.memref_slice %arg2[%dma_start3A_4, %dma_start3A_5] : memref<10000x128xf32, #tpu.memory_space<hbm>> -> memref<10000x128xf32, #tpu.memory_space<hbm>>
    tpu.enqueue_indirect_dma source(%dma_start3A_6 : memref<10000x128xf32, #tpu.memory_space<hbm>>) target(%arg9 : memref<80x128xf32, #tpu.memory_space<vmem>>) offsets(%dma_start3A_3 : memref<80xi32, #tpu.memory_space<vmem>>) semaphore(%arg15 : memref<!tpu.dma_semaphore, #tpu.memory_space<semaphore_mem>>)
    %dma_start3A_7 = arith.constant 0 : i32
    %dma_start3A_8 = tpu.memref_slice %arg8[%dma_start3A_7] : memref<4000xi32, #tpu.memory_space<vmem>> -> memref<80xi32, #tpu.memory_space<vmem>>
    %dma_start3A_9 = arith.constant 0 : i32
    %dma_start3A_10 = arith.constant 0 : i32
    %dma_start3A_11 = tpu.memref_slice %arg3[%dma_start3A_9, %dma_start3A_10] : memref<10000x128xf32, #tpu.memory_space<hbm>> -> memref<10000x128xf32, #tpu.memory_space<hbm>>
    tpu.enqueue_indirect_dma source(%dma_start3A_11 : memref<10000x128xf32, #tpu.memory_space<hbm>>) target(%arg10 : memref<80x128xf32, #tpu.memory_space<vmem>>) offsets(%dma_start3A_8 : memref<80xi32, #tpu.memory_space<vmem>>) semaphore(%arg16 : memref<!tpu.dma_semaphore, #tpu.memory_space<semaphore_mem>>)
    %scan3A = arith.constant 0 : i32
    %scan3A_12 = arith.constant 0 : i32
    %scan3A_13 = arith.constant 16 : i32
    %scan3A_14 = arith.addi %scan3A_12, %scan3A_13 : i32
    %scan3A_15 = arith.constant 1 : i32
    scf.for %scan3A_86 = %scan3A_12 to %scan3A_14 step %scan3A_15  : i32 {
      %mul3A_87 = arith.constant 3 : i32
      %mul3A_88 = arith.muli %mul3A_87, %scan3A_86 : i32
      %dma_wait3A_89 = arith.constant 0 : i32
      %dma_wait3A_90 = tpu.memref_slice %arg7[%dma_wait3A_89] : memref<4000xi32, #tpu.memory_space<vmem>> -> memref<80xi32, #tpu.memory_space<vmem>>
      %dma_wait3A_91 = arith.constant 0 : i32
      %dma_wait3A_92 = arith.constant 0 : i32
      %dma_wait3A_93 = tpu.memref_slice %arg2[%dma_wait3A_91, %dma_wait3A_92] : memref<10000x128xf32, #tpu.memory_space<hbm>> -> memref<10000x128xf32, #tpu.memory_space<hbm>>
      tpu.wait_indirect_dma semaphore(%arg15 : memref<!tpu.dma_semaphore, #tpu.memory_space<semaphore_mem>>) src(%dma_wait3A_93 : memref<10000x128xf32, #tpu.memory_space<hbm>>) dst(%arg9 : memref<80x128xf32, #tpu.memory_space<vmem>>)
      %dma_wait3A_94 = arith.constant 0 : i32
      %dma_wait3A_95 = tpu.memref_slice %arg8[%dma_wait3A_94] : memref<4000xi32, #tpu.memory_space<vmem>> -> memref<80xi32, #tpu.memory_space<vmem>>
      %dma_wait3A_96 = arith.constant 0 : i32
      %dma_wait3A_97 = arith.constant 0 : i32
      %dma_wait3A_98 = tpu.memref_slice %arg3[%dma_wait3A_96, %dma_wait3A_97] : memref<10000x128xf32, #tpu.memory_space<hbm>> -> memref<10000x128xf32, #tpu.memory_space<hbm>>
      tpu.wait_indirect_dma semaphore(%arg16 : memref<!tpu.dma_semaphore, #tpu.memory_space<semaphore_mem>>) src(%dma_wait3A_98 : memref<10000x128xf32, #tpu.memory_space<hbm>>) dst(%arg10 : memref<80x128xf32, #tpu.memory_space<vmem>>)
      %ge3A = arith.constant 2 : i32
      %ge3A_99 = arith.cmpi sge, %mul3A_88, %ge3A : i32
      %convert_element_type3A = arith.extui %ge3A_99 : i1 to i32
      %cond3A = arith.constant 0 : i32
      %cond3A_100 = arith.cmpi ne, %convert_element_type3A, %cond3A : i32
      scf.if %cond3A_100 {
        %dma_wait3A_214 = arith.constant 0 : i32
        %dma_wait3A_215 = tpu.memref_slice %arg6[%mul3A_2, %dma_wait3A_214] : memref<128000x128xf32, #tpu.memory_space<hbm>> -> memref<80x128xf32, #tpu.memory_space<hbm>>
        %dma_wait3A_216 = arith.constant 0 : i32
        %dma_wait3A_217 = tpu.memref_slice %arg6[%mul3A_2, %dma_wait3A_216] : memref<128000x128xf32, #tpu.memory_space<hbm>> -> memref<80x128xf32, #tpu.memory_space<hbm>>
        tpu.wait_dma2 semaphore(%arg22 : memref<!tpu.dma_semaphore, #tpu.memory_space<semaphore_mem>>) src(%arg11 : memref<80x128xf32, #tpu.memory_space<vmem>>) dst(%dma_wait3A_217 : memref<80x128xf32, #tpu.memory_space<hbm>>)
      } else {
      }
      %add3A_101 = arith.constant 1 : i32
      %add3A_102 = arith.addi %mul3A_88, %add3A_101 : i32
      %mul3A_103 = arith.constant 80 : i32
      %mul3A_104 = arith.muli %add3A_102, %mul3A_103 : i32
      %dma_start3A_105 = tpu.memref_slice %arg7[%mul3A_104] : memref<4000xi32, #tpu.memory_space<vmem>> -> memref<80xi32, #tpu.memory_space<vmem>>
      %dma_start3A_106 = arith.constant 0 : i32
      %dma_start3A_107 = arith.constant 0 : i32
      %dma_start3A_108 = tpu.memref_slice %arg2[%dma_start3A_106, %dma_start3A_107] : memref<10000x128xf32, #tpu.memory_space<hbm>> -> memref<10000x128xf32, #tpu.memory_space<hbm>>
      tpu.enqueue_indirect_dma source(%dma_start3A_108 : memref<10000x128xf32, #tpu.memory_space<hbm>>) target(%arg11 : memref<80x128xf32, #tpu.memory_space<vmem>>) offsets(%dma_start3A_105 : memref<80xi32, #tpu.memory_space<vmem>>) semaphore(%arg17 : memref<!tpu.dma_semaphore, #tpu.memory_space<semaphore_mem>>)
      %dma_start3A_109 = tpu.memref_slice %arg8[%mul3A_104] : memref<4000xi32, #tpu.memory_space<vmem>> -> memref<80xi32, #tpu.memory_space<vmem>>
      %dma_start3A_110 = arith.constant 0 : i32
      %dma_start3A_111 = arith.constant 0 : i32
      %dma_start3A_112 = tpu.memref_slice %arg3[%dma_start3A_110, %dma_start3A_111] : memref<10000x128xf32, #tpu.memory_space<hbm>> -> memref<10000x128xf32, #tpu.memory_space<hbm>>
      tpu.enqueue_indirect_dma source(%dma_start3A_112 : memref<10000x128xf32, #tpu.memory_space<hbm>>) target(%arg12 : memref<80x128xf32, #tpu.memory_space<vmem>>) offsets(%dma_start3A_109 : memref<80xi32, #tpu.memory_space<vmem>>) semaphore(%arg18 : memref<!tpu.dma_semaphore, #tpu.memory_space<semaphore_mem>>)
      %scan3A_113 = arith.constant 0 : i32
      %scan3A_114 = arith.constant 0 : i32
      %scan3A_115 = arith.constant 80 : i32
      %scan3A_116 = arith.addi %scan3A_114, %scan3A_115 : i32
      %scan3A_117 = arith.constant 1 : i32
      scf.for %scan3A_214 = %scan3A_114 to %scan3A_116 step %scan3A_117  : i32 {
        %get3A = arith.index_cast %scan3A_214 : i32 to index
        %get3A_215 = arith.constant 0 : index
        %get3A_216 = tpu.vector_load %arg9[%get3A, %get3A_215] {strides = array<i32>} : memref<80x128xf32, #tpu.memory_space<vmem>>, vector<16xf32>,
        %bitcast3A = vector.bitcast %get3A_216 : vector<16xf32> to vector<32xbf16>
        %get3A_217 = arith.index_cast %scan3A_214 : i32 to index
        %get3A_218 = arith.constant 0 : index
        %get3A_219 = tpu.vector_load %arg10[%get3A_217, %get3A_218] {strides = array<i32>} : memref<80x128xf32, #tpu.memory_space<vmem>>, vector<16xf32>,
        %bitcast3A_220 = vector.bitcast %get3A_219 : vector<16xf32> to vector<32xbf16>
        %add3A_221 = arith.addf %bitcast3A, %bitcast3A_220 : vector<32xbf16>
        %bitcast3A_222 = vector.bitcast %add3A_221 : vector<32xbf16> to vector<16xf32>
        %swap3A = arith.index_cast %scan3A_214 : i32 to index
        %swap3A_223 = arith.constant 0 : index
        %swap3A_224 = tpu.vector_load %arg9[%swap3A, %swap3A_223] {strides = array<i32>} : memref<80x128xf32, #tpu.memory_space<vmem>>, vector<16xf32>,
        tpu.vector_store %arg9[%swap3A, %swap3A_223], %bitcast3A_222 {strides = array<i32>} : memref<80x128xf32, #tpu.memory_space<vmem>>, vector<16xf32>,
        %get3A_225 = arith.index_cast %scan3A_214 : i32 to index
        %get3A_226 = arith.constant 16 : index
        %get3A_227 = tpu.vector_load %arg9[%get3A_225, %get3A_226] {strides = array<i32>} : memref<80x128xf32, #tpu.memory_space<vmem>>, vector<16xf32>,
        %bitcast3A_228 = vector.bitcast %get3A_227 : vector<16xf32> to vector<32xbf16>
        %get3A_229 = arith.index_cast %scan3A_214 : i32 to index
        %get3A_230 = arith.constant 16 : index
        %get3A_231 = tpu.vector_load %arg10[%get3A_229, %get3A_230] {strides = array<i32>} : memref<80x128xf32, #tpu.memory_space<vmem>>, vector<16xf32>,
        %bitcast3A_232 = vector.bitcast %get3A_231 : vector<16xf32> to vector<32xbf16>
        %add3A_233 = arith.addf %bitcast3A_228, %bitcast3A_232 : vector<32xbf16>
        %bitcast3A_234 = vector.bitcast %add3A_233 : vector<32xbf16> to vector<16xf32>
        %swap3A_235 = arith.index_cast %scan3A_214 : i32 to index
        %swap3A_236 = arith.constant 16 : index
        %swap3A_237 = tpu.vector_load %arg9[%swap3A_235, %swap3A_236] {strides = array<i32>} : memref<80x128xf32, #tpu.memory_space<vmem>>, vector<16xf32>,
        tpu.vector_store %arg9[%swap3A_235, %swap3A_236], %bitcast3A_234 {strides = array<i32>} : memref<80x128xf32, #tpu.memory_space<vmem>>, vector<16xf32>,
        %get3A_238 = arith.index_cast %scan3A_214 : i32 to index
        %get3A_239 = arith.constant 32 : index
        %get3A_240 = tpu.vector_load %arg9[%get3A_238, %get3A_239] {strides = array<i32>} : memref<80x128xf32, #tpu.memory_space<vmem>>, vector<16xf32>,
        %bitcast3A_241 = vector.bitcast %get3A_240 : vector<16xf32> to vector<32xbf16>
        %get3A_242 = arith.index_cast %scan3A_214 : i32 to index
        %get3A_243 = arith.constant 32 : index
        %get3A_244 = tpu.vector_load %arg10[%get3A_242, %get3A_243] {strides = array<i32>} : memref<80x128xf32, #tpu.memory_space<vmem>>, vector<16xf32>,
        %bitcast3A_245 = vector.bitcast %get3A_244 : vector<16xf32> to vector<32xbf16>
        %add3A_246 = arith.addf %bitcast3A_241, %bitcast3A_245 : vector<32xbf16>
        %bitcast3A_247 = vector.bitcast %add3A_246 : vector<32xbf16> to vector<16xf32>
        %swap3A_248 = arith.index_cast %scan3A_214 : i32 to index
        %swap3A_249 = arith.constant 32 : index
        %swap3A_250 = tpu.vector_load %arg9[%swap3A_248, %swap3A_249] {strides = array<i32>} : memref<80x128xf32, #tpu.memory_space<vmem>>, vector<16xf32>,
        tpu.vector_store %arg9[%swap3A_248, %swap3A_249], %bitcast3A_247 {strides = array<i32>} : memref<80x128xf32, #tpu.memory_space<vmem>>, vector<16xf32>,
        %get3A_251 = arith.index_cast %scan3A_214 : i32 to index
        %get3A_252 = arith.constant 48 : index
        %get3A_253 = tpu.vector_load %arg9[%get3A_251, %get3A_252] {strides = array<i32>} : memref<80x128xf32, #tpu.memory_space<vmem>>, vector<16xf32>,
        %bitcast3A_254 = vector.bitcast %get3A_253 : vector<16xf32> to vector<32xbf16>
        %get3A_255 = arith.index_cast %scan3A_214 : i32 to index
        %get3A_256 = arith.constant 48 : index
        %get3A_257 = tpu.vector_load %arg10[%get3A_255, %get3A_256] {strides = array<i32>} : memref<80x128xf32, #tpu.memory_space<vmem>>, vector<16xf32>,
        %bitcast3A_258 = vector.bitcast %get3A_257 : vector<16xf32> to vector<32xbf16>
        %add3A_259 = arith.addf %bitcast3A_254, %bitcast3A_258 : vector<32xbf16>
        %bitcast3A_260 = vector.bitcast %add3A_259 : vector<32xbf16> to vector<16xf32>
        %swap3A_261 = arith.index_cast %scan3A_214 : i32 to index
        %swap3A_262 = arith.constant 48 : index
        %swap3A_263 = tpu.vector_load %arg9[%swap3A_261, %swap3A_262] {strides = array<i32>} : memref<80x128xf32, #tpu.memory_space<vmem>>, vector<16xf32>,
        tpu.vector_store %arg9[%swap3A_261, %swap3A_262], %bitcast3A_260 {strides = array<i32>} : memref<80x128xf32, #tpu.memory_space<vmem>>, vector<16xf32>,
        %get3A_264 = arith.index_cast %scan3A_214 : i32 to index
        %get3A_265 = arith.constant 64 : index
        %get3A_266 = tpu.vector_load %arg9[%get3A_264, %get3A_265] {strides = array<i32>} : memref<80x128xf32, #tpu.memory_space<vmem>>, vector<16xf32>,
        %bitcast3A_267 = vector.bitcast %get3A_266 : vector<16xf32> to vector<32xbf16>
        %get3A_268 = arith.index_cast %scan3A_214 : i32 to index
        %get3A_269 = arith.constant 64 : index
        %get3A_270 = tpu.vector_load %arg10[%get3A_268, %get3A_269] {strides = array<i32>} : memref<80x128xf32, #tpu.memory_space<vmem>>, vector<16xf32>,
        %bitcast3A_271 = vector.bitcast %get3A_270 : vector<16xf32> to vector<32xbf16>
        %add3A_272 = arith.addf %bitcast3A_267, %bitcast3A_271 : vector<32xbf16>
        %bitcast3A_273 = vector.bitcast %add3A_272 : vector<32xbf16> to vector<16xf32>
        %swap3A_274 = arith.index_cast %scan3A_214 : i32 to index
        %swap3A_275 = arith.constant 64 : index
        %swap3A_276 = tpu.vector_load %arg9[%swap3A_274, %swap3A_275] {strides = array<i32>} : memref<80x128xf32, #tpu.memory_space<vmem>>, vector<16xf32>,
        tpu.vector_store %arg9[%swap3A_274, %swap3A_275], %bitcast3A_273 {strides = array<i32>} : memref<80x128xf32, #tpu.memory_space<vmem>>, vector<16xf32>,
        %get3A_277 = arith.index_cast %scan3A_214 : i32 to index
        %get3A_278 = arith.constant 80 : index
        %get3A_279 = tpu.vector_load %arg9[%get3A_277, %get3A_278] {strides = array<i32>} : memref<80x128xf32, #tpu.memory_space<vmem>>, vector<16xf32>,
        %bitcast3A_280 = vector.bitcast %get3A_279 : vector<16xf32> to vector<32xbf16>
        %get3A_281 = arith.index_cast %scan3A_214 : i32 to index
        %get3A_282 = arith.constant 80 : index
        %get3A_283 = tpu.vector_load %arg10[%get3A_281, %get3A_282] {strides = array<i32>} : memref<80x128xf32, #tpu.memory_space<vmem>>, vector<16xf32>,
        %bitcast3A_284 = vector.bitcast %get3A_283 : vector<16xf32> to vector<32xbf16>
        %add3A_285 = arith.addf %bitcast3A_280, %bitcast3A_284 : vector<32xbf16>
        %bitcast3A_286 = vector.bitcast %add3A_285 : vector<32xbf16> to vector<16xf32>
        %swap3A_287 = arith.index_cast %scan3A_214 : i32 to index
        %swap3A_288 = arith.constant 80 : index
        %swap3A_289 = tpu.vector_load %arg9[%swap3A_287, %swap3A_288] {strides = array<i32>} : memref<80x128xf32, #tpu.memory_space<vmem>>, vector<16xf32>,
        tpu.vector_store %arg9[%swap3A_287, %swap3A_288], %bitcast3A_286 {strides = array<i32>} : memref<80x128xf32, #tpu.memory_space<vmem>>, vector<16xf32>,
        %get3A_290 = arith.index_cast %scan3A_214 : i32 to index
        %get3A_291 = arith.constant 96 : index
        %get3A_292 = tpu.vector_load %arg9[%get3A_290, %get3A_291] {strides = array<i32>} : memref<80x128xf32, #tpu.memory_space<vmem>>, vector<16xf32>,
        %bitcast3A_293 = vector.bitcast %get3A_292 : vector<16xf32> to vector<32xbf16>
        %get3A_294 = arith.index_cast %scan3A_214 : i32 to index
        %get3A_295 = arith.constant 96 : index
        %get3A_296 = tpu.vector_load %arg10[%get3A_294, %get3A_295] {strides = array<i32>} : memref<80x128xf32, #tpu.memory_space<vmem>>, vector<16xf32>,
        %bitcast3A_297 = vector.bitcast %get3A_296 : vector<16xf32> to vector<32xbf16>
        %add3A_298 = arith.addf %bitcast3A_293, %bitcast3A_297 : vector<32xbf16>
        %bitcast3A_299 = vector.bitcast %add3A_298 : vector<32xbf16> to vector<16xf32>
        %swap3A_300 = arith.index_cast %scan3A_214 : i32 to index
        %swap3A_301 = arith.constant 96 : index
        %swap3A_302 = tpu.vector_load %arg9[%swap3A_300, %swap3A_301] {strides = array<i32>} : memref<80x128xf32, #tpu.memory_space<vmem>>, vector<16xf32>,
        tpu.vector_store %arg9[%swap3A_300, %swap3A_301], %bitcast3A_299 {strides = array<i32>} : memref<80x128xf32, #tpu.memory_space<vmem>>, vector<16xf32>,
        %get3A_303 = arith.index_cast %scan3A_214 : i32 to index
        %get3A_304 = arith.constant 112 : index
        %get3A_305 = tpu.vector_load %arg9[%get3A_303, %get3A_304] {strides = array<i32>} : memref<80x128xf32, #tpu.memory_space<vmem>>, vector<16xf32>,
        %bitcast3A_306 = vector.bitcast %get3A_305 : vector<16xf32> to vector<32xbf16>
        %get3A_307 = arith.index_cast %scan3A_214 : i32 to index
        %get3A_308 = arith.constant 112 : index
        %get3A_309 = tpu.vector_load %arg10[%get3A_307, %get3A_308] {strides = array<i32>} : memref<80x128xf32, #tpu.memory_space<vmem>>, vector<16xf32>,
        %bitcast3A_310 = vector.bitcast %get3A_309 : vector<16xf32> to vector<32xbf16>
        %add3A_311 = arith.addf %bitcast3A_306, %bitcast3A_310 : vector<32xbf16>
        %bitcast3A_312 = vector.bitcast %add3A_311 : vector<32xbf16> to vector<16xf32>
        %swap3A_313 = arith.index_cast %scan3A_214 : i32 to index
        %swap3A_314 = arith.constant 112 : index
        %swap3A_315 = tpu.vector_load %arg9[%swap3A_313, %swap3A_314] {strides = array<i32>} : memref<80x128xf32, #tpu.memory_space<vmem>>, vector<16xf32>,
        tpu.vector_store %arg9[%swap3A_313, %swap3A_314], %bitcast3A_312 {strides = array<i32>} : memref<80x128xf32, #tpu.memory_space<vmem>>, vector<16xf32>,
      }
      %scan3A_118 = arith.constant 80 : i32
      %mul3A_119 = arith.constant 80 : i32
      %mul3A_120 = arith.muli %mul3A_88, %mul3A_119 : i32
      %add3A_121 = arith.addi %mul3A_2, %mul3A_120 : i32
      %dma_start3A_122 = arith.constant 0 : i32
      %dma_start3A_123 = tpu.memref_slice %arg6[%add3A_121, %dma_start3A_122] : memref<128000x128xf32, #tpu.memory_space<hbm>> -> memref<80x128xf32, #tpu.memory_space<hbm>>
      %dma_start3A_124 = arith.constant 0 : i32
      %dma_start3A_125 = tpu.memref_slice %arg6[%add3A_121, %dma_start3A_124] : memref<128000x128xf32, #tpu.memory_space<hbm>> -> memref<80x128xf32, #tpu.memory_space<hbm>>
      tpu.enqueue_dma source(%arg9 : memref<80x128xf32, #tpu.memory_space<vmem>>) target(%dma_start3A_125 : memref<80x128xf32, #tpu.memory_space<hbm>>) target_semaphore(%arg21 : memref<!tpu.dma_semaphore, #tpu.memory_space<semaphore_mem>>)
      %mul3A_126 = arith.constant 3 : i32
      %mul3A_127 = arith.muli %mul3A_126, %scan3A_86 : i32
      %add3A_128 = arith.constant 1 : i32
      %add3A_129 = arith.addi %mul3A_127, %add3A_128 : i32
      %dma_wait3A_130 = arith.constant 0 : i32
      %dma_wait3A_131 = tpu.memref_slice %arg7[%dma_wait3A_130] : memref<4000xi32, #tpu.memory_space<vmem>> -> memref<80xi32, #tpu.memory_space<vmem>>
      %dma_wait3A_132 = arith.constant 0 : i32
      %dma_wait3A_133 = arith.constant 0 : i32
      %dma_wait3A_134 = tpu.memref_slice %arg2[%dma_wait3A_132, %dma_wait3A_133] : memref<10000x128xf32, #tpu.memory_space<hbm>> -> memref<10000x128xf32, #tpu.memory_space<hbm>>
      tpu.wait_indirect_dma semaphore(%arg17 : memref<!tpu.dma_semaphore, #tpu.memory_space<semaphore_mem>>) src(%dma_wait3A_134 : memref<10000x128xf32, #tpu.memory_space<hbm>>) dst(%arg11 : memref<80x128xf32, #tpu.memory_space<vmem>>)
      %dma_wait3A_135 = arith.constant 0 : i32
      %dma_wait3A_136 = tpu.memref_slice %arg8[%dma_wait3A_135] : memref<4000xi32, #tpu.memory_space<vmem>> -> memref<80xi32, #tpu.memory_space<vmem>>
      %dma_wait3A_137 = arith.constant 0 : i32
      %dma_wait3A_138 = arith.constant 0 : i32
      %dma_wait3A_139 = tpu.memref_slice %arg3[%dma_wait3A_137, %dma_wait3A_138] : memref<10000x128xf32, #tpu.memory_space<hbm>> -> memref<10000x128xf32, #tpu.memory_space<hbm>>
      tpu.wait_indirect_dma semaphore(%arg18 : memref<!tpu.dma_semaphore, #tpu.memory_space<semaphore_mem>>) src(%dma_wait3A_139 : memref<10000x128xf32, #tpu.memory_space<hbm>>) dst(%arg12 : memref<80x128xf32, #tpu.memory_space<vmem>>)
      %ge3A_140 = arith.constant 2 : i32
      %ge3A_141 = arith.cmpi sge, %add3A_129, %ge3A_140 : i32
      %convert_element_type3A_142 = arith.extui %ge3A_141 : i1 to i32
      %cond3A_143 = arith.constant 0 : i32
      %cond3A_144 = arith.cmpi ne, %convert_element_type3A_142, %cond3A_143 : i32
      scf.if %cond3A_144 {
        %dma_wait3A_214 = arith.constant 0 : i32
        %dma_wait3A_215 = tpu.memref_slice %arg6[%mul3A_2, %dma_wait3A_214] : memref<128000x128xf32, #tpu.memory_space<hbm>> -> memref<80x128xf32, #tpu.memory_space<hbm>>
        %dma_wait3A_216 = arith.constant 0 : i32
        %dma_wait3A_217 = tpu.memref_slice %arg6[%mul3A_2, %dma_wait3A_216] : memref<128000x128xf32, #tpu.memory_space<hbm>> -> memref<80x128xf32, #tpu.memory_space<hbm>>
        tpu.wait_dma2 semaphore(%arg23 : memref<!tpu.dma_semaphore, #tpu.memory_space<semaphore_mem>>) src(%arg13 : memref<80x128xf32, #tpu.memory_space<vmem>>) dst(%dma_wait3A_217 : memref<80x128xf32, #tpu.memory_space<hbm>>)
      } else {
      }
      %add3A_145 = arith.constant 1 : i32
      %add3A_146 = arith.addi %add3A_129, %add3A_145 : i32
      %mul3A_147 = arith.constant 80 : i32
      %mul3A_148 = arith.muli %add3A_146, %mul3A_147 : i32
      %dma_start3A_149 = tpu.memref_slice %arg7[%mul3A_148] : memref<4000xi32, #tpu.memory_space<vmem>> -> memref<80xi32, #tpu.memory_space<vmem>>
      %dma_start3A_150 = arith.constant 0 : i32
      %dma_start3A_151 = arith.constant 0 : i32
      %dma_start3A_152 = tpu.memref_slice %arg2[%dma_start3A_150, %dma_start3A_151] : memref<10000x128xf32, #tpu.memory_space<hbm>> -> memref<10000x128xf32, #tpu.memory_space<hbm>>
      tpu.enqueue_indirect_dma source(%dma_start3A_152 : memref<10000x128xf32, #tpu.memory_space<hbm>>) target(%arg13 : memref<80x128xf32, #tpu.memory_space<vmem>>) offsets(%dma_start3A_149 : memref<80xi32, #tpu.memory_space<vmem>>) semaphore(%arg19 : memref<!tpu.dma_semaphore, #tpu.memory_space<semaphore_mem>>)
      %dma_start3A_153 = tpu.memref_slice %arg8[%mul3A_148] : memref<4000xi32, #tpu.memory_space<vmem>> -> memref<80xi32, #tpu.memory_space<vmem>>
      %dma_start3A_154 = arith.constant 0 : i32
      %dma_start3A_155 = arith.constant 0 : i32
      %dma_start3A_156 = tpu.memref_slice %arg3[%dma_start3A_154, %dma_start3A_155] : memref<10000x128xf32, #tpu.memory_space<hbm>> -> memref<10000x128xf32, #tpu.memory_space<hbm>>
      tpu.enqueue_indirect_dma source(%dma_start3A_156 : memref<10000x128xf32, #tpu.memory_space<hbm>>) target(%arg14 : memref<80x128xf32, #tpu.memory_space<vmem>>) offsets(%dma_start3A_153 : memref<80xi32, #tpu.memory_space<vmem>>) semaphore(%arg20 : memref<!tpu.dma_semaphore, #tpu.memory_space<semaphore_mem>>)
      %scan3A_157 = arith.constant 0 : i32
      %scan3A_158 = arith.constant 0 : i32
      %scan3A_159 = arith.constant 80 : i32
      %scan3A_160 = arith.addi %scan3A_158, %scan3A_159 : i32
      %scan3A_161 = arith.constant 1 : i32
      scf.for %scan3A_214 = %scan3A_158 to %scan3A_160 step %scan3A_161  : i32 {
        %get3A = arith.index_cast %scan3A_214 : i32 to index
        %get3A_215 = arith.constant 0 : index
        %get3A_216 = tpu.vector_load %arg11[%get3A, %get3A_215] {strides = array<i32>} : memref<80x128xf32, #tpu.memory_space<vmem>>, vector<16xf32>,
        %bitcast3A = vector.bitcast %get3A_216 : vector<16xf32> to vector<32xbf16>
        %get3A_217 = arith.index_cast %scan3A_214 : i32 to index
        %get3A_218 = arith.constant 0 : index
        %get3A_219 = tpu.vector_load %arg12[%get3A_217, %get3A_218] {strides = array<i32>} : memref<80x128xf32, #tpu.memory_space<vmem>>, vector<16xf32>,
        %bitcast3A_220 = vector.bitcast %get3A_219 : vector<16xf32> to vector<32xbf16>
        %add3A_221 = arith.addf %bitcast3A, %bitcast3A_220 : vector<32xbf16>
        %bitcast3A_222 = vector.bitcast %add3A_221 : vector<32xbf16> to vector<16xf32>
        %swap3A = arith.index_cast %scan3A_214 : i32 to index
        %swap3A_223 = arith.constant 0 : index
        %swap3A_224 = tpu.vector_load %arg11[%swap3A, %swap3A_223] {strides = array<i32>} : memref<80x128xf32, #tpu.memory_space<vmem>>, vector<16xf32>,
        tpu.vector_store %arg11[%swap3A, %swap3A_223], %bitcast3A_222 {strides = array<i32>} : memref<80x128xf32, #tpu.memory_space<vmem>>, vector<16xf32>,
        %get3A_225 = arith.index_cast %scan3A_214 : i32 to index
        %get3A_226 = arith.constant 16 : index
        %get3A_227 = tpu.vector_load %arg11[%get3A_225, %get3A_226] {strides = array<i32>} : memref<80x128xf32, #tpu.memory_space<vmem>>, vector<16xf32>,
        %bitcast3A_228 = vector.bitcast %get3A_227 : vector<16xf32> to vector<32xbf16>
        %get3A_229 = arith.index_cast %scan3A_214 : i32 to index
        %get3A_230 = arith.constant 16 : index
        %get3A_231 = tpu.vector_load %arg12[%get3A_229, %get3A_230] {strides = array<i32>} : memref<80x128xf32, #tpu.memory_space<vmem>>, vector<16xf32>,
        %bitcast3A_232 = vector.bitcast %get3A_231 : vector<16xf32> to vector<32xbf16>
        %add3A_233 = arith.addf %bitcast3A_228, %bitcast3A_232 : vector<32xbf16>
        %bitcast3A_234 = vector.bitcast %add3A_233 : vector<32xbf16> to vector<16xf32>
        %swap3A_235 = arith.index_cast %scan3A_214 : i32 to index
        %swap3A_236 = arith.constant 16 : index
        %swap3A_237 = tpu.vector_load %arg11[%swap3A_235, %swap3A_236] {strides = array<i32>} : memref<80x128xf32, #tpu.memory_space<vmem>>, vector<16xf32>,
        tpu.vector_store %arg11[%swap3A_235, %swap3A_236], %bitcast3A_234 {strides = array<i32>} : memref<80x128xf32, #tpu.memory_space<vmem>>, vector<16xf32>,
        %get3A_238 = arith.index_cast %scan3A_214 : i32 to index
        %get3A_239 = arith.constant 32 : index
        %get3A_240 = tpu.vector_load %arg11[%get3A_238, %get3A_239] {strides = array<i32>} : memref<80x128xf32, #tpu.memory_space<vmem>>, vector<16xf32>,
        %bitcast3A_241 = vector.bitcast %get3A_240 : vector<16xf32> to vector<32xbf16>
        %get3A_242 = arith.index_cast %scan3A_214 : i32 to index
        %get3A_243 = arith.constant 32 : index
        %get3A_244 = tpu.vector_load %arg12[%get3A_242, %get3A_243] {strides = array<i32>} : memref<80x128xf32, #tpu.memory_space<vmem>>, vector<16xf32>,
        %bitcast3A_245 = vector.bitcast %get3A_244 : vector<16xf32> to vector<32xbf16>
        %add3A_246 = arith.addf %bitcast3A_241, %bitcast3A_245 : vector<32xbf16>
        %bitcast3A_247 = vector.bitcast %add3A_246 : vector<32xbf16> to vector<16xf32>
        %swap3A_248 = arith.index_cast %scan3A_214 : i32 to index
        %swap3A_249 = arith.constant 32 : index
        %swap3A_250 = tpu.vector_load %arg11[%swap3A_248, %swap3A_249] {strides = array<i32>} : memref<80x128xf32, #tpu.memory_space<vmem>>, vector<16xf32>,
        tpu.vector_store %arg11[%swap3A_248, %swap3A_249], %bitcast3A_247 {strides = array<i32>} : memref<80x128xf32, #tpu.memory_space<vmem>>, vector<16xf32>,
        %get3A_251 = arith.index_cast %scan3A_214 : i32 to index
        %get3A_252 = arith.constant 48 : index
        %get3A_253 = tpu.vector_load %arg11[%get3A_251, %get3A_252] {strides = array<i32>} : memref<80x128xf32, #tpu.memory_space<vmem>>, vector<16xf32>,
        %bitcast3A_254 = vector.bitcast %get3A_253 : vector<16xf32> to vector<32xbf16>
        %get3A_255 = arith.index_cast %scan3A_214 : i32 to index
        %get3A_256 = arith.constant 48 : index
        %get3A_257 = tpu.vector_load %arg12[%get3A_255, %get3A_256] {strides = array<i32>} : memref<80x128xf32, #tpu.memory_space<vmem>>, vector<16xf32>,
        %bitcast3A_258 = vector.bitcast %get3A_257 : vector<16xf32> to vector<32xbf16>
        %add3A_259 = arith.addf %bitcast3A_254, %bitcast3A_258 : vector<32xbf16>
        %bitcast3A_260 = vector.bitcast %add3A_259 : vector<32xbf16> to vector<16xf32>
        %swap3A_261 = arith.index_cast %scan3A_214 : i32 to index
        %swap3A_262 = arith.constant 48 : index
        %swap3A_263 = tpu.vector_load %arg11[%swap3A_261, %swap3A_262] {strides = array<i32>} : memref<80x128xf32, #tpu.memory_space<vmem>>, vector<16xf32>,
        tpu.vector_store %arg11[%swap3A_261, %swap3A_262], %bitcast3A_260 {strides = array<i32>} : memref<80x128xf32, #tpu.memory_space<vmem>>, vector<16xf32>,
        %get3A_264 = arith.index_cast %scan3A_214 : i32 to index
        %get3A_265 = arith.constant 64 : index
        %get3A_266 = tpu.vector_load %arg11[%get3A_264, %get3A_265] {strides = array<i32>} : memref<80x128xf32, #tpu.memory_space<vmem>>, vector<16xf32>,
        %bitcast3A_267 = vector.bitcast %get3A_266 : vector<16xf32> to vector<32xbf16>
        %get3A_268 = arith.index_cast %scan3A_214 : i32 to index
        %get3A_269 = arith.constant 64 : index
        %get3A_270 = tpu.vector_load %arg12[%get3A_268, %get3A_269] {strides = array<i32>} : memref<80x128xf32, #tpu.memory_space<vmem>>, vector<16xf32>,
        %bitcast3A_271 = vector.bitcast %get3A_270 : vector<16xf32> to vector<32xbf16>
        %add3A_272 = arith.addf %bitcast3A_267, %bitcast3A_271 : vector<32xbf16>
        %bitcast3A_273 = vector.bitcast %add3A_272 : vector<32xbf16> to vector<16xf32>
        %swap3A_274 = arith.index_cast %scan3A_214 : i32 to index
        %swap3A_275 = arith.constant 64 : index
        %swap3A_276 = tpu.vector_load %arg11[%swap3A_274, %swap3A_275] {strides = array<i32>} : memref<80x128xf32, #tpu.memory_space<vmem>>, vector<16xf32>,
        tpu.vector_store %arg11[%swap3A_274, %swap3A_275], %bitcast3A_273 {strides = array<i32>} : memref<80x128xf32, #tpu.memory_space<vmem>>, vector<16xf32>,
        %get3A_277 = arith.index_cast %scan3A_214 : i32 to index
        %get3A_278 = arith.constant 80 : index
        %get3A_279 = tpu.vector_load %arg11[%get3A_277, %get3A_278] {strides = array<i32>} : memref<80x128xf32, #tpu.memory_space<vmem>>, vector<16xf32>,
        %bitcast3A_280 = vector.bitcast %get3A_279 : vector<16xf32> to vector<32xbf16>
        %get3A_281 = arith.index_cast %scan3A_214 : i32 to index
        %get3A_282 = arith.constant 80 : index
        %get3A_283 = tpu.vector_load %arg12[%get3A_281, %get3A_282] {strides = array<i32>} : memref<80x128xf32, #tpu.memory_space<vmem>>, vector<16xf32>,
        %bitcast3A_284 = vector.bitcast %get3A_283 : vector<16xf32> to vector<32xbf16>
        %add3A_285 = arith.addf %bitcast3A_280, %bitcast3A_284 : vector<32xbf16>
        %bitcast3A_286 = vector.bitcast %add3A_285 : vector<32xbf16> to vector<16xf32>
        %swap3A_287 = arith.index_cast %scan3A_214 : i32 to index
        %swap3A_288 = arith.constant 80 : index
        %swap3A_289 = tpu.vector_load %arg11[%swap3A_287, %swap3A_288] {strides = array<i32>} : memref<80x128xf32, #tpu.memory_space<vmem>>, vector<16xf32>,
        tpu.vector_store %arg11[%swap3A_287, %swap3A_288], %bitcast3A_286 {strides = array<i32>} : memref<80x128xf32, #tpu.memory_space<vmem>>, vector<16xf32>,
        %get3A_290 = arith.index_cast %scan3A_214 : i32 to index
        %get3A_291 = arith.constant 96 : index
        %get3A_292 = tpu.vector_load %arg11[%get3A_290, %get3A_291] {strides = array<i32>} : memref<80x128xf32, #tpu.memory_space<vmem>>, vector<16xf32>,
        %bitcast3A_293 = vector.bitcast %get3A_292 : vector<16xf32> to vector<32xbf16>
        %get3A_294 = arith.index_cast %scan3A_214 : i32 to index
        %get3A_295 = arith.constant 96 : index
        %get3A_296 = tpu.vector_load %arg12[%get3A_294, %get3A_295] {strides = array<i32>} : memref<80x128xf32, #tpu.memory_space<vmem>>, vector<16xf32>,
        %bitcast3A_297 = vector.bitcast %get3A_296 : vector<16xf32> to vector<32xbf16>
        %add3A_298 = arith.addf %bitcast3A_293, %bitcast3A_297 : vector<32xbf16>
        %bitcast3A_299 = vector.bitcast %add3A_298 : vector<32xbf16> to vector<16xf32>
        %swap3A_300 = arith.index_cast %scan3A_214 : i32 to index
        %swap3A_301 = arith.constant 96 : index
        %swap3A_302 = tpu.vector_load %arg11[%swap3A_300, %swap3A_301] {strides = array<i32>} : memref<80x128xf32, #tpu.memory_space<vmem>>, vector<16xf32>,
        tpu.vector_store %arg11[%swap3A_300, %swap3A_301], %bitcast3A_299 {strides = array<i32>} : memref<80x128xf32, #tpu.memory_space<vmem>>, vector<16xf32>,
        %get3A_303 = arith.index_cast %scan3A_214 : i32 to index
        %get3A_304 = arith.constant 112 : index
        %get3A_305 = tpu.vector_load %arg11[%get3A_303, %get3A_304] {strides = array<i32>} : memref<80x128xf32, #tpu.memory_space<vmem>>, vector<16xf32>,
        %bitcast3A_306 = vector.bitcast %get3A_305 : vector<16xf32> to vector<32xbf16>
        %get3A_307 = arith.index_cast %scan3A_214 : i32 to index
        %get3A_308 = arith.constant 112 : index
        %get3A_309 = tpu.vector_load %arg12[%get3A_307, %get3A_308] {strides = array<i32>} : memref<80x128xf32, #tpu.memory_space<vmem>>, vector<16xf32>,
        %bitcast3A_310 = vector.bitcast %get3A_309 : vector<16xf32> to vector<32xbf16>
        %add3A_311 = arith.addf %bitcast3A_306, %bitcast3A_310 : vector<32xbf16>
        %bitcast3A_312 = vector.bitcast %add3A_311 : vector<32xbf16> to vector<16xf32>
        %swap3A_313 = arith.index_cast %scan3A_214 : i32 to index
        %swap3A_314 = arith.constant 112 : index
        %swap3A_315 = tpu.vector_load %arg11[%swap3A_313, %swap3A_314] {strides = array<i32>} : memref<80x128xf32, #tpu.memory_space<vmem>>, vector<16xf32>,
        tpu.vector_store %arg11[%swap3A_313, %swap3A_314], %bitcast3A_312 {strides = array<i32>} : memref<80x128xf32, #tpu.memory_space<vmem>>, vector<16xf32>,
      }
      %scan3A_162 = arith.constant 80 : i32
      %mul3A_163 = arith.constant 80 : i32
      %mul3A_164 = arith.muli %add3A_129, %mul3A_163 : i32
      %add3A_165 = arith.addi %mul3A_2, %mul3A_164 : i32
      %dma_start3A_166 = arith.constant 0 : i32
      %dma_start3A_167 = tpu.memref_slice %arg6[%add3A_165, %dma_start3A_166] : memref<128000x128xf32, #tpu.memory_space<hbm>> -> memref<80x128xf32, #tpu.memory_space<hbm>>
      %dma_start3A_168 = arith.constant 0 : i32
      %dma_start3A_169 = tpu.memref_slice %arg6[%add3A_165, %dma_start3A_168] : memref<128000x128xf32, #tpu.memory_space<hbm>> -> memref<80x128xf32, #tpu.memory_space<hbm>>
      tpu.enqueue_dma source(%arg11 : memref<80x128xf32, #tpu.memory_space<vmem>>) target(%dma_start3A_169 : memref<80x128xf32, #tpu.memory_space<hbm>>) target_semaphore(%arg22 : memref<!tpu.dma_semaphore, #tpu.memory_space<semaphore_mem>>)
      %mul3A_170 = arith.constant 3 : i32
      %mul3A_171 = arith.muli %mul3A_170, %scan3A_86 : i32
      %add3A_172 = arith.constant 2 : i32
      %add3A_173 = arith.addi %mul3A_171, %add3A_172 : i32
      %dma_wait3A_174 = arith.constant 0 : i32
      %dma_wait3A_175 = tpu.memref_slice %arg7[%dma_wait3A_174] : memref<4000xi32, #tpu.memory_space<vmem>> -> memref<80xi32, #tpu.memory_space<vmem>>
      %dma_wait3A_176 = arith.constant 0 : i32
      %dma_wait3A_177 = arith.constant 0 : i32
      %dma_wait3A_178 = tpu.memref_slice %arg2[%dma_wait3A_176, %dma_wait3A_177] : memref<10000x128xf32, #tpu.memory_space<hbm>> -> memref<10000x128xf32, #tpu.memory_space<hbm>>
      tpu.wait_indirect_dma semaphore(%arg19 : memref<!tpu.dma_semaphore, #tpu.memory_space<semaphore_mem>>) src(%dma_wait3A_178 : memref<10000x128xf32, #tpu.memory_space<hbm>>) dst(%arg13 : memref<80x128xf32, #tpu.memory_space<vmem>>)
      %dma_wait3A_179 = arith.constant 0 : i32
      %dma_wait3A_180 = tpu.memref_slice %arg8[%dma_wait3A_179] : memref<4000xi32, #tpu.memory_space<vmem>> -> memref<80xi32, #tpu.memory_space<vmem>>
      %dma_wait3A_181 = arith.constant 0 : i32
      %dma_wait3A_182 = arith.constant 0 : i32
      %dma_wait3A_183 = tpu.memref_slice %arg3[%dma_wait3A_181, %dma_wait3A_182] : memref<10000x128xf32, #tpu.memory_space<hbm>> -> memref<10000x128xf32, #tpu.memory_space<hbm>>
      tpu.wait_indirect_dma semaphore(%arg20 : memref<!tpu.dma_semaphore, #tpu.memory_space<semaphore_mem>>) src(%dma_wait3A_183 : memref<10000x128xf32, #tpu.memory_space<hbm>>) dst(%arg14 : memref<80x128xf32, #tpu.memory_space<vmem>>)
      %ge3A_184 = arith.constant 2 : i32
      %ge3A_185 = arith.cmpi sge, %add3A_173, %ge3A_184 : i32
      %convert_element_type3A_186 = arith.extui %ge3A_185 : i1 to i32
      %cond3A_187 = arith.constant 0 : i32
      %cond3A_188 = arith.cmpi ne, %convert_element_type3A_186, %cond3A_187 : i32
      scf.if %cond3A_188 {
        %dma_wait3A_214 = arith.constant 0 : i32
        %dma_wait3A_215 = tpu.memref_slice %arg6[%mul3A_2, %dma_wait3A_214] : memref<128000x128xf32, #tpu.memory_space<hbm>> -> memref<80x128xf32, #tpu.memory_space<hbm>>
        %dma_wait3A_216 = arith.constant 0 : i32
        %dma_wait3A_217 = tpu.memref_slice %arg6[%mul3A_2, %dma_wait3A_216] : memref<128000x128xf32, #tpu.memory_space<hbm>> -> memref<80x128xf32, #tpu.memory_space<hbm>>
        tpu.wait_dma2 semaphore(%arg21 : memref<!tpu.dma_semaphore, #tpu.memory_space<semaphore_mem>>) src(%arg9 : memref<80x128xf32, #tpu.memory_space<vmem>>) dst(%dma_wait3A_217 : memref<80x128xf32, #tpu.memory_space<hbm>>)
      } else {
      }
      %add3A_189 = arith.constant 1 : i32
      %add3A_190 = arith.addi %add3A_173, %add3A_189 : i32
      %mul3A_191 = arith.constant 80 : i32
      %mul3A_192 = arith.muli %add3A_190, %mul3A_191 : i32
      %dma_start3A_193 = tpu.memref_slice %arg7[%mul3A_192] : memref<4000xi32, #tpu.memory_space<vmem>> -> memref<80xi32, #tpu.memory_space<vmem>>
      %dma_start3A_194 = arith.constant 0 : i32
      %dma_start3A_195 = arith.constant 0 : i32
      %dma_start3A_196 = tpu.memref_slice %arg2[%dma_start3A_194, %dma_start3A_195] : memref<10000x128xf32, #tpu.memory_space<hbm>> -> memref<10000x128xf32, #tpu.memory_space<hbm>>
      tpu.enqueue_indirect_dma source(%dma_start3A_196 : memref<10000x128xf32, #tpu.memory_space<hbm>>) target(%arg9 : memref<80x128xf32, #tpu.memory_space<vmem>>) offsets(%dma_start3A_193 : memref<80xi32, #tpu.memory_space<vmem>>) semaphore(%arg15 : memref<!tpu.dma_semaphore, #tpu.memory_space<semaphore_mem>>)
      %dma_start3A_197 = tpu.memref_slice %arg8[%mul3A_192] : memref<4000xi32, #tpu.memory_space<vmem>> -> memref<80xi32, #tpu.memory_space<vmem>>
      %dma_start3A_198 = arith.constant 0 : i32
      %dma_start3A_199 = arith.constant 0 : i32
      %dma_start3A_200 = tpu.memref_slice %arg3[%dma_start3A_198, %dma_start3A_199] : memref<10000x128xf32, #tpu.memory_space<hbm>> -> memref<10000x128xf32, #tpu.memory_space<hbm>>
      tpu.enqueue_indirect_dma source(%dma_start3A_200 : memref<10000x128xf32, #tpu.memory_space<hbm>>) target(%arg10 : memref<80x128xf32, #tpu.memory_space<vmem>>) offsets(%dma_start3A_197 : memref<80xi32, #tpu.memory_space<vmem>>) semaphore(%arg16 : memref<!tpu.dma_semaphore, #tpu.memory_space<semaphore_mem>>)
      %scan3A_201 = arith.constant 0 : i32
      %scan3A_202 = arith.constant 0 : i32
      %scan3A_203 = arith.constant 80 : i32
      %scan3A_204 = arith.addi %scan3A_202, %scan3A_203 : i32
      %scan3A_205 = arith.constant 1 : i32
      scf.for %scan3A_214 = %scan3A_202 to %scan3A_204 step %scan3A_205  : i32 {
        %get3A = arith.index_cast %scan3A_214 : i32 to index
        %get3A_215 = arith.constant 0 : index
        %get3A_216 = tpu.vector_load %arg13[%get3A, %get3A_215] {strides = array<i32>} : memref<80x128xf32, #tpu.memory_space<vmem>>, vector<16xf32>,
        %bitcast3A = vector.bitcast %get3A_216 : vector<16xf32> to vector<32xbf16>
        %get3A_217 = arith.index_cast %scan3A_214 : i32 to index
        %get3A_218 = arith.constant 0 : index
        %get3A_219 = tpu.vector_load %arg14[%get3A_217, %get3A_218] {strides = array<i32>} : memref<80x128xf32, #tpu.memory_space<vmem>>, vector<16xf32>,
        %bitcast3A_220 = vector.bitcast %get3A_219 : vector<16xf32> to vector<32xbf16>
        %add3A_221 = arith.addf %bitcast3A, %bitcast3A_220 : vector<32xbf16>
        %bitcast3A_222 = vector.bitcast %add3A_221 : vector<32xbf16> to vector<16xf32>
        %swap3A = arith.index_cast %scan3A_214 : i32 to index
        %swap3A_223 = arith.constant 0 : index
        %swap3A_224 = tpu.vector_load %arg13[%swap3A, %swap3A_223] {strides = array<i32>} : memref<80x128xf32, #tpu.memory_space<vmem>>, vector<16xf32>,
        tpu.vector_store %arg13[%swap3A, %swap3A_223], %bitcast3A_222 {strides = array<i32>} : memref<80x128xf32, #tpu.memory_space<vmem>>, vector<16xf32>,
        %get3A_225 = arith.index_cast %scan3A_214 : i32 to index
        %get3A_226 = arith.constant 16 : index
        %get3A_227 = tpu.vector_load %arg13[%get3A_225, %get3A_226] {strides = array<i32>} : memref<80x128xf32, #tpu.memory_space<vmem>>, vector<16xf32>,
        %bitcast3A_228 = vector.bitcast %get3A_227 : vector<16xf32> to vector<32xbf16>
        %get3A_229 = arith.index_cast %scan3A_214 : i32 to index
        %get3A_230 = arith.constant 16 : index
        %get3A_231 = tpu.vector_load %arg14[%get3A_229, %get3A_230] {strides = array<i32>} : memref<80x128xf32, #tpu.memory_space<vmem>>, vector<16xf32>,
        %bitcast3A_232 = vector.bitcast %get3A_231 : vector<16xf32> to vector<32xbf16>
        %add3A_233 = arith.addf %bitcast3A_228, %bitcast3A_232 : vector<32xbf16>
        %bitcast3A_234 = vector.bitcast %add3A_233 : vector<32xbf16> to vector<16xf32>
        %swap3A_235 = arith.index_cast %scan3A_214 : i32 to index
        %swap3A_236 = arith.constant 16 : index
        %swap3A_237 = tpu.vector_load %arg13[%swap3A_235, %swap3A_236] {strides = array<i32>} : memref<80x128xf32, #tpu.memory_space<vmem>>, vector<16xf32>,
        tpu.vector_store %arg13[%swap3A_235, %swap3A_236], %bitcast3A_234 {strides = array<i32>} : memref<80x128xf32, #tpu.memory_space<vmem>>, vector<16xf32>,
        %get3A_238 = arith.index_cast %scan3A_214 : i32 to index
        %get3A_239 = arith.constant 32 : index
        %get3A_240 = tpu.vector_load %arg13[%get3A_238, %get3A_239] {strides = array<i32>} : memref<80x128xf32, #tpu.memory_space<vmem>>, vector<16xf32>,
        %bitcast3A_241 = vector.bitcast %get3A_240 : vector<16xf32> to vector<32xbf16>
        %get3A_242 = arith.index_cast %scan3A_214 : i32 to index
        %get3A_243 = arith.constant 32 : index
        %get3A_244 = tpu.vector_load %arg14[%get3A_242, %get3A_243] {strides = array<i32>} : memref<80x128xf32, #tpu.memory_space<vmem>>, vector<16xf32>,
        %bitcast3A_245 = vector.bitcast %get3A_244 : vector<16xf32> to vector<32xbf16>
        %add3A_246 = arith.addf %bitcast3A_241, %bitcast3A_245 : vector<32xbf16>
        %bitcast3A_247 = vector.bitcast %add3A_246 : vector<32xbf16> to vector<16xf32>
        %swap3A_248 = arith.index_cast %scan3A_214 : i32 to index
        %swap3A_249 = arith.constant 32 : index
        %swap3A_250 = tpu.vector_load %arg13[%swap3A_248, %swap3A_249] {strides = array<i32>} : memref<80x128xf32, #tpu.memory_space<vmem>>, vector<16xf32>,
        tpu.vector_store %arg13[%swap3A_248, %swap3A_249], %bitcast3A_247 {strides = array<i32>} : memref<80x128xf32, #tpu.memory_space<vmem>>, vector<16xf32>,
        %get3A_251 = arith.index_cast %scan3A_214 : i32 to index
        %get3A_252 = arith.constant 48 : index
        %get3A_253 = tpu.vector_load %arg13[%get3A_251, %get3A_252] {strides = array<i32>} : memref<80x128xf32, #tpu.memory_space<vmem>>, vector<16xf32>,
        %bitcast3A_254 = vector.bitcast %get3A_253 : vector<16xf32> to vector<32xbf16>
        %get3A_255 = arith.index_cast %scan3A_214 : i32 to index
        %get3A_256 = arith.constant 48 : index
        %get3A_257 = tpu.vector_load %arg14[%get3A_255, %get3A_256] {strides = array<i32>} : memref<80x128xf32, #tpu.memory_space<vmem>>, vector<16xf32>,
        %bitcast3A_258 = vector.bitcast %get3A_257 : vector<16xf32> to vector<32xbf16>
        %add3A_259 = arith.addf %bitcast3A_254, %bitcast3A_258 : vector<32xbf16>
        %bitcast3A_260 = vector.bitcast %add3A_259 : vector<32xbf16> to vector<16xf32>
        %swap3A_261 = arith.index_cast %scan3A_214 : i32 to index
        %swap3A_262 = arith.constant 48 : index
        %swap3A_263 = tpu.vector_load %arg13[%swap3A_261, %swap3A_262] {strides = array<i32>} : memref<80x128xf32, #tpu.memory_space<vmem>>, vector<16xf32>,
        tpu.vector_store %arg13[%swap3A_261, %swap3A_262], %bitcast3A_260 {strides = array<i32>} : memref<80x128xf32, #tpu.memory_space<vmem>>, vector<16xf32>,
        %get3A_264 = arith.index_cast %scan3A_214 : i32 to index
        %get3A_265 = arith.constant 64 : index
        %get3A_266 = tpu.vector_load %arg13[%get3A_264, %get3A_265] {strides = array<i32>} : memref<80x128xf32, #tpu.memory_space<vmem>>, vector<16xf32>,
        %bitcast3A_267 = vector.bitcast %get3A_266 : vector<16xf32> to vector<32xbf16>
        %get3A_268 = arith.index_cast %scan3A_214 : i32 to index
        %get3A_269 = arith.constant 64 : index
        %get3A_270 = tpu.vector_load %arg14[%get3A_268, %get3A_269] {strides = array<i32>} : memref<80x128xf32, #tpu.memory_space<vmem>>, vector<16xf32>,
        %bitcast3A_271 = vector.bitcast %get3A_270 : vector<16xf32> to vector<32xbf16>
        %add3A_272 = arith.addf %bitcast3A_267, %bitcast3A_271 : vector<32xbf16>
        %bitcast3A_273 = vector.bitcast %add3A_272 : vector<32xbf16> to vector<16xf32>
        %swap3A_274 = arith.index_cast %scan3A_214 : i32 to index
        %swap3A_275 = arith.constant 64 : index
        %swap3A_276 = tpu.vector_load %arg13[%swap3A_274, %swap3A_275] {strides = array<i32>} : memref<80x128xf32, #tpu.memory_space<vmem>>, vector<16xf32>,
        tpu.vector_store %arg13[%swap3A_274, %swap3A_275], %bitcast3A_273 {strides = array<i32>} : memref<80x128xf32, #tpu.memory_space<vmem>>, vector<16xf32>,
        %get3A_277 = arith.index_cast %scan3A_214 : i32 to index
        %get3A_278 = arith.constant 80 : index
        %get3A_279 = tpu.vector_load %arg13[%get3A_277, %get3A_278] {strides = array<i32>} : memref<80x128xf32, #tpu.memory_space<vmem>>, vector<16xf32>,
        %bitcast3A_280 = vector.bitcast %get3A_279 : vector<16xf32> to vector<32xbf16>
        %get3A_281 = arith.index_cast %scan3A_214 : i32 to index
        %get3A_282 = arith.constant 80 : index
        %get3A_283 = tpu.vector_load %arg14[%get3A_281, %get3A_282] {strides = array<i32>} : memref<80x128xf32, #tpu.memory_space<vmem>>, vector<16xf32>,
        %bitcast3A_284 = vector.bitcast %get3A_283 : vector<16xf32> to vector<32xbf16>
        %add3A_285 = arith.addf %bitcast3A_280, %bitcast3A_284 : vector<32xbf16>
        %bitcast3A_286 = vector.bitcast %add3A_285 : vector<32xbf16> to vector<16xf32>
        %swap3A_287 = arith.index_cast %scan3A_214 : i32 to index
        %swap3A_288 = arith.constant 80 : index
        %swap3A_289 = tpu.vector_load %arg13[%swap3A_287, %swap3A_288] {strides = array<i32>} : memref<80x128xf32, #tpu.memory_space<vmem>>, vector<16xf32>,
        tpu.vector_store %arg13[%swap3A_287, %swap3A_288], %bitcast3A_286 {strides = array<i32>} : memref<80x128xf32, #tpu.memory_space<vmem>>, vector<16xf32>,
        %get3A_290 = arith.index_cast %scan3A_214 : i32 to index
        %get3A_291 = arith.constant 96 : index
        %get3A_292 = tpu.vector_load %arg13[%get3A_290, %get3A_291] {strides = array<i32>} : memref<80x128xf32, #tpu.memory_space<vmem>>, vector<16xf32>,
        %bitcast3A_293 = vector.bitcast %get3A_292 : vector<16xf32> to vector<32xbf16>
        %get3A_294 = arith.index_cast %scan3A_214 : i32 to index
        %get3A_295 = arith.constant 96 : index
        %get3A_296 = tpu.vector_load %arg14[%get3A_294, %get3A_295] {strides = array<i32>} : memref<80x128xf32, #tpu.memory_space<vmem>>, vector<16xf32>,
        %bitcast3A_297 = vector.bitcast %get3A_296 : vector<16xf32> to vector<32xbf16>
        %add3A_298 = arith.addf %bitcast3A_293, %bitcast3A_297 : vector<32xbf16>
        %bitcast3A_299 = vector.bitcast %add3A_298 : vector<32xbf16> to vector<16xf32>
        %swap3A_300 = arith.index_cast %scan3A_214 : i32 to index
        %swap3A_301 = arith.constant 96 : index
        %swap3A_302 = tpu.vector_load %arg13[%swap3A_300, %swap3A_301] {strides = array<i32>} : memref<80x128xf32, #tpu.memory_space<vmem>>, vector<16xf32>,
        tpu.vector_store %arg13[%swap3A_300, %swap3A_301], %bitcast3A_299 {strides = array<i32>} : memref<80x128xf32, #tpu.memory_space<vmem>>, vector<16xf32>,
        %get3A_303 = arith.index_cast %scan3A_214 : i32 to index
        %get3A_304 = arith.constant 112 : index
        %get3A_305 = tpu.vector_load %arg13[%get3A_303, %get3A_304] {strides = array<i32>} : memref<80x128xf32, #tpu.memory_space<vmem>>, vector<16xf32>,
        %bitcast3A_306 = vector.bitcast %get3A_305 : vector<16xf32> to vector<32xbf16>
        %get3A_307 = arith.index_cast %scan3A_214 : i32 to index
        %get3A_308 = arith.constant 112 : index
        %get3A_309 = tpu.vector_load %arg14[%get3A_307, %get3A_308] {strides = array<i32>} : memref<80x128xf32, #tpu.memory_space<vmem>>, vector<16xf32>,
        %bitcast3A_310 = vector.bitcast %get3A_309 : vector<16xf32> to vector<32xbf16>
        %add3A_311 = arith.addf %bitcast3A_306, %bitcast3A_310 : vector<32xbf16>
        %bitcast3A_312 = vector.bitcast %add3A_311 : vector<32xbf16> to vector<16xf32>
        %swap3A_313 = arith.index_cast %scan3A_214 : i32 to index
        %swap3A_314 = arith.constant 112 : index
        %swap3A_315 = tpu.vector_load %arg13[%swap3A_313, %swap3A_314] {strides = array<i32>} : memref<80x128xf32, #tpu.memory_space<vmem>>, vector<16xf32>,
        tpu.vector_store %arg13[%swap3A_313, %swap3A_314], %bitcast3A_312 {strides = array<i32>} : memref<80x128xf32, #tpu.memory_space<vmem>>, vector<16xf32>,
      }
      %scan3A_206 = arith.constant 80 : i32
      %mul3A_207 = arith.constant 80 : i32
      %mul3A_208 = arith.muli %add3A_173, %mul3A_207 : i32
      %add3A_209 = arith.addi %mul3A_2, %mul3A_208 : i32
      %dma_start3A_210 = arith.constant 0 : i32
      %dma_start3A_211 = tpu.memref_slice %arg6[%add3A_209, %dma_start3A_210] : memref<128000x128xf32, #tpu.memory_space<hbm>> -> memref<80x128xf32, #tpu.memory_space<hbm>>
      %dma_start3A_212 = arith.constant 0 : i32
      %dma_start3A_213 = tpu.memref_slice %arg6[%add3A_209, %dma_start3A_212] : memref<128000x128xf32, #tpu.memory_space<hbm>> -> memref<80x128xf32, #tpu.memory_space<hbm>>
      tpu.enqueue_dma source(%arg13 : memref<80x128xf32, #tpu.memory_space<vmem>>) target(%dma_start3A_213 : memref<80x128xf32, #tpu.memory_space<hbm>>) target_semaphore(%arg23 : memref<!tpu.dma_semaphore, #tpu.memory_space<semaphore_mem>>)
    }
    %scan3A_16 = arith.constant 16 : i32
    %dma_wait3A = arith.constant 0 : i32
    %dma_wait3A_17 = tpu.memref_slice %arg7[%dma_wait3A] : memref<4000xi32, #tpu.memory_space<vmem>> -> memref<80xi32, #tpu.memory_space<vmem>>
    %dma_wait3A_18 = arith.constant 0 : i32
    %dma_wait3A_19 = arith.constant 0 : i32
    %dma_wait3A_20 = tpu.memref_slice %arg2[%dma_wait3A_18, %dma_wait3A_19] : memref<10000x128xf32, #tpu.memory_space<hbm>> -> memref<10000x128xf32, #tpu.memory_space<hbm>>
    tpu.wait_indirect_dma semaphore(%arg15 : memref<!tpu.dma_semaphore, #tpu.memory_space<semaphore_mem>>) src(%dma_wait3A_20 : memref<10000x128xf32, #tpu.memory_space<hbm>>) dst(%arg9 : memref<80x128xf32, #tpu.memory_space<vmem>>)
    %dma_wait3A_21 = arith.constant 0 : i32
    %dma_wait3A_22 = tpu.memref_slice %arg8[%dma_wait3A_21] : memref<4000xi32, #tpu.memory_space<vmem>> -> memref<80xi32, #tpu.memory_space<vmem>>
    %dma_wait3A_23 = arith.constant 0 : i32
    %dma_wait3A_24 = arith.constant 0 : i32
    %dma_wait3A_25 = tpu.memref_slice %arg3[%dma_wait3A_23, %dma_wait3A_24] : memref<10000x128xf32, #tpu.memory_space<hbm>> -> memref<10000x128xf32, #tpu.memory_space<hbm>>
    tpu.wait_indirect_dma semaphore(%arg16 : memref<!tpu.dma_semaphore, #tpu.memory_space<semaphore_mem>>) src(%dma_wait3A_25 : memref<10000x128xf32, #tpu.memory_space<hbm>>) dst(%arg10 : memref<80x128xf32, #tpu.memory_space<vmem>>)
    %dma_wait3A_26 = arith.constant 0 : i32
    %dma_wait3A_27 = tpu.memref_slice %arg6[%mul3A_2, %dma_wait3A_26] : memref<128000x128xf32, #tpu.memory_space<hbm>> -> memref<80x128xf32, #tpu.memory_space<hbm>>
    %dma_wait3A_28 = arith.constant 0 : i32
    %dma_wait3A_29 = tpu.memref_slice %arg6[%mul3A_2, %dma_wait3A_28] : memref<128000x128xf32, #tpu.memory_space<hbm>> -> memref<80x128xf32, #tpu.memory_space<hbm>>
    tpu.wait_dma2 semaphore(%arg22 : memref<!tpu.dma_semaphore, #tpu.memory_space<semaphore_mem>>) src(%arg11 : memref<80x128xf32, #tpu.memory_space<vmem>>) dst(%dma_wait3A_29 : memref<80x128xf32, #tpu.memory_space<hbm>>)
    %dma_start3A_30 = arith.constant 3920 : i32
    %dma_start3A_31 = tpu.memref_slice %arg7[%dma_start3A_30] : memref<4000xi32, #tpu.memory_space<vmem>> -> memref<80xi32, #tpu.memory_space<vmem>>
    %dma_start3A_32 = arith.constant 0 : i32
    %dma_start3A_33 = arith.constant 0 : i32
    %dma_start3A_34 = tpu.memref_slice %arg2[%dma_start3A_32, %dma_start3A_33] : memref<10000x128xf32, #tpu.memory_space<hbm>> -> memref<10000x128xf32, #tpu.memory_space<hbm>>
    tpu.enqueue_indirect_dma source(%dma_start3A_34 : memref<10000x128xf32, #tpu.memory_space<hbm>>) target(%arg11 : memref<80x128xf32, #tpu.memory_space<vmem>>) offsets(%dma_start3A_31 : memref<80xi32, #tpu.memory_space<vmem>>) semaphore(%arg17 : memref<!tpu.dma_semaphore, #tpu.memory_space<semaphore_mem>>)
    %dma_start3A_35 = arith.constant 3920 : i32
    %dma_start3A_36 = tpu.memref_slice %arg8[%dma_start3A_35] : memref<4000xi32, #tpu.memory_space<vmem>> -> memref<80xi32, #tpu.memory_space<vmem>>
    %dma_start3A_37 = arith.constant 0 : i32
    %dma_start3A_38 = arith.constant 0 : i32
    %dma_start3A_39 = tpu.memref_slice %arg3[%dma_start3A_37, %dma_start3A_38] : memref<10000x128xf32, #tpu.memory_space<hbm>> -> memref<10000x128xf32, #tpu.memory_space<hbm>>
    tpu.enqueue_indirect_dma source(%dma_start3A_39 : memref<10000x128xf32, #tpu.memory_space<hbm>>) target(%arg12 : memref<80x128xf32, #tpu.memory_space<vmem>>) offsets(%dma_start3A_36 : memref<80xi32, #tpu.memory_space<vmem>>) semaphore(%arg18 : memref<!tpu.dma_semaphore, #tpu.memory_space<semaphore_mem>>)
    %scan3A_40 = arith.constant 0 : i32
    %scan3A_41 = arith.constant 0 : i32
    %scan3A_42 = arith.constant 80 : i32
    %scan3A_43 = arith.addi %scan3A_41, %scan3A_42 : i32
    %scan3A_44 = arith.constant 1 : i32
    scf.for %scan3A_86 = %scan3A_41 to %scan3A_43 step %scan3A_44  : i32 {
      %get3A = arith.index_cast %scan3A_86 : i32 to index
      %get3A_87 = arith.constant 0 : index
      %get3A_88 = tpu.vector_load %arg9[%get3A, %get3A_87] {strides = array<i32>} : memref<80x128xf32, #tpu.memory_space<vmem>>, vector<16xf32>,
      %bitcast3A = vector.bitcast %get3A_88 : vector<16xf32> to vector<32xbf16>
      %get3A_89 = arith.index_cast %scan3A_86 : i32 to index
      %get3A_90 = arith.constant 0 : index
      %get3A_91 = tpu.vector_load %arg10[%get3A_89, %get3A_90] {strides = array<i32>} : memref<80x128xf32, #tpu.memory_space<vmem>>, vector<16xf32>,
      %bitcast3A_92 = vector.bitcast %get3A_91 : vector<16xf32> to vector<32xbf16>
      %add3A_93 = arith.addf %bitcast3A, %bitcast3A_92 : vector<32xbf16>
      %bitcast3A_94 = vector.bitcast %add3A_93 : vector<32xbf16> to vector<16xf32>
      %swap3A = arith.index_cast %scan3A_86 : i32 to index
      %swap3A_95 = arith.constant 0 : index
      %swap3A_96 = tpu.vector_load %arg9[%swap3A, %swap3A_95] {strides = array<i32>} : memref<80x128xf32, #tpu.memory_space<vmem>>, vector<16xf32>,
      tpu.vector_store %arg9[%swap3A, %swap3A_95], %bitcast3A_94 {strides = array<i32>} : memref<80x128xf32, #tpu.memory_space<vmem>>, vector<16xf32>,
      %get3A_97 = arith.index_cast %scan3A_86 : i32 to index
      %get3A_98 = arith.constant 16 : index
      %get3A_99 = tpu.vector_load %arg9[%get3A_97, %get3A_98] {strides = array<i32>} : memref<80x128xf32, #tpu.memory_space<vmem>>, vector<16xf32>,
      %bitcast3A_100 = vector.bitcast %get3A_99 : vector<16xf32> to vector<32xbf16>
      %get3A_101 = arith.index_cast %scan3A_86 : i32 to index
      %get3A_102 = arith.constant 16 : index
      %get3A_103 = tpu.vector_load %arg10[%get3A_101, %get3A_102] {strides = array<i32>} : memref<80x128xf32, #tpu.memory_space<vmem>>, vector<16xf32>,
      %bitcast3A_104 = vector.bitcast %get3A_103 : vector<16xf32> to vector<32xbf16>
      %add3A_105 = arith.addf %bitcast3A_100, %bitcast3A_104 : vector<32xbf16>
      %bitcast3A_106 = vector.bitcast %add3A_105 : vector<32xbf16> to vector<16xf32>
      %swap3A_107 = arith.index_cast %scan3A_86 : i32 to index
      %swap3A_108 = arith.constant 16 : index
      %swap3A_109 = tpu.vector_load %arg9[%swap3A_107, %swap3A_108] {strides = array<i32>} : memref<80x128xf32, #tpu.memory_space<vmem>>, vector<16xf32>,
      tpu.vector_store %arg9[%swap3A_107, %swap3A_108], %bitcast3A_106 {strides = array<i32>} : memref<80x128xf32, #tpu.memory_space<vmem>>, vector<16xf32>,
      %get3A_110 = arith.index_cast %scan3A_86 : i32 to index
      %get3A_111 = arith.constant 32 : index
      %get3A_112 = tpu.vector_load %arg9[%get3A_110, %get3A_111] {strides = array<i32>} : memref<80x128xf32, #tpu.memory_space<vmem>>, vector<16xf32>,
      %bitcast3A_113 = vector.bitcast %get3A_112 : vector<16xf32> to vector<32xbf16>
      %get3A_114 = arith.index_cast %scan3A_86 : i32 to index
      %get3A_115 = arith.constant 32 : index
      %get3A_116 = tpu.vector_load %arg10[%get3A_114, %get3A_115] {strides = array<i32>} : memref<80x128xf32, #tpu.memory_space<vmem>>, vector<16xf32>,
      %bitcast3A_117 = vector.bitcast %get3A_116 : vector<16xf32> to vector<32xbf16>
      %add3A_118 = arith.addf %bitcast3A_113, %bitcast3A_117 : vector<32xbf16>
      %bitcast3A_119 = vector.bitcast %add3A_118 : vector<32xbf16> to vector<16xf32>
      %swap3A_120 = arith.index_cast %scan3A_86 : i32 to index
      %swap3A_121 = arith.constant 32 : index
      %swap3A_122 = tpu.vector_load %arg9[%swap3A_120, %swap3A_121] {strides = array<i32>} : memref<80x128xf32, #tpu.memory_space<vmem>>, vector<16xf32>,
      tpu.vector_store %arg9[%swap3A_120, %swap3A_121], %bitcast3A_119 {strides = array<i32>} : memref<80x128xf32, #tpu.memory_space<vmem>>, vector<16xf32>,
      %get3A_123 = arith.index_cast %scan3A_86 : i32 to index
      %get3A_124 = arith.constant 48 : index
      %get3A_125 = tpu.vector_load %arg9[%get3A_123, %get3A_124] {strides = array<i32>} : memref<80x128xf32, #tpu.memory_space<vmem>>, vector<16xf32>,
      %bitcast3A_126 = vector.bitcast %get3A_125 : vector<16xf32> to vector<32xbf16>
      %get3A_127 = arith.index_cast %scan3A_86 : i32 to index
      %get3A_128 = arith.constant 48 : index
      %get3A_129 = tpu.vector_load %arg10[%get3A_127, %get3A_128] {strides = array<i32>} : memref<80x128xf32, #tpu.memory_space<vmem>>, vector<16xf32>,
      %bitcast3A_130 = vector.bitcast %get3A_129 : vector<16xf32> to vector<32xbf16>
      %add3A_131 = arith.addf %bitcast3A_126, %bitcast3A_130 : vector<32xbf16>
      %bitcast3A_132 = vector.bitcast %add3A_131 : vector<32xbf16> to vector<16xf32>
      %swap3A_133 = arith.index_cast %scan3A_86 : i32 to index
      %swap3A_134 = arith.constant 48 : index
      %swap3A_135 = tpu.vector_load %arg9[%swap3A_133, %swap3A_134] {strides = array<i32>} : memref<80x128xf32, #tpu.memory_space<vmem>>, vector<16xf32>,
      tpu.vector_store %arg9[%swap3A_133, %swap3A_134], %bitcast3A_132 {strides = array<i32>} : memref<80x128xf32, #tpu.memory_space<vmem>>, vector<16xf32>,
      %get3A_136 = arith.index_cast %scan3A_86 : i32 to index
      %get3A_137 = arith.constant 64 : index
      %get3A_138 = tpu.vector_load %arg9[%get3A_136, %get3A_137] {strides = array<i32>} : memref<80x128xf32, #tpu.memory_space<vmem>>, vector<16xf32>,
      %bitcast3A_139 = vector.bitcast %get3A_138 : vector<16xf32> to vector<32xbf16>
      %get3A_140 = arith.index_cast %scan3A_86 : i32 to index
      %get3A_141 = arith.constant 64 : index
      %get3A_142 = tpu.vector_load %arg10[%get3A_140, %get3A_141] {strides = array<i32>} : memref<80x128xf32, #tpu.memory_space<vmem>>, vector<16xf32>,
      %bitcast3A_143 = vector.bitcast %get3A_142 : vector<16xf32> to vector<32xbf16>
      %add3A_144 = arith.addf %bitcast3A_139, %bitcast3A_143 : vector<32xbf16>
      %bitcast3A_145 = vector.bitcast %add3A_144 : vector<32xbf16> to vector<16xf32>
      %swap3A_146 = arith.index_cast %scan3A_86 : i32 to index
      %swap3A_147 = arith.constant 64 : index
      %swap3A_148 = tpu.vector_load %arg9[%swap3A_146, %swap3A_147] {strides = array<i32>} : memref<80x128xf32, #tpu.memory_space<vmem>>, vector<16xf32>,
      tpu.vector_store %arg9[%swap3A_146, %swap3A_147], %bitcast3A_145 {strides = array<i32>} : memref<80x128xf32, #tpu.memory_space<vmem>>, vector<16xf32>,
      %get3A_149 = arith.index_cast %scan3A_86 : i32 to index
      %get3A_150 = arith.constant 80 : index
      %get3A_151 = tpu.vector_load %arg9[%get3A_149, %get3A_150] {strides = array<i32>} : memref<80x128xf32, #tpu.memory_space<vmem>>, vector<16xf32>,
      %bitcast3A_152 = vector.bitcast %get3A_151 : vector<16xf32> to vector<32xbf16>
      %get3A_153 = arith.index_cast %scan3A_86 : i32 to index
      %get3A_154 = arith.constant 80 : index
      %get3A_155 = tpu.vector_load %arg10[%get3A_153, %get3A_154] {strides = array<i32>} : memref<80x128xf32, #tpu.memory_space<vmem>>, vector<16xf32>,
      %bitcast3A_156 = vector.bitcast %get3A_155 : vector<16xf32> to vector<32xbf16>
      %add3A_157 = arith.addf %bitcast3A_152, %bitcast3A_156 : vector<32xbf16>
      %bitcast3A_158 = vector.bitcast %add3A_157 : vector<32xbf16> to vector<16xf32>
      %swap3A_159 = arith.index_cast %scan3A_86 : i32 to index
      %swap3A_160 = arith.constant 80 : index
      %swap3A_161 = tpu.vector_load %arg9[%swap3A_159, %swap3A_160] {strides = array<i32>} : memref<80x128xf32, #tpu.memory_space<vmem>>, vector<16xf32>,
      tpu.vector_store %arg9[%swap3A_159, %swap3A_160], %bitcast3A_158 {strides = array<i32>} : memref<80x128xf32, #tpu.memory_space<vmem>>, vector<16xf32>,
      %get3A_162 = arith.index_cast %scan3A_86 : i32 to index
      %get3A_163 = arith.constant 96 : index
      %get3A_164 = tpu.vector_load %arg9[%get3A_162, %get3A_163] {strides = array<i32>} : memref<80x128xf32, #tpu.memory_space<vmem>>, vector<16xf32>,
      %bitcast3A_165 = vector.bitcast %get3A_164 : vector<16xf32> to vector<32xbf16>
      %get3A_166 = arith.index_cast %scan3A_86 : i32 to index
      %get3A_167 = arith.constant 96 : index
      %get3A_168 = tpu.vector_load %arg10[%get3A_166, %get3A_167] {strides = array<i32>} : memref<80x128xf32, #tpu.memory_space<vmem>>, vector<16xf32>,
      %bitcast3A_169 = vector.bitcast %get3A_168 : vector<16xf32> to vector<32xbf16>
      %add3A_170 = arith.addf %bitcast3A_165, %bitcast3A_169 : vector<32xbf16>
      %bitcast3A_171 = vector.bitcast %add3A_170 : vector<32xbf16> to vector<16xf32>
      %swap3A_172 = arith.index_cast %scan3A_86 : i32 to index
      %swap3A_173 = arith.constant 96 : index
      %swap3A_174 = tpu.vector_load %arg9[%swap3A_172, %swap3A_173] {strides = array<i32>} : memref<80x128xf32, #tpu.memory_space<vmem>>, vector<16xf32>,
      tpu.vector_store %arg9[%swap3A_172, %swap3A_173], %bitcast3A_171 {strides = array<i32>} : memref<80x128xf32, #tpu.memory_space<vmem>>, vector<16xf32>,
      %get3A_175 = arith.index_cast %scan3A_86 : i32 to index
      %get3A_176 = arith.constant 112 : index
      %get3A_177 = tpu.vector_load %arg9[%get3A_175, %get3A_176] {strides = array<i32>} : memref<80x128xf32, #tpu.memory_space<vmem>>, vector<16xf32>,
      %bitcast3A_178 = vector.bitcast %get3A_177 : vector<16xf32> to vector<32xbf16>
      %get3A_179 = arith.index_cast %scan3A_86 : i32 to index
      %get3A_180 = arith.constant 112 : index
      %get3A_181 = tpu.vector_load %arg10[%get3A_179, %get3A_180] {strides = array<i32>} : memref<80x128xf32, #tpu.memory_space<vmem>>, vector<16xf32>,
      %bitcast3A_182 = vector.bitcast %get3A_181 : vector<16xf32> to vector<32xbf16>
      %add3A_183 = arith.addf %bitcast3A_178, %bitcast3A_182 : vector<32xbf16>
      %bitcast3A_184 = vector.bitcast %add3A_183 : vector<32xbf16> to vector<16xf32>
      %swap3A_185 = arith.index_cast %scan3A_86 : i32 to index
      %swap3A_186 = arith.constant 112 : index
      %swap3A_187 = tpu.vector_load %arg9[%swap3A_185, %swap3A_186] {strides = array<i32>} : memref<80x128xf32, #tpu.memory_space<vmem>>, vector<16xf32>,
      tpu.vector_store %arg9[%swap3A_185, %swap3A_186], %bitcast3A_184 {strides = array<i32>} : memref<80x128xf32, #tpu.memory_space<vmem>>, vector<16xf32>,
    }
    %scan3A_45 = arith.constant 80 : i32
    %add3A_46 = arith.constant 3840 : i32
    %add3A_47 = arith.addi %mul3A_2, %add3A_46 : i32
    %dma_start3A_48 = arith.constant 0 : i32
    %dma_start3A_49 = tpu.memref_slice %arg6[%add3A_47, %dma_start3A_48] : memref<128000x128xf32, #tpu.memory_space<hbm>> -> memref<80x128xf32, #tpu.memory_space<hbm>>
    %dma_start3A_50 = arith.constant 0 : i32
    %dma_start3A_51 = tpu.memref_slice %arg6[%add3A_47, %dma_start3A_50] : memref<128000x128xf32, #tpu.memory_space<hbm>> -> memref<80x128xf32, #tpu.memory_space<hbm>>
    tpu.enqueue_dma source(%arg9 : memref<80x128xf32, #tpu.memory_space<vmem>>) target(%dma_start3A_51 : memref<80x128xf32, #tpu.memory_space<hbm>>) target_semaphore(%arg21 : memref<!tpu.dma_semaphore, #tpu.memory_space<semaphore_mem>>)
    %dma_wait3A_52 = arith.constant 0 : i32
    %dma_wait3A_53 = tpu.memref_slice %arg7[%dma_wait3A_52] : memref<4000xi32, #tpu.memory_space<vmem>> -> memref<80xi32, #tpu.memory_space<vmem>>
    %dma_wait3A_54 = arith.constant 0 : i32
    %dma_wait3A_55 = arith.constant 0 : i32
    %dma_wait3A_56 = tpu.memref_slice %arg2[%dma_wait3A_54, %dma_wait3A_55] : memref<10000x128xf32, #tpu.memory_space<hbm>> -> memref<10000x128xf32, #tpu.memory_space<hbm>>
    tpu.wait_indirect_dma semaphore(%arg17 : memref<!tpu.dma_semaphore, #tpu.memory_space<semaphore_mem>>) src(%dma_wait3A_56 : memref<10000x128xf32, #tpu.memory_space<hbm>>) dst(%arg11 : memref<80x128xf32, #tpu.memory_space<vmem>>)
    %dma_wait3A_57 = arith.constant 0 : i32
    %dma_wait3A_58 = tpu.memref_slice %arg8[%dma_wait3A_57] : memref<4000xi32, #tpu.memory_space<vmem>> -> memref<80xi32, #tpu.memory_space<vmem>>
    %dma_wait3A_59 = arith.constant 0 : i32
    %dma_wait3A_60 = arith.constant 0 : i32
    %dma_wait3A_61 = tpu.memref_slice %arg3[%dma_wait3A_59, %dma_wait3A_60] : memref<10000x128xf32, #tpu.memory_space<hbm>> -> memref<10000x128xf32, #tpu.memory_space<hbm>>
    tpu.wait_indirect_dma semaphore(%arg18 : memref<!tpu.dma_semaphore, #tpu.memory_space<semaphore_mem>>) src(%dma_wait3A_61 : memref<10000x128xf32, #tpu.memory_space<hbm>>) dst(%arg12 : memref<80x128xf32, #tpu.memory_space<vmem>>)
    %scan3A_62 = arith.constant 0 : i32
    %scan3A_63 = arith.constant 0 : i32
    %scan3A_64 = arith.constant 80 : i32
    %scan3A_65 = arith.addi %scan3A_63, %scan3A_64 : i32
    %scan3A_66 = arith.constant 1 : i32
    scf.for %scan3A_86 = %scan3A_63 to %scan3A_65 step %scan3A_66  : i32 {
      %get3A = arith.index_cast %scan3A_86 : i32 to index
      %get3A_87 = arith.constant 0 : index
      %get3A_88 = tpu.vector_load %arg11[%get3A, %get3A_87] {strides = array<i32>} : memref<80x128xf32, #tpu.memory_space<vmem>>, vector<16xf32>,
      %bitcast3A = vector.bitcast %get3A_88 : vector<16xf32> to vector<32xbf16>
      %get3A_89 = arith.index_cast %scan3A_86 : i32 to index
      %get3A_90 = arith.constant 0 : index
      %get3A_91 = tpu.vector_load %arg12[%get3A_89, %get3A_90] {strides = array<i32>} : memref<80x128xf32, #tpu.memory_space<vmem>>, vector<16xf32>,
      %bitcast3A_92 = vector.bitcast %get3A_91 : vector<16xf32> to vector<32xbf16>
      %add3A_93 = arith.addf %bitcast3A, %bitcast3A_92 : vector<32xbf16>
      %bitcast3A_94 = vector.bitcast %add3A_93 : vector<32xbf16> to vector<16xf32>
      %swap3A = arith.index_cast %scan3A_86 : i32 to index
      %swap3A_95 = arith.constant 0 : index
      %swap3A_96 = tpu.vector_load %arg11[%swap3A, %swap3A_95] {strides = array<i32>} : memref<80x128xf32, #tpu.memory_space<vmem>>, vector<16xf32>,
      tpu.vector_store %arg11[%swap3A, %swap3A_95], %bitcast3A_94 {strides = array<i32>} : memref<80x128xf32, #tpu.memory_space<vmem>>, vector<16xf32>,
      %get3A_97 = arith.index_cast %scan3A_86 : i32 to index
      %get3A_98 = arith.constant 16 : index
      %get3A_99 = tpu.vector_load %arg11[%get3A_97, %get3A_98] {strides = array<i32>} : memref<80x128xf32, #tpu.memory_space<vmem>>, vector<16xf32>,
      %bitcast3A_100 = vector.bitcast %get3A_99 : vector<16xf32> to vector<32xbf16>
      %get3A_101 = arith.index_cast %scan3A_86 : i32 to index
      %get3A_102 = arith.constant 16 : index
      %get3A_103 = tpu.vector_load %arg12[%get3A_101, %get3A_102] {strides = array<i32>} : memref<80x128xf32, #tpu.memory_space<vmem>>, vector<16xf32>,
      %bitcast3A_104 = vector.bitcast %get3A_103 : vector<16xf32> to vector<32xbf16>
      %add3A_105 = arith.addf %bitcast3A_100, %bitcast3A_104 : vector<32xbf16>
      %bitcast3A_106 = vector.bitcast %add3A_105 : vector<32xbf16> to vector<16xf32>
      %swap3A_107 = arith.index_cast %scan3A_86 : i32 to index
      %swap3A_108 = arith.constant 16 : index
      %swap3A_109 = tpu.vector_load %arg11[%swap3A_107, %swap3A_108] {strides = array<i32>} : memref<80x128xf32, #tpu.memory_space<vmem>>, vector<16xf32>,
      tpu.vector_store %arg11[%swap3A_107, %swap3A_108], %bitcast3A_106 {strides = array<i32>} : memref<80x128xf32, #tpu.memory_space<vmem>>, vector<16xf32>,
      %get3A_110 = arith.index_cast %scan3A_86 : i32 to index
      %get3A_111 = arith.constant 32 : index
      %get3A_112 = tpu.vector_load %arg11[%get3A_110, %get3A_111] {strides = array<i32>} : memref<80x128xf32, #tpu.memory_space<vmem>>, vector<16xf32>,
      %bitcast3A_113 = vector.bitcast %get3A_112 : vector<16xf32> to vector<32xbf16>
      %get3A_114 = arith.index_cast %scan3A_86 : i32 to index
      %get3A_115 = arith.constant 32 : index
      %get3A_116 = tpu.vector_load %arg12[%get3A_114, %get3A_115] {strides = array<i32>} : memref<80x128xf32, #tpu.memory_space<vmem>>, vector<16xf32>,
      %bitcast3A_117 = vector.bitcast %get3A_116 : vector<16xf32> to vector<32xbf16>
      %add3A_118 = arith.addf %bitcast3A_113, %bitcast3A_117 : vector<32xbf16>
      %bitcast3A_119 = vector.bitcast %add3A_118 : vector<32xbf16> to vector<16xf32>
      %swap3A_120 = arith.index_cast %scan3A_86 : i32 to index
      %swap3A_121 = arith.constant 32 : index
      %swap3A_122 = tpu.vector_load %arg11[%swap3A_120, %swap3A_121] {strides = array<i32>} : memref<80x128xf32, #tpu.memory_space<vmem>>, vector<16xf32>,
      tpu.vector_store %arg11[%swap3A_120, %swap3A_121], %bitcast3A_119 {strides = array<i32>} : memref<80x128xf32, #tpu.memory_space<vmem>>, vector<16xf32>,
      %get3A_123 = arith.index_cast %scan3A_86 : i32 to index
      %get3A_124 = arith.constant 48 : index
      %get3A_125 = tpu.vector_load %arg11[%get3A_123, %get3A_124] {strides = array<i32>} : memref<80x128xf32, #tpu.memory_space<vmem>>, vector<16xf32>,
      %bitcast3A_126 = vector.bitcast %get3A_125 : vector<16xf32> to vector<32xbf16>
      %get3A_127 = arith.index_cast %scan3A_86 : i32 to index
      %get3A_128 = arith.constant 48 : index
      %get3A_129 = tpu.vector_load %arg12[%get3A_127, %get3A_128] {strides = array<i32>} : memref<80x128xf32, #tpu.memory_space<vmem>>, vector<16xf32>,
      %bitcast3A_130 = vector.bitcast %get3A_129 : vector<16xf32> to vector<32xbf16>
      %add3A_131 = arith.addf %bitcast3A_126, %bitcast3A_130 : vector<32xbf16>
      %bitcast3A_132 = vector.bitcast %add3A_131 : vector<32xbf16> to vector<16xf32>
      %swap3A_133 = arith.index_cast %scan3A_86 : i32 to index
      %swap3A_134 = arith.constant 48 : index
      %swap3A_135 = tpu.vector_load %arg11[%swap3A_133, %swap3A_134] {strides = array<i32>} : memref<80x128xf32, #tpu.memory_space<vmem>>, vector<16xf32>,
      tpu.vector_store %arg11[%swap3A_133, %swap3A_134], %bitcast3A_132 {strides = array<i32>} : memref<80x128xf32, #tpu.memory_space<vmem>>, vector<16xf32>,
      %get3A_136 = arith.index_cast %scan3A_86 : i32 to index
      %get3A_137 = arith.constant 64 : index
      %get3A_138 = tpu.vector_load %arg11[%get3A_136, %get3A_137] {strides = array<i32>} : memref<80x128xf32, #tpu.memory_space<vmem>>, vector<16xf32>,
      %bitcast3A_139 = vector.bitcast %get3A_138 : vector<16xf32> to vector<32xbf16>
      %get3A_140 = arith.index_cast %scan3A_86 : i32 to index
      %get3A_141 = arith.constant 64 : index
      %get3A_142 = tpu.vector_load %arg12[%get3A_140, %get3A_141] {strides = array<i32>} : memref<80x128xf32, #tpu.memory_space<vmem>>, vector<16xf32>,
      %bitcast3A_143 = vector.bitcast %get3A_142 : vector<16xf32> to vector<32xbf16>
      %add3A_144 = arith.addf %bitcast3A_139, %bitcast3A_143 : vector<32xbf16>
      %bitcast3A_145 = vector.bitcast %add3A_144 : vector<32xbf16> to vector<16xf32>
      %swap3A_146 = arith.index_cast %scan3A_86 : i32 to index
      %swap3A_147 = arith.constant 64 : index
      %swap3A_148 = tpu.vector_load %arg11[%swap3A_146, %swap3A_147] {strides = array<i32>} : memref<80x128xf32, #tpu.memory_space<vmem>>, vector<16xf32>,
      tpu.vector_store %arg11[%swap3A_146, %swap3A_147], %bitcast3A_145 {strides = array<i32>} : memref<80x128xf32, #tpu.memory_space<vmem>>, vector<16xf32>,
      %get3A_149 = arith.index_cast %scan3A_86 : i32 to index
      %get3A_150 = arith.constant 80 : index
      %get3A_151 = tpu.vector_load %arg11[%get3A_149, %get3A_150] {strides = array<i32>} : memref<80x128xf32, #tpu.memory_space<vmem>>, vector<16xf32>,
      %bitcast3A_152 = vector.bitcast %get3A_151 : vector<16xf32> to vector<32xbf16>
      %get3A_153 = arith.index_cast %scan3A_86 : i32 to index
      %get3A_154 = arith.constant 80 : index
      %get3A_155 = tpu.vector_load %arg12[%get3A_153, %get3A_154] {strides = array<i32>} : memref<80x128xf32, #tpu.memory_space<vmem>>, vector<16xf32>,
      %bitcast3A_156 = vector.bitcast %get3A_155 : vector<16xf32> to vector<32xbf16>
      %add3A_157 = arith.addf %bitcast3A_152, %bitcast3A_156 : vector<32xbf16>
      %bitcast3A_158 = vector.bitcast %add3A_157 : vector<32xbf16> to vector<16xf32>
      %swap3A_159 = arith.index_cast %scan3A_86 : i32 to index
      %swap3A_160 = arith.constant 80 : index
      %swap3A_161 = tpu.vector_load %arg11[%swap3A_159, %swap3A_160] {strides = array<i32>} : memref<80x128xf32, #tpu.memory_space<vmem>>, vector<16xf32>,
      tpu.vector_store %arg11[%swap3A_159, %swap3A_160], %bitcast3A_158 {strides = array<i32>} : memref<80x128xf32, #tpu.memory_space<vmem>>, vector<16xf32>,
      %get3A_162 = arith.index_cast %scan3A_86 : i32 to index
      %get3A_163 = arith.constant 96 : index
      %get3A_164 = tpu.vector_load %arg11[%get3A_162, %get3A_163] {strides = array<i32>} : memref<80x128xf32, #tpu.memory_space<vmem>>, vector<16xf32>,
      %bitcast3A_165 = vector.bitcast %get3A_164 : vector<16xf32> to vector<32xbf16>
      %get3A_166 = arith.index_cast %scan3A_86 : i32 to index
      %get3A_167 = arith.constant 96 : index
      %get3A_168 = tpu.vector_load %arg12[%get3A_166, %get3A_167] {strides = array<i32>} : memref<80x128xf32, #tpu.memory_space<vmem>>, vector<16xf32>,
      %bitcast3A_169 = vector.bitcast %get3A_168 : vector<16xf32> to vector<32xbf16>
      %add3A_170 = arith.addf %bitcast3A_165, %bitcast3A_169 : vector<32xbf16>
      %bitcast3A_171 = vector.bitcast %add3A_170 : vector<32xbf16> to vector<16xf32>
      %swap3A_172 = arith.index_cast %scan3A_86 : i32 to index
      %swap3A_173 = arith.constant 96 : index
      %swap3A_174 = tpu.vector_load %arg11[%swap3A_172, %swap3A_173] {strides = array<i32>} : memref<80x128xf32, #tpu.memory_space<vmem>>, vector<16xf32>,
      tpu.vector_store %arg11[%swap3A_172, %swap3A_173], %bitcast3A_171 {strides = array<i32>} : memref<80x128xf32, #tpu.memory_space<vmem>>, vector<16xf32>,
      %get3A_175 = arith.index_cast %scan3A_86 : i32 to index
      %get3A_176 = arith.constant 112 : index
      %get3A_177 = tpu.vector_load %arg11[%get3A_175, %get3A_176] {strides = array<i32>} : memref<80x128xf32, #tpu.memory_space<vmem>>, vector<16xf32>,
      %bitcast3A_178 = vector.bitcast %get3A_177 : vector<16xf32> to vector<32xbf16>
      %get3A_179 = arith.index_cast %scan3A_86 : i32 to index
      %get3A_180 = arith.constant 112 : index
      %get3A_181 = tpu.vector_load %arg12[%get3A_179, %get3A_180] {strides = array<i32>} : memref<80x128xf32, #tpu.memory_space<vmem>>, vector<16xf32>,
      %bitcast3A_182 = vector.bitcast %get3A_181 : vector<16xf32> to vector<32xbf16>
      %add3A_183 = arith.addf %bitcast3A_178, %bitcast3A_182 : vector<32xbf16>
      %bitcast3A_184 = vector.bitcast %add3A_183 : vector<32xbf16> to vector<16xf32>
      %swap3A_185 = arith.index_cast %scan3A_86 : i32 to index
      %swap3A_186 = arith.constant 112 : index
      %swap3A_187 = tpu.vector_load %arg11[%swap3A_185, %swap3A_186] {strides = array<i32>} : memref<80x128xf32, #tpu.memory_space<vmem>>, vector<16xf32>,
      tpu.vector_store %arg11[%swap3A_185, %swap3A_186], %bitcast3A_184 {strides = array<i32>} : memref<80x128xf32, #tpu.memory_space<vmem>>, vector<16xf32>,
    }
    %scan3A_67 = arith.constant 80 : i32
    %add3A_68 = arith.constant 3920 : i32
    %add3A_69 = arith.addi %mul3A_2, %add3A_68 : i32
    %dma_start3A_70 = arith.constant 0 : i32
    %dma_start3A_71 = tpu.memref_slice %arg6[%add3A_69, %dma_start3A_70] : memref<128000x128xf32, #tpu.memory_space<hbm>> -> memref<80x128xf32, #tpu.memory_space<hbm>>
    %dma_start3A_72 = arith.constant 0 : i32
    %dma_start3A_73 = tpu.memref_slice %arg6[%add3A_69, %dma_start3A_72] : memref<128000x128xf32, #tpu.memory_space<hbm>> -> memref<80x128xf32, #tpu.memory_space<hbm>>
    tpu.enqueue_dma source(%arg11 : memref<80x128xf32, #tpu.memory_space<vmem>>) target(%dma_start3A_73 : memref<80x128xf32, #tpu.memory_space<hbm>>) target_semaphore(%arg22 : memref<!tpu.dma_semaphore, #tpu.memory_space<semaphore_mem>>)
    %dma_wait3A_74 = arith.constant 0 : i32
    %dma_wait3A_75 = tpu.memref_slice %arg6[%mul3A_2, %dma_wait3A_74] : memref<128000x128xf32, #tpu.memory_space<hbm>> -> memref<80x128xf32, #tpu.memory_space<hbm>>
    %dma_wait3A_76 = arith.constant 0 : i32
    %dma_wait3A_77 = tpu.memref_slice %arg6[%mul3A_2, %dma_wait3A_76] : memref<128000x128xf32, #tpu.memory_space<hbm>> -> memref<80x128xf32, #tpu.memory_space<hbm>>
    tpu.wait_dma2 semaphore(%arg21 : memref<!tpu.dma_semaphore, #tpu.memory_space<semaphore_mem>>) src(%arg9 : memref<80x128xf32, #tpu.memory_space<vmem>>) dst(%dma_wait3A_77 : memref<80x128xf32, #tpu.memory_space<hbm>>)
    %dma_wait3A_78 = arith.constant 0 : i32
    %dma_wait3A_79 = tpu.memref_slice %arg6[%mul3A_2, %dma_wait3A_78] : memref<128000x128xf32, #tpu.memory_space<hbm>> -> memref<80x128xf32, #tpu.memory_space<hbm>>
    %dma_wait3A_80 = arith.constant 0 : i32
    %dma_wait3A_81 = tpu.memref_slice %arg6[%mul3A_2, %dma_wait3A_80] : memref<128000x128xf32, #tpu.memory_space<hbm>> -> memref<80x128xf32, #tpu.memory_space<hbm>>
    tpu.wait_dma2 semaphore(%arg22 : memref<!tpu.dma_semaphore, #tpu.memory_space<semaphore_mem>>) src(%arg11 : memref<80x128xf32, #tpu.memory_space<vmem>>) dst(%dma_wait3A_81 : memref<80x128xf32, #tpu.memory_space<hbm>>)
    %dma_wait3A_82 = arith.constant 0 : i32
    %dma_wait3A_83 = tpu.memref_slice %arg6[%mul3A_2, %dma_wait3A_82] : memref<128000x128xf32, #tpu.memory_space<hbm>> -> memref<80x128xf32, #tpu.memory_space<hbm>>
    %dma_wait3A_84 = arith.constant 0 : i32
    %dma_wait3A_85 = tpu.memref_slice %arg6[%mul3A_2, %dma_wait3A_84] : memref<128000x128xf32, #tpu.memory_space<hbm>> -> memref<80x128xf32, #tpu.memory_space<hbm>>
    tpu.wait_dma2 semaphore(%arg23 : memref<!tpu.dma_semaphore, #tpu.memory_space<semaphore_mem>>) src(%arg13 : memref<80x128xf32, #tpu.memory_space<vmem>>) dst(%dma_wait3A_85 : memref<80x128xf32, #tpu.memory_space<hbm>>)
    return
  }
}

#map = affine_map<(d0, d1) -> (0, 0)>
#map1 = affine_map<(d0, d1) -> (0)>
module attributes {stable_mosaic.version = 14 : i64} {
  func.func @body(%arg0: i32, %arg1: i32, %arg2: memref<10000x128xf32, #tpu.memory_space<hbm>>, %arg3: memref<10000x128xf32, #tpu.memory_space<hbm>>, %arg4: memref<192000xi32, #tpu.memory_space<hbm>>, %arg5: memref<192000xi32, #tpu.memory_space<hbm>>, %arg6: memref<192000x128xf32, #tpu.memory_space<hbm>>, %arg7: memref<6000xi32, #tpu.memory_space<vmem>>, %arg8: memref<6000xi32, #tpu.memory_space<vmem>>, %arg9: memref<120x128xf32, #tpu.memory_space<vmem>>, %arg10: memref<120x128xf32, #tpu.memory_space<vmem>>, %arg11: memref<120x128xf32, #tpu.memory_space<vmem>>, %arg12: memref<120x128xf32, #tpu.memory_space<vmem>>, %arg13: memref<120x128xf32, #tpu.memory_space<vmem>>, %arg14: memref<120x128xf32, #tpu.memory_space<vmem>>, %arg15: memref<!tpu.dma_semaphore, #tpu.memory_space<semaphore_mem>>, %arg16: memref<!tpu.dma_semaphore, #tpu.memory_space<semaphore_mem>>, %arg17: memref<!tpu.dma_semaphore, #tpu.memory_space<semaphore_mem>>, %arg18: memref<!tpu.dma_semaphore, #tpu.memory_space<semaphore_mem>>, %arg19: memref<!tpu.dma_semaphore, #tpu.memory_space<semaphore_mem>>, %arg20: memref<!tpu.dma_semaphore, #tpu.memory_space<semaphore_mem>>, %arg21: memref<!tpu.dma_semaphore, #tpu.memory_space<semaphore_mem>>, %arg22: memref<!tpu.dma_semaphore, #tpu.memory_space<semaphore_mem>>, %arg23: memref<!tpu.dma_semaphore, #tpu.memory_space<semaphore_mem>>) attributes {dimension_semantics = [#tpu.dimension_semantics<core_parallel>, #tpu.dimension_semantics<subcore_parallel>], iteration_bounds = array<i64: 2, 16>, scalar_prefetch = 0 : i64, scratch_operands = 17 : i64, tpu.core_type = #tpu.core_type<sc_vector_subcore>, window_params = [{transform_indices = #map}, {transform_indices = #map}, {transform_indices = #map1}, {transform_indices = #map1}, {transform_indices = #map}]} {
    %mul3A = arith.constant 2 : i32
    %mul3A_0 = arith.muli %arg1, %mul3A : i32
    %add3A = arith.addi %mul3A_0, %arg0 : i32
    %mul3A_1 = arith.constant 6000 : i32
    %mul3A_2 = arith.muli %add3A, %mul3A_1 : i32
    "tpu.region"() ({
      %run_scoped3A = tpu.sem_alloc : memref<!tpu.dma_semaphore, #tpu.memory_space<semaphore_mem>>
      %dma_start3A_86 = tpu.memref_slice %arg4[%mul3A_2] : memref<192000xi32, #tpu.memory_space<hbm>> -> memref<6000xi32, #tpu.memory_space<hbm>>
      %dma_start3A_87 = tpu.memref_slice %arg4[%mul3A_2] : memref<192000xi32, #tpu.memory_space<hbm>> -> memref<6000xi32, #tpu.memory_space<hbm>>
      tpu.enqueue_dma source(%dma_start3A_87 : memref<6000xi32, #tpu.memory_space<hbm>>) target(%arg7 : memref<6000xi32, #tpu.memory_space<vmem>>) target_semaphore(%run_scoped3A : memref<!tpu.dma_semaphore, #tpu.memory_space<semaphore_mem>>)
      %dma_wait3A_88 = tpu.memref_slice %arg4[%mul3A_2] : memref<192000xi32, #tpu.memory_space<hbm>> -> memref<6000xi32, #tpu.memory_space<hbm>>
      %dma_wait3A_89 = tpu.memref_slice %arg4[%mul3A_2] : memref<192000xi32, #tpu.memory_space<hbm>> -> memref<6000xi32, #tpu.memory_space<hbm>>
      tpu.wait_dma2 semaphore(%run_scoped3A : memref<!tpu.dma_semaphore, #tpu.memory_space<semaphore_mem>>) src(%dma_wait3A_89 : memref<6000xi32, #tpu.memory_space<hbm>>) dst(%arg7 : memref<6000xi32, #tpu.memory_space<vmem>>)
      tpu.yield
    }) : () -> ()
    "tpu.region"() ({
      %run_scoped3A = tpu.sem_alloc : memref<!tpu.dma_semaphore, #tpu.memory_space<semaphore_mem>>
      %dma_start3A_86 = tpu.memref_slice %arg5[%mul3A_2] : memref<192000xi32, #tpu.memory_space<hbm>> -> memref<6000xi32, #tpu.memory_space<hbm>>
      %dma_start3A_87 = tpu.memref_slice %arg5[%mul3A_2] : memref<192000xi32, #tpu.memory_space<hbm>> -> memref<6000xi32, #tpu.memory_space<hbm>>
      tpu.enqueue_dma source(%dma_start3A_87 : memref<6000xi32, #tpu.memory_space<hbm>>) target(%arg8 : memref<6000xi32, #tpu.memory_space<vmem>>) target_semaphore(%run_scoped3A : memref<!tpu.dma_semaphore, #tpu.memory_space<semaphore_mem>>)
      %dma_wait3A_88 = tpu.memref_slice %arg5[%mul3A_2] : memref<192000xi32, #tpu.memory_space<hbm>> -> memref<6000xi32, #tpu.memory_space<hbm>>
      %dma_wait3A_89 = tpu.memref_slice %arg5[%mul3A_2] : memref<192000xi32, #tpu.memory_space<hbm>> -> memref<6000xi32, #tpu.memory_space<hbm>>
      tpu.wait_dma2 semaphore(%run_scoped3A : memref<!tpu.dma_semaphore, #tpu.memory_space<semaphore_mem>>) src(%dma_wait3A_89 : memref<6000xi32, #tpu.memory_space<hbm>>) dst(%arg8 : memref<6000xi32, #tpu.memory_space<vmem>>)
      tpu.yield
    }) : () -> ()
    %dma_start3A = arith.constant 0 : i32
    %dma_start3A_3 = tpu.memref_slice %arg7[%dma_start3A] : memref<6000xi32, #tpu.memory_space<vmem>> -> memref<120xi32, #tpu.memory_space<vmem>>
    %dma_start3A_4 = arith.constant 0 : i32
    %dma_start3A_5 = arith.constant 0 : i32
    %dma_start3A_6 = tpu.memref_slice %arg2[%dma_start3A_4, %dma_start3A_5] : memref<10000x128xf32, #tpu.memory_space<hbm>> -> memref<10000x128xf32, #tpu.memory_space<hbm>>
    tpu.enqueue_indirect_dma source(%dma_start3A_6 : memref<10000x128xf32, #tpu.memory_space<hbm>>) target(%arg9 : memref<120x128xf32, #tpu.memory_space<vmem>>) offsets(%dma_start3A_3 : memref<120xi32, #tpu.memory_space<vmem>>) semaphore(%arg15 : memref<!tpu.dma_semaphore, #tpu.memory_space<semaphore_mem>>)
    %dma_start3A_7 = arith.constant 0 : i32
    %dma_start3A_8 = tpu.memref_slice %arg8[%dma_start3A_7] : memref<6000xi32, #tpu.memory_space<vmem>> -> memref<120xi32, #tpu.memory_space<vmem>>
    %dma_start3A_9 = arith.constant 0 : i32
    %dma_start3A_10 = arith.constant 0 : i32
    %dma_start3A_11 = tpu.memref_slice %arg3[%dma_start3A_9, %dma_start3A_10] : memref<10000x128xf32, #tpu.memory_space<hbm>> -> memref<10000x128xf32, #tpu.memory_space<hbm>>
    tpu.enqueue_indirect_dma source(%dma_start3A_11 : memref<10000x128xf32, #tpu.memory_space<hbm>>) target(%arg10 : memref<120x128xf32, #tpu.memory_space<vmem>>) offsets(%dma_start3A_8 : memref<120xi32, #tpu.memory_space<vmem>>) semaphore(%arg16 : memref<!tpu.dma_semaphore, #tpu.memory_space<semaphore_mem>>)
    %scan3A = arith.constant 0 : i32
    %scan3A_12 = arith.constant 0 : i32
    %scan3A_13 = arith.constant 16 : i32
    %scan3A_14 = arith.addi %scan3A_12, %scan3A_13 : i32
    %scan3A_15 = arith.constant 1 : i32
    scf.for %scan3A_86 = %scan3A_12 to %scan3A_14 step %scan3A_15  : i32 {
      %mul3A_87 = arith.constant 3 : i32
      %mul3A_88 = arith.muli %mul3A_87, %scan3A_86 : i32
      %dma_wait3A_89 = arith.constant 0 : i32
      %dma_wait3A_90 = tpu.memref_slice %arg7[%dma_wait3A_89] : memref<6000xi32, #tpu.memory_space<vmem>> -> memref<120xi32, #tpu.memory_space<vmem>>
      %dma_wait3A_91 = arith.constant 0 : i32
      %dma_wait3A_92 = arith.constant 0 : i32
      %dma_wait3A_93 = tpu.memref_slice %arg2[%dma_wait3A_91, %dma_wait3A_92] : memref<10000x128xf32, #tpu.memory_space<hbm>> -> memref<10000x128xf32, #tpu.memory_space<hbm>>
      tpu.wait_indirect_dma semaphore(%arg15 : memref<!tpu.dma_semaphore, #tpu.memory_space<semaphore_mem>>) src(%dma_wait3A_93 : memref<10000x128xf32, #tpu.memory_space<hbm>>) dst(%arg9 : memref<120x128xf32, #tpu.memory_space<vmem>>)
      %dma_wait3A_94 = arith.constant 0 : i32
      %dma_wait3A_95 = tpu.memref_slice %arg8[%dma_wait3A_94] : memref<6000xi32, #tpu.memory_space<vmem>> -> memref<120xi32, #tpu.memory_space<vmem>>
      %dma_wait3A_96 = arith.constant 0 : i32
      %dma_wait3A_97 = arith.constant 0 : i32
      %dma_wait3A_98 = tpu.memref_slice %arg3[%dma_wait3A_96, %dma_wait3A_97] : memref<10000x128xf32, #tpu.memory_space<hbm>> -> memref<10000x128xf32, #tpu.memory_space<hbm>>
      tpu.wait_indirect_dma semaphore(%arg16 : memref<!tpu.dma_semaphore, #tpu.memory_space<semaphore_mem>>) src(%dma_wait3A_98 : memref<10000x128xf32, #tpu.memory_space<hbm>>) dst(%arg10 : memref<120x128xf32, #tpu.memory_space<vmem>>)
      %ge3A = arith.constant 2 : i32
      %ge3A_99 = arith.cmpi sge, %mul3A_88, %ge3A : i32
      %convert_element_type3A = arith.extui %ge3A_99 : i1 to i32
      %cond3A = arith.constant 0 : i32
      %cond3A_100 = arith.cmpi ne, %convert_element_type3A, %cond3A : i32
      scf.if %cond3A_100 {
        %dma_wait3A_214 = arith.constant 0 : i32
        %dma_wait3A_215 = tpu.memref_slice %arg6[%mul3A_2, %dma_wait3A_214] : memref<192000x128xf32, #tpu.memory_space<hbm>> -> memref<120x128xf32, #tpu.memory_space<hbm>>
        %dma_wait3A_216 = arith.constant 0 : i32
        %dma_wait3A_217 = tpu.memref_slice %arg6[%mul3A_2, %dma_wait3A_216] : memref<192000x128xf32, #tpu.memory_space<hbm>> -> memref<120x128xf32, #tpu.memory_space<hbm>>
        tpu.wait_dma2 semaphore(%arg22 : memref<!tpu.dma_semaphore, #tpu.memory_space<semaphore_mem>>) src(%arg11 : memref<120x128xf32, #tpu.memory_space<vmem>>) dst(%dma_wait3A_217 : memref<120x128xf32, #tpu.memory_space<hbm>>)
      } else {
      }
      %add3A_101 = arith.constant 1 : i32
      %add3A_102 = arith.addi %mul3A_88, %add3A_101 : i32
      %mul3A_103 = arith.constant 120 : i32
      %mul3A_104 = arith.muli %add3A_102, %mul3A_103 : i32
      %dma_start3A_105 = tpu.memref_slice %arg7[%mul3A_104] : memref<6000xi32, #tpu.memory_space<vmem>> -> memref<120xi32, #tpu.memory_space<vmem>>
      %dma_start3A_106 = arith.constant 0 : i32
      %dma_start3A_107 = arith.constant 0 : i32
      %dma_start3A_108 = tpu.memref_slice %arg2[%dma_start3A_106, %dma_start3A_107] : memref<10000x128xf32, #tpu.memory_space<hbm>> -> memref<10000x128xf32, #tpu.memory_space<hbm>>
      tpu.enqueue_indirect_dma source(%dma_start3A_108 : memref<10000x128xf32, #tpu.memory_space<hbm>>) target(%arg11 : memref<120x128xf32, #tpu.memory_space<vmem>>) offsets(%dma_start3A_105 : memref<120xi32, #tpu.memory_space<vmem>>) semaphore(%arg17 : memref<!tpu.dma_semaphore, #tpu.memory_space<semaphore_mem>>)
      %dma_start3A_109 = tpu.memref_slice %arg8[%mul3A_104] : memref<6000xi32, #tpu.memory_space<vmem>> -> memref<120xi32, #tpu.memory_space<vmem>>
      %dma_start3A_110 = arith.constant 0 : i32
      %dma_start3A_111 = arith.constant 0 : i32
      %dma_start3A_112 = tpu.memref_slice %arg3[%dma_start3A_110, %dma_start3A_111] : memref<10000x128xf32, #tpu.memory_space<hbm>> -> memref<10000x128xf32, #tpu.memory_space<hbm>>
      tpu.enqueue_indirect_dma source(%dma_start3A_112 : memref<10000x128xf32, #tpu.memory_space<hbm>>) target(%arg12 : memref<120x128xf32, #tpu.memory_space<vmem>>) offsets(%dma_start3A_109 : memref<120xi32, #tpu.memory_space<vmem>>) semaphore(%arg18 : memref<!tpu.dma_semaphore, #tpu.memory_space<semaphore_mem>>)
      %scan3A_113 = arith.constant 0 : i32
      %scan3A_114 = arith.constant 0 : i32
      %scan3A_115 = arith.constant 120 : i32
      %scan3A_116 = arith.addi %scan3A_114, %scan3A_115 : i32
      %scan3A_117 = arith.constant 1 : i32
      scf.for %scan3A_214 = %scan3A_114 to %scan3A_116 step %scan3A_117  : i32 {
        %get3A = arith.index_cast %scan3A_214 : i32 to index
        %get3A_215 = arith.constant 0 : index
        %get3A_216 = tpu.vector_load %arg9[%get3A, %get3A_215] {strides = array<i32>} : memref<120x128xf32, #tpu.memory_space<vmem>>, vector<16xf32>,
        %bitcast3A = vector.bitcast %get3A_216 : vector<16xf32> to vector<32xbf16>
        %get3A_217 = arith.index_cast %scan3A_214 : i32 to index
        %get3A_218 = arith.constant 0 : index
        %get3A_219 = tpu.vector_load %arg10[%get3A_217, %get3A_218] {strides = array<i32>} : memref<120x128xf32, #tpu.memory_space<vmem>>, vector<16xf32>,
        %bitcast3A_220 = vector.bitcast %get3A_219 : vector<16xf32> to vector<32xbf16>
        %add3A_221 = arith.addf %bitcast3A, %bitcast3A_220 : vector<32xbf16>
        %bitcast3A_222 = vector.bitcast %add3A_221 : vector<32xbf16> to vector<16xf32>
        %swap3A = arith.index_cast %scan3A_214 : i32 to index
        %swap3A_223 = arith.constant 0 : index
        %swap3A_224 = tpu.vector_load %arg9[%swap3A, %swap3A_223] {strides = array<i32>} : memref<120x128xf32, #tpu.memory_space<vmem>>, vector<16xf32>,
        tpu.vector_store %arg9[%swap3A, %swap3A_223], %bitcast3A_222 {strides = array<i32>} : memref<120x128xf32, #tpu.memory_space<vmem>>, vector<16xf32>,
        %get3A_225 = arith.index_cast %scan3A_214 : i32 to index
        %get3A_226 = arith.constant 16 : index
        %get3A_227 = tpu.vector_load %arg9[%get3A_225, %get3A_226] {strides = array<i32>} : memref<120x128xf32, #tpu.memory_space<vmem>>, vector<16xf32>,
        %bitcast3A_228 = vector.bitcast %get3A_227 : vector<16xf32> to vector<32xbf16>
        %get3A_229 = arith.index_cast %scan3A_214 : i32 to index
        %get3A_230 = arith.constant 16 : index
        %get3A_231 = tpu.vector_load %arg10[%get3A_229, %get3A_230] {strides = array<i32>} : memref<120x128xf32, #tpu.memory_space<vmem>>, vector<16xf32>,
        %bitcast3A_232 = vector.bitcast %get3A_231 : vector<16xf32> to vector<32xbf16>
        %add3A_233 = arith.addf %bitcast3A_228, %bitcast3A_232 : vector<32xbf16>
        %bitcast3A_234 = vector.bitcast %add3A_233 : vector<32xbf16> to vector<16xf32>
        %swap3A_235 = arith.index_cast %scan3A_214 : i32 to index
        %swap3A_236 = arith.constant 16 : index
        %swap3A_237 = tpu.vector_load %arg9[%swap3A_235, %swap3A_236] {strides = array<i32>} : memref<120x128xf32, #tpu.memory_space<vmem>>, vector<16xf32>,
        tpu.vector_store %arg9[%swap3A_235, %swap3A_236], %bitcast3A_234 {strides = array<i32>} : memref<120x128xf32, #tpu.memory_space<vmem>>, vector<16xf32>,
        %get3A_238 = arith.index_cast %scan3A_214 : i32 to index
        %get3A_239 = arith.constant 32 : index
        %get3A_240 = tpu.vector_load %arg9[%get3A_238, %get3A_239] {strides = array<i32>} : memref<120x128xf32, #tpu.memory_space<vmem>>, vector<16xf32>,
        %bitcast3A_241 = vector.bitcast %get3A_240 : vector<16xf32> to vector<32xbf16>
        %get3A_242 = arith.index_cast %scan3A_214 : i32 to index
        %get3A_243 = arith.constant 32 : index
        %get3A_244 = tpu.vector_load %arg10[%get3A_242, %get3A_243] {strides = array<i32>} : memref<120x128xf32, #tpu.memory_space<vmem>>, vector<16xf32>,
        %bitcast3A_245 = vector.bitcast %get3A_244 : vector<16xf32> to vector<32xbf16>
        %add3A_246 = arith.addf %bitcast3A_241, %bitcast3A_245 : vector<32xbf16>
        %bitcast3A_247 = vector.bitcast %add3A_246 : vector<32xbf16> to vector<16xf32>
        %swap3A_248 = arith.index_cast %scan3A_214 : i32 to index
        %swap3A_249 = arith.constant 32 : index
        %swap3A_250 = tpu.vector_load %arg9[%swap3A_248, %swap3A_249] {strides = array<i32>} : memref<120x128xf32, #tpu.memory_space<vmem>>, vector<16xf32>,
        tpu.vector_store %arg9[%swap3A_248, %swap3A_249], %bitcast3A_247 {strides = array<i32>} : memref<120x128xf32, #tpu.memory_space<vmem>>, vector<16xf32>,
        %get3A_251 = arith.index_cast %scan3A_214 : i32 to index
        %get3A_252 = arith.constant 48 : index
        %get3A_253 = tpu.vector_load %arg9[%get3A_251, %get3A_252] {strides = array<i32>} : memref<120x128xf32, #tpu.memory_space<vmem>>, vector<16xf32>,
        %bitcast3A_254 = vector.bitcast %get3A_253 : vector<16xf32> to vector<32xbf16>
        %get3A_255 = arith.index_cast %scan3A_214 : i32 to index
        %get3A_256 = arith.constant 48 : index
        %get3A_257 = tpu.vector_load %arg10[%get3A_255, %get3A_256] {strides = array<i32>} : memref<120x128xf32, #tpu.memory_space<vmem>>, vector<16xf32>,
        %bitcast3A_258 = vector.bitcast %get3A_257 : vector<16xf32> to vector<32xbf16>
        %add3A_259 = arith.addf %bitcast3A_254, %bitcast3A_258 : vector<32xbf16>
        %bitcast3A_260 = vector.bitcast %add3A_259 : vector<32xbf16> to vector<16xf32>
        %swap3A_261 = arith.index_cast %scan3A_214 : i32 to index
        %swap3A_262 = arith.constant 48 : index
        %swap3A_263 = tpu.vector_load %arg9[%swap3A_261, %swap3A_262] {strides = array<i32>} : memref<120x128xf32, #tpu.memory_space<vmem>>, vector<16xf32>,
        tpu.vector_store %arg9[%swap3A_261, %swap3A_262], %bitcast3A_260 {strides = array<i32>} : memref<120x128xf32, #tpu.memory_space<vmem>>, vector<16xf32>,
        %get3A_264 = arith.index_cast %scan3A_214 : i32 to index
        %get3A_265 = arith.constant 64 : index
        %get3A_266 = tpu.vector_load %arg9[%get3A_264, %get3A_265] {strides = array<i32>} : memref<120x128xf32, #tpu.memory_space<vmem>>, vector<16xf32>,
        %bitcast3A_267 = vector.bitcast %get3A_266 : vector<16xf32> to vector<32xbf16>
        %get3A_268 = arith.index_cast %scan3A_214 : i32 to index
        %get3A_269 = arith.constant 64 : index
        %get3A_270 = tpu.vector_load %arg10[%get3A_268, %get3A_269] {strides = array<i32>} : memref<120x128xf32, #tpu.memory_space<vmem>>, vector<16xf32>,
        %bitcast3A_271 = vector.bitcast %get3A_270 : vector<16xf32> to vector<32xbf16>
        %add3A_272 = arith.addf %bitcast3A_267, %bitcast3A_271 : vector<32xbf16>
        %bitcast3A_273 = vector.bitcast %add3A_272 : vector<32xbf16> to vector<16xf32>
        %swap3A_274 = arith.index_cast %scan3A_214 : i32 to index
        %swap3A_275 = arith.constant 64 : index
        %swap3A_276 = tpu.vector_load %arg9[%swap3A_274, %swap3A_275] {strides = array<i32>} : memref<120x128xf32, #tpu.memory_space<vmem>>, vector<16xf32>,
        tpu.vector_store %arg9[%swap3A_274, %swap3A_275], %bitcast3A_273 {strides = array<i32>} : memref<120x128xf32, #tpu.memory_space<vmem>>, vector<16xf32>,
        %get3A_277 = arith.index_cast %scan3A_214 : i32 to index
        %get3A_278 = arith.constant 80 : index
        %get3A_279 = tpu.vector_load %arg9[%get3A_277, %get3A_278] {strides = array<i32>} : memref<120x128xf32, #tpu.memory_space<vmem>>, vector<16xf32>,
        %bitcast3A_280 = vector.bitcast %get3A_279 : vector<16xf32> to vector<32xbf16>
        %get3A_281 = arith.index_cast %scan3A_214 : i32 to index
        %get3A_282 = arith.constant 80 : index
        %get3A_283 = tpu.vector_load %arg10[%get3A_281, %get3A_282] {strides = array<i32>} : memref<120x128xf32, #tpu.memory_space<vmem>>, vector<16xf32>,
        %bitcast3A_284 = vector.bitcast %get3A_283 : vector<16xf32> to vector<32xbf16>
        %add3A_285 = arith.addf %bitcast3A_280, %bitcast3A_284 : vector<32xbf16>
        %bitcast3A_286 = vector.bitcast %add3A_285 : vector<32xbf16> to vector<16xf32>
        %swap3A_287 = arith.index_cast %scan3A_214 : i32 to index
        %swap3A_288 = arith.constant 80 : index
        %swap3A_289 = tpu.vector_load %arg9[%swap3A_287, %swap3A_288] {strides = array<i32>} : memref<120x128xf32, #tpu.memory_space<vmem>>, vector<16xf32>,
        tpu.vector_store %arg9[%swap3A_287, %swap3A_288], %bitcast3A_286 {strides = array<i32>} : memref<120x128xf32, #tpu.memory_space<vmem>>, vector<16xf32>,
        %get3A_290 = arith.index_cast %scan3A_214 : i32 to index
        %get3A_291 = arith.constant 96 : index
        %get3A_292 = tpu.vector_load %arg9[%get3A_290, %get3A_291] {strides = array<i32>} : memref<120x128xf32, #tpu.memory_space<vmem>>, vector<16xf32>,
        %bitcast3A_293 = vector.bitcast %get3A_292 : vector<16xf32> to vector<32xbf16>
        %get3A_294 = arith.index_cast %scan3A_214 : i32 to index
        %get3A_295 = arith.constant 96 : index
        %get3A_296 = tpu.vector_load %arg10[%get3A_294, %get3A_295] {strides = array<i32>} : memref<120x128xf32, #tpu.memory_space<vmem>>, vector<16xf32>,
        %bitcast3A_297 = vector.bitcast %get3A_296 : vector<16xf32> to vector<32xbf16>
        %add3A_298 = arith.addf %bitcast3A_293, %bitcast3A_297 : vector<32xbf16>
        %bitcast3A_299 = vector.bitcast %add3A_298 : vector<32xbf16> to vector<16xf32>
        %swap3A_300 = arith.index_cast %scan3A_214 : i32 to index
        %swap3A_301 = arith.constant 96 : index
        %swap3A_302 = tpu.vector_load %arg9[%swap3A_300, %swap3A_301] {strides = array<i32>} : memref<120x128xf32, #tpu.memory_space<vmem>>, vector<16xf32>,
        tpu.vector_store %arg9[%swap3A_300, %swap3A_301], %bitcast3A_299 {strides = array<i32>} : memref<120x128xf32, #tpu.memory_space<vmem>>, vector<16xf32>,
        %get3A_303 = arith.index_cast %scan3A_214 : i32 to index
        %get3A_304 = arith.constant 112 : index
        %get3A_305 = tpu.vector_load %arg9[%get3A_303, %get3A_304] {strides = array<i32>} : memref<120x128xf32, #tpu.memory_space<vmem>>, vector<16xf32>,
        %bitcast3A_306 = vector.bitcast %get3A_305 : vector<16xf32> to vector<32xbf16>
        %get3A_307 = arith.index_cast %scan3A_214 : i32 to index
        %get3A_308 = arith.constant 112 : index
        %get3A_309 = tpu.vector_load %arg10[%get3A_307, %get3A_308] {strides = array<i32>} : memref<120x128xf32, #tpu.memory_space<vmem>>, vector<16xf32>,
        %bitcast3A_310 = vector.bitcast %get3A_309 : vector<16xf32> to vector<32xbf16>
        %add3A_311 = arith.addf %bitcast3A_306, %bitcast3A_310 : vector<32xbf16>
        %bitcast3A_312 = vector.bitcast %add3A_311 : vector<32xbf16> to vector<16xf32>
        %swap3A_313 = arith.index_cast %scan3A_214 : i32 to index
        %swap3A_314 = arith.constant 112 : index
        %swap3A_315 = tpu.vector_load %arg9[%swap3A_313, %swap3A_314] {strides = array<i32>} : memref<120x128xf32, #tpu.memory_space<vmem>>, vector<16xf32>,
        tpu.vector_store %arg9[%swap3A_313, %swap3A_314], %bitcast3A_312 {strides = array<i32>} : memref<120x128xf32, #tpu.memory_space<vmem>>, vector<16xf32>,
      }
      %scan3A_118 = arith.constant 120 : i32
      %mul3A_119 = arith.constant 120 : i32
      %mul3A_120 = arith.muli %mul3A_88, %mul3A_119 : i32
      %add3A_121 = arith.addi %mul3A_2, %mul3A_120 : i32
      %dma_start3A_122 = arith.constant 0 : i32
      %dma_start3A_123 = tpu.memref_slice %arg6[%add3A_121, %dma_start3A_122] : memref<192000x128xf32, #tpu.memory_space<hbm>> -> memref<120x128xf32, #tpu.memory_space<hbm>>
      %dma_start3A_124 = arith.constant 0 : i32
      %dma_start3A_125 = tpu.memref_slice %arg6[%add3A_121, %dma_start3A_124] : memref<192000x128xf32, #tpu.memory_space<hbm>> -> memref<120x128xf32, #tpu.memory_space<hbm>>
      tpu.enqueue_dma source(%arg9 : memref<120x128xf32, #tpu.memory_space<vmem>>) target(%dma_start3A_125 : memref<120x128xf32, #tpu.memory_space<hbm>>) target_semaphore(%arg21 : memref<!tpu.dma_semaphore, #tpu.memory_space<semaphore_mem>>)
      %mul3A_126 = arith.constant 3 : i32
      %mul3A_127 = arith.muli %mul3A_126, %scan3A_86 : i32
      %add3A_128 = arith.constant 1 : i32
      %add3A_129 = arith.addi %mul3A_127, %add3A_128 : i32
      %dma_wait3A_130 = arith.constant 0 : i32
      %dma_wait3A_131 = tpu.memref_slice %arg7[%dma_wait3A_130] : memref<6000xi32, #tpu.memory_space<vmem>> -> memref<120xi32, #tpu.memory_space<vmem>>
      %dma_wait3A_132 = arith.constant 0 : i32
      %dma_wait3A_133 = arith.constant 0 : i32
      %dma_wait3A_134 = tpu.memref_slice %arg2[%dma_wait3A_132, %dma_wait3A_133] : memref<10000x128xf32, #tpu.memory_space<hbm>> -> memref<10000x128xf32, #tpu.memory_space<hbm>>
      tpu.wait_indirect_dma semaphore(%arg17 : memref<!tpu.dma_semaphore, #tpu.memory_space<semaphore_mem>>) src(%dma_wait3A_134 : memref<10000x128xf32, #tpu.memory_space<hbm>>) dst(%arg11 : memref<120x128xf32, #tpu.memory_space<vmem>>)
      %dma_wait3A_135 = arith.constant 0 : i32
      %dma_wait3A_136 = tpu.memref_slice %arg8[%dma_wait3A_135] : memref<6000xi32, #tpu.memory_space<vmem>> -> memref<120xi32, #tpu.memory_space<vmem>>
      %dma_wait3A_137 = arith.constant 0 : i32
      %dma_wait3A_138 = arith.constant 0 : i32
      %dma_wait3A_139 = tpu.memref_slice %arg3[%dma_wait3A_137, %dma_wait3A_138] : memref<10000x128xf32, #tpu.memory_space<hbm>> -> memref<10000x128xf32, #tpu.memory_space<hbm>>
      tpu.wait_indirect_dma semaphore(%arg18 : memref<!tpu.dma_semaphore, #tpu.memory_space<semaphore_mem>>) src(%dma_wait3A_139 : memref<10000x128xf32, #tpu.memory_space<hbm>>) dst(%arg12 : memref<120x128xf32, #tpu.memory_space<vmem>>)
      %ge3A_140 = arith.constant 2 : i32
      %ge3A_141 = arith.cmpi sge, %add3A_129, %ge3A_140 : i32
      %convert_element_type3A_142 = arith.extui %ge3A_141 : i1 to i32
      %cond3A_143 = arith.constant 0 : i32
      %cond3A_144 = arith.cmpi ne, %convert_element_type3A_142, %cond3A_143 : i32
      scf.if %cond3A_144 {
        %dma_wait3A_214 = arith.constant 0 : i32
        %dma_wait3A_215 = tpu.memref_slice %arg6[%mul3A_2, %dma_wait3A_214] : memref<192000x128xf32, #tpu.memory_space<hbm>> -> memref<120x128xf32, #tpu.memory_space<hbm>>
        %dma_wait3A_216 = arith.constant 0 : i32
        %dma_wait3A_217 = tpu.memref_slice %arg6[%mul3A_2, %dma_wait3A_216] : memref<192000x128xf32, #tpu.memory_space<hbm>> -> memref<120x128xf32, #tpu.memory_space<hbm>>
        tpu.wait_dma2 semaphore(%arg23 : memref<!tpu.dma_semaphore, #tpu.memory_space<semaphore_mem>>) src(%arg13 : memref<120x128xf32, #tpu.memory_space<vmem>>) dst(%dma_wait3A_217 : memref<120x128xf32, #tpu.memory_space<hbm>>)
      } else {
      }
      %add3A_145 = arith.constant 1 : i32
      %add3A_146 = arith.addi %add3A_129, %add3A_145 : i32
      %mul3A_147 = arith.constant 120 : i32
      %mul3A_148 = arith.muli %add3A_146, %mul3A_147 : i32
      %dma_start3A_149 = tpu.memref_slice %arg7[%mul3A_148] : memref<6000xi32, #tpu.memory_space<vmem>> -> memref<120xi32, #tpu.memory_space<vmem>>
      %dma_start3A_150 = arith.constant 0 : i32
      %dma_start3A_151 = arith.constant 0 : i32
      %dma_start3A_152 = tpu.memref_slice %arg2[%dma_start3A_150, %dma_start3A_151] : memref<10000x128xf32, #tpu.memory_space<hbm>> -> memref<10000x128xf32, #tpu.memory_space<hbm>>
      tpu.enqueue_indirect_dma source(%dma_start3A_152 : memref<10000x128xf32, #tpu.memory_space<hbm>>) target(%arg13 : memref<120x128xf32, #tpu.memory_space<vmem>>) offsets(%dma_start3A_149 : memref<120xi32, #tpu.memory_space<vmem>>) semaphore(%arg19 : memref<!tpu.dma_semaphore, #tpu.memory_space<semaphore_mem>>)
      %dma_start3A_153 = tpu.memref_slice %arg8[%mul3A_148] : memref<6000xi32, #tpu.memory_space<vmem>> -> memref<120xi32, #tpu.memory_space<vmem>>
      %dma_start3A_154 = arith.constant 0 : i32
      %dma_start3A_155 = arith.constant 0 : i32
      %dma_start3A_156 = tpu.memref_slice %arg3[%dma_start3A_154, %dma_start3A_155] : memref<10000x128xf32, #tpu.memory_space<hbm>> -> memref<10000x128xf32, #tpu.memory_space<hbm>>
      tpu.enqueue_indirect_dma source(%dma_start3A_156 : memref<10000x128xf32, #tpu.memory_space<hbm>>) target(%arg14 : memref<120x128xf32, #tpu.memory_space<vmem>>) offsets(%dma_start3A_153 : memref<120xi32, #tpu.memory_space<vmem>>) semaphore(%arg20 : memref<!tpu.dma_semaphore, #tpu.memory_space<semaphore_mem>>)
      %scan3A_157 = arith.constant 0 : i32
      %scan3A_158 = arith.constant 0 : i32
      %scan3A_159 = arith.constant 120 : i32
      %scan3A_160 = arith.addi %scan3A_158, %scan3A_159 : i32
      %scan3A_161 = arith.constant 1 : i32
      scf.for %scan3A_214 = %scan3A_158 to %scan3A_160 step %scan3A_161  : i32 {
        %get3A = arith.index_cast %scan3A_214 : i32 to index
        %get3A_215 = arith.constant 0 : index
        %get3A_216 = tpu.vector_load %arg11[%get3A, %get3A_215] {strides = array<i32>} : memref<120x128xf32, #tpu.memory_space<vmem>>, vector<16xf32>,
        %bitcast3A = vector.bitcast %get3A_216 : vector<16xf32> to vector<32xbf16>
        %get3A_217 = arith.index_cast %scan3A_214 : i32 to index
        %get3A_218 = arith.constant 0 : index
        %get3A_219 = tpu.vector_load %arg12[%get3A_217, %get3A_218] {strides = array<i32>} : memref<120x128xf32, #tpu.memory_space<vmem>>, vector<16xf32>,
        %bitcast3A_220 = vector.bitcast %get3A_219 : vector<16xf32> to vector<32xbf16>
        %add3A_221 = arith.addf %bitcast3A, %bitcast3A_220 : vector<32xbf16>
        %bitcast3A_222 = vector.bitcast %add3A_221 : vector<32xbf16> to vector<16xf32>
        %swap3A = arith.index_cast %scan3A_214 : i32 to index
        %swap3A_223 = arith.constant 0 : index
        %swap3A_224 = tpu.vector_load %arg11[%swap3A, %swap3A_223] {strides = array<i32>} : memref<120x128xf32, #tpu.memory_space<vmem>>, vector<16xf32>,
        tpu.vector_store %arg11[%swap3A, %swap3A_223], %bitcast3A_222 {strides = array<i32>} : memref<120x128xf32, #tpu.memory_space<vmem>>, vector<16xf32>,
        %get3A_225 = arith.index_cast %scan3A_214 : i32 to index
        %get3A_226 = arith.constant 16 : index
        %get3A_227 = tpu.vector_load %arg11[%get3A_225, %get3A_226] {strides = array<i32>} : memref<120x128xf32, #tpu.memory_space<vmem>>, vector<16xf32>,
        %bitcast3A_228 = vector.bitcast %get3A_227 : vector<16xf32> to vector<32xbf16>
        %get3A_229 = arith.index_cast %scan3A_214 : i32 to index
        %get3A_230 = arith.constant 16 : index
        %get3A_231 = tpu.vector_load %arg12[%get3A_229, %get3A_230] {strides = array<i32>} : memref<120x128xf32, #tpu.memory_space<vmem>>, vector<16xf32>,
        %bitcast3A_232 = vector.bitcast %get3A_231 : vector<16xf32> to vector<32xbf16>
        %add3A_233 = arith.addf %bitcast3A_228, %bitcast3A_232 : vector<32xbf16>
        %bitcast3A_234 = vector.bitcast %add3A_233 : vector<32xbf16> to vector<16xf32>
        %swap3A_235 = arith.index_cast %scan3A_214 : i32 to index
        %swap3A_236 = arith.constant 16 : index
        %swap3A_237 = tpu.vector_load %arg11[%swap3A_235, %swap3A_236] {strides = array<i32>} : memref<120x128xf32, #tpu.memory_space<vmem>>, vector<16xf32>,
        tpu.vector_store %arg11[%swap3A_235, %swap3A_236], %bitcast3A_234 {strides = array<i32>} : memref<120x128xf32, #tpu.memory_space<vmem>>, vector<16xf32>,
        %get3A_238 = arith.index_cast %scan3A_214 : i32 to index
        %get3A_239 = arith.constant 32 : index
        %get3A_240 = tpu.vector_load %arg11[%get3A_238, %get3A_239] {strides = array<i32>} : memref<120x128xf32, #tpu.memory_space<vmem>>, vector<16xf32>,
        %bitcast3A_241 = vector.bitcast %get3A_240 : vector<16xf32> to vector<32xbf16>
        %get3A_242 = arith.index_cast %scan3A_214 : i32 to index
        %get3A_243 = arith.constant 32 : index
        %get3A_244 = tpu.vector_load %arg12[%get3A_242, %get3A_243] {strides = array<i32>} : memref<120x128xf32, #tpu.memory_space<vmem>>, vector<16xf32>,
        %bitcast3A_245 = vector.bitcast %get3A_244 : vector<16xf32> to vector<32xbf16>
        %add3A_246 = arith.addf %bitcast3A_241, %bitcast3A_245 : vector<32xbf16>
        %bitcast3A_247 = vector.bitcast %add3A_246 : vector<32xbf16> to vector<16xf32>
        %swap3A_248 = arith.index_cast %scan3A_214 : i32 to index
        %swap3A_249 = arith.constant 32 : index
        %swap3A_250 = tpu.vector_load %arg11[%swap3A_248, %swap3A_249] {strides = array<i32>} : memref<120x128xf32, #tpu.memory_space<vmem>>, vector<16xf32>,
        tpu.vector_store %arg11[%swap3A_248, %swap3A_249], %bitcast3A_247 {strides = array<i32>} : memref<120x128xf32, #tpu.memory_space<vmem>>, vector<16xf32>,
        %get3A_251 = arith.index_cast %scan3A_214 : i32 to index
        %get3A_252 = arith.constant 48 : index
        %get3A_253 = tpu.vector_load %arg11[%get3A_251, %get3A_252] {strides = array<i32>} : memref<120x128xf32, #tpu.memory_space<vmem>>, vector<16xf32>,
        %bitcast3A_254 = vector.bitcast %get3A_253 : vector<16xf32> to vector<32xbf16>
        %get3A_255 = arith.index_cast %scan3A_214 : i32 to index
        %get3A_256 = arith.constant 48 : index
        %get3A_257 = tpu.vector_load %arg12[%get3A_255, %get3A_256] {strides = array<i32>} : memref<120x128xf32, #tpu.memory_space<vmem>>, vector<16xf32>,
        %bitcast3A_258 = vector.bitcast %get3A_257 : vector<16xf32> to vector<32xbf16>
        %add3A_259 = arith.addf %bitcast3A_254, %bitcast3A_258 : vector<32xbf16>
        %bitcast3A_260 = vector.bitcast %add3A_259 : vector<32xbf16> to vector<16xf32>
        %swap3A_261 = arith.index_cast %scan3A_214 : i32 to index
        %swap3A_262 = arith.constant 48 : index
        %swap3A_263 = tpu.vector_load %arg11[%swap3A_261, %swap3A_262] {strides = array<i32>} : memref<120x128xf32, #tpu.memory_space<vmem>>, vector<16xf32>,
        tpu.vector_store %arg11[%swap3A_261, %swap3A_262], %bitcast3A_260 {strides = array<i32>} : memref<120x128xf32, #tpu.memory_space<vmem>>, vector<16xf32>,
        %get3A_264 = arith.index_cast %scan3A_214 : i32 to index
        %get3A_265 = arith.constant 64 : index
        %get3A_266 = tpu.vector_load %arg11[%get3A_264, %get3A_265] {strides = array<i32>} : memref<120x128xf32, #tpu.memory_space<vmem>>, vector<16xf32>,
        %bitcast3A_267 = vector.bitcast %get3A_266 : vector<16xf32> to vector<32xbf16>
        %get3A_268 = arith.index_cast %scan3A_214 : i32 to index
        %get3A_269 = arith.constant 64 : index
        %get3A_270 = tpu.vector_load %arg12[%get3A_268, %get3A_269] {strides = array<i32>} : memref<120x128xf32, #tpu.memory_space<vmem>>, vector<16xf32>,
        %bitcast3A_271 = vector.bitcast %get3A_270 : vector<16xf32> to vector<32xbf16>
        %add3A_272 = arith.addf %bitcast3A_267, %bitcast3A_271 : vector<32xbf16>
        %bitcast3A_273 = vector.bitcast %add3A_272 : vector<32xbf16> to vector<16xf32>
        %swap3A_274 = arith.index_cast %scan3A_214 : i32 to index
        %swap3A_275 = arith.constant 64 : index
        %swap3A_276 = tpu.vector_load %arg11[%swap3A_274, %swap3A_275] {strides = array<i32>} : memref<120x128xf32, #tpu.memory_space<vmem>>, vector<16xf32>,
        tpu.vector_store %arg11[%swap3A_274, %swap3A_275], %bitcast3A_273 {strides = array<i32>} : memref<120x128xf32, #tpu.memory_space<vmem>>, vector<16xf32>,
        %get3A_277 = arith.index_cast %scan3A_214 : i32 to index
        %get3A_278 = arith.constant 80 : index
        %get3A_279 = tpu.vector_load %arg11[%get3A_277, %get3A_278] {strides = array<i32>} : memref<120x128xf32, #tpu.memory_space<vmem>>, vector<16xf32>,
        %bitcast3A_280 = vector.bitcast %get3A_279 : vector<16xf32> to vector<32xbf16>
        %get3A_281 = arith.index_cast %scan3A_214 : i32 to index
        %get3A_282 = arith.constant 80 : index
        %get3A_283 = tpu.vector_load %arg12[%get3A_281, %get3A_282] {strides = array<i32>} : memref<120x128xf32, #tpu.memory_space<vmem>>, vector<16xf32>,
        %bitcast3A_284 = vector.bitcast %get3A_283 : vector<16xf32> to vector<32xbf16>
        %add3A_285 = arith.addf %bitcast3A_280, %bitcast3A_284 : vector<32xbf16>
        %bitcast3A_286 = vector.bitcast %add3A_285 : vector<32xbf16> to vector<16xf32>
        %swap3A_287 = arith.index_cast %scan3A_214 : i32 to index
        %swap3A_288 = arith.constant 80 : index
        %swap3A_289 = tpu.vector_load %arg11[%swap3A_287, %swap3A_288] {strides = array<i32>} : memref<120x128xf32, #tpu.memory_space<vmem>>, vector<16xf32>,
        tpu.vector_store %arg11[%swap3A_287, %swap3A_288], %bitcast3A_286 {strides = array<i32>} : memref<120x128xf32, #tpu.memory_space<vmem>>, vector<16xf32>,
        %get3A_290 = arith.index_cast %scan3A_214 : i32 to index
        %get3A_291 = arith.constant 96 : index
        %get3A_292 = tpu.vector_load %arg11[%get3A_290, %get3A_291] {strides = array<i32>} : memref<120x128xf32, #tpu.memory_space<vmem>>, vector<16xf32>,
        %bitcast3A_293 = vector.bitcast %get3A_292 : vector<16xf32> to vector<32xbf16>
        %get3A_294 = arith.index_cast %scan3A_214 : i32 to index
        %get3A_295 = arith.constant 96 : index
        %get3A_296 = tpu.vector_load %arg12[%get3A_294, %get3A_295] {strides = array<i32>} : memref<120x128xf32, #tpu.memory_space<vmem>>, vector<16xf32>,
        %bitcast3A_297 = vector.bitcast %get3A_296 : vector<16xf32> to vector<32xbf16>
        %add3A_298 = arith.addf %bitcast3A_293, %bitcast3A_297 : vector<32xbf16>
        %bitcast3A_299 = vector.bitcast %add3A_298 : vector<32xbf16> to vector<16xf32>
        %swap3A_300 = arith.index_cast %scan3A_214 : i32 to index
        %swap3A_301 = arith.constant 96 : index
        %swap3A_302 = tpu.vector_load %arg11[%swap3A_300, %swap3A_301] {strides = array<i32>} : memref<120x128xf32, #tpu.memory_space<vmem>>, vector<16xf32>,
        tpu.vector_store %arg11[%swap3A_300, %swap3A_301], %bitcast3A_299 {strides = array<i32>} : memref<120x128xf32, #tpu.memory_space<vmem>>, vector<16xf32>,
        %get3A_303 = arith.index_cast %scan3A_214 : i32 to index
        %get3A_304 = arith.constant 112 : index
        %get3A_305 = tpu.vector_load %arg11[%get3A_303, %get3A_304] {strides = array<i32>} : memref<120x128xf32, #tpu.memory_space<vmem>>, vector<16xf32>,
        %bitcast3A_306 = vector.bitcast %get3A_305 : vector<16xf32> to vector<32xbf16>
        %get3A_307 = arith.index_cast %scan3A_214 : i32 to index
        %get3A_308 = arith.constant 112 : index
        %get3A_309 = tpu.vector_load %arg12[%get3A_307, %get3A_308] {strides = array<i32>} : memref<120x128xf32, #tpu.memory_space<vmem>>, vector<16xf32>,
        %bitcast3A_310 = vector.bitcast %get3A_309 : vector<16xf32> to vector<32xbf16>
        %add3A_311 = arith.addf %bitcast3A_306, %bitcast3A_310 : vector<32xbf16>
        %bitcast3A_312 = vector.bitcast %add3A_311 : vector<32xbf16> to vector<16xf32>
        %swap3A_313 = arith.index_cast %scan3A_214 : i32 to index
        %swap3A_314 = arith.constant 112 : index
        %swap3A_315 = tpu.vector_load %arg11[%swap3A_313, %swap3A_314] {strides = array<i32>} : memref<120x128xf32, #tpu.memory_space<vmem>>, vector<16xf32>,
        tpu.vector_store %arg11[%swap3A_313, %swap3A_314], %bitcast3A_312 {strides = array<i32>} : memref<120x128xf32, #tpu.memory_space<vmem>>, vector<16xf32>,
      }
      %scan3A_162 = arith.constant 120 : i32
      %mul3A_163 = arith.constant 120 : i32
      %mul3A_164 = arith.muli %add3A_129, %mul3A_163 : i32
      %add3A_165 = arith.addi %mul3A_2, %mul3A_164 : i32
      %dma_start3A_166 = arith.constant 0 : i32
      %dma_start3A_167 = tpu.memref_slice %arg6[%add3A_165, %dma_start3A_166] : memref<192000x128xf32, #tpu.memory_space<hbm>> -> memref<120x128xf32, #tpu.memory_space<hbm>>
      %dma_start3A_168 = arith.constant 0 : i32
      %dma_start3A_169 = tpu.memref_slice %arg6[%add3A_165, %dma_start3A_168] : memref<192000x128xf32, #tpu.memory_space<hbm>> -> memref<120x128xf32, #tpu.memory_space<hbm>>
      tpu.enqueue_dma source(%arg11 : memref<120x128xf32, #tpu.memory_space<vmem>>) target(%dma_start3A_169 : memref<120x128xf32, #tpu.memory_space<hbm>>) target_semaphore(%arg22 : memref<!tpu.dma_semaphore, #tpu.memory_space<semaphore_mem>>)
      %mul3A_170 = arith.constant 3 : i32
      %mul3A_171 = arith.muli %mul3A_170, %scan3A_86 : i32
      %add3A_172 = arith.constant 2 : i32
      %add3A_173 = arith.addi %mul3A_171, %add3A_172 : i32
      %dma_wait3A_174 = arith.constant 0 : i32
      %dma_wait3A_175 = tpu.memref_slice %arg7[%dma_wait3A_174] : memref<6000xi32, #tpu.memory_space<vmem>> -> memref<120xi32, #tpu.memory_space<vmem>>
      %dma_wait3A_176 = arith.constant 0 : i32
      %dma_wait3A_177 = arith.constant 0 : i32
      %dma_wait3A_178 = tpu.memref_slice %arg2[%dma_wait3A_176, %dma_wait3A_177] : memref<10000x128xf32, #tpu.memory_space<hbm>> -> memref<10000x128xf32, #tpu.memory_space<hbm>>
      tpu.wait_indirect_dma semaphore(%arg19 : memref<!tpu.dma_semaphore, #tpu.memory_space<semaphore_mem>>) src(%dma_wait3A_178 : memref<10000x128xf32, #tpu.memory_space<hbm>>) dst(%arg13 : memref<120x128xf32, #tpu.memory_space<vmem>>)
      %dma_wait3A_179 = arith.constant 0 : i32
      %dma_wait3A_180 = tpu.memref_slice %arg8[%dma_wait3A_179] : memref<6000xi32, #tpu.memory_space<vmem>> -> memref<120xi32, #tpu.memory_space<vmem>>
      %dma_wait3A_181 = arith.constant 0 : i32
      %dma_wait3A_182 = arith.constant 0 : i32
      %dma_wait3A_183 = tpu.memref_slice %arg3[%dma_wait3A_181, %dma_wait3A_182] : memref<10000x128xf32, #tpu.memory_space<hbm>> -> memref<10000x128xf32, #tpu.memory_space<hbm>>
      tpu.wait_indirect_dma semaphore(%arg20 : memref<!tpu.dma_semaphore, #tpu.memory_space<semaphore_mem>>) src(%dma_wait3A_183 : memref<10000x128xf32, #tpu.memory_space<hbm>>) dst(%arg14 : memref<120x128xf32, #tpu.memory_space<vmem>>)
      %ge3A_184 = arith.constant 2 : i32
      %ge3A_185 = arith.cmpi sge, %add3A_173, %ge3A_184 : i32
      %convert_element_type3A_186 = arith.extui %ge3A_185 : i1 to i32
      %cond3A_187 = arith.constant 0 : i32
      %cond3A_188 = arith.cmpi ne, %convert_element_type3A_186, %cond3A_187 : i32
      scf.if %cond3A_188 {
        %dma_wait3A_214 = arith.constant 0 : i32
        %dma_wait3A_215 = tpu.memref_slice %arg6[%mul3A_2, %dma_wait3A_214] : memref<192000x128xf32, #tpu.memory_space<hbm>> -> memref<120x128xf32, #tpu.memory_space<hbm>>
        %dma_wait3A_216 = arith.constant 0 : i32
        %dma_wait3A_217 = tpu.memref_slice %arg6[%mul3A_2, %dma_wait3A_216] : memref<192000x128xf32, #tpu.memory_space<hbm>> -> memref<120x128xf32, #tpu.memory_space<hbm>>
        tpu.wait_dma2 semaphore(%arg21 : memref<!tpu.dma_semaphore, #tpu.memory_space<semaphore_mem>>) src(%arg9 : memref<120x128xf32, #tpu.memory_space<vmem>>) dst(%dma_wait3A_217 : memref<120x128xf32, #tpu.memory_space<hbm>>)
      } else {
      }
      %add3A_189 = arith.constant 1 : i32
      %add3A_190 = arith.addi %add3A_173, %add3A_189 : i32
      %mul3A_191 = arith.constant 120 : i32
      %mul3A_192 = arith.muli %add3A_190, %mul3A_191 : i32
      %dma_start3A_193 = tpu.memref_slice %arg7[%mul3A_192] : memref<6000xi32, #tpu.memory_space<vmem>> -> memref<120xi32, #tpu.memory_space<vmem>>
      %dma_start3A_194 = arith.constant 0 : i32
      %dma_start3A_195 = arith.constant 0 : i32
      %dma_start3A_196 = tpu.memref_slice %arg2[%dma_start3A_194, %dma_start3A_195] : memref<10000x128xf32, #tpu.memory_space<hbm>> -> memref<10000x128xf32, #tpu.memory_space<hbm>>
      tpu.enqueue_indirect_dma source(%dma_start3A_196 : memref<10000x128xf32, #tpu.memory_space<hbm>>) target(%arg9 : memref<120x128xf32, #tpu.memory_space<vmem>>) offsets(%dma_start3A_193 : memref<120xi32, #tpu.memory_space<vmem>>) semaphore(%arg15 : memref<!tpu.dma_semaphore, #tpu.memory_space<semaphore_mem>>)
      %dma_start3A_197 = tpu.memref_slice %arg8[%mul3A_192] : memref<6000xi32, #tpu.memory_space<vmem>> -> memref<120xi32, #tpu.memory_space<vmem>>
      %dma_start3A_198 = arith.constant 0 : i32
      %dma_start3A_199 = arith.constant 0 : i32
      %dma_start3A_200 = tpu.memref_slice %arg3[%dma_start3A_198, %dma_start3A_199] : memref<10000x128xf32, #tpu.memory_space<hbm>> -> memref<10000x128xf32, #tpu.memory_space<hbm>>
      tpu.enqueue_indirect_dma source(%dma_start3A_200 : memref<10000x128xf32, #tpu.memory_space<hbm>>) target(%arg10 : memref<120x128xf32, #tpu.memory_space<vmem>>) offsets(%dma_start3A_197 : memref<120xi32, #tpu.memory_space<vmem>>) semaphore(%arg16 : memref<!tpu.dma_semaphore, #tpu.memory_space<semaphore_mem>>)
      %scan3A_201 = arith.constant 0 : i32
      %scan3A_202 = arith.constant 0 : i32
      %scan3A_203 = arith.constant 120 : i32
      %scan3A_204 = arith.addi %scan3A_202, %scan3A_203 : i32
      %scan3A_205 = arith.constant 1 : i32
      scf.for %scan3A_214 = %scan3A_202 to %scan3A_204 step %scan3A_205  : i32 {
        %get3A = arith.index_cast %scan3A_214 : i32 to index
        %get3A_215 = arith.constant 0 : index
        %get3A_216 = tpu.vector_load %arg13[%get3A, %get3A_215] {strides = array<i32>} : memref<120x128xf32, #tpu.memory_space<vmem>>, vector<16xf32>,
        %bitcast3A = vector.bitcast %get3A_216 : vector<16xf32> to vector<32xbf16>
        %get3A_217 = arith.index_cast %scan3A_214 : i32 to index
        %get3A_218 = arith.constant 0 : index
        %get3A_219 = tpu.vector_load %arg14[%get3A_217, %get3A_218] {strides = array<i32>} : memref<120x128xf32, #tpu.memory_space<vmem>>, vector<16xf32>,
        %bitcast3A_220 = vector.bitcast %get3A_219 : vector<16xf32> to vector<32xbf16>
        %add3A_221 = arith.addf %bitcast3A, %bitcast3A_220 : vector<32xbf16>
        %bitcast3A_222 = vector.bitcast %add3A_221 : vector<32xbf16> to vector<16xf32>
        %swap3A = arith.index_cast %scan3A_214 : i32 to index
        %swap3A_223 = arith.constant 0 : index
        %swap3A_224 = tpu.vector_load %arg13[%swap3A, %swap3A_223] {strides = array<i32>} : memref<120x128xf32, #tpu.memory_space<vmem>>, vector<16xf32>,
        tpu.vector_store %arg13[%swap3A, %swap3A_223], %bitcast3A_222 {strides = array<i32>} : memref<120x128xf32, #tpu.memory_space<vmem>>, vector<16xf32>,
        %get3A_225 = arith.index_cast %scan3A_214 : i32 to index
        %get3A_226 = arith.constant 16 : index
        %get3A_227 = tpu.vector_load %arg13[%get3A_225, %get3A_226] {strides = array<i32>} : memref<120x128xf32, #tpu.memory_space<vmem>>, vector<16xf32>,
        %bitcast3A_228 = vector.bitcast %get3A_227 : vector<16xf32> to vector<32xbf16>
        %get3A_229 = arith.index_cast %scan3A_214 : i32 to index
        %get3A_230 = arith.constant 16 : index
        %get3A_231 = tpu.vector_load %arg14[%get3A_229, %get3A_230] {strides = array<i32>} : memref<120x128xf32, #tpu.memory_space<vmem>>, vector<16xf32>,
        %bitcast3A_232 = vector.bitcast %get3A_231 : vector<16xf32> to vector<32xbf16>
        %add3A_233 = arith.addf %bitcast3A_228, %bitcast3A_232 : vector<32xbf16>
        %bitcast3A_234 = vector.bitcast %add3A_233 : vector<32xbf16> to vector<16xf32>
        %swap3A_235 = arith.index_cast %scan3A_214 : i32 to index
        %swap3A_236 = arith.constant 16 : index
        %swap3A_237 = tpu.vector_load %arg13[%swap3A_235, %swap3A_236] {strides = array<i32>} : memref<120x128xf32, #tpu.memory_space<vmem>>, vector<16xf32>,
        tpu.vector_store %arg13[%swap3A_235, %swap3A_236], %bitcast3A_234 {strides = array<i32>} : memref<120x128xf32, #tpu.memory_space<vmem>>, vector<16xf32>,
        %get3A_238 = arith.index_cast %scan3A_214 : i32 to index
        %get3A_239 = arith.constant 32 : index
        %get3A_240 = tpu.vector_load %arg13[%get3A_238, %get3A_239] {strides = array<i32>} : memref<120x128xf32, #tpu.memory_space<vmem>>, vector<16xf32>,
        %bitcast3A_241 = vector.bitcast %get3A_240 : vector<16xf32> to vector<32xbf16>
        %get3A_242 = arith.index_cast %scan3A_214 : i32 to index
        %get3A_243 = arith.constant 32 : index
        %get3A_244 = tpu.vector_load %arg14[%get3A_242, %get3A_243] {strides = array<i32>} : memref<120x128xf32, #tpu.memory_space<vmem>>, vector<16xf32>,
        %bitcast3A_245 = vector.bitcast %get3A_244 : vector<16xf32> to vector<32xbf16>
        %add3A_246 = arith.addf %bitcast3A_241, %bitcast3A_245 : vector<32xbf16>
        %bitcast3A_247 = vector.bitcast %add3A_246 : vector<32xbf16> to vector<16xf32>
        %swap3A_248 = arith.index_cast %scan3A_214 : i32 to index
        %swap3A_249 = arith.constant 32 : index
        %swap3A_250 = tpu.vector_load %arg13[%swap3A_248, %swap3A_249] {strides = array<i32>} : memref<120x128xf32, #tpu.memory_space<vmem>>, vector<16xf32>,
        tpu.vector_store %arg13[%swap3A_248, %swap3A_249], %bitcast3A_247 {strides = array<i32>} : memref<120x128xf32, #tpu.memory_space<vmem>>, vector<16xf32>,
        %get3A_251 = arith.index_cast %scan3A_214 : i32 to index
        %get3A_252 = arith.constant 48 : index
        %get3A_253 = tpu.vector_load %arg13[%get3A_251, %get3A_252] {strides = array<i32>} : memref<120x128xf32, #tpu.memory_space<vmem>>, vector<16xf32>,
        %bitcast3A_254 = vector.bitcast %get3A_253 : vector<16xf32> to vector<32xbf16>
        %get3A_255 = arith.index_cast %scan3A_214 : i32 to index
        %get3A_256 = arith.constant 48 : index
        %get3A_257 = tpu.vector_load %arg14[%get3A_255, %get3A_256] {strides = array<i32>} : memref<120x128xf32, #tpu.memory_space<vmem>>, vector<16xf32>,
        %bitcast3A_258 = vector.bitcast %get3A_257 : vector<16xf32> to vector<32xbf16>
        %add3A_259 = arith.addf %bitcast3A_254, %bitcast3A_258 : vector<32xbf16>
        %bitcast3A_260 = vector.bitcast %add3A_259 : vector<32xbf16> to vector<16xf32>
        %swap3A_261 = arith.index_cast %scan3A_214 : i32 to index
        %swap3A_262 = arith.constant 48 : index
        %swap3A_263 = tpu.vector_load %arg13[%swap3A_261, %swap3A_262] {strides = array<i32>} : memref<120x128xf32, #tpu.memory_space<vmem>>, vector<16xf32>,
        tpu.vector_store %arg13[%swap3A_261, %swap3A_262], %bitcast3A_260 {strides = array<i32>} : memref<120x128xf32, #tpu.memory_space<vmem>>, vector<16xf32>,
        %get3A_264 = arith.index_cast %scan3A_214 : i32 to index
        %get3A_265 = arith.constant 64 : index
        %get3A_266 = tpu.vector_load %arg13[%get3A_264, %get3A_265] {strides = array<i32>} : memref<120x128xf32, #tpu.memory_space<vmem>>, vector<16xf32>,
        %bitcast3A_267 = vector.bitcast %get3A_266 : vector<16xf32> to vector<32xbf16>
        %get3A_268 = arith.index_cast %scan3A_214 : i32 to index
        %get3A_269 = arith.constant 64 : index
        %get3A_270 = tpu.vector_load %arg14[%get3A_268, %get3A_269] {strides = array<i32>} : memref<120x128xf32, #tpu.memory_space<vmem>>, vector<16xf32>,
        %bitcast3A_271 = vector.bitcast %get3A_270 : vector<16xf32> to vector<32xbf16>
        %add3A_272 = arith.addf %bitcast3A_267, %bitcast3A_271 : vector<32xbf16>
        %bitcast3A_273 = vector.bitcast %add3A_272 : vector<32xbf16> to vector<16xf32>
        %swap3A_274 = arith.index_cast %scan3A_214 : i32 to index
        %swap3A_275 = arith.constant 64 : index
        %swap3A_276 = tpu.vector_load %arg13[%swap3A_274, %swap3A_275] {strides = array<i32>} : memref<120x128xf32, #tpu.memory_space<vmem>>, vector<16xf32>,
        tpu.vector_store %arg13[%swap3A_274, %swap3A_275], %bitcast3A_273 {strides = array<i32>} : memref<120x128xf32, #tpu.memory_space<vmem>>, vector<16xf32>,
        %get3A_277 = arith.index_cast %scan3A_214 : i32 to index
        %get3A_278 = arith.constant 80 : index
        %get3A_279 = tpu.vector_load %arg13[%get3A_277, %get3A_278] {strides = array<i32>} : memref<120x128xf32, #tpu.memory_space<vmem>>, vector<16xf32>,
        %bitcast3A_280 = vector.bitcast %get3A_279 : vector<16xf32> to vector<32xbf16>
        %get3A_281 = arith.index_cast %scan3A_214 : i32 to index
        %get3A_282 = arith.constant 80 : index
        %get3A_283 = tpu.vector_load %arg14[%get3A_281, %get3A_282] {strides = array<i32>} : memref<120x128xf32, #tpu.memory_space<vmem>>, vector<16xf32>,
        %bitcast3A_284 = vector.bitcast %get3A_283 : vector<16xf32> to vector<32xbf16>
        %add3A_285 = arith.addf %bitcast3A_280, %bitcast3A_284 : vector<32xbf16>
        %bitcast3A_286 = vector.bitcast %add3A_285 : vector<32xbf16> to vector<16xf32>
        %swap3A_287 = arith.index_cast %scan3A_214 : i32 to index
        %swap3A_288 = arith.constant 80 : index
        %swap3A_289 = tpu.vector_load %arg13[%swap3A_287, %swap3A_288] {strides = array<i32>} : memref<120x128xf32, #tpu.memory_space<vmem>>, vector<16xf32>,
        tpu.vector_store %arg13[%swap3A_287, %swap3A_288], %bitcast3A_286 {strides = array<i32>} : memref<120x128xf32, #tpu.memory_space<vmem>>, vector<16xf32>,
        %get3A_290 = arith.index_cast %scan3A_214 : i32 to index
        %get3A_291 = arith.constant 96 : index
        %get3A_292 = tpu.vector_load %arg13[%get3A_290, %get3A_291] {strides = array<i32>} : memref<120x128xf32, #tpu.memory_space<vmem>>, vector<16xf32>,
        %bitcast3A_293 = vector.bitcast %get3A_292 : vector<16xf32> to vector<32xbf16>
        %get3A_294 = arith.index_cast %scan3A_214 : i32 to index
        %get3A_295 = arith.constant 96 : index
        %get3A_296 = tpu.vector_load %arg14[%get3A_294, %get3A_295] {strides = array<i32>} : memref<120x128xf32, #tpu.memory_space<vmem>>, vector<16xf32>,
        %bitcast3A_297 = vector.bitcast %get3A_296 : vector<16xf32> to vector<32xbf16>
        %add3A_298 = arith.addf %bitcast3A_293, %bitcast3A_297 : vector<32xbf16>
        %bitcast3A_299 = vector.bitcast %add3A_298 : vector<32xbf16> to vector<16xf32>
        %swap3A_300 = arith.index_cast %scan3A_214 : i32 to index
        %swap3A_301 = arith.constant 96 : index
        %swap3A_302 = tpu.vector_load %arg13[%swap3A_300, %swap3A_301] {strides = array<i32>} : memref<120x128xf32, #tpu.memory_space<vmem>>, vector<16xf32>,
        tpu.vector_store %arg13[%swap3A_300, %swap3A_301], %bitcast3A_299 {strides = array<i32>} : memref<120x128xf32, #tpu.memory_space<vmem>>, vector<16xf32>,
        %get3A_303 = arith.index_cast %scan3A_214 : i32 to index
        %get3A_304 = arith.constant 112 : index
        %get3A_305 = tpu.vector_load %arg13[%get3A_303, %get3A_304] {strides = array<i32>} : memref<120x128xf32, #tpu.memory_space<vmem>>, vector<16xf32>,
        %bitcast3A_306 = vector.bitcast %get3A_305 : vector<16xf32> to vector<32xbf16>
        %get3A_307 = arith.index_cast %scan3A_214 : i32 to index
        %get3A_308 = arith.constant 112 : index
        %get3A_309 = tpu.vector_load %arg14[%get3A_307, %get3A_308] {strides = array<i32>} : memref<120x128xf32, #tpu.memory_space<vmem>>, vector<16xf32>,
        %bitcast3A_310 = vector.bitcast %get3A_309 : vector<16xf32> to vector<32xbf16>
        %add3A_311 = arith.addf %bitcast3A_306, %bitcast3A_310 : vector<32xbf16>
        %bitcast3A_312 = vector.bitcast %add3A_311 : vector<32xbf16> to vector<16xf32>
        %swap3A_313 = arith.index_cast %scan3A_214 : i32 to index
        %swap3A_314 = arith.constant 112 : index
        %swap3A_315 = tpu.vector_load %arg13[%swap3A_313, %swap3A_314] {strides = array<i32>} : memref<120x128xf32, #tpu.memory_space<vmem>>, vector<16xf32>,
        tpu.vector_store %arg13[%swap3A_313, %swap3A_314], %bitcast3A_312 {strides = array<i32>} : memref<120x128xf32, #tpu.memory_space<vmem>>, vector<16xf32>,
      }
      %scan3A_206 = arith.constant 120 : i32
      %mul3A_207 = arith.constant 120 : i32
      %mul3A_208 = arith.muli %add3A_173, %mul3A_207 : i32
      %add3A_209 = arith.addi %mul3A_2, %mul3A_208 : i32
      %dma_start3A_210 = arith.constant 0 : i32
      %dma_start3A_211 = tpu.memref_slice %arg6[%add3A_209, %dma_start3A_210] : memref<192000x128xf32, #tpu.memory_space<hbm>> -> memref<120x128xf32, #tpu.memory_space<hbm>>
      %dma_start3A_212 = arith.constant 0 : i32
      %dma_start3A_213 = tpu.memref_slice %arg6[%add3A_209, %dma_start3A_212] : memref<192000x128xf32, #tpu.memory_space<hbm>> -> memref<120x128xf32, #tpu.memory_space<hbm>>
      tpu.enqueue_dma source(%arg13 : memref<120x128xf32, #tpu.memory_space<vmem>>) target(%dma_start3A_213 : memref<120x128xf32, #tpu.memory_space<hbm>>) target_semaphore(%arg23 : memref<!tpu.dma_semaphore, #tpu.memory_space<semaphore_mem>>)
    }
    %scan3A_16 = arith.constant 16 : i32
    %dma_wait3A = arith.constant 0 : i32
    %dma_wait3A_17 = tpu.memref_slice %arg7[%dma_wait3A] : memref<6000xi32, #tpu.memory_space<vmem>> -> memref<120xi32, #tpu.memory_space<vmem>>
    %dma_wait3A_18 = arith.constant 0 : i32
    %dma_wait3A_19 = arith.constant 0 : i32
    %dma_wait3A_20 = tpu.memref_slice %arg2[%dma_wait3A_18, %dma_wait3A_19] : memref<10000x128xf32, #tpu.memory_space<hbm>> -> memref<10000x128xf32, #tpu.memory_space<hbm>>
    tpu.wait_indirect_dma semaphore(%arg15 : memref<!tpu.dma_semaphore, #tpu.memory_space<semaphore_mem>>) src(%dma_wait3A_20 : memref<10000x128xf32, #tpu.memory_space<hbm>>) dst(%arg9 : memref<120x128xf32, #tpu.memory_space<vmem>>)
    %dma_wait3A_21 = arith.constant 0 : i32
    %dma_wait3A_22 = tpu.memref_slice %arg8[%dma_wait3A_21] : memref<6000xi32, #tpu.memory_space<vmem>> -> memref<120xi32, #tpu.memory_space<vmem>>
    %dma_wait3A_23 = arith.constant 0 : i32
    %dma_wait3A_24 = arith.constant 0 : i32
    %dma_wait3A_25 = tpu.memref_slice %arg3[%dma_wait3A_23, %dma_wait3A_24] : memref<10000x128xf32, #tpu.memory_space<hbm>> -> memref<10000x128xf32, #tpu.memory_space<hbm>>
    tpu.wait_indirect_dma semaphore(%arg16 : memref<!tpu.dma_semaphore, #tpu.memory_space<semaphore_mem>>) src(%dma_wait3A_25 : memref<10000x128xf32, #tpu.memory_space<hbm>>) dst(%arg10 : memref<120x128xf32, #tpu.memory_space<vmem>>)
    %dma_wait3A_26 = arith.constant 0 : i32
    %dma_wait3A_27 = tpu.memref_slice %arg6[%mul3A_2, %dma_wait3A_26] : memref<192000x128xf32, #tpu.memory_space<hbm>> -> memref<120x128xf32, #tpu.memory_space<hbm>>
    %dma_wait3A_28 = arith.constant 0 : i32
    %dma_wait3A_29 = tpu.memref_slice %arg6[%mul3A_2, %dma_wait3A_28] : memref<192000x128xf32, #tpu.memory_space<hbm>> -> memref<120x128xf32, #tpu.memory_space<hbm>>
    tpu.wait_dma2 semaphore(%arg22 : memref<!tpu.dma_semaphore, #tpu.memory_space<semaphore_mem>>) src(%arg11 : memref<120x128xf32, #tpu.memory_space<vmem>>) dst(%dma_wait3A_29 : memref<120x128xf32, #tpu.memory_space<hbm>>)
    %dma_start3A_30 = arith.constant 5880 : i32
    %dma_start3A_31 = tpu.memref_slice %arg7[%dma_start3A_30] : memref<6000xi32, #tpu.memory_space<vmem>> -> memref<120xi32, #tpu.memory_space<vmem>>
    %dma_start3A_32 = arith.constant 0 : i32
    %dma_start3A_33 = arith.constant 0 : i32
    %dma_start3A_34 = tpu.memref_slice %arg2[%dma_start3A_32, %dma_start3A_33] : memref<10000x128xf32, #tpu.memory_space<hbm>> -> memref<10000x128xf32, #tpu.memory_space<hbm>>
    tpu.enqueue_indirect_dma source(%dma_start3A_34 : memref<10000x128xf32, #tpu.memory_space<hbm>>) target(%arg11 : memref<120x128xf32, #tpu.memory_space<vmem>>) offsets(%dma_start3A_31 : memref<120xi32, #tpu.memory_space<vmem>>) semaphore(%arg17 : memref<!tpu.dma_semaphore, #tpu.memory_space<semaphore_mem>>)
    %dma_start3A_35 = arith.constant 5880 : i32
    %dma_start3A_36 = tpu.memref_slice %arg8[%dma_start3A_35] : memref<6000xi32, #tpu.memory_space<vmem>> -> memref<120xi32, #tpu.memory_space<vmem>>
    %dma_start3A_37 = arith.constant 0 : i32
    %dma_start3A_38 = arith.constant 0 : i32
    %dma_start3A_39 = tpu.memref_slice %arg3[%dma_start3A_37, %dma_start3A_38] : memref<10000x128xf32, #tpu.memory_space<hbm>> -> memref<10000x128xf32, #tpu.memory_space<hbm>>
    tpu.enqueue_indirect_dma source(%dma_start3A_39 : memref<10000x128xf32, #tpu.memory_space<hbm>>) target(%arg12 : memref<120x128xf32, #tpu.memory_space<vmem>>) offsets(%dma_start3A_36 : memref<120xi32, #tpu.memory_space<vmem>>) semaphore(%arg18 : memref<!tpu.dma_semaphore, #tpu.memory_space<semaphore_mem>>)
    %scan3A_40 = arith.constant 0 : i32
    %scan3A_41 = arith.constant 0 : i32
    %scan3A_42 = arith.constant 120 : i32
    %scan3A_43 = arith.addi %scan3A_41, %scan3A_42 : i32
    %scan3A_44 = arith.constant 1 : i32
    scf.for %scan3A_86 = %scan3A_41 to %scan3A_43 step %scan3A_44  : i32 {
      %get3A = arith.index_cast %scan3A_86 : i32 to index
      %get3A_87 = arith.constant 0 : index
      %get3A_88 = tpu.vector_load %arg9[%get3A, %get3A_87] {strides = array<i32>} : memref<120x128xf32, #tpu.memory_space<vmem>>, vector<16xf32>,
      %bitcast3A = vector.bitcast %get3A_88 : vector<16xf32> to vector<32xbf16>
      %get3A_89 = arith.index_cast %scan3A_86 : i32 to index
      %get3A_90 = arith.constant 0 : index
      %get3A_91 = tpu.vector_load %arg10[%get3A_89, %get3A_90] {strides = array<i32>} : memref<120x128xf32, #tpu.memory_space<vmem>>, vector<16xf32>,
      %bitcast3A_92 = vector.bitcast %get3A_91 : vector<16xf32> to vector<32xbf16>
      %add3A_93 = arith.addf %bitcast3A, %bitcast3A_92 : vector<32xbf16>
      %bitcast3A_94 = vector.bitcast %add3A_93 : vector<32xbf16> to vector<16xf32>
      %swap3A = arith.index_cast %scan3A_86 : i32 to index
      %swap3A_95 = arith.constant 0 : index
      %swap3A_96 = tpu.vector_load %arg9[%swap3A, %swap3A_95] {strides = array<i32>} : memref<120x128xf32, #tpu.memory_space<vmem>>, vector<16xf32>,
      tpu.vector_store %arg9[%swap3A, %swap3A_95], %bitcast3A_94 {strides = array<i32>} : memref<120x128xf32, #tpu.memory_space<vmem>>, vector<16xf32>,
      %get3A_97 = arith.index_cast %scan3A_86 : i32 to index
      %get3A_98 = arith.constant 16 : index
      %get3A_99 = tpu.vector_load %arg9[%get3A_97, %get3A_98] {strides = array<i32>} : memref<120x128xf32, #tpu.memory_space<vmem>>, vector<16xf32>,
      %bitcast3A_100 = vector.bitcast %get3A_99 : vector<16xf32> to vector<32xbf16>
      %get3A_101 = arith.index_cast %scan3A_86 : i32 to index
      %get3A_102 = arith.constant 16 : index
      %get3A_103 = tpu.vector_load %arg10[%get3A_101, %get3A_102] {strides = array<i32>} : memref<120x128xf32, #tpu.memory_space<vmem>>, vector<16xf32>,
      %bitcast3A_104 = vector.bitcast %get3A_103 : vector<16xf32> to vector<32xbf16>
      %add3A_105 = arith.addf %bitcast3A_100, %bitcast3A_104 : vector<32xbf16>
      %bitcast3A_106 = vector.bitcast %add3A_105 : vector<32xbf16> to vector<16xf32>
      %swap3A_107 = arith.index_cast %scan3A_86 : i32 to index
      %swap3A_108 = arith.constant 16 : index
      %swap3A_109 = tpu.vector_load %arg9[%swap3A_107, %swap3A_108] {strides = array<i32>} : memref<120x128xf32, #tpu.memory_space<vmem>>, vector<16xf32>,
      tpu.vector_store %arg9[%swap3A_107, %swap3A_108], %bitcast3A_106 {strides = array<i32>} : memref<120x128xf32, #tpu.memory_space<vmem>>, vector<16xf32>,
      %get3A_110 = arith.index_cast %scan3A_86 : i32 to index
      %get3A_111 = arith.constant 32 : index
      %get3A_112 = tpu.vector_load %arg9[%get3A_110, %get3A_111] {strides = array<i32>} : memref<120x128xf32, #tpu.memory_space<vmem>>, vector<16xf32>,
      %bitcast3A_113 = vector.bitcast %get3A_112 : vector<16xf32> to vector<32xbf16>
      %get3A_114 = arith.index_cast %scan3A_86 : i32 to index
      %get3A_115 = arith.constant 32 : index
      %get3A_116 = tpu.vector_load %arg10[%get3A_114, %get3A_115] {strides = array<i32>} : memref<120x128xf32, #tpu.memory_space<vmem>>, vector<16xf32>,
      %bitcast3A_117 = vector.bitcast %get3A_116 : vector<16xf32> to vector<32xbf16>
      %add3A_118 = arith.addf %bitcast3A_113, %bitcast3A_117 : vector<32xbf16>
      %bitcast3A_119 = vector.bitcast %add3A_118 : vector<32xbf16> to vector<16xf32>
      %swap3A_120 = arith.index_cast %scan3A_86 : i32 to index
      %swap3A_121 = arith.constant 32 : index
      %swap3A_122 = tpu.vector_load %arg9[%swap3A_120, %swap3A_121] {strides = array<i32>} : memref<120x128xf32, #tpu.memory_space<vmem>>, vector<16xf32>,
      tpu.vector_store %arg9[%swap3A_120, %swap3A_121], %bitcast3A_119 {strides = array<i32>} : memref<120x128xf32, #tpu.memory_space<vmem>>, vector<16xf32>,
      %get3A_123 = arith.index_cast %scan3A_86 : i32 to index
      %get3A_124 = arith.constant 48 : index
      %get3A_125 = tpu.vector_load %arg9[%get3A_123, %get3A_124] {strides = array<i32>} : memref<120x128xf32, #tpu.memory_space<vmem>>, vector<16xf32>,
      %bitcast3A_126 = vector.bitcast %get3A_125 : vector<16xf32> to vector<32xbf16>
      %get3A_127 = arith.index_cast %scan3A_86 : i32 to index
      %get3A_128 = arith.constant 48 : index
      %get3A_129 = tpu.vector_load %arg10[%get3A_127, %get3A_128] {strides = array<i32>} : memref<120x128xf32, #tpu.memory_space<vmem>>, vector<16xf32>,
      %bitcast3A_130 = vector.bitcast %get3A_129 : vector<16xf32> to vector<32xbf16>
      %add3A_131 = arith.addf %bitcast3A_126, %bitcast3A_130 : vector<32xbf16>
      %bitcast3A_132 = vector.bitcast %add3A_131 : vector<32xbf16> to vector<16xf32>
      %swap3A_133 = arith.index_cast %scan3A_86 : i32 to index
      %swap3A_134 = arith.constant 48 : index
      %swap3A_135 = tpu.vector_load %arg9[%swap3A_133, %swap3A_134] {strides = array<i32>} : memref<120x128xf32, #tpu.memory_space<vmem>>, vector<16xf32>,
      tpu.vector_store %arg9[%swap3A_133, %swap3A_134], %bitcast3A_132 {strides = array<i32>} : memref<120x128xf32, #tpu.memory_space<vmem>>, vector<16xf32>,
      %get3A_136 = arith.index_cast %scan3A_86 : i32 to index
      %get3A_137 = arith.constant 64 : index
      %get3A_138 = tpu.vector_load %arg9[%get3A_136, %get3A_137] {strides = array<i32>} : memref<120x128xf32, #tpu.memory_space<vmem>>, vector<16xf32>,
      %bitcast3A_139 = vector.bitcast %get3A_138 : vector<16xf32> to vector<32xbf16>
      %get3A_140 = arith.index_cast %scan3A_86 : i32 to index
      %get3A_141 = arith.constant 64 : index
      %get3A_142 = tpu.vector_load %arg10[%get3A_140, %get3A_141] {strides = array<i32>} : memref<120x128xf32, #tpu.memory_space<vmem>>, vector<16xf32>,
      %bitcast3A_143 = vector.bitcast %get3A_142 : vector<16xf32> to vector<32xbf16>
      %add3A_144 = arith.addf %bitcast3A_139, %bitcast3A_143 : vector<32xbf16>
      %bitcast3A_145 = vector.bitcast %add3A_144 : vector<32xbf16> to vector<16xf32>
      %swap3A_146 = arith.index_cast %scan3A_86 : i32 to index
      %swap3A_147 = arith.constant 64 : index
      %swap3A_148 = tpu.vector_load %arg9[%swap3A_146, %swap3A_147] {strides = array<i32>} : memref<120x128xf32, #tpu.memory_space<vmem>>, vector<16xf32>,
      tpu.vector_store %arg9[%swap3A_146, %swap3A_147], %bitcast3A_145 {strides = array<i32>} : memref<120x128xf32, #tpu.memory_space<vmem>>, vector<16xf32>,
      %get3A_149 = arith.index_cast %scan3A_86 : i32 to index
      %get3A_150 = arith.constant 80 : index
      %get3A_151 = tpu.vector_load %arg9[%get3A_149, %get3A_150] {strides = array<i32>} : memref<120x128xf32, #tpu.memory_space<vmem>>, vector<16xf32>,
      %bitcast3A_152 = vector.bitcast %get3A_151 : vector<16xf32> to vector<32xbf16>
      %get3A_153 = arith.index_cast %scan3A_86 : i32 to index
      %get3A_154 = arith.constant 80 : index
      %get3A_155 = tpu.vector_load %arg10[%get3A_153, %get3A_154] {strides = array<i32>} : memref<120x128xf32, #tpu.memory_space<vmem>>, vector<16xf32>,
      %bitcast3A_156 = vector.bitcast %get3A_155 : vector<16xf32> to vector<32xbf16>
      %add3A_157 = arith.addf %bitcast3A_152, %bitcast3A_156 : vector<32xbf16>
      %bitcast3A_158 = vector.bitcast %add3A_157 : vector<32xbf16> to vector<16xf32>
      %swap3A_159 = arith.index_cast %scan3A_86 : i32 to index
      %swap3A_160 = arith.constant 80 : index
      %swap3A_161 = tpu.vector_load %arg9[%swap3A_159, %swap3A_160] {strides = array<i32>} : memref<120x128xf32, #tpu.memory_space<vmem>>, vector<16xf32>,
      tpu.vector_store %arg9[%swap3A_159, %swap3A_160], %bitcast3A_158 {strides = array<i32>} : memref<120x128xf32, #tpu.memory_space<vmem>>, vector<16xf32>,
      %get3A_162 = arith.index_cast %scan3A_86 : i32 to index
      %get3A_163 = arith.constant 96 : index
      %get3A_164 = tpu.vector_load %arg9[%get3A_162, %get3A_163] {strides = array<i32>} : memref<120x128xf32, #tpu.memory_space<vmem>>, vector<16xf32>,
      %bitcast3A_165 = vector.bitcast %get3A_164 : vector<16xf32> to vector<32xbf16>
      %get3A_166 = arith.index_cast %scan3A_86 : i32 to index
      %get3A_167 = arith.constant 96 : index
      %get3A_168 = tpu.vector_load %arg10[%get3A_166, %get3A_167] {strides = array<i32>} : memref<120x128xf32, #tpu.memory_space<vmem>>, vector<16xf32>,
      %bitcast3A_169 = vector.bitcast %get3A_168 : vector<16xf32> to vector<32xbf16>
      %add3A_170 = arith.addf %bitcast3A_165, %bitcast3A_169 : vector<32xbf16>
      %bitcast3A_171 = vector.bitcast %add3A_170 : vector<32xbf16> to vector<16xf32>
      %swap3A_172 = arith.index_cast %scan3A_86 : i32 to index
      %swap3A_173 = arith.constant 96 : index
      %swap3A_174 = tpu.vector_load %arg9[%swap3A_172, %swap3A_173] {strides = array<i32>} : memref<120x128xf32, #tpu.memory_space<vmem>>, vector<16xf32>,
      tpu.vector_store %arg9[%swap3A_172, %swap3A_173], %bitcast3A_171 {strides = array<i32>} : memref<120x128xf32, #tpu.memory_space<vmem>>, vector<16xf32>,
      %get3A_175 = arith.index_cast %scan3A_86 : i32 to index
      %get3A_176 = arith.constant 112 : index
      %get3A_177 = tpu.vector_load %arg9[%get3A_175, %get3A_176] {strides = array<i32>} : memref<120x128xf32, #tpu.memory_space<vmem>>, vector<16xf32>,
      %bitcast3A_178 = vector.bitcast %get3A_177 : vector<16xf32> to vector<32xbf16>
      %get3A_179 = arith.index_cast %scan3A_86 : i32 to index
      %get3A_180 = arith.constant 112 : index
      %get3A_181 = tpu.vector_load %arg10[%get3A_179, %get3A_180] {strides = array<i32>} : memref<120x128xf32, #tpu.memory_space<vmem>>, vector<16xf32>,
      %bitcast3A_182 = vector.bitcast %get3A_181 : vector<16xf32> to vector<32xbf16>
      %add3A_183 = arith.addf %bitcast3A_178, %bitcast3A_182 : vector<32xbf16>
      %bitcast3A_184 = vector.bitcast %add3A_183 : vector<32xbf16> to vector<16xf32>
      %swap3A_185 = arith.index_cast %scan3A_86 : i32 to index
      %swap3A_186 = arith.constant 112 : index
      %swap3A_187 = tpu.vector_load %arg9[%swap3A_185, %swap3A_186] {strides = array<i32>} : memref<120x128xf32, #tpu.memory_space<vmem>>, vector<16xf32>,
      tpu.vector_store %arg9[%swap3A_185, %swap3A_186], %bitcast3A_184 {strides = array<i32>} : memref<120x128xf32, #tpu.memory_space<vmem>>, vector<16xf32>,
    }
    %scan3A_45 = arith.constant 120 : i32
    %add3A_46 = arith.constant 5760 : i32
    %add3A_47 = arith.addi %mul3A_2, %add3A_46 : i32
    %dma_start3A_48 = arith.constant 0 : i32
    %dma_start3A_49 = tpu.memref_slice %arg6[%add3A_47, %dma_start3A_48] : memref<192000x128xf32, #tpu.memory_space<hbm>> -> memref<120x128xf32, #tpu.memory_space<hbm>>
    %dma_start3A_50 = arith.constant 0 : i32
    %dma_start3A_51 = tpu.memref_slice %arg6[%add3A_47, %dma_start3A_50] : memref<192000x128xf32, #tpu.memory_space<hbm>> -> memref<120x128xf32, #tpu.memory_space<hbm>>
    tpu.enqueue_dma source(%arg9 : memref<120x128xf32, #tpu.memory_space<vmem>>) target(%dma_start3A_51 : memref<120x128xf32, #tpu.memory_space<hbm>>) target_semaphore(%arg21 : memref<!tpu.dma_semaphore, #tpu.memory_space<semaphore_mem>>)
    %dma_wait3A_52 = arith.constant 0 : i32
    %dma_wait3A_53 = tpu.memref_slice %arg7[%dma_wait3A_52] : memref<6000xi32, #tpu.memory_space<vmem>> -> memref<120xi32, #tpu.memory_space<vmem>>
    %dma_wait3A_54 = arith.constant 0 : i32
    %dma_wait3A_55 = arith.constant 0 : i32
    %dma_wait3A_56 = tpu.memref_slice %arg2[%dma_wait3A_54, %dma_wait3A_55] : memref<10000x128xf32, #tpu.memory_space<hbm>> -> memref<10000x128xf32, #tpu.memory_space<hbm>>
    tpu.wait_indirect_dma semaphore(%arg17 : memref<!tpu.dma_semaphore, #tpu.memory_space<semaphore_mem>>) src(%dma_wait3A_56 : memref<10000x128xf32, #tpu.memory_space<hbm>>) dst(%arg11 : memref<120x128xf32, #tpu.memory_space<vmem>>)
    %dma_wait3A_57 = arith.constant 0 : i32
    %dma_wait3A_58 = tpu.memref_slice %arg8[%dma_wait3A_57] : memref<6000xi32, #tpu.memory_space<vmem>> -> memref<120xi32, #tpu.memory_space<vmem>>
    %dma_wait3A_59 = arith.constant 0 : i32
    %dma_wait3A_60 = arith.constant 0 : i32
    %dma_wait3A_61 = tpu.memref_slice %arg3[%dma_wait3A_59, %dma_wait3A_60] : memref<10000x128xf32, #tpu.memory_space<hbm>> -> memref<10000x128xf32, #tpu.memory_space<hbm>>
    tpu.wait_indirect_dma semaphore(%arg18 : memref<!tpu.dma_semaphore, #tpu.memory_space<semaphore_mem>>) src(%dma_wait3A_61 : memref<10000x128xf32, #tpu.memory_space<hbm>>) dst(%arg12 : memref<120x128xf32, #tpu.memory_space<vmem>>)
    %scan3A_62 = arith.constant 0 : i32
    %scan3A_63 = arith.constant 0 : i32
    %scan3A_64 = arith.constant 120 : i32
    %scan3A_65 = arith.addi %scan3A_63, %scan3A_64 : i32
    %scan3A_66 = arith.constant 1 : i32
    scf.for %scan3A_86 = %scan3A_63 to %scan3A_65 step %scan3A_66  : i32 {
      %get3A = arith.index_cast %scan3A_86 : i32 to index
      %get3A_87 = arith.constant 0 : index
      %get3A_88 = tpu.vector_load %arg11[%get3A, %get3A_87] {strides = array<i32>} : memref<120x128xf32, #tpu.memory_space<vmem>>, vector<16xf32>,
      %bitcast3A = vector.bitcast %get3A_88 : vector<16xf32> to vector<32xbf16>
      %get3A_89 = arith.index_cast %scan3A_86 : i32 to index
      %get3A_90 = arith.constant 0 : index
      %get3A_91 = tpu.vector_load %arg12[%get3A_89, %get3A_90] {strides = array<i32>} : memref<120x128xf32, #tpu.memory_space<vmem>>, vector<16xf32>,
      %bitcast3A_92 = vector.bitcast %get3A_91 : vector<16xf32> to vector<32xbf16>
      %add3A_93 = arith.addf %bitcast3A, %bitcast3A_92 : vector<32xbf16>
      %bitcast3A_94 = vector.bitcast %add3A_93 : vector<32xbf16> to vector<16xf32>
      %swap3A = arith.index_cast %scan3A_86 : i32 to index
      %swap3A_95 = arith.constant 0 : index
      %swap3A_96 = tpu.vector_load %arg11[%swap3A, %swap3A_95] {strides = array<i32>} : memref<120x128xf32, #tpu.memory_space<vmem>>, vector<16xf32>,
      tpu.vector_store %arg11[%swap3A, %swap3A_95], %bitcast3A_94 {strides = array<i32>} : memref<120x128xf32, #tpu.memory_space<vmem>>, vector<16xf32>,
      %get3A_97 = arith.index_cast %scan3A_86 : i32 to index
      %get3A_98 = arith.constant 16 : index
      %get3A_99 = tpu.vector_load %arg11[%get3A_97, %get3A_98] {strides = array<i32>} : memref<120x128xf32, #tpu.memory_space<vmem>>, vector<16xf32>,
      %bitcast3A_100 = vector.bitcast %get3A_99 : vector<16xf32> to vector<32xbf16>
      %get3A_101 = arith.index_cast %scan3A_86 : i32 to index
      %get3A_102 = arith.constant 16 : index
      %get3A_103 = tpu.vector_load %arg12[%get3A_101, %get3A_102] {strides = array<i32>} : memref<120x128xf32, #tpu.memory_space<vmem>>, vector<16xf32>,
      %bitcast3A_104 = vector.bitcast %get3A_103 : vector<16xf32> to vector<32xbf16>
      %add3A_105 = arith.addf %bitcast3A_100, %bitcast3A_104 : vector<32xbf16>
      %bitcast3A_106 = vector.bitcast %add3A_105 : vector<32xbf16> to vector<16xf32>
      %swap3A_107 = arith.index_cast %scan3A_86 : i32 to index
      %swap3A_108 = arith.constant 16 : index
      %swap3A_109 = tpu.vector_load %arg11[%swap3A_107, %swap3A_108] {strides = array<i32>} : memref<120x128xf32, #tpu.memory_space<vmem>>, vector<16xf32>,
      tpu.vector_store %arg11[%swap3A_107, %swap3A_108], %bitcast3A_106 {strides = array<i32>} : memref<120x128xf32, #tpu.memory_space<vmem>>, vector<16xf32>,
      %get3A_110 = arith.index_cast %scan3A_86 : i32 to index
      %get3A_111 = arith.constant 32 : index
      %get3A_112 = tpu.vector_load %arg11[%get3A_110, %get3A_111] {strides = array<i32>} : memref<120x128xf32, #tpu.memory_space<vmem>>, vector<16xf32>,
      %bitcast3A_113 = vector.bitcast %get3A_112 : vector<16xf32> to vector<32xbf16>
      %get3A_114 = arith.index_cast %scan3A_86 : i32 to index
      %get3A_115 = arith.constant 32 : index
      %get3A_116 = tpu.vector_load %arg12[%get3A_114, %get3A_115] {strides = array<i32>} : memref<120x128xf32, #tpu.memory_space<vmem>>, vector<16xf32>,
      %bitcast3A_117 = vector.bitcast %get3A_116 : vector<16xf32> to vector<32xbf16>
      %add3A_118 = arith.addf %bitcast3A_113, %bitcast3A_117 : vector<32xbf16>
      %bitcast3A_119 = vector.bitcast %add3A_118 : vector<32xbf16> to vector<16xf32>
      %swap3A_120 = arith.index_cast %scan3A_86 : i32 to index
      %swap3A_121 = arith.constant 32 : index
      %swap3A_122 = tpu.vector_load %arg11[%swap3A_120, %swap3A_121] {strides = array<i32>} : memref<120x128xf32, #tpu.memory_space<vmem>>, vector<16xf32>,
      tpu.vector_store %arg11[%swap3A_120, %swap3A_121], %bitcast3A_119 {strides = array<i32>} : memref<120x128xf32, #tpu.memory_space<vmem>>, vector<16xf32>,
      %get3A_123 = arith.index_cast %scan3A_86 : i32 to index
      %get3A_124 = arith.constant 48 : index
      %get3A_125 = tpu.vector_load %arg11[%get3A_123, %get3A_124] {strides = array<i32>} : memref<120x128xf32, #tpu.memory_space<vmem>>, vector<16xf32>,
      %bitcast3A_126 = vector.bitcast %get3A_125 : vector<16xf32> to vector<32xbf16>
      %get3A_127 = arith.index_cast %scan3A_86 : i32 to index
      %get3A_128 = arith.constant 48 : index
      %get3A_129 = tpu.vector_load %arg12[%get3A_127, %get3A_128] {strides = array<i32>} : memref<120x128xf32, #tpu.memory_space<vmem>>, vector<16xf32>,
      %bitcast3A_130 = vector.bitcast %get3A_129 : vector<16xf32> to vector<32xbf16>
      %add3A_131 = arith.addf %bitcast3A_126, %bitcast3A_130 : vector<32xbf16>
      %bitcast3A_132 = vector.bitcast %add3A_131 : vector<32xbf16> to vector<16xf32>
      %swap3A_133 = arith.index_cast %scan3A_86 : i32 to index
      %swap3A_134 = arith.constant 48 : index
      %swap3A_135 = tpu.vector_load %arg11[%swap3A_133, %swap3A_134] {strides = array<i32>} : memref<120x128xf32, #tpu.memory_space<vmem>>, vector<16xf32>,
      tpu.vector_store %arg11[%swap3A_133, %swap3A_134], %bitcast3A_132 {strides = array<i32>} : memref<120x128xf32, #tpu.memory_space<vmem>>, vector<16xf32>,
      %get3A_136 = arith.index_cast %scan3A_86 : i32 to index
      %get3A_137 = arith.constant 64 : index
      %get3A_138 = tpu.vector_load %arg11[%get3A_136, %get3A_137] {strides = array<i32>} : memref<120x128xf32, #tpu.memory_space<vmem>>, vector<16xf32>,
      %bitcast3A_139 = vector.bitcast %get3A_138 : vector<16xf32> to vector<32xbf16>
      %get3A_140 = arith.index_cast %scan3A_86 : i32 to index
      %get3A_141 = arith.constant 64 : index
      %get3A_142 = tpu.vector_load %arg12[%get3A_140, %get3A_141] {strides = array<i32>} : memref<120x128xf32, #tpu.memory_space<vmem>>, vector<16xf32>,
      %bitcast3A_143 = vector.bitcast %get3A_142 : vector<16xf32> to vector<32xbf16>
      %add3A_144 = arith.addf %bitcast3A_139, %bitcast3A_143 : vector<32xbf16>
      %bitcast3A_145 = vector.bitcast %add3A_144 : vector<32xbf16> to vector<16xf32>
      %swap3A_146 = arith.index_cast %scan3A_86 : i32 to index
      %swap3A_147 = arith.constant 64 : index
      %swap3A_148 = tpu.vector_load %arg11[%swap3A_146, %swap3A_147] {strides = array<i32>} : memref<120x128xf32, #tpu.memory_space<vmem>>, vector<16xf32>,
      tpu.vector_store %arg11[%swap3A_146, %swap3A_147], %bitcast3A_145 {strides = array<i32>} : memref<120x128xf32, #tpu.memory_space<vmem>>, vector<16xf32>,
      %get3A_149 = arith.index_cast %scan3A_86 : i32 to index
      %get3A_150 = arith.constant 80 : index
      %get3A_151 = tpu.vector_load %arg11[%get3A_149, %get3A_150] {strides = array<i32>} : memref<120x128xf32, #tpu.memory_space<vmem>>, vector<16xf32>,
      %bitcast3A_152 = vector.bitcast %get3A_151 : vector<16xf32> to vector<32xbf16>
      %get3A_153 = arith.index_cast %scan3A_86 : i32 to index
      %get3A_154 = arith.constant 80 : index
      %get3A_155 = tpu.vector_load %arg12[%get3A_153, %get3A_154] {strides = array<i32>} : memref<120x128xf32, #tpu.memory_space<vmem>>, vector<16xf32>,
      %bitcast3A_156 = vector.bitcast %get3A_155 : vector<16xf32> to vector<32xbf16>
      %add3A_157 = arith.addf %bitcast3A_152, %bitcast3A_156 : vector<32xbf16>
      %bitcast3A_158 = vector.bitcast %add3A_157 : vector<32xbf16> to vector<16xf32>
      %swap3A_159 = arith.index_cast %scan3A_86 : i32 to index
      %swap3A_160 = arith.constant 80 : index
      %swap3A_161 = tpu.vector_load %arg11[%swap3A_159, %swap3A_160] {strides = array<i32>} : memref<120x128xf32, #tpu.memory_space<vmem>>, vector<16xf32>,
      tpu.vector_store %arg11[%swap3A_159, %swap3A_160], %bitcast3A_158 {strides = array<i32>} : memref<120x128xf32, #tpu.memory_space<vmem>>, vector<16xf32>,
      %get3A_162 = arith.index_cast %scan3A_86 : i32 to index
      %get3A_163 = arith.constant 96 : index
      %get3A_164 = tpu.vector_load %arg11[%get3A_162, %get3A_163] {strides = array<i32>} : memref<120x128xf32, #tpu.memory_space<vmem>>, vector<16xf32>,
      %bitcast3A_165 = vector.bitcast %get3A_164 : vector<16xf32> to vector<32xbf16>
      %get3A_166 = arith.index_cast %scan3A_86 : i32 to index
      %get3A_167 = arith.constant 96 : index
      %get3A_168 = tpu.vector_load %arg12[%get3A_166, %get3A_167] {strides = array<i32>} : memref<120x128xf32, #tpu.memory_space<vmem>>, vector<16xf32>,
      %bitcast3A_169 = vector.bitcast %get3A_168 : vector<16xf32> to vector<32xbf16>
      %add3A_170 = arith.addf %bitcast3A_165, %bitcast3A_169 : vector<32xbf16>
      %bitcast3A_171 = vector.bitcast %add3A_170 : vector<32xbf16> to vector<16xf32>
      %swap3A_172 = arith.index_cast %scan3A_86 : i32 to index
      %swap3A_173 = arith.constant 96 : index
      %swap3A_174 = tpu.vector_load %arg11[%swap3A_172, %swap3A_173] {strides = array<i32>} : memref<120x128xf32, #tpu.memory_space<vmem>>, vector<16xf32>,
      tpu.vector_store %arg11[%swap3A_172, %swap3A_173], %bitcast3A_171 {strides = array<i32>} : memref<120x128xf32, #tpu.memory_space<vmem>>, vector<16xf32>,
      %get3A_175 = arith.index_cast %scan3A_86 : i32 to index
      %get3A_176 = arith.constant 112 : index
      %get3A_177 = tpu.vector_load %arg11[%get3A_175, %get3A_176] {strides = array<i32>} : memref<120x128xf32, #tpu.memory_space<vmem>>, vector<16xf32>,
      %bitcast3A_178 = vector.bitcast %get3A_177 : vector<16xf32> to vector<32xbf16>
      %get3A_179 = arith.index_cast %scan3A_86 : i32 to index
      %get3A_180 = arith.constant 112 : index
      %get3A_181 = tpu.vector_load %arg12[%get3A_179, %get3A_180] {strides = array<i32>} : memref<120x128xf32, #tpu.memory_space<vmem>>, vector<16xf32>,
      %bitcast3A_182 = vector.bitcast %get3A_181 : vector<16xf32> to vector<32xbf16>
      %add3A_183 = arith.addf %bitcast3A_178, %bitcast3A_182 : vector<32xbf16>
      %bitcast3A_184 = vector.bitcast %add3A_183 : vector<32xbf16> to vector<16xf32>
      %swap3A_185 = arith.index_cast %scan3A_86 : i32 to index
      %swap3A_186 = arith.constant 112 : index
      %swap3A_187 = tpu.vector_load %arg11[%swap3A_185, %swap3A_186] {strides = array<i32>} : memref<120x128xf32, #tpu.memory_space<vmem>>, vector<16xf32>,
      tpu.vector_store %arg11[%swap3A_185, %swap3A_186], %bitcast3A_184 {strides = array<i32>} : memref<120x128xf32, #tpu.memory_space<vmem>>, vector<16xf32>,
    }
    %scan3A_67 = arith.constant 120 : i32
    %add3A_68 = arith.constant 5880 : i32
    %add3A_69 = arith.addi %mul3A_2, %add3A_68 : i32
    %dma_start3A_70 = arith.constant 0 : i32
    %dma_start3A_71 = tpu.memref_slice %arg6[%add3A_69, %dma_start3A_70] : memref<192000x128xf32, #tpu.memory_space<hbm>> -> memref<120x128xf32, #tpu.memory_space<hbm>>
    %dma_start3A_72 = arith.constant 0 : i32
    %dma_start3A_73 = tpu.memref_slice %arg6[%add3A_69, %dma_start3A_72] : memref<192000x128xf32, #tpu.memory_space<hbm>> -> memref<120x128xf32, #tpu.memory_space<hbm>>
    tpu.enqueue_dma source(%arg11 : memref<120x128xf32, #tpu.memory_space<vmem>>) target(%dma_start3A_73 : memref<120x128xf32, #tpu.memory_space<hbm>>) target_semaphore(%arg22 : memref<!tpu.dma_semaphore, #tpu.memory_space<semaphore_mem>>)
    %dma_wait3A_74 = arith.constant 0 : i32
    %dma_wait3A_75 = tpu.memref_slice %arg6[%mul3A_2, %dma_wait3A_74] : memref<192000x128xf32, #tpu.memory_space<hbm>> -> memref<120x128xf32, #tpu.memory_space<hbm>>
    %dma_wait3A_76 = arith.constant 0 : i32
    %dma_wait3A_77 = tpu.memref_slice %arg6[%mul3A_2, %dma_wait3A_76] : memref<192000x128xf32, #tpu.memory_space<hbm>> -> memref<120x128xf32, #tpu.memory_space<hbm>>
    tpu.wait_dma2 semaphore(%arg21 : memref<!tpu.dma_semaphore, #tpu.memory_space<semaphore_mem>>) src(%arg9 : memref<120x128xf32, #tpu.memory_space<vmem>>) dst(%dma_wait3A_77 : memref<120x128xf32, #tpu.memory_space<hbm>>)
    %dma_wait3A_78 = arith.constant 0 : i32
    %dma_wait3A_79 = tpu.memref_slice %arg6[%mul3A_2, %dma_wait3A_78] : memref<192000x128xf32, #tpu.memory_space<hbm>> -> memref<120x128xf32, #tpu.memory_space<hbm>>
    %dma_wait3A_80 = arith.constant 0 : i32
    %dma_wait3A_81 = tpu.memref_slice %arg6[%mul3A_2, %dma_wait3A_80] : memref<192000x128xf32, #tpu.memory_space<hbm>> -> memref<120x128xf32, #tpu.memory_space<hbm>>
    tpu.wait_dma2 semaphore(%arg22 : memref<!tpu.dma_semaphore, #tpu.memory_space<semaphore_mem>>) src(%arg11 : memref<120x128xf32, #tpu.memory_space<vmem>>) dst(%dma_wait3A_81 : memref<120x128xf32, #tpu.memory_space<hbm>>)
    %dma_wait3A_82 = arith.constant 0 : i32
    %dma_wait3A_83 = tpu.memref_slice %arg6[%mul3A_2, %dma_wait3A_82] : memref<192000x128xf32, #tpu.memory_space<hbm>> -> memref<120x128xf32, #tpu.memory_space<hbm>>
    %dma_wait3A_84 = arith.constant 0 : i32
    %dma_wait3A_85 = tpu.memref_slice %arg6[%mul3A_2, %dma_wait3A_84] : memref<192000x128xf32, #tpu.memory_space<hbm>> -> memref<120x128xf32, #tpu.memory_space<hbm>>
    tpu.wait_dma2 semaphore(%arg23 : memref<!tpu.dma_semaphore, #tpu.memory_space<semaphore_mem>>) src(%arg13 : memref<120x128xf32, #tpu.memory_space<vmem>>) dst(%dma_wait3A_85 : memref<120x128xf32, #tpu.memory_space<hbm>>)
    return
  }
}

#map = affine_map<(d0, d1) -> (0, 0)>
#map1 = affine_map<(d0, d1) -> (0, 0, 0)>
module attributes {stable_mosaic.version = 14 : i64} {
  func.func @body(%arg0: i32, %arg1: i32, %arg2: memref<192000x128xf32, #tpu.memory_space<hbm>>, %arg3: memref<32x75x80xi32, #tpu.memory_space<hbm>>, %arg4: memref<128000x128xf32, #tpu.memory_space<hbm>>, %arg5: memref<32x50x80xi32, #tpu.memory_space<hbm>>, %arg6: memref<2x10000x128xf32, #tpu.memory_space<hbm>>, %arg7: memref<75x80xi32, #tpu.memory_space<vmem>>, %arg8: memref<50x80xi32, #tpu.memory_space<vmem>>, %arg9: memref<80x128xf32, #tpu.memory_space<vmem>>, %arg10: memref<80x128xf32, #tpu.memory_space<vmem>>, %arg11: memref<48x128xf32, #tpu.memory_space<vmem>>, %arg12: memref<10000x128xf32, #tpu.memory_space<vmem_shared>>, %arg13: memref<!tpu.dma_semaphore, #tpu.memory_space<semaphore_mem>>, %arg14: memref<!tpu.dma_semaphore, #tpu.memory_space<semaphore_mem>>, %arg15: memref<!tpu.dma_semaphore, #tpu.memory_space<semaphore_mem>>, %arg16: memref<!tpu.dma_semaphore, #tpu.memory_space<semaphore_mem>>, %arg17: memref<!tpu.dma_semaphore, #tpu.memory_space<semaphore_mem>>) attributes {dimension_semantics = [#tpu.dimension_semantics<core_parallel>, #tpu.dimension_semantics<subcore_parallel>], iteration_bounds = array<i64: 2, 16>, scalar_prefetch = 0 : i64, scratch_operands = 11 : i64, tpu.core_type = #tpu.core_type<sc_vector_subcore>, window_params = [{transform_indices = #map}, {transform_indices = #map1}, {transform_indices = #map}, {transform_indices = #map1}, {transform_indices = #map1}]} {
    %mul3A = arith.constant 16 : i32
    %mul3A_0 = arith.muli %arg0, %mul3A : i32
    %add3A = arith.addi %mul3A_0, %arg1 : i32
    "tpu.region"() ({
      %run_scoped3A = tpu.sem_alloc : memref<!tpu.dma_semaphore, #tpu.memory_space<semaphore_mem>>
      %dma_start3A_247 = arith.constant 0 : i32
      %dma_start3A_248 = arith.constant 0 : i32
      %dma_start3A_249 = tpu.memref_slice %arg3[%add3A, %dma_start3A_247, %dma_start3A_248] : memref<32x75x80xi32, #tpu.memory_space<hbm>> -> memref<1x75x80xi32, #tpu.memory_space<hbm>>
      %dma_start3A_250 = tpu.memref_squeeze %dma_start3A_249 : memref<1x75x80xi32, #tpu.memory_space<hbm>> -> memref<75x80xi32, #tpu.memory_space<hbm>>
      %dma_start3A_251 = arith.constant 0 : i32
      %dma_start3A_252 = arith.constant 0 : i32
      %dma_start3A_253 = tpu.memref_slice %arg3[%add3A, %dma_start3A_251, %dma_start3A_252] : memref<32x75x80xi32, #tpu.memory_space<hbm>> -> memref<1x75x80xi32, #tpu.memory_space<hbm>>
      %dma_start3A_254 = tpu.memref_squeeze %dma_start3A_253 : memref<1x75x80xi32, #tpu.memory_space<hbm>> -> memref<75x80xi32, #tpu.memory_space<hbm>>
      tpu.enqueue_dma source(%dma_start3A_254 : memref<75x80xi32, #tpu.memory_space<hbm>>) target(%arg7 : memref<75x80xi32, #tpu.memory_space<vmem>>) target_semaphore(%run_scoped3A : memref<!tpu.dma_semaphore, #tpu.memory_space<semaphore_mem>>)
      %dma_wait3A_255 = arith.constant 0 : i32
      %dma_wait3A_256 = arith.constant 0 : i32
      %dma_wait3A_257 = tpu.memref_slice %arg3[%add3A, %dma_wait3A_255, %dma_wait3A_256] : memref<32x75x80xi32, #tpu.memory_space<hbm>> -> memref<1x75x80xi32, #tpu.memory_space<hbm>>
      %dma_wait3A_258 = tpu.memref_squeeze %dma_wait3A_257 : memref<1x75x80xi32, #tpu.memory_space<hbm>> -> memref<75x80xi32, #tpu.memory_space<hbm>>
      %dma_wait3A_259 = arith.constant 0 : i32
      %dma_wait3A_260 = arith.constant 0 : i32
      %dma_wait3A_261 = tpu.memref_slice %arg3[%add3A, %dma_wait3A_259, %dma_wait3A_260] : memref<32x75x80xi32, #tpu.memory_space<hbm>> -> memref<1x75x80xi32, #tpu.memory_space<hbm>>
      %dma_wait3A_262 = tpu.memref_squeeze %dma_wait3A_261 : memref<1x75x80xi32, #tpu.memory_space<hbm>> -> memref<75x80xi32, #tpu.memory_space<hbm>>
      tpu.wait_dma2 semaphore(%run_scoped3A : memref<!tpu.dma_semaphore, #tpu.memory_space<semaphore_mem>>) src(%dma_wait3A_262 : memref<75x80xi32, #tpu.memory_space<hbm>>) dst(%arg7 : memref<75x80xi32, #tpu.memory_space<vmem>>)
      tpu.yield
    }) : () -> ()
    "tpu.region"() ({
      %run_scoped3A = tpu.sem_alloc : memref<!tpu.dma_semaphore, #tpu.memory_space<semaphore_mem>>
      %dma_start3A_247 = arith.constant 0 : i32
      %dma_start3A_248 = arith.constant 0 : i32
      %dma_start3A_249 = tpu.memref_slice %arg5[%add3A, %dma_start3A_247, %dma_start3A_248] : memref<32x50x80xi32, #tpu.memory_space<hbm>> -> memref<1x50x80xi32, #tpu.memory_space<hbm>>
      %dma_start3A_250 = tpu.memref_squeeze %dma_start3A_249 : memref<1x50x80xi32, #tpu.memory_space<hbm>> -> memref<50x80xi32, #tpu.memory_space<hbm>>
      %dma_start3A_251 = arith.constant 0 : i32
      %dma_start3A_252 = arith.constant 0 : i32
      %dma_start3A_253 = tpu.memref_slice %arg5[%add3A, %dma_start3A_251, %dma_start3A_252] : memref<32x50x80xi32, #tpu.memory_space<hbm>> -> memref<1x50x80xi32, #tpu.memory_space<hbm>>
      %dma_start3A_254 = tpu.memref_squeeze %dma_start3A_253 : memref<1x50x80xi32, #tpu.memory_space<hbm>> -> memref<50x80xi32, #tpu.memory_space<hbm>>
      tpu.enqueue_dma source(%dma_start3A_254 : memref<50x80xi32, #tpu.memory_space<hbm>>) target(%arg8 : memref<50x80xi32, #tpu.memory_space<vmem>>) target_semaphore(%run_scoped3A : memref<!tpu.dma_semaphore, #tpu.memory_space<semaphore_mem>>)
      %dma_wait3A_255 = arith.constant 0 : i32
      %dma_wait3A_256 = arith.constant 0 : i32
      %dma_wait3A_257 = tpu.memref_slice %arg5[%add3A, %dma_wait3A_255, %dma_wait3A_256] : memref<32x50x80xi32, #tpu.memory_space<hbm>> -> memref<1x50x80xi32, #tpu.memory_space<hbm>>
      %dma_wait3A_258 = tpu.memref_squeeze %dma_wait3A_257 : memref<1x50x80xi32, #tpu.memory_space<hbm>> -> memref<50x80xi32, #tpu.memory_space<hbm>>
      %dma_wait3A_259 = arith.constant 0 : i32
      %dma_wait3A_260 = arith.constant 0 : i32
      %dma_wait3A_261 = tpu.memref_slice %arg5[%add3A, %dma_wait3A_259, %dma_wait3A_260] : memref<32x50x80xi32, #tpu.memory_space<hbm>> -> memref<1x50x80xi32, #tpu.memory_space<hbm>>
      %dma_wait3A_262 = tpu.memref_squeeze %dma_wait3A_261 : memref<1x50x80xi32, #tpu.memory_space<hbm>> -> memref<50x80xi32, #tpu.memory_space<hbm>>
      tpu.wait_dma2 semaphore(%run_scoped3A : memref<!tpu.dma_semaphore, #tpu.memory_space<semaphore_mem>>) src(%dma_wait3A_262 : memref<50x80xi32, #tpu.memory_space<hbm>>) dst(%arg8 : memref<50x80xi32, #tpu.memory_space<vmem>>)
      tpu.yield
    }) : () -> ()
    %broadcast_in_dim3A = arith.constant 0.000000e+00 : f32
    %broadcast_in_dim3A_1 = vector.broadcast %broadcast_in_dim3A : f32 to vector<16xf32>
    %scan3A = arith.constant 0 : i32
    %scan3A_2 = arith.constant 0 : i32
    %scan3A_3 = arith.constant 48 : i32
    %scan3A_4 = arith.addi %scan3A_2, %scan3A_3 : i32
    %scan3A_5 = arith.constant 1 : i32
    scf.for %scan3A_247 = %scan3A_2 to %scan3A_4 step %scan3A_5  : i32 {
      %swap3A = arith.index_cast %scan3A_247 : i32 to index
      %swap3A_248 = arith.constant 0 : index
      %swap3A_249 = tpu.vector_load %arg11[%swap3A, %swap3A_248] {strides = array<i32>} : memref<48x128xf32, #tpu.memory_space<vmem>>, vector<1x16xf32>,
      %swap3A_250 = vector.shape_cast %swap3A_249 : vector<1x16xf32> to vector<16xf32>
      %swap3A_251 = vector.shape_cast %broadcast_in_dim3A_1 : vector<16xf32> to vector<1x16xf32>
      tpu.vector_store %arg11[%swap3A, %swap3A_248], %swap3A_251 {strides = array<i32>} : memref<48x128xf32, #tpu.memory_space<vmem>>, vector<1x16xf32>,
      %swap3A_252 = arith.index_cast %scan3A_247 : i32 to index
      %swap3A_253 = arith.constant 16 : index
      %swap3A_254 = tpu.vector_load %arg11[%swap3A_252, %swap3A_253] {strides = array<i32>} : memref<48x128xf32, #tpu.memory_space<vmem>>, vector<1x16xf32>,
      %swap3A_255 = vector.shape_cast %swap3A_254 : vector<1x16xf32> to vector<16xf32>
      %swap3A_256 = vector.shape_cast %broadcast_in_dim3A_1 : vector<16xf32> to vector<1x16xf32>
      tpu.vector_store %arg11[%swap3A_252, %swap3A_253], %swap3A_256 {strides = array<i32>} : memref<48x128xf32, #tpu.memory_space<vmem>>, vector<1x16xf32>,
      %swap3A_257 = arith.index_cast %scan3A_247 : i32 to index
      %swap3A_258 = arith.constant 32 : index
      %swap3A_259 = tpu.vector_load %arg11[%swap3A_257, %swap3A_258] {strides = array<i32>} : memref<48x128xf32, #tpu.memory_space<vmem>>, vector<1x16xf32>,
      %swap3A_260 = vector.shape_cast %swap3A_259 : vector<1x16xf32> to vector<16xf32>
      %swap3A_261 = vector.shape_cast %broadcast_in_dim3A_1 : vector<16xf32> to vector<1x16xf32>
      tpu.vector_store %arg11[%swap3A_257, %swap3A_258], %swap3A_261 {strides = array<i32>} : memref<48x128xf32, #tpu.memory_space<vmem>>, vector<1x16xf32>,
      %swap3A_262 = arith.index_cast %scan3A_247 : i32 to index
      %swap3A_263 = arith.constant 48 : index
      %swap3A_264 = tpu.vector_load %arg11[%swap3A_262, %swap3A_263] {strides = array<i32>} : memref<48x128xf32, #tpu.memory_space<vmem>>, vector<1x16xf32>,
      %swap3A_265 = vector.shape_cast %swap3A_264 : vector<1x16xf32> to vector<16xf32>
      %swap3A_266 = vector.shape_cast %broadcast_in_dim3A_1 : vector<16xf32> to vector<1x16xf32>
      tpu.vector_store %arg11[%swap3A_262, %swap3A_263], %swap3A_266 {strides = array<i32>} : memref<48x128xf32, #tpu.memory_space<vmem>>, vector<1x16xf32>,
      %swap3A_267 = arith.index_cast %scan3A_247 : i32 to index
      %swap3A_268 = arith.constant 64 : index
      %swap3A_269 = tpu.vector_load %arg11[%swap3A_267, %swap3A_268] {strides = array<i32>} : memref<48x128xf32, #tpu.memory_space<vmem>>, vector<1x16xf32>,
      %swap3A_270 = vector.shape_cast %swap3A_269 : vector<1x16xf32> to vector<16xf32>
      %swap3A_271 = vector.shape_cast %broadcast_in_dim3A_1 : vector<16xf32> to vector<1x16xf32>
      tpu.vector_store %arg11[%swap3A_267, %swap3A_268], %swap3A_271 {strides = array<i32>} : memref<48x128xf32, #tpu.memory_space<vmem>>, vector<1x16xf32>,
      %swap3A_272 = arith.index_cast %scan3A_247 : i32 to index
      %swap3A_273 = arith.constant 80 : index
      %swap3A_274 = tpu.vector_load %arg11[%swap3A_272, %swap3A_273] {strides = array<i32>} : memref<48x128xf32, #tpu.memory_space<vmem>>, vector<1x16xf32>,
      %swap3A_275 = vector.shape_cast %swap3A_274 : vector<1x16xf32> to vector<16xf32>
      %swap3A_276 = vector.shape_cast %broadcast_in_dim3A_1 : vector<16xf32> to vector<1x16xf32>
      tpu.vector_store %arg11[%swap3A_272, %swap3A_273], %swap3A_276 {strides = array<i32>} : memref<48x128xf32, #tpu.memory_space<vmem>>, vector<1x16xf32>,
      %swap3A_277 = arith.index_cast %scan3A_247 : i32 to index
      %swap3A_278 = arith.constant 96 : index
      %swap3A_279 = tpu.vector_load %arg11[%swap3A_277, %swap3A_278] {strides = array<i32>} : memref<48x128xf32, #tpu.memory_space<vmem>>, vector<1x16xf32>,
      %swap3A_280 = vector.shape_cast %swap3A_279 : vector<1x16xf32> to vector<16xf32>
      %swap3A_281 = vector.shape_cast %broadcast_in_dim3A_1 : vector<16xf32> to vector<1x16xf32>
      tpu.vector_store %arg11[%swap3A_277, %swap3A_278], %swap3A_281 {strides = array<i32>} : memref<48x128xf32, #tpu.memory_space<vmem>>, vector<1x16xf32>,
      %swap3A_282 = arith.index_cast %scan3A_247 : i32 to index
      %swap3A_283 = arith.constant 112 : index
      %swap3A_284 = tpu.vector_load %arg11[%swap3A_282, %swap3A_283] {strides = array<i32>} : memref<48x128xf32, #tpu.memory_space<vmem>>, vector<1x16xf32>,
      %swap3A_285 = vector.shape_cast %swap3A_284 : vector<1x16xf32> to vector<16xf32>
      %swap3A_286 = vector.shape_cast %broadcast_in_dim3A_1 : vector<16xf32> to vector<1x16xf32>
      tpu.vector_store %arg11[%swap3A_282, %swap3A_283], %swap3A_286 {strides = array<i32>} : memref<48x128xf32, #tpu.memory_space<vmem>>, vector<1x16xf32>,
    }
    %scan3A_6 = arith.constant 48 : i32
    %mul3A_7 = arith.constant 624 : i32
    %mul3A_8 = arith.muli %arg1, %mul3A_7 : i32
    %add3A_9 = arith.constant 0 : i32
    %add3A_10 = arith.addi %mul3A_8, %add3A_9 : i32
    %dma_start3A = arith.constant 0 : i32
    %dma_start3A_11 = tpu.memref_slice %arg12[%add3A_10, %dma_start3A] : memref<10000x128xf32, #tpu.memory_space<vmem_shared>> -> memref<48x128xf32, #tpu.memory_space<vmem_shared>>
    %dma_start3A_12 = arith.constant 0 : i32
    %dma_start3A_13 = tpu.memref_slice %arg12[%add3A_10, %dma_start3A_12] : memref<10000x128xf32, #tpu.memory_space<vmem_shared>> -> memref<48x128xf32, #tpu.memory_space<vmem_shared>>
    tpu.enqueue_dma source(%arg11 : memref<48x128xf32, #tpu.memory_space<vmem>>) target(%dma_start3A_13 : memref<48x128xf32, #tpu.memory_space<vmem_shared>>) target_semaphore(%arg17 : memref<!tpu.dma_semaphore, #tpu.memory_space<semaphore_mem>>)
    %add3A_14 = arith.constant 48 : i32
    %add3A_15 = arith.addi %mul3A_8, %add3A_14 : i32
    %dma_start3A_16 = arith.constant 0 : i32
    %dma_start3A_17 = tpu.memref_slice %arg12[%add3A_15, %dma_start3A_16] : memref<10000x128xf32, #tpu.memory_space<vmem_shared>> -> memref<48x128xf32, #tpu.memory_space<vmem_shared>>
    %dma_start3A_18 = arith.constant 0 : i32
    %dma_start3A_19 = tpu.memref_slice %arg12[%add3A_15, %dma_start3A_18] : memref<10000x128xf32, #tpu.memory_space<vmem_shared>> -> memref<48x128xf32, #tpu.memory_space<vmem_shared>>
    tpu.enqueue_dma source(%arg11 : memref<48x128xf32, #tpu.memory_space<vmem>>) target(%dma_start3A_19 : memref<48x128xf32, #tpu.memory_space<vmem_shared>>) target_semaphore(%arg17 : memref<!tpu.dma_semaphore, #tpu.memory_space<semaphore_mem>>)
    %add3A_20 = arith.constant 96 : i32
    %add3A_21 = arith.addi %mul3A_8, %add3A_20 : i32
    %dma_start3A_22 = arith.constant 0 : i32
    %dma_start3A_23 = tpu.memref_slice %arg12[%add3A_21, %dma_start3A_22] : memref<10000x128xf32, #tpu.memory_space<vmem_shared>> -> memref<48x128xf32, #tpu.memory_space<vmem_shared>>
    %dma_start3A_24 = arith.constant 0 : i32
    %dma_start3A_25 = tpu.memref_slice %arg12[%add3A_21, %dma_start3A_24] : memref<10000x128xf32, #tpu.memory_space<vmem_shared>> -> memref<48x128xf32, #tpu.memory_space<vmem_shared>>
    tpu.enqueue_dma source(%arg11 : memref<48x128xf32, #tpu.memory_space<vmem>>) target(%dma_start3A_25 : memref<48x128xf32, #tpu.memory_space<vmem_shared>>) target_semaphore(%arg17 : memref<!tpu.dma_semaphore, #tpu.memory_space<semaphore_mem>>)
    %add3A_26 = arith.constant 144 : i32
    %add3A_27 = arith.addi %mul3A_8, %add3A_26 : i32
    %dma_start3A_28 = arith.constant 0 : i32
    %dma_start3A_29 = tpu.memref_slice %arg12[%add3A_27, %dma_start3A_28] : memref<10000x128xf32, #tpu.memory_space<vmem_shared>> -> memref<48x128xf32, #tpu.memory_space<vmem_shared>>
    %dma_start3A_30 = arith.constant 0 : i32
    %dma_start3A_31 = tpu.memref_slice %arg12[%add3A_27, %dma_start3A_30] : memref<10000x128xf32, #tpu.memory_space<vmem_shared>> -> memref<48x128xf32, #tpu.memory_space<vmem_shared>>
    tpu.enqueue_dma source(%arg11 : memref<48x128xf32, #tpu.memory_space<vmem>>) target(%dma_start3A_31 : memref<48x128xf32, #tpu.memory_space<vmem_shared>>) target_semaphore(%arg17 : memref<!tpu.dma_semaphore, #tpu.memory_space<semaphore_mem>>)
    %add3A_32 = arith.constant 192 : i32
    %add3A_33 = arith.addi %mul3A_8, %add3A_32 : i32
    %dma_start3A_34 = arith.constant 0 : i32
    %dma_start3A_35 = tpu.memref_slice %arg12[%add3A_33, %dma_start3A_34] : memref<10000x128xf32, #tpu.memory_space<vmem_shared>> -> memref<48x128xf32, #tpu.memory_space<vmem_shared>>
    %dma_start3A_36 = arith.constant 0 : i32
    %dma_start3A_37 = tpu.memref_slice %arg12[%add3A_33, %dma_start3A_36] : memref<10000x128xf32, #tpu.memory_space<vmem_shared>> -> memref<48x128xf32, #tpu.memory_space<vmem_shared>>
    tpu.enqueue_dma source(%arg11 : memref<48x128xf32, #tpu.memory_space<vmem>>) target(%dma_start3A_37 : memref<48x128xf32, #tpu.memory_space<vmem_shared>>) target_semaphore(%arg17 : memref<!tpu.dma_semaphore, #tpu.memory_space<semaphore_mem>>)
    %add3A_38 = arith.constant 240 : i32
    %add3A_39 = arith.addi %mul3A_8, %add3A_38 : i32
    %dma_start3A_40 = arith.constant 0 : i32
    %dma_start3A_41 = tpu.memref_slice %arg12[%add3A_39, %dma_start3A_40] : memref<10000x128xf32, #tpu.memory_space<vmem_shared>> -> memref<48x128xf32, #tpu.memory_space<vmem_shared>>
    %dma_start3A_42 = arith.constant 0 : i32
    %dma_start3A_43 = tpu.memref_slice %arg12[%add3A_39, %dma_start3A_42] : memref<10000x128xf32, #tpu.memory_space<vmem_shared>> -> memref<48x128xf32, #tpu.memory_space<vmem_shared>>
    tpu.enqueue_dma source(%arg11 : memref<48x128xf32, #tpu.memory_space<vmem>>) target(%dma_start3A_43 : memref<48x128xf32, #tpu.memory_space<vmem_shared>>) target_semaphore(%arg17 : memref<!tpu.dma_semaphore, #tpu.memory_space<semaphore_mem>>)
    %add3A_44 = arith.constant 288 : i32
    %add3A_45 = arith.addi %mul3A_8, %add3A_44 : i32
    %dma_start3A_46 = arith.constant 0 : i32
    %dma_start3A_47 = tpu.memref_slice %arg12[%add3A_45, %dma_start3A_46] : memref<10000x128xf32, #tpu.memory_space<vmem_shared>> -> memref<48x128xf32, #tpu.memory_space<vmem_shared>>
    %dma_start3A_48 = arith.constant 0 : i32
    %dma_start3A_49 = tpu.memref_slice %arg12[%add3A_45, %dma_start3A_48] : memref<10000x128xf32, #tpu.memory_space<vmem_shared>> -> memref<48x128xf32, #tpu.memory_space<vmem_shared>>
    tpu.enqueue_dma source(%arg11 : memref<48x128xf32, #tpu.memory_space<vmem>>) target(%dma_start3A_49 : memref<48x128xf32, #tpu.memory_space<vmem_shared>>) target_semaphore(%arg17 : memref<!tpu.dma_semaphore, #tpu.memory_space<semaphore_mem>>)
    %add3A_50 = arith.constant 336 : i32
    %add3A_51 = arith.addi %mul3A_8, %add3A_50 : i32
    %dma_start3A_52 = arith.constant 0 : i32
    %dma_start3A_53 = tpu.memref_slice %arg12[%add3A_51, %dma_start3A_52] : memref<10000x128xf32, #tpu.memory_space<vmem_shared>> -> memref<48x128xf32, #tpu.memory_space<vmem_shared>>
    %dma_start3A_54 = arith.constant 0 : i32
    %dma_start3A_55 = tpu.memref_slice %arg12[%add3A_51, %dma_start3A_54] : memref<10000x128xf32, #tpu.memory_space<vmem_shared>> -> memref<48x128xf32, #tpu.memory_space<vmem_shared>>
    tpu.enqueue_dma source(%arg11 : memref<48x128xf32, #tpu.memory_space<vmem>>) target(%dma_start3A_55 : memref<48x128xf32, #tpu.memory_space<vmem_shared>>) target_semaphore(%arg17 : memref<!tpu.dma_semaphore, #tpu.memory_space<semaphore_mem>>)
    %add3A_56 = arith.constant 384 : i32
    %add3A_57 = arith.addi %mul3A_8, %add3A_56 : i32
    %dma_start3A_58 = arith.constant 0 : i32
    %dma_start3A_59 = tpu.memref_slice %arg12[%add3A_57, %dma_start3A_58] : memref<10000x128xf32, #tpu.memory_space<vmem_shared>> -> memref<48x128xf32, #tpu.memory_space<vmem_shared>>
    %dma_start3A_60 = arith.constant 0 : i32
    %dma_start3A_61 = tpu.memref_slice %arg12[%add3A_57, %dma_start3A_60] : memref<10000x128xf32, #tpu.memory_space<vmem_shared>> -> memref<48x128xf32, #tpu.memory_space<vmem_shared>>
    tpu.enqueue_dma source(%arg11 : memref<48x128xf32, #tpu.memory_space<vmem>>) target(%dma_start3A_61 : memref<48x128xf32, #tpu.memory_space<vmem_shared>>) target_semaphore(%arg17 : memref<!tpu.dma_semaphore, #tpu.memory_space<semaphore_mem>>)
    %add3A_62 = arith.constant 432 : i32
    %add3A_63 = arith.addi %mul3A_8, %add3A_62 : i32
    %dma_start3A_64 = arith.constant 0 : i32
    %dma_start3A_65 = tpu.memref_slice %arg12[%add3A_63, %dma_start3A_64] : memref<10000x128xf32, #tpu.memory_space<vmem_shared>> -> memref<48x128xf32, #tpu.memory_space<vmem_shared>>
    %dma_start3A_66 = arith.constant 0 : i32
    %dma_start3A_67 = tpu.memref_slice %arg12[%add3A_63, %dma_start3A_66] : memref<10000x128xf32, #tpu.memory_space<vmem_shared>> -> memref<48x128xf32, #tpu.memory_space<vmem_shared>>
    tpu.enqueue_dma source(%arg11 : memref<48x128xf32, #tpu.memory_space<vmem>>) target(%dma_start3A_67 : memref<48x128xf32, #tpu.memory_space<vmem_shared>>) target_semaphore(%arg17 : memref<!tpu.dma_semaphore, #tpu.memory_space<semaphore_mem>>)
    %add3A_68 = arith.constant 480 : i32
    %add3A_69 = arith.addi %mul3A_8, %add3A_68 : i32
    %dma_start3A_70 = arith.constant 0 : i32
    %dma_start3A_71 = tpu.memref_slice %arg12[%add3A_69, %dma_start3A_70] : memref<10000x128xf32, #tpu.memory_space<vmem_shared>> -> memref<48x128xf32, #tpu.memory_space<vmem_shared>>
    %dma_start3A_72 = arith.constant 0 : i32
    %dma_start3A_73 = tpu.memref_slice %arg12[%add3A_69, %dma_start3A_72] : memref<10000x128xf32, #tpu.memory_space<vmem_shared>> -> memref<48x128xf32, #tpu.memory_space<vmem_shared>>
    tpu.enqueue_dma source(%arg11 : memref<48x128xf32, #tpu.memory_space<vmem>>) target(%dma_start3A_73 : memref<48x128xf32, #tpu.memory_space<vmem_shared>>) target_semaphore(%arg17 : memref<!tpu.dma_semaphore, #tpu.memory_space<semaphore_mem>>)
    %add3A_74 = arith.constant 528 : i32
    %add3A_75 = arith.addi %mul3A_8, %add3A_74 : i32
    %dma_start3A_76 = arith.constant 0 : i32
    %dma_start3A_77 = tpu.memref_slice %arg12[%add3A_75, %dma_start3A_76] : memref<10000x128xf32, #tpu.memory_space<vmem_shared>> -> memref<48x128xf32, #tpu.memory_space<vmem_shared>>
    %dma_start3A_78 = arith.constant 0 : i32
    %dma_start3A_79 = tpu.memref_slice %arg12[%add3A_75, %dma_start3A_78] : memref<10000x128xf32, #tpu.memory_space<vmem_shared>> -> memref<48x128xf32, #tpu.memory_space<vmem_shared>>
    tpu.enqueue_dma source(%arg11 : memref<48x128xf32, #tpu.memory_space<vmem>>) target(%dma_start3A_79 : memref<48x128xf32, #tpu.memory_space<vmem_shared>>) target_semaphore(%arg17 : memref<!tpu.dma_semaphore, #tpu.memory_space<semaphore_mem>>)
    %add3A_80 = arith.constant 576 : i32
    %add3A_81 = arith.addi %mul3A_8, %add3A_80 : i32
    %dma_start3A_82 = arith.constant 0 : i32
    %dma_start3A_83 = tpu.memref_slice %arg12[%add3A_81, %dma_start3A_82] : memref<10000x128xf32, #tpu.memory_space<vmem_shared>> -> memref<48x128xf32, #tpu.memory_space<vmem_shared>>
    %dma_start3A_84 = arith.constant 0 : i32
    %dma_start3A_85 = tpu.memref_slice %arg12[%add3A_81, %dma_start3A_84] : memref<10000x128xf32, #tpu.memory_space<vmem_shared>> -> memref<48x128xf32, #tpu.memory_space<vmem_shared>>
    tpu.enqueue_dma source(%arg11 : memref<48x128xf32, #tpu.memory_space<vmem>>) target(%dma_start3A_85 : memref<48x128xf32, #tpu.memory_space<vmem_shared>>) target_semaphore(%arg17 : memref<!tpu.dma_semaphore, #tpu.memory_space<semaphore_mem>>)
    %eq3A = arith.constant 15 : i32
    %eq3A_86 = arith.cmpi eq, %arg1, %eq3A : i32
    %convert_element_type3A = arith.extui %eq3A_86 : i1 to i32
    %cond3A = arith.constant 0 : i32
    %cond3A_87 = arith.cmpi ne, %convert_element_type3A, %cond3A : i32
    scf.if %cond3A_87 {
      %dma_start3A_247 = arith.constant 0 : i32
      %dma_start3A_248 = arith.constant 0 : i32
      %dma_start3A_249 = tpu.memref_slice %arg11[%dma_start3A_247, %dma_start3A_248] : memref<48x128xf32, #tpu.memory_space<vmem>> -> memref<16x128xf32, #tpu.memory_space<vmem>>
      %dma_start3A_250 = arith.constant 9984 : i32
      %dma_start3A_251 = arith.constant 0 : i32
      %dma_start3A_252 = tpu.memref_slice %arg12[%dma_start3A_250, %dma_start3A_251] : memref<10000x128xf32, #tpu.memory_space<vmem_shared>> -> memref<16x128xf32, #tpu.memory_space<vmem_shared>>
      %dma_start3A_253 = arith.constant 9984 : i32
      %dma_start3A_254 = arith.constant 0 : i32
      %dma_start3A_255 = tpu.memref_slice %arg12[%dma_start3A_253, %dma_start3A_254] : memref<10000x128xf32, #tpu.memory_space<vmem_shared>> -> memref<16x128xf32, #tpu.memory_space<vmem_shared>>
      %dma_start3A_256 = arith.constant 0 : i32
      %dma_start3A_257 = arith.constant 0 : i32
      %dma_start3A_258 = tpu.memref_slice %arg11[%dma_start3A_256, %dma_start3A_257] : memref<48x128xf32, #tpu.memory_space<vmem>> -> memref<16x128xf32, #tpu.memory_space<vmem>>
      tpu.enqueue_dma source(%dma_start3A_258 : memref<16x128xf32, #tpu.memory_space<vmem>>) target(%dma_start3A_255 : memref<16x128xf32, #tpu.memory_space<vmem_shared>>) target_semaphore(%arg17 : memref<!tpu.dma_semaphore, #tpu.memory_space<semaphore_mem>>)
      %dma_wait3A_259 = arith.constant 0 : i32
      %dma_wait3A_260 = arith.constant 0 : i32
      %dma_wait3A_261 = tpu.memref_slice %arg11[%dma_wait3A_259, %dma_wait3A_260] : memref<48x128xf32, #tpu.memory_space<vmem>> -> memref<16x128xf32, #tpu.memory_space<vmem>>
      %dma_wait3A_262 = arith.constant 9984 : i32
      %dma_wait3A_263 = arith.constant 0 : i32
      %dma_wait3A_264 = tpu.memref_slice %arg12[%dma_wait3A_262, %dma_wait3A_263] : memref<10000x128xf32, #tpu.memory_space<vmem_shared>> -> memref<16x128xf32, #tpu.memory_space<vmem_shared>>
      %dma_wait3A_265 = arith.constant 9984 : i32
      %dma_wait3A_266 = arith.constant 0 : i32
      %dma_wait3A_267 = tpu.memref_slice %arg12[%dma_wait3A_265, %dma_wait3A_266] : memref<10000x128xf32, #tpu.memory_space<vmem_shared>> -> memref<16x128xf32, #tpu.memory_space<vmem_shared>>
      %dma_wait3A_268 = arith.constant 0 : i32
      %dma_wait3A_269 = arith.constant 0 : i32
      %dma_wait3A_270 = tpu.memref_slice %arg11[%dma_wait3A_268, %dma_wait3A_269] : memref<48x128xf32, #tpu.memory_space<vmem>> -> memref<16x128xf32, #tpu.memory_space<vmem>>
      tpu.wait_dma2 semaphore(%arg17 : memref<!tpu.dma_semaphore, #tpu.memory_space<semaphore_mem>>) src(%dma_wait3A_270 : memref<16x128xf32, #tpu.memory_space<vmem>>) dst(%dma_wait3A_267 : memref<16x128xf32, #tpu.memory_space<vmem_shared>>)
    } else {
    }
    %dma_wait3A = arith.constant 0 : i32
    %dma_wait3A_88 = tpu.memref_slice %arg12[%add3A_10, %dma_wait3A] : memref<10000x128xf32, #tpu.memory_space<vmem_shared>> -> memref<48x128xf32, #tpu.memory_space<vmem_shared>>
    %dma_wait3A_89 = arith.constant 0 : i32
    %dma_wait3A_90 = tpu.memref_slice %arg12[%add3A_10, %dma_wait3A_89] : memref<10000x128xf32, #tpu.memory_space<vmem_shared>> -> memref<48x128xf32, #tpu.memory_space<vmem_shared>>
    tpu.wait_dma2 semaphore(%arg17 : memref<!tpu.dma_semaphore, #tpu.memory_space<semaphore_mem>>) src(%arg11 : memref<48x128xf32, #tpu.memory_space<vmem>>) dst(%dma_wait3A_90 : memref<48x128xf32, #tpu.memory_space<vmem_shared>>)
    %dma_wait3A_91 = arith.constant 0 : i32
    %dma_wait3A_92 = tpu.memref_slice %arg12[%add3A_15, %dma_wait3A_91] : memref<10000x128xf32, #tpu.memory_space<vmem_shared>> -> memref<48x128xf32, #tpu.memory_space<vmem_shared>>
    %dma_wait3A_93 = arith.constant 0 : i32
    %dma_wait3A_94 = tpu.memref_slice %arg12[%add3A_15, %dma_wait3A_93] : memref<10000x128xf32, #tpu.memory_space<vmem_shared>> -> memref<48x128xf32, #tpu.memory_space<vmem_shared>>
    tpu.wait_dma2 semaphore(%arg17 : memref<!tpu.dma_semaphore, #tpu.memory_space<semaphore_mem>>) src(%arg11 : memref<48x128xf32, #tpu.memory_space<vmem>>) dst(%dma_wait3A_94 : memref<48x128xf32, #tpu.memory_space<vmem_shared>>)
    %dma_wait3A_95 = arith.constant 0 : i32
    %dma_wait3A_96 = tpu.memref_slice %arg12[%add3A_21, %dma_wait3A_95] : memref<10000x128xf32, #tpu.memory_space<vmem_shared>> -> memref<48x128xf32, #tpu.memory_space<vmem_shared>>
    %dma_wait3A_97 = arith.constant 0 : i32
    %dma_wait3A_98 = tpu.memref_slice %arg12[%add3A_21, %dma_wait3A_97] : memref<10000x128xf32, #tpu.memory_space<vmem_shared>> -> memref<48x128xf32, #tpu.memory_space<vmem_shared>>
    tpu.wait_dma2 semaphore(%arg17 : memref<!tpu.dma_semaphore, #tpu.memory_space<semaphore_mem>>) src(%arg11 : memref<48x128xf32, #tpu.memory_space<vmem>>) dst(%dma_wait3A_98 : memref<48x128xf32, #tpu.memory_space<vmem_shared>>)
    %dma_wait3A_99 = arith.constant 0 : i32
    %dma_wait3A_100 = tpu.memref_slice %arg12[%add3A_27, %dma_wait3A_99] : memref<10000x128xf32, #tpu.memory_space<vmem_shared>> -> memref<48x128xf32, #tpu.memory_space<vmem_shared>>
    %dma_wait3A_101 = arith.constant 0 : i32
    %dma_wait3A_102 = tpu.memref_slice %arg12[%add3A_27, %dma_wait3A_101] : memref<10000x128xf32, #tpu.memory_space<vmem_shared>> -> memref<48x128xf32, #tpu.memory_space<vmem_shared>>
    tpu.wait_dma2 semaphore(%arg17 : memref<!tpu.dma_semaphore, #tpu.memory_space<semaphore_mem>>) src(%arg11 : memref<48x128xf32, #tpu.memory_space<vmem>>) dst(%dma_wait3A_102 : memref<48x128xf32, #tpu.memory_space<vmem_shared>>)
    %dma_wait3A_103 = arith.constant 0 : i32
    %dma_wait3A_104 = tpu.memref_slice %arg12[%add3A_33, %dma_wait3A_103] : memref<10000x128xf32, #tpu.memory_space<vmem_shared>> -> memref<48x128xf32, #tpu.memory_space<vmem_shared>>
    %dma_wait3A_105 = arith.constant 0 : i32
    %dma_wait3A_106 = tpu.memref_slice %arg12[%add3A_33, %dma_wait3A_105] : memref<10000x128xf32, #tpu.memory_space<vmem_shared>> -> memref<48x128xf32, #tpu.memory_space<vmem_shared>>
    tpu.wait_dma2 semaphore(%arg17 : memref<!tpu.dma_semaphore, #tpu.memory_space<semaphore_mem>>) src(%arg11 : memref<48x128xf32, #tpu.memory_space<vmem>>) dst(%dma_wait3A_106 : memref<48x128xf32, #tpu.memory_space<vmem_shared>>)
    %dma_wait3A_107 = arith.constant 0 : i32
    %dma_wait3A_108 = tpu.memref_slice %arg12[%add3A_39, %dma_wait3A_107] : memref<10000x128xf32, #tpu.memory_space<vmem_shared>> -> memref<48x128xf32, #tpu.memory_space<vmem_shared>>
    %dma_wait3A_109 = arith.constant 0 : i32
    %dma_wait3A_110 = tpu.memref_slice %arg12[%add3A_39, %dma_wait3A_109] : memref<10000x128xf32, #tpu.memory_space<vmem_shared>> -> memref<48x128xf32, #tpu.memory_space<vmem_shared>>
    tpu.wait_dma2 semaphore(%arg17 : memref<!tpu.dma_semaphore, #tpu.memory_space<semaphore_mem>>) src(%arg11 : memref<48x128xf32, #tpu.memory_space<vmem>>) dst(%dma_wait3A_110 : memref<48x128xf32, #tpu.memory_space<vmem_shared>>)
    %dma_wait3A_111 = arith.constant 0 : i32
    %dma_wait3A_112 = tpu.memref_slice %arg12[%add3A_45, %dma_wait3A_111] : memref<10000x128xf32, #tpu.memory_space<vmem_shared>> -> memref<48x128xf32, #tpu.memory_space<vmem_shared>>
    %dma_wait3A_113 = arith.constant 0 : i32
    %dma_wait3A_114 = tpu.memref_slice %arg12[%add3A_45, %dma_wait3A_113] : memref<10000x128xf32, #tpu.memory_space<vmem_shared>> -> memref<48x128xf32, #tpu.memory_space<vmem_shared>>
    tpu.wait_dma2 semaphore(%arg17 : memref<!tpu.dma_semaphore, #tpu.memory_space<semaphore_mem>>) src(%arg11 : memref<48x128xf32, #tpu.memory_space<vmem>>) dst(%dma_wait3A_114 : memref<48x128xf32, #tpu.memory_space<vmem_shared>>)
    %dma_wait3A_115 = arith.constant 0 : i32
    %dma_wait3A_116 = tpu.memref_slice %arg12[%add3A_51, %dma_wait3A_115] : memref<10000x128xf32, #tpu.memory_space<vmem_shared>> -> memref<48x128xf32, #tpu.memory_space<vmem_shared>>
    %dma_wait3A_117 = arith.constant 0 : i32
    %dma_wait3A_118 = tpu.memref_slice %arg12[%add3A_51, %dma_wait3A_117] : memref<10000x128xf32, #tpu.memory_space<vmem_shared>> -> memref<48x128xf32, #tpu.memory_space<vmem_shared>>
    tpu.wait_dma2 semaphore(%arg17 : memref<!tpu.dma_semaphore, #tpu.memory_space<semaphore_mem>>) src(%arg11 : memref<48x128xf32, #tpu.memory_space<vmem>>) dst(%dma_wait3A_118 : memref<48x128xf32, #tpu.memory_space<vmem_shared>>)
    %dma_wait3A_119 = arith.constant 0 : i32
    %dma_wait3A_120 = tpu.memref_slice %arg12[%add3A_57, %dma_wait3A_119] : memref<10000x128xf32, #tpu.memory_space<vmem_shared>> -> memref<48x128xf32, #tpu.memory_space<vmem_shared>>
    %dma_wait3A_121 = arith.constant 0 : i32
    %dma_wait3A_122 = tpu.memref_slice %arg12[%add3A_57, %dma_wait3A_121] : memref<10000x128xf32, #tpu.memory_space<vmem_shared>> -> memref<48x128xf32, #tpu.memory_space<vmem_shared>>
    tpu.wait_dma2 semaphore(%arg17 : memref<!tpu.dma_semaphore, #tpu.memory_space<semaphore_mem>>) src(%arg11 : memref<48x128xf32, #tpu.memory_space<vmem>>) dst(%dma_wait3A_122 : memref<48x128xf32, #tpu.memory_space<vmem_shared>>)
    %dma_wait3A_123 = arith.constant 0 : i32
    %dma_wait3A_124 = tpu.memref_slice %arg12[%add3A_63, %dma_wait3A_123] : memref<10000x128xf32, #tpu.memory_space<vmem_shared>> -> memref<48x128xf32, #tpu.memory_space<vmem_shared>>
    %dma_wait3A_125 = arith.constant 0 : i32
    %dma_wait3A_126 = tpu.memref_slice %arg12[%add3A_63, %dma_wait3A_125] : memref<10000x128xf32, #tpu.memory_space<vmem_shared>> -> memref<48x128xf32, #tpu.memory_space<vmem_shared>>
    tpu.wait_dma2 semaphore(%arg17 : memref<!tpu.dma_semaphore, #tpu.memory_space<semaphore_mem>>) src(%arg11 : memref<48x128xf32, #tpu.memory_space<vmem>>) dst(%dma_wait3A_126 : memref<48x128xf32, #tpu.memory_space<vmem_shared>>)
    %dma_wait3A_127 = arith.constant 0 : i32
    %dma_wait3A_128 = tpu.memref_slice %arg12[%add3A_69, %dma_wait3A_127] : memref<10000x128xf32, #tpu.memory_space<vmem_shared>> -> memref<48x128xf32, #tpu.memory_space<vmem_shared>>
    %dma_wait3A_129 = arith.constant 0 : i32
    %dma_wait3A_130 = tpu.memref_slice %arg12[%add3A_69, %dma_wait3A_129] : memref<10000x128xf32, #tpu.memory_space<vmem_shared>> -> memref<48x128xf32, #tpu.memory_space<vmem_shared>>
    tpu.wait_dma2 semaphore(%arg17 : memref<!tpu.dma_semaphore, #tpu.memory_space<semaphore_mem>>) src(%arg11 : memref<48x128xf32, #tpu.memory_space<vmem>>) dst(%dma_wait3A_130 : memref<48x128xf32, #tpu.memory_space<vmem_shared>>)
    %dma_wait3A_131 = arith.constant 0 : i32
    %dma_wait3A_132 = tpu.memref_slice %arg12[%add3A_75, %dma_wait3A_131] : memref<10000x128xf32, #tpu.memory_space<vmem_shared>> -> memref<48x128xf32, #tpu.memory_space<vmem_shared>>
    %dma_wait3A_133 = arith.constant 0 : i32
    %dma_wait3A_134 = tpu.memref_slice %arg12[%add3A_75, %dma_wait3A_133] : memref<10000x128xf32, #tpu.memory_space<vmem_shared>> -> memref<48x128xf32, #tpu.memory_space<vmem_shared>>
    tpu.wait_dma2 semaphore(%arg17 : memref<!tpu.dma_semaphore, #tpu.memory_space<semaphore_mem>>) src(%arg11 : memref<48x128xf32, #tpu.memory_space<vmem>>) dst(%dma_wait3A_134 : memref<48x128xf32, #tpu.memory_space<vmem_shared>>)
    %dma_wait3A_135 = arith.constant 0 : i32
    %dma_wait3A_136 = tpu.memref_slice %arg12[%add3A_81, %dma_wait3A_135] : memref<10000x128xf32, #tpu.memory_space<vmem_shared>> -> memref<48x128xf32, #tpu.memory_space<vmem_shared>>
    %dma_wait3A_137 = arith.constant 0 : i32
    %dma_wait3A_138 = tpu.memref_slice %arg12[%add3A_81, %dma_wait3A_137] : memref<10000x128xf32, #tpu.memory_space<vmem_shared>> -> memref<48x128xf32, #tpu.memory_space<vmem_shared>>
    tpu.wait_dma2 semaphore(%arg17 : memref<!tpu.dma_semaphore, #tpu.memory_space<semaphore_mem>>) src(%arg11 : memref<48x128xf32, #tpu.memory_space<vmem>>) dst(%dma_wait3A_138 : memref<48x128xf32, #tpu.memory_space<vmem_shared>>)
    %barrier3A = arith.constant 0 : index
    tpu.barrier barrier_id(%barrier3A)
    %mul3A_139 = arith.constant 6000 : i32
    %mul3A_140 = arith.muli %add3A, %mul3A_139 : i32
    %add3A_141 = arith.constant 0 : i32
    %add3A_142 = arith.addi %mul3A_140, %add3A_141 : i32
    %dma_start3A_143 = arith.constant 0 : i32
    %dma_start3A_144 = tpu.memref_slice %arg2[%add3A_142, %dma_start3A_143] : memref<192000x128xf32, #tpu.memory_space<hbm>> -> memref<80x128xf32, #tpu.memory_space<hbm>>
    %dma_start3A_145 = arith.constant 0 : i32
    %dma_start3A_146 = tpu.memref_slice %arg2[%add3A_142, %dma_start3A_145] : memref<192000x128xf32, #tpu.memory_space<hbm>> -> memref<80x128xf32, #tpu.memory_space<hbm>>
    tpu.enqueue_dma source(%dma_start3A_146 : memref<80x128xf32, #tpu.memory_space<hbm>>) target(%arg9 : memref<80x128xf32, #tpu.memory_space<vmem>>) target_semaphore(%arg13 : memref<!tpu.dma_semaphore, #tpu.memory_space<semaphore_mem>>)
    %scan3A_147 = arith.constant 0 : i32
    %scan3A_148 = arith.constant 0 : i32
    %scan3A_149 = arith.constant 37 : i32
    %scan3A_150 = arith.addi %scan3A_148, %scan3A_149 : i32
    %scan3A_151 = arith.constant 1 : i32
    scf.for %scan3A_247 = %scan3A_148 to %scan3A_150 step %scan3A_151  : i32 {
      %mul3A_248 = arith.constant 2 : i32
      %mul3A_249 = arith.muli %mul3A_248, %scan3A_247 : i32
      %dma_wait3A_250 = arith.constant 0 : i32
      %dma_wait3A_251 = tpu.memref_slice %arg2[%mul3A_140, %dma_wait3A_250] : memref<192000x128xf32, #tpu.memory_space<hbm>> -> memref<80x128xf32, #tpu.memory_space<hbm>>
      %dma_wait3A_252 = arith.constant 0 : i32
      %dma_wait3A_253 = tpu.memref_slice %arg2[%mul3A_140, %dma_wait3A_252] : memref<192000x128xf32, #tpu.memory_space<hbm>> -> memref<80x128xf32, #tpu.memory_space<hbm>>
      tpu.wait_dma2 semaphore(%arg13 : memref<!tpu.dma_semaphore, #tpu.memory_space<semaphore_mem>>) src(%dma_wait3A_253 : memref<80x128xf32, #tpu.memory_space<hbm>>) dst(%arg9 : memref<80x128xf32, #tpu.memory_space<vmem>>)
      %ge3A = arith.constant 1 : i32
      %ge3A_254 = arith.cmpi sge, %mul3A_249, %ge3A : i32
      %convert_element_type3A_255 = arith.extui %ge3A_254 : i1 to i32
      %cond3A_256 = arith.constant 0 : i32
      %cond3A_257 = arith.cmpi ne, %convert_element_type3A_255, %cond3A_256 : i32
      scf.if %cond3A_257 {
        %dma_wait3A_301 = arith.constant 0 : i32
        %dma_wait3A_302 = arith.constant 0 : i32
        %dma_wait3A_303 = tpu.memref_slice %arg7[%dma_wait3A_301, %dma_wait3A_302] : memref<75x80xi32, #tpu.memory_space<vmem>> -> memref<1x80xi32, #tpu.memory_space<vmem>>
        %dma_wait3A_304 = tpu.memref_squeeze %dma_wait3A_303 : memref<1x80xi32, #tpu.memory_space<vmem>> -> memref<80xi32, #tpu.memory_space<vmem>>
        %dma_wait3A_305 = arith.constant 0 : i32
        %dma_wait3A_306 = arith.constant 0 : i32
        %dma_wait3A_307 = tpu.memref_slice %arg12[%dma_wait3A_305, %dma_wait3A_306] : memref<10000x128xf32, #tpu.memory_space<vmem_shared>> -> memref<10000x128xf32, #tpu.memory_space<vmem_shared>>
        tpu.wait_indirect_dma semaphore(%arg16 : memref<!tpu.dma_semaphore, #tpu.memory_space<semaphore_mem>>) src(%arg10 : memref<80x128xf32, #tpu.memory_space<vmem>>) dst(%dma_wait3A_307 : memref<10000x128xf32, #tpu.memory_space<vmem_shared>>)
      } else {
      }
      %add3A_258 = arith.constant 1 : i32
      %add3A_259 = arith.addi %mul3A_249, %add3A_258 : i32
      %mul3A_260 = arith.constant 80 : i32
      %mul3A_261 = arith.muli %add3A_259, %mul3A_260 : i32
      %add3A_262 = arith.addi %mul3A_140, %mul3A_261 : i32
      %dma_start3A_263 = arith.constant 0 : i32
      %dma_start3A_264 = tpu.memref_slice %arg2[%add3A_262, %dma_start3A_263] : memref<192000x128xf32, #tpu.memory_space<hbm>> -> memref<80x128xf32, #tpu.memory_space<hbm>>
      %dma_start3A_265 = arith.constant 0 : i32
      %dma_start3A_266 = tpu.memref_slice %arg2[%add3A_262, %dma_start3A_265] : memref<192000x128xf32, #tpu.memory_space<hbm>> -> memref<80x128xf32, #tpu.memory_space<hbm>>
      tpu.enqueue_dma source(%dma_start3A_266 : memref<80x128xf32, #tpu.memory_space<hbm>>) target(%arg10 : memref<80x128xf32, #tpu.memory_space<vmem>>) target_semaphore(%arg14 : memref<!tpu.dma_semaphore, #tpu.memory_space<semaphore_mem>>)
      %dma_start3A_267 = arith.constant 0 : i32
      %dma_start3A_268 = tpu.memref_slice %arg7[%mul3A_249, %dma_start3A_267] : memref<75x80xi32, #tpu.memory_space<vmem>> -> memref<1x80xi32, #tpu.memory_space<vmem>>
      %dma_start3A_269 = tpu.memref_squeeze %dma_start3A_268 : memref<1x80xi32, #tpu.memory_space<vmem>> -> memref<80xi32, #tpu.memory_space<vmem>>
      %dma_start3A_270 = arith.constant 0 : i32
      %dma_start3A_271 = arith.constant 0 : i32
      %dma_start3A_272 = tpu.memref_slice %arg12[%dma_start3A_270, %dma_start3A_271] : memref<10000x128xf32, #tpu.memory_space<vmem_shared>> -> memref<10000x128xf32, #tpu.memory_space<vmem_shared>>
      tpu.enqueue_indirect_dma source(%arg9 : memref<80x128xf32, #tpu.memory_space<vmem>>) target(%dma_start3A_272 : memref<10000x128xf32, #tpu.memory_space<vmem_shared>>) offsets(%dma_start3A_269 : memref<80xi32, #tpu.memory_space<vmem>>) semaphore(%arg15 : memref<!tpu.dma_semaphore, #tpu.memory_space<semaphore_mem>>) {add = true}
      %mul3A_273 = arith.constant 2 : i32
      %mul3A_274 = arith.muli %mul3A_273, %scan3A_247 : i32
      %add3A_275 = arith.constant 1 : i32
      %add3A_276 = arith.addi %mul3A_274, %add3A_275 : i32
      %dma_wait3A_277 = arith.constant 0 : i32
      %dma_wait3A_278 = tpu.memref_slice %arg2[%mul3A_140, %dma_wait3A_277] : memref<192000x128xf32, #tpu.memory_space<hbm>> -> memref<80x128xf32, #tpu.memory_space<hbm>>
      %dma_wait3A_279 = arith.constant 0 : i32
      %dma_wait3A_280 = tpu.memref_slice %arg2[%mul3A_140, %dma_wait3A_279] : memref<192000x128xf32, #tpu.memory_space<hbm>> -> memref<80x128xf32, #tpu.memory_space<hbm>>
      tpu.wait_dma2 semaphore(%arg14 : memref<!tpu.dma_semaphore, #tpu.memory_space<semaphore_mem>>) src(%dma_wait3A_280 : memref<80x128xf32, #tpu.memory_space<hbm>>) dst(%arg10 : memref<80x128xf32, #tpu.memory_space<vmem>>)
      %ge3A_281 = arith.constant 1 : i32
      %ge3A_282 = arith.cmpi sge, %add3A_276, %ge3A_281 : i32
      %convert_element_type3A_283 = arith.extui %ge3A_282 : i1 to i32
      %cond3A_284 = arith.constant 0 : i32
      %cond3A_285 = arith.cmpi ne, %convert_element_type3A_283, %cond3A_284 : i32
      scf.if %cond3A_285 {
        %dma_wait3A_301 = arith.constant 0 : i32
        %dma_wait3A_302 = arith.constant 0 : i32
        %dma_wait3A_303 = tpu.memref_slice %arg7[%dma_wait3A_301, %dma_wait3A_302] : memref<75x80xi32, #tpu.memory_space<vmem>> -> memref<1x80xi32, #tpu.memory_space<vmem>>
        %dma_wait3A_304 = tpu.memref_squeeze %dma_wait3A_303 : memref<1x80xi32, #tpu.memory_space<vmem>> -> memref<80xi32, #tpu.memory_space<vmem>>
        %dma_wait3A_305 = arith.constant 0 : i32
        %dma_wait3A_306 = arith.constant 0 : i32
        %dma_wait3A_307 = tpu.memref_slice %arg12[%dma_wait3A_305, %dma_wait3A_306] : memref<10000x128xf32, #tpu.memory_space<vmem_shared>> -> memref<10000x128xf32, #tpu.memory_space<vmem_shared>>
        tpu.wait_indirect_dma semaphore(%arg15 : memref<!tpu.dma_semaphore, #tpu.memory_space<semaphore_mem>>) src(%arg9 : memref<80x128xf32, #tpu.memory_space<vmem>>) dst(%dma_wait3A_307 : memref<10000x128xf32, #tpu.memory_space<vmem_shared>>)
      } else {
      }
      %add3A_286 = arith.constant 1 : i32
      %add3A_287 = arith.addi %add3A_276, %add3A_286 : i32
      %mul3A_288 = arith.constant 80 : i32
      %mul3A_289 = arith.muli %add3A_287, %mul3A_288 : i32
      %add3A_290 = arith.addi %mul3A_140, %mul3A_289 : i32
      %dma_start3A_291 = arith.constant 0 : i32
      %dma_start3A_292 = tpu.memref_slice %arg2[%add3A_290, %dma_start3A_291] : memref<192000x128xf32, #tpu.memory_space<hbm>> -> memref<80x128xf32, #tpu.memory_space<hbm>>
      %dma_start3A_293 = arith.constant 0 : i32
      %dma_start3A_294 = tpu.memref_slice %arg2[%add3A_290, %dma_start3A_293] : memref<192000x128xf32, #tpu.memory_space<hbm>> -> memref<80x128xf32, #tpu.memory_space<hbm>>
      tpu.enqueue_dma source(%dma_start3A_294 : memref<80x128xf32, #tpu.memory_space<hbm>>) target(%arg9 : memref<80x128xf32, #tpu.memory_space<vmem>>) target_semaphore(%arg13 : memref<!tpu.dma_semaphore, #tpu.memory_space<semaphore_mem>>)
      %dma_start3A_295 = arith.constant 0 : i32
      %dma_start3A_296 = tpu.memref_slice %arg7[%add3A_276, %dma_start3A_295] : memref<75x80xi32, #tpu.memory_space<vmem>> -> memref<1x80xi32, #tpu.memory_space<vmem>>
      %dma_start3A_297 = tpu.memref_squeeze %dma_start3A_296 : memref<1x80xi32, #tpu.memory_space<vmem>> -> memref<80xi32, #tpu.memory_space<vmem>>
      %dma_start3A_298 = arith.constant 0 : i32
      %dma_start3A_299 = arith.constant 0 : i32
      %dma_start3A_300 = tpu.memref_slice %arg12[%dma_start3A_298, %dma_start3A_299] : memref<10000x128xf32, #tpu.memory_space<vmem_shared>> -> memref<10000x128xf32, #tpu.memory_space<vmem_shared>>
      tpu.enqueue_indirect_dma source(%arg10 : memref<80x128xf32, #tpu.memory_space<vmem>>) target(%dma_start3A_300 : memref<10000x128xf32, #tpu.memory_space<vmem_shared>>) offsets(%dma_start3A_297 : memref<80xi32, #tpu.memory_space<vmem>>) semaphore(%arg16 : memref<!tpu.dma_semaphore, #tpu.memory_space<semaphore_mem>>) {add = true}
    }
    %scan3A_152 = arith.constant 37 : i32
    %dma_wait3A_153 = arith.constant 0 : i32
    %dma_wait3A_154 = tpu.memref_slice %arg2[%mul3A_140, %dma_wait3A_153] : memref<192000x128xf32, #tpu.memory_space<hbm>> -> memref<80x128xf32, #tpu.memory_space<hbm>>
    %dma_wait3A_155 = arith.constant 0 : i32
    %dma_wait3A_156 = tpu.memref_slice %arg2[%mul3A_140, %dma_wait3A_155] : memref<192000x128xf32, #tpu.memory_space<hbm>> -> memref<80x128xf32, #tpu.memory_space<hbm>>
    tpu.wait_dma2 semaphore(%arg13 : memref<!tpu.dma_semaphore, #tpu.memory_space<semaphore_mem>>) src(%dma_wait3A_156 : memref<80x128xf32, #tpu.memory_space<hbm>>) dst(%arg9 : memref<80x128xf32, #tpu.memory_space<vmem>>)
    %dma_start3A_157 = arith.constant 74 : i32
    %dma_start3A_158 = arith.constant 0 : i32
    %dma_start3A_159 = tpu.memref_slice %arg7[%dma_start3A_157, %dma_start3A_158] : memref<75x80xi32, #tpu.memory_space<vmem>> -> memref<1x80xi32, #tpu.memory_space<vmem>>
    %dma_start3A_160 = tpu.memref_squeeze %dma_start3A_159 : memref<1x80xi32, #tpu.memory_space<vmem>> -> memref<80xi32, #tpu.memory_space<vmem>>
    %dma_start3A_161 = arith.constant 0 : i32
    %dma_start3A_162 = arith.constant 0 : i32
    %dma_start3A_163 = tpu.memref_slice %arg12[%dma_start3A_161, %dma_start3A_162] : memref<10000x128xf32, #tpu.memory_space<vmem_shared>> -> memref<10000x128xf32, #tpu.memory_space<vmem_shared>>
    tpu.enqueue_indirect_dma source(%arg9 : memref<80x128xf32, #tpu.memory_space<vmem>>) target(%dma_start3A_163 : memref<10000x128xf32, #tpu.memory_space<vmem_shared>>) offsets(%dma_start3A_160 : memref<80xi32, #tpu.memory_space<vmem>>) semaphore(%arg15 : memref<!tpu.dma_semaphore, #tpu.memory_space<semaphore_mem>>) {add = true}
    %dma_wait3A_164 = arith.constant 0 : i32
    %dma_wait3A_165 = arith.constant 0 : i32
    %dma_wait3A_166 = tpu.memref_slice %arg7[%dma_wait3A_164, %dma_wait3A_165] : memref<75x80xi32, #tpu.memory_space<vmem>> -> memref<1x80xi32, #tpu.memory_space<vmem>>
    %dma_wait3A_167 = tpu.memref_squeeze %dma_wait3A_166 : memref<1x80xi32, #tpu.memory_space<vmem>> -> memref<80xi32, #tpu.memory_space<vmem>>
    %dma_wait3A_168 = arith.constant 0 : i32
    %dma_wait3A_169 = arith.constant 0 : i32
    %dma_wait3A_170 = tpu.memref_slice %arg12[%dma_wait3A_168, %dma_wait3A_169] : memref<10000x128xf32, #tpu.memory_space<vmem_shared>> -> memref<10000x128xf32, #tpu.memory_space<vmem_shared>>
    tpu.wait_indirect_dma semaphore(%arg16 : memref<!tpu.dma_semaphore, #tpu.memory_space<semaphore_mem>>) src(%arg10 : memref<80x128xf32, #tpu.memory_space<vmem>>) dst(%dma_wait3A_170 : memref<10000x128xf32, #tpu.memory_space<vmem_shared>>)
    %dma_wait3A_171 = arith.constant 0 : i32
    %dma_wait3A_172 = arith.constant 0 : i32
    %dma_wait3A_173 = tpu.memref_slice %arg7[%dma_wait3A_171, %dma_wait3A_172] : memref<75x80xi32, #tpu.memory_space<vmem>> -> memref<1x80xi32, #tpu.memory_space<vmem>>
    %dma_wait3A_174 = tpu.memref_squeeze %dma_wait3A_173 : memref<1x80xi32, #tpu.memory_space<vmem>> -> memref<80xi32, #tpu.memory_space<vmem>>
    %dma_wait3A_175 = arith.constant 0 : i32
    %dma_wait3A_176 = arith.constant 0 : i32
    %dma_wait3A_177 = tpu.memref_slice %arg12[%dma_wait3A_175, %dma_wait3A_176] : memref<10000x128xf32, #tpu.memory_space<vmem_shared>> -> memref<10000x128xf32, #tpu.memory_space<vmem_shared>>
    tpu.wait_indirect_dma semaphore(%arg15 : memref<!tpu.dma_semaphore, #tpu.memory_space<semaphore_mem>>) src(%arg9 : memref<80x128xf32, #tpu.memory_space<vmem>>) dst(%dma_wait3A_177 : memref<10000x128xf32, #tpu.memory_space<vmem_shared>>)
    %mul3A_178 = arith.constant 4000 : i32
    %mul3A_179 = arith.muli %add3A, %mul3A_178 : i32
    %add3A_180 = arith.constant 0 : i32
    %add3A_181 = arith.addi %mul3A_179, %add3A_180 : i32
    %dma_start3A_182 = arith.constant 0 : i32
    %dma_start3A_183 = tpu.memref_slice %arg4[%add3A_181, %dma_start3A_182] : memref<128000x128xf32, #tpu.memory_space<hbm>> -> memref<80x128xf32, #tpu.memory_space<hbm>>
    %dma_start3A_184 = arith.constant 0 : i32
    %dma_start3A_185 = tpu.memref_slice %arg4[%add3A_181, %dma_start3A_184] : memref<128000x128xf32, #tpu.memory_space<hbm>> -> memref<80x128xf32, #tpu.memory_space<hbm>>
    tpu.enqueue_dma source(%dma_start3A_185 : memref<80x128xf32, #tpu.memory_space<hbm>>) target(%arg9 : memref<80x128xf32, #tpu.memory_space<vmem>>) target_semaphore(%arg13 : memref<!tpu.dma_semaphore, #tpu.memory_space<semaphore_mem>>)
    %scan3A_186 = arith.constant 0 : i32
    %scan3A_187 = arith.constant 0 : i32
    %scan3A_188 = arith.constant 24 : i32
    %scan3A_189 = arith.addi %scan3A_187, %scan3A_188 : i32
    %scan3A_190 = arith.constant 1 : i32
    scf.for %scan3A_247 = %scan3A_187 to %scan3A_189 step %scan3A_190  : i32 {
      %mul3A_248 = arith.constant 2 : i32
      %mul3A_249 = arith.muli %mul3A_248, %scan3A_247 : i32
      %dma_wait3A_250 = arith.constant 0 : i32
      %dma_wait3A_251 = tpu.memref_slice %arg4[%mul3A_179, %dma_wait3A_250] : memref<128000x128xf32, #tpu.memory_space<hbm>> -> memref<80x128xf32, #tpu.memory_space<hbm>>
      %dma_wait3A_252 = arith.constant 0 : i32
      %dma_wait3A_253 = tpu.memref_slice %arg4[%mul3A_179, %dma_wait3A_252] : memref<128000x128xf32, #tpu.memory_space<hbm>> -> memref<80x128xf32, #tpu.memory_space<hbm>>
      tpu.wait_dma2 semaphore(%arg13 : memref<!tpu.dma_semaphore, #tpu.memory_space<semaphore_mem>>) src(%dma_wait3A_253 : memref<80x128xf32, #tpu.memory_space<hbm>>) dst(%arg9 : memref<80x128xf32, #tpu.memory_space<vmem>>)
      %ge3A = arith.constant 1 : i32
      %ge3A_254 = arith.cmpi sge, %mul3A_249, %ge3A : i32
      %convert_element_type3A_255 = arith.extui %ge3A_254 : i1 to i32
      %cond3A_256 = arith.constant 0 : i32
      %cond3A_257 = arith.cmpi ne, %convert_element_type3A_255, %cond3A_256 : i32
      scf.if %cond3A_257 {
        %dma_wait3A_301 = arith.constant 0 : i32
        %dma_wait3A_302 = arith.constant 0 : i32
        %dma_wait3A_303 = tpu.memref_slice %arg8[%dma_wait3A_301, %dma_wait3A_302] : memref<50x80xi32, #tpu.memory_space<vmem>> -> memref<1x80xi32, #tpu.memory_space<vmem>>
        %dma_wait3A_304 = tpu.memref_squeeze %dma_wait3A_303 : memref<1x80xi32, #tpu.memory_space<vmem>> -> memref<80xi32, #tpu.memory_space<vmem>>
        %dma_wait3A_305 = arith.constant 0 : i32
        %dma_wait3A_306 = arith.constant 0 : i32
        %dma_wait3A_307 = tpu.memref_slice %arg12[%dma_wait3A_305, %dma_wait3A_306] : memref<10000x128xf32, #tpu.memory_space<vmem_shared>> -> memref<10000x128xf32, #tpu.memory_space<vmem_shared>>
        tpu.wait_indirect_dma semaphore(%arg16 : memref<!tpu.dma_semaphore, #tpu.memory_space<semaphore_mem>>) src(%arg10 : memref<80x128xf32, #tpu.memory_space<vmem>>) dst(%dma_wait3A_307 : memref<10000x128xf32, #tpu.memory_space<vmem_shared>>)
      } else {
      }
      %add3A_258 = arith.constant 1 : i32
      %add3A_259 = arith.addi %mul3A_249, %add3A_258 : i32
      %mul3A_260 = arith.constant 80 : i32
      %mul3A_261 = arith.muli %add3A_259, %mul3A_260 : i32
      %add3A_262 = arith.addi %mul3A_179, %mul3A_261 : i32
      %dma_start3A_263 = arith.constant 0 : i32
      %dma_start3A_264 = tpu.memref_slice %arg4[%add3A_262, %dma_start3A_263] : memref<128000x128xf32, #tpu.memory_space<hbm>> -> memref<80x128xf32, #tpu.memory_space<hbm>>
      %dma_start3A_265 = arith.constant 0 : i32
      %dma_start3A_266 = tpu.memref_slice %arg4[%add3A_262, %dma_start3A_265] : memref<128000x128xf32, #tpu.memory_space<hbm>> -> memref<80x128xf32, #tpu.memory_space<hbm>>
      tpu.enqueue_dma source(%dma_start3A_266 : memref<80x128xf32, #tpu.memory_space<hbm>>) target(%arg10 : memref<80x128xf32, #tpu.memory_space<vmem>>) target_semaphore(%arg14 : memref<!tpu.dma_semaphore, #tpu.memory_space<semaphore_mem>>)
      %dma_start3A_267 = arith.constant 0 : i32
      %dma_start3A_268 = tpu.memref_slice %arg8[%mul3A_249, %dma_start3A_267] : memref<50x80xi32, #tpu.memory_space<vmem>> -> memref<1x80xi32, #tpu.memory_space<vmem>>
      %dma_start3A_269 = tpu.memref_squeeze %dma_start3A_268 : memref<1x80xi32, #tpu.memory_space<vmem>> -> memref<80xi32, #tpu.memory_space<vmem>>
      %dma_start3A_270 = arith.constant 0 : i32
      %dma_start3A_271 = arith.constant 0 : i32
      %dma_start3A_272 = tpu.memref_slice %arg12[%dma_start3A_270, %dma_start3A_271] : memref<10000x128xf32, #tpu.memory_space<vmem_shared>> -> memref<10000x128xf32, #tpu.memory_space<vmem_shared>>
      tpu.enqueue_indirect_dma source(%arg9 : memref<80x128xf32, #tpu.memory_space<vmem>>) target(%dma_start3A_272 : memref<10000x128xf32, #tpu.memory_space<vmem_shared>>) offsets(%dma_start3A_269 : memref<80xi32, #tpu.memory_space<vmem>>) semaphore(%arg15 : memref<!tpu.dma_semaphore, #tpu.memory_space<semaphore_mem>>) {add = true}
      %mul3A_273 = arith.constant 2 : i32
      %mul3A_274 = arith.muli %mul3A_273, %scan3A_247 : i32
      %add3A_275 = arith.constant 1 : i32
      %add3A_276 = arith.addi %mul3A_274, %add3A_275 : i32
      %dma_wait3A_277 = arith.constant 0 : i32
      %dma_wait3A_278 = tpu.memref_slice %arg4[%mul3A_179, %dma_wait3A_277] : memref<128000x128xf32, #tpu.memory_space<hbm>> -> memref<80x128xf32, #tpu.memory_space<hbm>>
      %dma_wait3A_279 = arith.constant 0 : i32
      %dma_wait3A_280 = tpu.memref_slice %arg4[%mul3A_179, %dma_wait3A_279] : memref<128000x128xf32, #tpu.memory_space<hbm>> -> memref<80x128xf32, #tpu.memory_space<hbm>>
      tpu.wait_dma2 semaphore(%arg14 : memref<!tpu.dma_semaphore, #tpu.memory_space<semaphore_mem>>) src(%dma_wait3A_280 : memref<80x128xf32, #tpu.memory_space<hbm>>) dst(%arg10 : memref<80x128xf32, #tpu.memory_space<vmem>>)
      %ge3A_281 = arith.constant 1 : i32
      %ge3A_282 = arith.cmpi sge, %add3A_276, %ge3A_281 : i32
      %convert_element_type3A_283 = arith.extui %ge3A_282 : i1 to i32
      %cond3A_284 = arith.constant 0 : i32
      %cond3A_285 = arith.cmpi ne, %convert_element_type3A_283, %cond3A_284 : i32
      scf.if %cond3A_285 {
        %dma_wait3A_301 = arith.constant 0 : i32
        %dma_wait3A_302 = arith.constant 0 : i32
        %dma_wait3A_303 = tpu.memref_slice %arg8[%dma_wait3A_301, %dma_wait3A_302] : memref<50x80xi32, #tpu.memory_space<vmem>> -> memref<1x80xi32, #tpu.memory_space<vmem>>
        %dma_wait3A_304 = tpu.memref_squeeze %dma_wait3A_303 : memref<1x80xi32, #tpu.memory_space<vmem>> -> memref<80xi32, #tpu.memory_space<vmem>>
        %dma_wait3A_305 = arith.constant 0 : i32
        %dma_wait3A_306 = arith.constant 0 : i32
        %dma_wait3A_307 = tpu.memref_slice %arg12[%dma_wait3A_305, %dma_wait3A_306] : memref<10000x128xf32, #tpu.memory_space<vmem_shared>> -> memref<10000x128xf32, #tpu.memory_space<vmem_shared>>
        tpu.wait_indirect_dma semaphore(%arg15 : memref<!tpu.dma_semaphore, #tpu.memory_space<semaphore_mem>>) src(%arg9 : memref<80x128xf32, #tpu.memory_space<vmem>>) dst(%dma_wait3A_307 : memref<10000x128xf32, #tpu.memory_space<vmem_shared>>)
      } else {
      }
      %add3A_286 = arith.constant 1 : i32
      %add3A_287 = arith.addi %add3A_276, %add3A_286 : i32
      %mul3A_288 = arith.constant 80 : i32
      %mul3A_289 = arith.muli %add3A_287, %mul3A_288 : i32
      %add3A_290 = arith.addi %mul3A_179, %mul3A_289 : i32
      %dma_start3A_291 = arith.constant 0 : i32
      %dma_start3A_292 = tpu.memref_slice %arg4[%add3A_290, %dma_start3A_291] : memref<128000x128xf32, #tpu.memory_space<hbm>> -> memref<80x128xf32, #tpu.memory_space<hbm>>
      %dma_start3A_293 = arith.constant 0 : i32
      %dma_start3A_294 = tpu.memref_slice %arg4[%add3A_290, %dma_start3A_293] : memref<128000x128xf32, #tpu.memory_space<hbm>> -> memref<80x128xf32, #tpu.memory_space<hbm>>
      tpu.enqueue_dma source(%dma_start3A_294 : memref<80x128xf32, #tpu.memory_space<hbm>>) target(%arg9 : memref<80x128xf32, #tpu.memory_space<vmem>>) target_semaphore(%arg13 : memref<!tpu.dma_semaphore, #tpu.memory_space<semaphore_mem>>)
      %dma_start3A_295 = arith.constant 0 : i32
      %dma_start3A_296 = tpu.memref_slice %arg8[%add3A_276, %dma_start3A_295] : memref<50x80xi32, #tpu.memory_space<vmem>> -> memref<1x80xi32, #tpu.memory_space<vmem>>
      %dma_start3A_297 = tpu.memref_squeeze %dma_start3A_296 : memref<1x80xi32, #tpu.memory_space<vmem>> -> memref<80xi32, #tpu.memory_space<vmem>>
      %dma_start3A_298 = arith.constant 0 : i32
      %dma_start3A_299 = arith.constant 0 : i32
      %dma_start3A_300 = tpu.memref_slice %arg12[%dma_start3A_298, %dma_start3A_299] : memref<10000x128xf32, #tpu.memory_space<vmem_shared>> -> memref<10000x128xf32, #tpu.memory_space<vmem_shared>>
      tpu.enqueue_indirect_dma source(%arg10 : memref<80x128xf32, #tpu.memory_space<vmem>>) target(%dma_start3A_300 : memref<10000x128xf32, #tpu.memory_space<vmem_shared>>) offsets(%dma_start3A_297 : memref<80xi32, #tpu.memory_space<vmem>>) semaphore(%arg16 : memref<!tpu.dma_semaphore, #tpu.memory_space<semaphore_mem>>) {add = true}
    }
    %scan3A_191 = arith.constant 24 : i32
    %dma_wait3A_192 = arith.constant 0 : i32
    %dma_wait3A_193 = tpu.memref_slice %arg4[%mul3A_179, %dma_wait3A_192] : memref<128000x128xf32, #tpu.memory_space<hbm>> -> memref<80x128xf32, #tpu.memory_space<hbm>>
    %dma_wait3A_194 = arith.constant 0 : i32
    %dma_wait3A_195 = tpu.memref_slice %arg4[%mul3A_179, %dma_wait3A_194] : memref<128000x128xf32, #tpu.memory_space<hbm>> -> memref<80x128xf32, #tpu.memory_space<hbm>>
    tpu.wait_dma2 semaphore(%arg13 : memref<!tpu.dma_semaphore, #tpu.memory_space<semaphore_mem>>) src(%dma_wait3A_195 : memref<80x128xf32, #tpu.memory_space<hbm>>) dst(%arg9 : memref<80x128xf32, #tpu.memory_space<vmem>>)
    %dma_wait3A_196 = arith.constant 0 : i32
    %dma_wait3A_197 = arith.constant 0 : i32
    %dma_wait3A_198 = tpu.memref_slice %arg8[%dma_wait3A_196, %dma_wait3A_197] : memref<50x80xi32, #tpu.memory_space<vmem>> -> memref<1x80xi32, #tpu.memory_space<vmem>>
    %dma_wait3A_199 = tpu.memref_squeeze %dma_wait3A_198 : memref<1x80xi32, #tpu.memory_space<vmem>> -> memref<80xi32, #tpu.memory_space<vmem>>
    %dma_wait3A_200 = arith.constant 0 : i32
    %dma_wait3A_201 = arith.constant 0 : i32
    %dma_wait3A_202 = tpu.memref_slice %arg12[%dma_wait3A_200, %dma_wait3A_201] : memref<10000x128xf32, #tpu.memory_space<vmem_shared>> -> memref<10000x128xf32, #tpu.memory_space<vmem_shared>>
    tpu.wait_indirect_dma semaphore(%arg16 : memref<!tpu.dma_semaphore, #tpu.memory_space<semaphore_mem>>) src(%arg10 : memref<80x128xf32, #tpu.memory_space<vmem>>) dst(%dma_wait3A_202 : memref<10000x128xf32, #tpu.memory_space<vmem_shared>>)
    %add3A_203 = arith.constant 3920 : i32
    %add3A_204 = arith.addi %mul3A_179, %add3A_203 : i32
    %dma_start3A_205 = arith.constant 0 : i32
    %dma_start3A_206 = tpu.memref_slice %arg4[%add3A_204, %dma_start3A_205] : memref<128000x128xf32, #tpu.memory_space<hbm>> -> memref<80x128xf32, #tpu.memory_space<hbm>>
    %dma_start3A_207 = arith.constant 0 : i32
    %dma_start3A_208 = tpu.memref_slice %arg4[%add3A_204, %dma_start3A_207] : memref<128000x128xf32, #tpu.memory_space<hbm>> -> memref<80x128xf32, #tpu.memory_space<hbm>>
    tpu.enqueue_dma source(%dma_start3A_208 : memref<80x128xf32, #tpu.memory_space<hbm>>) target(%arg10 : memref<80x128xf32, #tpu.memory_space<vmem>>) target_semaphore(%arg14 : memref<!tpu.dma_semaphore, #tpu.memory_space<semaphore_mem>>)
    %dma_start3A_209 = arith.constant 48 : i32
    %dma_start3A_210 = arith.constant 0 : i32
    %dma_start3A_211 = tpu.memref_slice %arg8[%dma_start3A_209, %dma_start3A_210] : memref<50x80xi32, #tpu.memory_space<vmem>> -> memref<1x80xi32, #tpu.memory_space<vmem>>
    %dma_start3A_212 = tpu.memref_squeeze %dma_start3A_211 : memref<1x80xi32, #tpu.memory_space<vmem>> -> memref<80xi32, #tpu.memory_space<vmem>>
    %dma_start3A_213 = arith.constant 0 : i32
    %dma_start3A_214 = arith.constant 0 : i32
    %dma_start3A_215 = tpu.memref_slice %arg12[%dma_start3A_213, %dma_start3A_214] : memref<10000x128xf32, #tpu.memory_space<vmem_shared>> -> memref<10000x128xf32, #tpu.memory_space<vmem_shared>>
    tpu.enqueue_indirect_dma source(%arg9 : memref<80x128xf32, #tpu.memory_space<vmem>>) target(%dma_start3A_215 : memref<10000x128xf32, #tpu.memory_space<vmem_shared>>) offsets(%dma_start3A_212 : memref<80xi32, #tpu.memory_space<vmem>>) semaphore(%arg15 : memref<!tpu.dma_semaphore, #tpu.memory_space<semaphore_mem>>) {add = true}
    %dma_wait3A_216 = arith.constant 0 : i32
    %dma_wait3A_217 = tpu.memref_slice %arg4[%mul3A_179, %dma_wait3A_216] : memref<128000x128xf32, #tpu.memory_space<hbm>> -> memref<80x128xf32, #tpu.memory_space<hbm>>
    %dma_wait3A_218 = arith.constant 0 : i32
    %dma_wait3A_219 = tpu.memref_slice %arg4[%mul3A_179, %dma_wait3A_218] : memref<128000x128xf32, #tpu.memory_space<hbm>> -> memref<80x128xf32, #tpu.memory_space<hbm>>
    tpu.wait_dma2 semaphore(%arg14 : memref<!tpu.dma_semaphore, #tpu.memory_space<semaphore_mem>>) src(%dma_wait3A_219 : memref<80x128xf32, #tpu.memory_space<hbm>>) dst(%arg10 : memref<80x128xf32, #tpu.memory_space<vmem>>)
    %dma_start3A_220 = arith.constant 49 : i32
    %dma_start3A_221 = arith.constant 0 : i32
    %dma_start3A_222 = tpu.memref_slice %arg8[%dma_start3A_220, %dma_start3A_221] : memref<50x80xi32, #tpu.memory_space<vmem>> -> memref<1x80xi32, #tpu.memory_space<vmem>>
    %dma_start3A_223 = tpu.memref_squeeze %dma_start3A_222 : memref<1x80xi32, #tpu.memory_space<vmem>> -> memref<80xi32, #tpu.memory_space<vmem>>
    %dma_start3A_224 = arith.constant 0 : i32
    %dma_start3A_225 = arith.constant 0 : i32
    %dma_start3A_226 = tpu.memref_slice %arg12[%dma_start3A_224, %dma_start3A_225] : memref<10000x128xf32, #tpu.memory_space<vmem_shared>> -> memref<10000x128xf32, #tpu.memory_space<vmem_shared>>
    tpu.enqueue_indirect_dma source(%arg10 : memref<80x128xf32, #tpu.memory_space<vmem>>) target(%dma_start3A_226 : memref<10000x128xf32, #tpu.memory_space<vmem_shared>>) offsets(%dma_start3A_223 : memref<80xi32, #tpu.memory_space<vmem>>) semaphore(%arg16 : memref<!tpu.dma_semaphore, #tpu.memory_space<semaphore_mem>>) {add = true}
    %dma_wait3A_227 = arith.constant 0 : i32
    %dma_wait3A_228 = arith.constant 0 : i32
    %dma_wait3A_229 = tpu.memref_slice %arg8[%dma_wait3A_227, %dma_wait3A_228] : memref<50x80xi32, #tpu.memory_space<vmem>> -> memref<1x80xi32, #tpu.memory_space<vmem>>
    %dma_wait3A_230 = tpu.memref_squeeze %dma_wait3A_229 : memref<1x80xi32, #tpu.memory_space<vmem>> -> memref<80xi32, #tpu.memory_space<vmem>>
    %dma_wait3A_231 = arith.constant 0 : i32
    %dma_wait3A_232 = arith.constant 0 : i32
    %dma_wait3A_233 = tpu.memref_slice %arg12[%dma_wait3A_231, %dma_wait3A_232] : memref<10000x128xf32, #tpu.memory_space<vmem_shared>> -> memref<10000x128xf32, #tpu.memory_space<vmem_shared>>
    tpu.wait_indirect_dma semaphore(%arg16 : memref<!tpu.dma_semaphore, #tpu.memory_space<semaphore_mem>>) src(%arg10 : memref<80x128xf32, #tpu.memory_space<vmem>>) dst(%dma_wait3A_233 : memref<10000x128xf32, #tpu.memory_space<vmem_shared>>)
    %dma_wait3A_234 = arith.constant 0 : i32
    %dma_wait3A_235 = arith.constant 0 : i32
    %dma_wait3A_236 = tpu.memref_slice %arg8[%dma_wait3A_234, %dma_wait3A_235] : memref<50x80xi32, #tpu.memory_space<vmem>> -> memref<1x80xi32, #tpu.memory_space<vmem>>
    %dma_wait3A_237 = tpu.memref_squeeze %dma_wait3A_236 : memref<1x80xi32, #tpu.memory_space<vmem>> -> memref<80xi32, #tpu.memory_space<vmem>>
    %dma_wait3A_238 = arith.constant 0 : i32
    %dma_wait3A_239 = arith.constant 0 : i32
    %dma_wait3A_240 = tpu.memref_slice %arg12[%dma_wait3A_238, %dma_wait3A_239] : memref<10000x128xf32, #tpu.memory_space<vmem_shared>> -> memref<10000x128xf32, #tpu.memory_space<vmem_shared>>
    tpu.wait_indirect_dma semaphore(%arg15 : memref<!tpu.dma_semaphore, #tpu.memory_space<semaphore_mem>>) src(%arg9 : memref<80x128xf32, #tpu.memory_space<vmem>>) dst(%dma_wait3A_240 : memref<10000x128xf32, #tpu.memory_space<vmem_shared>>)
    %barrier3A_241 = arith.constant 0 : index
    tpu.barrier barrier_id(%barrier3A_241)
    "tpu.region"() ({
      %run_scoped3A = tpu.sem_alloc : memref<!tpu.dma_semaphore, #tpu.memory_space<semaphore_mem>>
      %dma_start3A_247 = arith.constant 0 : i32
      %dma_start3A_248 = tpu.memref_slice %arg6[%arg0, %mul3A_8, %dma_start3A_247] : memref<2x10000x128xf32, #tpu.memory_space<hbm>> -> memref<1x624x128xf32, #tpu.memory_space<hbm>>
      %dma_start3A_249 = tpu.memref_squeeze %dma_start3A_248 : memref<1x624x128xf32, #tpu.memory_space<hbm>> -> memref<624x128xf32, #tpu.memory_space<hbm>>
      %dma_start3A_250 = arith.constant 0 : i32
      %dma_start3A_251 = tpu.memref_slice %arg12[%mul3A_8, %dma_start3A_250] : memref<10000x128xf32, #tpu.memory_space<vmem_shared>> -> memref<624x128xf32, #tpu.memory_space<vmem_shared>>
      tpu.enqueue_dma source(%dma_start3A_251 : memref<624x128xf32, #tpu.memory_space<vmem_shared>>) target(%dma_start3A_249 : memref<624x128xf32, #tpu.memory_space<hbm>>) target_semaphore(%run_scoped3A : memref<!tpu.dma_semaphore, #tpu.memory_space<semaphore_mem>>)
      %dma_wait3A_252 = arith.constant 0 : i32
      %dma_wait3A_253 = tpu.memref_slice %arg6[%arg0, %mul3A_8, %dma_wait3A_252] : memref<2x10000x128xf32, #tpu.memory_space<hbm>> -> memref<1x624x128xf32, #tpu.memory_space<hbm>>
      %dma_wait3A_254 = tpu.memref_squeeze %dma_wait3A_253 : memref<1x624x128xf32, #tpu.memory_space<hbm>> -> memref<624x128xf32, #tpu.memory_space<hbm>>
      %dma_wait3A_255 = arith.constant 0 : i32
      %dma_wait3A_256 = tpu.memref_slice %arg12[%mul3A_8, %dma_wait3A_255] : memref<10000x128xf32, #tpu.memory_space<vmem_shared>> -> memref<624x128xf32, #tpu.memory_space<vmem_shared>>
      tpu.wait_dma2 semaphore(%run_scoped3A : memref<!tpu.dma_semaphore, #tpu.memory_space<semaphore_mem>>) src(%dma_wait3A_256 : memref<624x128xf32, #tpu.memory_space<vmem_shared>>) dst(%dma_wait3A_254 : memref<624x128xf32, #tpu.memory_space<hbm>>)
      tpu.yield
    }) : () -> ()
    %eq3A_242 = arith.constant 15 : i32
    %eq3A_243 = arith.cmpi eq, %arg1, %eq3A_242 : i32
    %convert_element_type3A_244 = arith.extui %eq3A_243 : i1 to i32
    %cond3A_245 = arith.constant 0 : i32
    %cond3A_246 = arith.cmpi ne, %convert_element_type3A_244, %cond3A_245 : i32
    scf.if %cond3A_246 {
      "tpu.region"() ({
        %run_scoped3A = tpu.sem_alloc : memref<!tpu.dma_semaphore, #tpu.memory_space<semaphore_mem>>
        %dma_start3A_247 = arith.constant 9984 : i32
        %dma_start3A_248 = arith.constant 0 : i32
        %dma_start3A_249 = tpu.memref_slice %arg6[%arg0, %dma_start3A_247, %dma_start3A_248] : memref<2x10000x128xf32, #tpu.memory_space<hbm>> -> memref<1x16x128xf32, #tpu.memory_space<hbm>>
        %dma_start3A_250 = tpu.memref_squeeze %dma_start3A_249 : memref<1x16x128xf32, #tpu.memory_space<hbm>> -> memref<16x128xf32, #tpu.memory_space<hbm>>
        %dma_start3A_251 = arith.constant 9984 : i32
        %dma_start3A_252 = arith.constant 0 : i32
        %dma_start3A_253 = tpu.memref_slice %arg12[%dma_start3A_251, %dma_start3A_252] : memref<10000x128xf32, #tpu.memory_space<vmem_shared>> -> memref<16x128xf32, #tpu.memory_space<vmem_shared>>
        tpu.enqueue_dma source(%dma_start3A_253 : memref<16x128xf32, #tpu.memory_space<vmem_shared>>) target(%dma_start3A_250 : memref<16x128xf32, #tpu.memory_space<hbm>>) target_semaphore(%run_scoped3A : memref<!tpu.dma_semaphore, #tpu.memory_space<semaphore_mem>>)
        %dma_wait3A_254 = arith.constant 9984 : i32
        %dma_wait3A_255 = arith.constant 0 : i32
        %dma_wait3A_256 = tpu.memref_slice %arg6[%arg0, %dma_wait3A_254, %dma_wait3A_255] : memref<2x10000x128xf32, #tpu.memory_space<hbm>> -> memref<1x16x128xf32, #tpu.memory_space<hbm>>
        %dma_wait3A_257 = tpu.memref_squeeze %dma_wait3A_256 : memref<1x16x128xf32, #tpu.memory_space<hbm>> -> memref<16x128xf32, #tpu.memory_space<hbm>>
        %dma_wait3A_258 = arith.constant 9984 : i32
        %dma_wait3A_259 = arith.constant 0 : i32
        %dma_wait3A_260 = tpu.memref_slice %arg12[%dma_wait3A_258, %dma_wait3A_259] : memref<10000x128xf32, #tpu.memory_space<vmem_shared>> -> memref<16x128xf32, #tpu.memory_space<vmem_shared>>
        tpu.wait_dma2 semaphore(%run_scoped3A : memref<!tpu.dma_semaphore, #tpu.memory_space<semaphore_mem>>) src(%dma_wait3A_260 : memref<16x128xf32, #tpu.memory_space<vmem_shared>>) dst(%dma_wait3A_257 : memref<16x128xf32, #tpu.memory_space<hbm>>)
        tpu.yield
      }) : () -> ()
    } else {
    }
    return
  }
}

module attributes {stable_mosaic.version = 14 : i64} {
  func.func @_node_pre_body(%arg0: i32, %arg1: memref<2000x128xf32, #tpu.memory_space<vmem>>, %arg2: memref<2000x16xf32, #tpu.memory_space<vmem>>, %arg3: memref<128x128xf32, #tpu.memory_space<vmem>>, %arg4: memref<128x128xf32, #tpu.memory_space<vmem>>, %arg5: memref<128x128xf32, #tpu.memory_space<vmem>>, %arg6: memref<128x128xf32, #tpu.memory_space<vmem>>, %arg7: memref<16x128xf32, #tpu.memory_space<vmem>>, %arg8: memref<16x128xf32, #tpu.memory_space<vmem>>, %arg9: memref<16x128xf32, #tpu.memory_space<vmem>>, %arg10: memref<16x128xf32, #tpu.memory_space<vmem>>, %arg11: memref<128x256xf32, #tpu.memory_space<vmem>>, %arg12: memref<1x256xf32, #tpu.memory_space<vmem>>, %arg13: memref<2000x128xf32, #tpu.memory_space<vmem>>, %arg14: memref<2000x128xf32, #tpu.memory_space<vmem>>, %arg15: memref<2000x256xf32, #tpu.memory_space<vmem>>) attributes {dimension_semantics = [#tpu.dimension_semantics<arbitrary>], iteration_bounds = array<i64: 5>, scalar_prefetch = 0 : i64, scratch_operands = 0 : i64, tpu.core_type = #tpu.core_type<tc>, window_params = [{transform_indices = @transform_0, window_bounds = array<i64: 2000, 128>}, {transform_indices = @transform_1, window_bounds = array<i64: 2000, 16>}, {pipeline_mode = #tpu.pipeline_mode<synchronous>, transform_indices = @transform_2, window_bounds = array<i64: 128, 128>}, {pipeline_mode = #tpu.pipeline_mode<synchronous>, transform_indices = @transform_3, window_bounds = array<i64: 128, 128>}, {pipeline_mode = #tpu.pipeline_mode<synchronous>, transform_indices = @transform_4, window_bounds = array<i64: 128, 128>}, {pipeline_mode = #tpu.pipeline_mode<synchronous>, transform_indices = @transform_5, window_bounds = array<i64: 128, 128>}, {pipeline_mode = #tpu.pipeline_mode<synchronous>, transform_indices = @transform_6, window_bounds = array<i64: 16, 128>}, {pipeline_mode = #tpu.pipeline_mode<synchronous>, transform_indices = @transform_7, window_bounds = array<i64: 16, 128>}, {pipeline_mode = #tpu.pipeline_mode<synchronous>, transform_indices = @transform_8, window_bounds = array<i64: 16, 128>}, {pipeline_mode = #tpu.pipeline_mode<synchronous>, transform_indices = @transform_9, window_bounds = array<i64: 16, 128>}, {pipeline_mode = #tpu.pipeline_mode<synchronous>, transform_indices = @transform_10, window_bounds = array<i64: 128, 256>}, {pipeline_mode = #tpu.pipeline_mode<synchronous>, transform_indices = @transform_11, window_bounds = array<i64: 1, 256>}, {transform_indices = @transform_12, window_bounds = array<i64: 2000, 128>}, {transform_indices = @transform_13, window_bounds = array<i64: 2000, 128>}, {transform_indices = @transform_14, window_bounds = array<i64: 2000, 256>}]} {
    %get3A = arith.constant 0 : index
    %get3A_0 = arith.constant 0 : index
    %get3A_1 = vector.load %arg1[%get3A, %get3A_0] : memref<2000x128xf32, #tpu.memory_space<vmem>>, vector<2000x128xf32>
    %get3A_2 = arith.constant 0 : index
    %get3A_3 = arith.constant 0 : index
    %get3A_4 = vector.load %arg2[%get3A_2, %get3A_3] : memref<2000x16xf32, #tpu.memory_space<vmem>>, vector<2000x16xf32>
    %get3A_5 = arith.constant 0 : index
    %get3A_6 = arith.constant 0 : index
    %get3A_7 = vector.load %arg3[%get3A_5, %get3A_6] : memref<128x128xf32, #tpu.memory_space<vmem>>, vector<128x128xf32>
    %dot_general3A = arith.constant dense<0.000000e+00> : vector<2000x128xf32>
    %dot_general3A_8 = tpu.matmul %get3A_1, %get3A_7, %dot_general3A {dimension_numbers = #tpu.dot_dimension_numbers<[1], [0], [0], [1], [0, 0, 1, 1], [], []>, transpose_lhs_hint = false} : vector<2000x128xf32>, vector<128x128xf32>, vector<2000x128xf32> -> vector<2000x128xf32>
    %get3A_9 = arith.constant 0 : index
    %get3A_10 = arith.constant 0 : index
    %get3A_11 = vector.load %arg7[%get3A_9, %get3A_10] : memref<16x128xf32, #tpu.memory_space<vmem>>, vector<16x128xf32>
    %dot_general3A_12 = arith.constant dense<0.000000e+00> : vector<2000x128xf32>
    %dot_general3A_13 = tpu.matmul %get3A_4, %get3A_11, %dot_general3A_12 {dimension_numbers = #tpu.dot_dimension_numbers<[1], [0], [0], [1], [0, 0, 1, 1], [], []>, transpose_lhs_hint = false} : vector<2000x16xf32>, vector<16x128xf32>, vector<2000x128xf32> -> vector<2000x128xf32>
    %add3A = arith.addf %dot_general3A_8, %dot_general3A_13 : vector<2000x128xf32>
    %get3A_14 = arith.constant 0 : index
    %get3A_15 = arith.constant 0 : index
    %get3A_16 = vector.load %arg4[%get3A_14, %get3A_15] : memref<128x128xf32, #tpu.memory_space<vmem>>, vector<128x128xf32>
    %dot_general3A_17 = arith.constant dense<0.000000e+00> : vector<2000x128xf32>
    %dot_general3A_18 = tpu.matmul %get3A_1, %get3A_16, %dot_general3A_17 {dimension_numbers = #tpu.dot_dimension_numbers<[1], [0], [0], [1], [0, 0, 1, 1], [], []>, transpose_lhs_hint = false} : vector<2000x128xf32>, vector<128x128xf32>, vector<2000x128xf32> -> vector<2000x128xf32>
    %get3A_19 = arith.constant 0 : index
    %get3A_20 = arith.constant 0 : index
    %get3A_21 = vector.load %arg8[%get3A_19, %get3A_20] : memref<16x128xf32, #tpu.memory_space<vmem>>, vector<16x128xf32>
    %dot_general3A_22 = arith.constant dense<0.000000e+00> : vector<2000x128xf32>
    %dot_general3A_23 = tpu.matmul %get3A_4, %get3A_21, %dot_general3A_22 {dimension_numbers = #tpu.dot_dimension_numbers<[1], [0], [0], [1], [0, 0, 1, 1], [], []>, transpose_lhs_hint = false} : vector<2000x16xf32>, vector<16x128xf32>, vector<2000x128xf32> -> vector<2000x128xf32>
    %add3A_24 = arith.addf %dot_general3A_18, %dot_general3A_23 : vector<2000x128xf32>
    %get3A_25 = arith.constant 0 : index
    %get3A_26 = arith.constant 0 : index
    %get3A_27 = vector.load %arg5[%get3A_25, %get3A_26] : memref<128x128xf32, #tpu.memory_space<vmem>>, vector<128x128xf32>
    %dot_general3A_28 = arith.constant dense<0.000000e+00> : vector<2000x128xf32>
    %dot_general3A_29 = tpu.matmul %get3A_1, %get3A_27, %dot_general3A_28 {dimension_numbers = #tpu.dot_dimension_numbers<[1], [0], [0], [1], [0, 0, 1, 1], [], []>, transpose_lhs_hint = false} : vector<2000x128xf32>, vector<128x128xf32>, vector<2000x128xf32> -> vector<2000x128xf32>
    %get3A_30 = arith.constant 0 : index
    %get3A_31 = arith.constant 0 : index
    %get3A_32 = vector.load %arg9[%get3A_30, %get3A_31] : memref<16x128xf32, #tpu.memory_space<vmem>>, vector<16x128xf32>
    %dot_general3A_33 = arith.constant dense<0.000000e+00> : vector<2000x128xf32>
    %dot_general3A_34 = tpu.matmul %get3A_4, %get3A_32, %dot_general3A_33 {dimension_numbers = #tpu.dot_dimension_numbers<[1], [0], [0], [1], [0, 0, 1, 1], [], []>, transpose_lhs_hint = false} : vector<2000x16xf32>, vector<16x128xf32>, vector<2000x128xf32> -> vector<2000x128xf32>
    %add3A_35 = arith.addf %dot_general3A_29, %dot_general3A_34 : vector<2000x128xf32>
    %get3A_36 = arith.constant 0 : index
    %get3A_37 = arith.constant 0 : index
    %get3A_38 = vector.load %arg6[%get3A_36, %get3A_37] : memref<128x128xf32, #tpu.memory_space<vmem>>, vector<128x128xf32>
    %dot_general3A_39 = arith.constant dense<0.000000e+00> : vector<2000x128xf32>
    %dot_general3A_40 = tpu.matmul %get3A_1, %get3A_38, %dot_general3A_39 {dimension_numbers = #tpu.dot_dimension_numbers<[1], [0], [0], [1], [0, 0, 1, 1], [], []>, transpose_lhs_hint = false} : vector<2000x128xf32>, vector<128x128xf32>, vector<2000x128xf32> -> vector<2000x128xf32>
    %get3A_41 = arith.constant 0 : index
    %get3A_42 = arith.constant 0 : index
    %get3A_43 = vector.load %arg10[%get3A_41, %get3A_42] : memref<16x128xf32, #tpu.memory_space<vmem>>, vector<16x128xf32>
    %dot_general3A_44 = arith.constant dense<0.000000e+00> : vector<2000x128xf32>
    %dot_general3A_45 = tpu.matmul %get3A_4, %get3A_43, %dot_general3A_44 {dimension_numbers = #tpu.dot_dimension_numbers<[1], [0], [0], [1], [0, 0, 1, 1], [], []>, transpose_lhs_hint = false} : vector<2000x16xf32>, vector<16x128xf32>, vector<2000x128xf32> -> vector<2000x128xf32>
    %add3A_46 = arith.addf %dot_general3A_40, %dot_general3A_45 : vector<2000x128xf32>
    %convert_element_type3A = arith.truncf %add3A : vector<2000x128xf32> to vector<2000x128xbf16>
    %convert_element_type3A_47 = arith.extf %convert_element_type3A : vector<2000x128xbf16> to vector<2000x128xf32>
    %bitcast_convert_type3A = tpu.bitcast %convert_element_type3A_47 : vector<2000x128xf32> -> vector<2000x128xi32>
    %convert_element_type3A_48 = arith.truncf %add3A_24 : vector<2000x128xf32> to vector<2000x128xbf16>
    %convert_element_type3A_49 = arith.extf %convert_element_type3A_48 : vector<2000x128xbf16> to vector<2000x128xf32>
    %bitcast_convert_type3A_50 = tpu.bitcast %convert_element_type3A_49 : vector<2000x128xf32> -> vector<2000x128xi32>
    %shift_right_logical3A = arith.constant 16 : i32
    %shift_right_logical3A_51 = vector.broadcast %shift_right_logical3A : i32 to vector<2000x128xi32>
    %shift_right_logical3A_52 = arith.shrui %bitcast_convert_type3A, %shift_right_logical3A_51 : vector<2000x128xi32>
    %and3A = arith.constant -65536 : i32
    %and3A_53 = vector.broadcast %and3A : i32 to vector<2000x128xi32>
    %and3A_54 = arith.andi %bitcast_convert_type3A_50, %and3A_53 : vector<2000x128xi32>
    %or3A = arith.ori %shift_right_logical3A_52, %and3A_54 : vector<2000x128xi32>
    %bitcast_convert_type3A_55 = tpu.bitcast %or3A : vector<2000x128xi32> -> vector<2000x128xf32>
    %swap3A = arith.constant 0 : index
    %swap3A_56 = arith.constant 0 : index
    %swap3A_57 = vector.load %arg13[%swap3A, %swap3A_56] : memref<2000x128xf32, #tpu.memory_space<vmem>>, vector<2000x128xf32>
    tpu.vector_store %arg13[%swap3A, %swap3A_56], %bitcast_convert_type3A_55 {strides = array<i32>} : memref<2000x128xf32, #tpu.memory_space<vmem>>, vector<2000x128xf32>,
    %convert_element_type3A_58 = arith.truncf %add3A_35 : vector<2000x128xf32> to vector<2000x128xbf16>
    %convert_element_type3A_59 = arith.extf %convert_element_type3A_58 : vector<2000x128xbf16> to vector<2000x128xf32>
    %bitcast_convert_type3A_60 = tpu.bitcast %convert_element_type3A_59 : vector<2000x128xf32> -> vector<2000x128xi32>
    %convert_element_type3A_61 = arith.truncf %add3A_46 : vector<2000x128xf32> to vector<2000x128xbf16>
    %convert_element_type3A_62 = arith.extf %convert_element_type3A_61 : vector<2000x128xbf16> to vector<2000x128xf32>
    %bitcast_convert_type3A_63 = tpu.bitcast %convert_element_type3A_62 : vector<2000x128xf32> -> vector<2000x128xi32>
    %shift_right_logical3A_64 = arith.constant 16 : i32
    %shift_right_logical3A_65 = vector.broadcast %shift_right_logical3A_64 : i32 to vector<2000x128xi32>
    %shift_right_logical3A_66 = arith.shrui %bitcast_convert_type3A_60, %shift_right_logical3A_65 : vector<2000x128xi32>
    %and3A_67 = arith.constant -65536 : i32
    %and3A_68 = vector.broadcast %and3A_67 : i32 to vector<2000x128xi32>
    %and3A_69 = arith.andi %bitcast_convert_type3A_63, %and3A_68 : vector<2000x128xi32>
    %or3A_70 = arith.ori %shift_right_logical3A_66, %and3A_69 : vector<2000x128xi32>
    %bitcast_convert_type3A_71 = tpu.bitcast %or3A_70 : vector<2000x128xi32> -> vector<2000x128xf32>
    %swap3A_72 = arith.constant 0 : index
    %swap3A_73 = arith.constant 0 : index
    %swap3A_74 = vector.load %arg14[%swap3A_72, %swap3A_73] : memref<2000x128xf32, #tpu.memory_space<vmem>>, vector<2000x128xf32>
    tpu.vector_store %arg14[%swap3A_72, %swap3A_73], %bitcast_convert_type3A_71 {strides = array<i32>} : memref<2000x128xf32, #tpu.memory_space<vmem>>, vector<2000x128xf32>,
    %get3A_75 = arith.constant 0 : index
    %get3A_76 = arith.constant 0 : index
    %get3A_77 = vector.load %arg11[%get3A_75, %get3A_76] : memref<128x256xf32, #tpu.memory_space<vmem>>, vector<128x256xf32>
    %dot_general3A_78 = arith.constant dense<0.000000e+00> : vector<2000x256xf32>
    %dot_general3A_79 = tpu.matmul %get3A_1, %get3A_77, %dot_general3A_78 {dimension_numbers = #tpu.dot_dimension_numbers<[1], [0], [0], [1], [0, 0, 1, 1], [], []>, transpose_lhs_hint = false} : vector<2000x128xf32>, vector<128x256xf32>, vector<2000x256xf32> -> vector<2000x256xf32>
    %get3A_80 = arith.constant 0 : index
    %get3A_81 = arith.constant 0 : index
    %get3A_82 = vector.load %arg12[%get3A_80, %get3A_81] : memref<1x256xf32, #tpu.memory_space<vmem>>, vector<1x256xf32>
    %add3A_83 = vector.broadcast %get3A_82 : vector<1x256xf32> to vector<2000x256xf32>
    %add3A_84 = arith.addf %dot_general3A_79, %add3A_83 : vector<2000x256xf32>
    %swap3A_85 = arith.constant 0 : index
    %swap3A_86 = arith.constant 0 : index
    %swap3A_87 = vector.load %arg15[%swap3A_85, %swap3A_86] : memref<2000x256xf32, #tpu.memory_space<vmem>>, vector<2000x256xf32>
    tpu.vector_store %arg15[%swap3A_85, %swap3A_86], %add3A_84 {strides = array<i32>} : memref<2000x256xf32, #tpu.memory_space<vmem>>, vector<2000x256xf32>,
    return
  }
  func.func @transform_0(%arg0: i32) -> (i32, i32) {
    %c0_i32 = arith.constant 0 : i32
    %c0_i32_0 = arith.constant 0 : i32
    return %arg0, %c0_i32 : i32, i32
  }
  func.func @transform_1(%arg0: i32) -> (i32, i32) {
    %c0_i32 = arith.constant 0 : i32
    %c0_i32_0 = arith.constant 0 : i32
    return %arg0, %c0_i32 : i32, i32
  }
  func.func @transform_2(%arg0: i32) -> (i32, i32) {
    %c0_i32 = arith.constant 0 : i32
    %c0_i32_0 = arith.constant 0 : i32
    %c0_i32_1 = arith.constant 0 : i32
    return %c0_i32, %c0_i32_0 : i32, i32
  }
  func.func @transform_3(%arg0: i32) -> (i32, i32) {
    %c0_i32 = arith.constant 0 : i32
    %c0_i32_0 = arith.constant 0 : i32
    %c0_i32_1 = arith.constant 0 : i32
    return %c0_i32, %c0_i32_0 : i32, i32
  }
  func.func @transform_4(%arg0: i32) -> (i32, i32) {
    %c0_i32 = arith.constant 0 : i32
    %c0_i32_0 = arith.constant 0 : i32
    %c0_i32_1 = arith.constant 0 : i32
    return %c0_i32, %c0_i32_0 : i32, i32
  }
  func.func @transform_5(%arg0: i32) -> (i32, i32) {
    %c0_i32 = arith.constant 0 : i32
    %c0_i32_0 = arith.constant 0 : i32
    %c0_i32_1 = arith.constant 0 : i32
    return %c0_i32, %c0_i32_0 : i32, i32
  }
  func.func @transform_6(%arg0: i32) -> (i32, i32) {
    %c0_i32 = arith.constant 0 : i32
    %c0_i32_0 = arith.constant 0 : i32
    %c0_i32_1 = arith.constant 0 : i32
    return %c0_i32, %c0_i32_0 : i32, i32
  }
  func.func @transform_7(%arg0: i32) -> (i32, i32) {
    %c0_i32 = arith.constant 0 : i32
    %c0_i32_0 = arith.constant 0 : i32
    %c0_i32_1 = arith.constant 0 : i32
    return %c0_i32, %c0_i32_0 : i32, i32
  }
  func.func @transform_8(%arg0: i32) -> (i32, i32) {
    %c0_i32 = arith.constant 0 : i32
    %c0_i32_0 = arith.constant 0 : i32
    %c0_i32_1 = arith.constant 0 : i32
    return %c0_i32, %c0_i32_0 : i32, i32
  }
  func.func @transform_9(%arg0: i32) -> (i32, i32) {
    %c0_i32 = arith.constant 0 : i32
    %c0_i32_0 = arith.constant 0 : i32
    %c0_i32_1 = arith.constant 0 : i32
    return %c0_i32, %c0_i32_0 : i32, i32
  }
  func.func @transform_10(%arg0: i32) -> (i32, i32) {
    %c0_i32 = arith.constant 0 : i32
    %c0_i32_0 = arith.constant 0 : i32
    %c0_i32_1 = arith.constant 0 : i32
    return %c0_i32, %c0_i32_0 : i32, i32
  }
  func.func @transform_11(%arg0: i32) -> (i32, i32) {
    %c0_i32 = arith.constant 0 : i32
    %c0_i32_0 = arith.constant 0 : i32
    %c0_i32_1 = arith.constant 0 : i32
    return %c0_i32, %c0_i32_0 : i32, i32
  }
  func.func @transform_12(%arg0: i32) -> (i32, i32) {
    %c0_i32 = arith.constant 0 : i32
    %c0_i32_0 = arith.constant 0 : i32
    return %arg0, %c0_i32 : i32, i32
  }
  func.func @transform_13(%arg0: i32) -> (i32, i32) {
    %c0_i32 = arith.constant 0 : i32
    %c0_i32_0 = arith.constant 0 : i32
    return %arg0, %c0_i32 : i32, i32
  }
  func.func @transform_14(%arg0: i32) -> (i32, i32) {
    %c0_i32 = arith.constant 0 : i32
    %c0_i32_0 = arith.constant 0 : i32
    return %arg0, %c0_i32 : i32, i32
  }
}

module attributes {stable_mosaic.version = 14 : i64} {
  func.func @_edge_mlp_body(%arg0: i32, %arg1: memref<1280x128xf32, #tpu.memory_space<vmem>>, %arg2: memref<16x1280xf32, #tpu.memory_space<vmem>>, %arg3: memref<16x128xf32, #tpu.memory_space<vmem>>, %arg4: memref<16x128xf32, #tpu.memory_space<vmem>>, %arg5: memref<1x128xf32, #tpu.memory_space<vmem>>, %arg6: memref<1x128xf32, #tpu.memory_space<vmem>>, %arg7: memref<128x128xf32, #tpu.memory_space<vmem>>, %arg8: memref<128x128xf32, #tpu.memory_space<vmem>>, %arg9: memref<1x128xf32, #tpu.memory_space<vmem>>, %arg10: memref<1280x128xf32, #tpu.memory_space<vmem>>) attributes {dimension_semantics = [#tpu.dimension_semantics<arbitrary>], iteration_bounds = array<i64: 150>, scalar_prefetch = 0 : i64, scratch_operands = 0 : i64, tpu.core_type = #tpu.core_type<tc>, window_params = [{transform_indices = @transform_0, window_bounds = array<i64: 1280, 128>}, {transform_indices = @transform_1, window_bounds = array<i64: 16, 1280>}, {pipeline_mode = #tpu.pipeline_mode<synchronous>, transform_indices = @transform_2, window_bounds = array<i64: 16, 128>}, {pipeline_mode = #tpu.pipeline_mode<synchronous>, transform_indices = @transform_3, window_bounds = array<i64: 16, 128>}, {pipeline_mode = #tpu.pipeline_mode<synchronous>, transform_indices = @transform_4, window_bounds = array<i64: 1, 128>}, {pipeline_mode = #tpu.pipeline_mode<synchronous>, transform_indices = @transform_5, window_bounds = array<i64: 1, 128>}, {pipeline_mode = #tpu.pipeline_mode<synchronous>, transform_indices = @transform_6, window_bounds = array<i64: 128, 128>}, {pipeline_mode = #tpu.pipeline_mode<synchronous>, transform_indices = @transform_7, window_bounds = array<i64: 128, 128>}, {pipeline_mode = #tpu.pipeline_mode<synchronous>, transform_indices = @transform_8, window_bounds = array<i64: 1, 128>}, {transform_indices = @transform_9, window_bounds = array<i64: 1280, 128>}]} {
    %get3A = arith.constant 0 : index
    %get3A_0 = arith.constant 0 : index
    %get3A_1 = vector.load %arg2[%get3A, %get3A_0] : memref<16x1280xf32, #tpu.memory_space<vmem>>, vector<16x1280xf32>
    %get3A_2 = arith.constant 0 : index
    %get3A_3 = arith.constant 0 : index
    %get3A_4 = vector.load %arg1[%get3A_2, %get3A_3] : memref<1280x128xf32, #tpu.memory_space<vmem>>, vector<1280x128xf32>
    %bitcast_convert_type3A = tpu.bitcast %get3A_4 : vector<1280x128xf32> -> vector<1280x128xi32>
    %shift_left3A = arith.constant 16 : i32
    %shift_left3A_5 = vector.broadcast %shift_left3A : i32 to vector<1280x128xi32>
    %shift_left3A_6 = arith.shli %bitcast_convert_type3A, %shift_left3A_5 : vector<1280x128xi32>
    %bitcast_convert_type3A_7 = tpu.bitcast %shift_left3A_6 : vector<1280x128xi32> -> vector<1280x128xf32>
    %and3A = arith.constant -65536 : i32
    %and3A_8 = vector.broadcast %and3A : i32 to vector<1280x128xi32>
    %and3A_9 = arith.andi %bitcast_convert_type3A, %and3A_8 : vector<1280x128xi32>
    %bitcast_convert_type3A_10 = tpu.bitcast %and3A_9 : vector<1280x128xi32> -> vector<1280x128xf32>
    %get3A_11 = arith.constant 0 : index
    %get3A_12 = arith.constant 0 : index
    %get3A_13 = vector.load %arg3[%get3A_11, %get3A_12] : memref<16x128xf32, #tpu.memory_space<vmem>>, vector<16x128xf32>
    %dot_general3A = arith.constant dense<0.000000e+00> : vector<1280x128xf32>
    %dot_general3A_14 = tpu.matmul %get3A_1, %get3A_13, %dot_general3A {dimension_numbers = #tpu.dot_dimension_numbers<[0], [0], [1], [1], [0, 1, 1, 1], [], []>, transpose_lhs_hint = false} : vector<16x1280xf32>, vector<16x128xf32>, vector<1280x128xf32> -> vector<1280x128xf32>
    %add3A = arith.addf %bitcast_convert_type3A_7, %dot_general3A_14 : vector<1280x128xf32>
    %get3A_15 = arith.constant 0 : index
    %get3A_16 = arith.constant 0 : index
    %get3A_17 = vector.load %arg5[%get3A_15, %get3A_16] : memref<1x128xf32, #tpu.memory_space<vmem>>, vector<1x128xf32>
    %add3A_18 = vector.broadcast %get3A_17 : vector<1x128xf32> to vector<1280x128xf32>
    %add3A_19 = arith.addf %add3A, %add3A_18 : vector<1280x128xf32>
    %max3A = arith.constant 0.000000e+00 : f32
    %max3A_20 = vector.broadcast %max3A : f32 to vector<1280x128xf32>
    %max3A_21 = arith.maximumf %add3A_19, %max3A_20 : vector<1280x128xf32>
    %get3A_22 = arith.constant 0 : index
    %get3A_23 = arith.constant 0 : index
    %get3A_24 = vector.load %arg4[%get3A_22, %get3A_23] : memref<16x128xf32, #tpu.memory_space<vmem>>, vector<16x128xf32>
    %dot_general3A_25 = arith.constant dense<0.000000e+00> : vector<1280x128xf32>
    %dot_general3A_26 = tpu.matmul %get3A_1, %get3A_24, %dot_general3A_25 {dimension_numbers = #tpu.dot_dimension_numbers<[0], [0], [1], [1], [0, 1, 1, 1], [], []>, transpose_lhs_hint = false} : vector<16x1280xf32>, vector<16x128xf32>, vector<1280x128xf32> -> vector<1280x128xf32>
    %add3A_27 = arith.addf %bitcast_convert_type3A_10, %dot_general3A_26 : vector<1280x128xf32>
    %get3A_28 = arith.constant 0 : index
    %get3A_29 = arith.constant 0 : index
    %get3A_30 = vector.load %arg6[%get3A_28, %get3A_29] : memref<1x128xf32, #tpu.memory_space<vmem>>, vector<1x128xf32>
    %add3A_31 = vector.broadcast %get3A_30 : vector<1x128xf32> to vector<1280x128xf32>
    %add3A_32 = arith.addf %add3A_27, %add3A_31 : vector<1280x128xf32>
    %max3A_33 = arith.constant 0.000000e+00 : f32
    %max3A_34 = vector.broadcast %max3A_33 : f32 to vector<1280x128xf32>
    %max3A_35 = arith.maximumf %add3A_32, %max3A_34 : vector<1280x128xf32>
    %convert_element_type3A = arith.truncf %max3A_21 : vector<1280x128xf32> to vector<1280x128xbf16>
    %get3A_36 = arith.constant 0 : index
    %get3A_37 = arith.constant 0 : index
    %get3A_38 = vector.load %arg7[%get3A_36, %get3A_37] : memref<128x128xf32, #tpu.memory_space<vmem>>, vector<128x128xf32>
    %convert_element_type3A_39 = arith.truncf %get3A_38 : vector<128x128xf32> to vector<128x128xbf16>
    %dot_general3A_40 = arith.constant dense<0.000000e+00> : vector<1280x128xf32>
    %dot_general3A_41 = tpu.matmul %convert_element_type3A, %convert_element_type3A_39, %dot_general3A_40 {dimension_numbers = #tpu.dot_dimension_numbers<[1], [0], [0], [1], [0, 0, 1, 1], [], []>, transpose_lhs_hint = false} : vector<1280x128xbf16>, vector<128x128xbf16>, vector<1280x128xf32> -> vector<1280x128xf32>
    %convert_element_type3A_42 = arith.truncf %max3A_35 : vector<1280x128xf32> to vector<1280x128xbf16>
    %get3A_43 = arith.constant 0 : index
    %get3A_44 = arith.constant 0 : index
    %get3A_45 = vector.load %arg8[%get3A_43, %get3A_44] : memref<128x128xf32, #tpu.memory_space<vmem>>, vector<128x128xf32>
    %convert_element_type3A_46 = arith.truncf %get3A_45 : vector<128x128xf32> to vector<128x128xbf16>
    %dot_general3A_47 = arith.constant dense<0.000000e+00> : vector<1280x128xf32>
    %dot_general3A_48 = tpu.matmul %convert_element_type3A_42, %convert_element_type3A_46, %dot_general3A_47 {dimension_numbers = #tpu.dot_dimension_numbers<[1], [0], [0], [1], [0, 0, 1, 1], [], []>, transpose_lhs_hint = false} : vector<1280x128xbf16>, vector<128x128xbf16>, vector<1280x128xf32> -> vector<1280x128xf32>
    %add3A_49 = arith.addf %dot_general3A_41, %dot_general3A_48 : vector<1280x128xf32>
    %get3A_50 = arith.constant 0 : index
    %get3A_51 = arith.constant 0 : index
    %get3A_52 = vector.load %arg9[%get3A_50, %get3A_51] : memref<1x128xf32, #tpu.memory_space<vmem>>, vector<1x128xf32>
    %add3A_53 = vector.broadcast %get3A_52 : vector<1x128xf32> to vector<1280x128xf32>
    %add3A_54 = arith.addf %add3A_49, %add3A_53 : vector<1280x128xf32>
    %swap3A = arith.constant 0 : index
    %swap3A_55 = arith.constant 0 : index
    %swap3A_56 = vector.load %arg10[%swap3A, %swap3A_55] : memref<1280x128xf32, #tpu.memory_space<vmem>>, vector<1280x128xf32>
    tpu.vector_store %arg10[%swap3A, %swap3A_55], %add3A_54 {strides = array<i32>} : memref<1280x128xf32, #tpu.memory_space<vmem>>, vector<1280x128xf32>,
    return
  }
  func.func @transform_0(%arg0: i32) -> (i32, i32) {
    %c0_i32 = arith.constant 0 : i32
    %c0_i32_0 = arith.constant 0 : i32
    return %arg0, %c0_i32 : i32, i32
  }
  func.func @transform_1(%arg0: i32) -> (i32, i32) {
    %add3A = arith.constant 0 : i32
    %add3A_0 = arith.addi %arg0, %add3A : i32
    %c0_i32 = arith.constant 0 : i32
    %c0_i32_1 = arith.constant 0 : i32
    return %c0_i32, %add3A_0 : i32, i32
  }
  func.func @transform_2(%arg0: i32) -> (i32, i32) {
    %c0_i32 = arith.constant 0 : i32
    %c0_i32_0 = arith.constant 0 : i32
    %c0_i32_1 = arith.constant 0 : i32
    return %c0_i32, %c0_i32_0 : i32, i32
  }
  func.func @transform_3(%arg0: i32) -> (i32, i32) {
    %c0_i32 = arith.constant 0 : i32
    %c0_i32_0 = arith.constant 0 : i32
    %c0_i32_1 = arith.constant 0 : i32
    return %c0_i32, %c0_i32_0 : i32, i32
  }
  func.func @transform_4(%arg0: i32) -> (i32, i32) {
    %c0_i32 = arith.constant 0 : i32
    %c0_i32_0 = arith.constant 0 : i32
    %c0_i32_1 = arith.constant 0 : i32
    return %c0_i32, %c0_i32_0 : i32, i32
  }
  func.func @transform_5(%arg0: i32) -> (i32, i32) {
    %c0_i32 = arith.constant 0 : i32
    %c0_i32_0 = arith.constant 0 : i32
    %c0_i32_1 = arith.constant 0 : i32
    return %c0_i32, %c0_i32_0 : i32, i32
  }
  func.func @transform_6(%arg0: i32) -> (i32, i32) {
    %c0_i32 = arith.constant 0 : i32
    %c0_i32_0 = arith.constant 0 : i32
    %c0_i32_1 = arith.constant 0 : i32
    return %c0_i32, %c0_i32_0 : i32, i32
  }
  func.func @transform_7(%arg0: i32) -> (i32, i32) {
    %c0_i32 = arith.constant 0 : i32
    %c0_i32_0 = arith.constant 0 : i32
    %c0_i32_1 = arith.constant 0 : i32
    return %c0_i32, %c0_i32_0 : i32, i32
  }
  func.func @transform_8(%arg0: i32) -> (i32, i32) {
    %c0_i32 = arith.constant 0 : i32
    %c0_i32_0 = arith.constant 0 : i32
    %c0_i32_1 = arith.constant 0 : i32
    return %c0_i32, %c0_i32_0 : i32, i32
  }
  func.func @transform_9(%arg0: i32) -> (i32, i32) {
    %c0_i32 = arith.constant 0 : i32
    %c0_i32_0 = arith.constant 0 : i32
    return %arg0, %c0_i32 : i32, i32
  }
}

module attributes {stable_mosaic.version = 14 : i64} {
  func.func @_edge_mlp_body(%arg0: i32, %arg1: memref<1280x128xf32, #tpu.memory_space<vmem>>, %arg2: memref<16x1280xf32, #tpu.memory_space<vmem>>, %arg3: memref<16x128xf32, #tpu.memory_space<vmem>>, %arg4: memref<16x128xf32, #tpu.memory_space<vmem>>, %arg5: memref<1x128xf32, #tpu.memory_space<vmem>>, %arg6: memref<1x128xf32, #tpu.memory_space<vmem>>, %arg7: memref<128x128xf32, #tpu.memory_space<vmem>>, %arg8: memref<128x128xf32, #tpu.memory_space<vmem>>, %arg9: memref<1x128xf32, #tpu.memory_space<vmem>>, %arg10: memref<1280x128xf32, #tpu.memory_space<vmem>>) attributes {dimension_semantics = [#tpu.dimension_semantics<arbitrary>], iteration_bounds = array<i64: 100>, scalar_prefetch = 0 : i64, scratch_operands = 0 : i64, tpu.core_type = #tpu.core_type<tc>, window_params = [{transform_indices = @transform_0, window_bounds = array<i64: 1280, 128>}, {transform_indices = @transform_1, window_bounds = array<i64: 16, 1280>}, {pipeline_mode = #tpu.pipeline_mode<synchronous>, transform_indices = @transform_2, window_bounds = array<i64: 16, 128>}, {pipeline_mode = #tpu.pipeline_mode<synchronous>, transform_indices = @transform_3, window_bounds = array<i64: 16, 128>}, {pipeline_mode = #tpu.pipeline_mode<synchronous>, transform_indices = @transform_4, window_bounds = array<i64: 1, 128>}, {pipeline_mode = #tpu.pipeline_mode<synchronous>, transform_indices = @transform_5, window_bounds = array<i64: 1, 128>}, {pipeline_mode = #tpu.pipeline_mode<synchronous>, transform_indices = @transform_6, window_bounds = array<i64: 128, 128>}, {pipeline_mode = #tpu.pipeline_mode<synchronous>, transform_indices = @transform_7, window_bounds = array<i64: 128, 128>}, {pipeline_mode = #tpu.pipeline_mode<synchronous>, transform_indices = @transform_8, window_bounds = array<i64: 1, 128>}, {transform_indices = @transform_9, window_bounds = array<i64: 1280, 128>}]} {
    %get3A = arith.constant 0 : index
    %get3A_0 = arith.constant 0 : index
    %get3A_1 = vector.load %arg2[%get3A, %get3A_0] : memref<16x1280xf32, #tpu.memory_space<vmem>>, vector<16x1280xf32>
    %get3A_2 = arith.constant 0 : index
    %get3A_3 = arith.constant 0 : index
    %get3A_4 = vector.load %arg1[%get3A_2, %get3A_3] : memref<1280x128xf32, #tpu.memory_space<vmem>>, vector<1280x128xf32>
    %bitcast_convert_type3A = tpu.bitcast %get3A_4 : vector<1280x128xf32> -> vector<1280x128xi32>
    %shift_left3A = arith.constant 16 : i32
    %shift_left3A_5 = vector.broadcast %shift_left3A : i32 to vector<1280x128xi32>
    %shift_left3A_6 = arith.shli %bitcast_convert_type3A, %shift_left3A_5 : vector<1280x128xi32>
    %bitcast_convert_type3A_7 = tpu.bitcast %shift_left3A_6 : vector<1280x128xi32> -> vector<1280x128xf32>
    %and3A = arith.constant -65536 : i32
    %and3A_8 = vector.broadcast %and3A : i32 to vector<1280x128xi32>
    %and3A_9 = arith.andi %bitcast_convert_type3A, %and3A_8 : vector<1280x128xi32>
    %bitcast_convert_type3A_10 = tpu.bitcast %and3A_9 : vector<1280x128xi32> -> vector<1280x128xf32>
    %get3A_11 = arith.constant 0 : index
    %get3A_12 = arith.constant 0 : index
    %get3A_13 = vector.load %arg3[%get3A_11, %get3A_12] : memref<16x128xf32, #tpu.memory_space<vmem>>, vector<16x128xf32>
    %dot_general3A = arith.constant dense<0.000000e+00> : vector<1280x128xf32>
    %dot_general3A_14 = tpu.matmul %get3A_1, %get3A_13, %dot_general3A {dimension_numbers = #tpu.dot_dimension_numbers<[0], [0], [1], [1], [0, 1, 1, 1], [], []>, transpose_lhs_hint = false} : vector<16x1280xf32>, vector<16x128xf32>, vector<1280x128xf32> -> vector<1280x128xf32>
    %add3A = arith.addf %bitcast_convert_type3A_7, %dot_general3A_14 : vector<1280x128xf32>
    %get3A_15 = arith.constant 0 : index
    %get3A_16 = arith.constant 0 : index
    %get3A_17 = vector.load %arg5[%get3A_15, %get3A_16] : memref<1x128xf32, #tpu.memory_space<vmem>>, vector<1x128xf32>
    %add3A_18 = vector.broadcast %get3A_17 : vector<1x128xf32> to vector<1280x128xf32>
    %add3A_19 = arith.addf %add3A, %add3A_18 : vector<1280x128xf32>
    %max3A = arith.constant 0.000000e+00 : f32
    %max3A_20 = vector.broadcast %max3A : f32 to vector<1280x128xf32>
    %max3A_21 = arith.maximumf %add3A_19, %max3A_20 : vector<1280x128xf32>
    %get3A_22 = arith.constant 0 : index
    %get3A_23 = arith.constant 0 : index
    %get3A_24 = vector.load %arg4[%get3A_22, %get3A_23] : memref<16x128xf32, #tpu.memory_space<vmem>>, vector<16x128xf32>
    %dot_general3A_25 = arith.constant dense<0.000000e+00> : vector<1280x128xf32>
    %dot_general3A_26 = tpu.matmul %get3A_1, %get3A_24, %dot_general3A_25 {dimension_numbers = #tpu.dot_dimension_numbers<[0], [0], [1], [1], [0, 1, 1, 1], [], []>, transpose_lhs_hint = false} : vector<16x1280xf32>, vector<16x128xf32>, vector<1280x128xf32> -> vector<1280x128xf32>
    %add3A_27 = arith.addf %bitcast_convert_type3A_10, %dot_general3A_26 : vector<1280x128xf32>
    %get3A_28 = arith.constant 0 : index
    %get3A_29 = arith.constant 0 : index
    %get3A_30 = vector.load %arg6[%get3A_28, %get3A_29] : memref<1x128xf32, #tpu.memory_space<vmem>>, vector<1x128xf32>
    %add3A_31 = vector.broadcast %get3A_30 : vector<1x128xf32> to vector<1280x128xf32>
    %add3A_32 = arith.addf %add3A_27, %add3A_31 : vector<1280x128xf32>
    %max3A_33 = arith.constant 0.000000e+00 : f32
    %max3A_34 = vector.broadcast %max3A_33 : f32 to vector<1280x128xf32>
    %max3A_35 = arith.maximumf %add3A_32, %max3A_34 : vector<1280x128xf32>
    %convert_element_type3A = arith.truncf %max3A_21 : vector<1280x128xf32> to vector<1280x128xbf16>
    %get3A_36 = arith.constant 0 : index
    %get3A_37 = arith.constant 0 : index
    %get3A_38 = vector.load %arg7[%get3A_36, %get3A_37] : memref<128x128xf32, #tpu.memory_space<vmem>>, vector<128x128xf32>
    %convert_element_type3A_39 = arith.truncf %get3A_38 : vector<128x128xf32> to vector<128x128xbf16>
    %dot_general3A_40 = arith.constant dense<0.000000e+00> : vector<1280x128xf32>
    %dot_general3A_41 = tpu.matmul %convert_element_type3A, %convert_element_type3A_39, %dot_general3A_40 {dimension_numbers = #tpu.dot_dimension_numbers<[1], [0], [0], [1], [0, 0, 1, 1], [], []>, transpose_lhs_hint = false} : vector<1280x128xbf16>, vector<128x128xbf16>, vector<1280x128xf32> -> vector<1280x128xf32>
    %convert_element_type3A_42 = arith.truncf %max3A_35 : vector<1280x128xf32> to vector<1280x128xbf16>
    %get3A_43 = arith.constant 0 : index
    %get3A_44 = arith.constant 0 : index
    %get3A_45 = vector.load %arg8[%get3A_43, %get3A_44] : memref<128x128xf32, #tpu.memory_space<vmem>>, vector<128x128xf32>
    %convert_element_type3A_46 = arith.truncf %get3A_45 : vector<128x128xf32> to vector<128x128xbf16>
    %dot_general3A_47 = arith.constant dense<0.000000e+00> : vector<1280x128xf32>
    %dot_general3A_48 = tpu.matmul %convert_element_type3A_42, %convert_element_type3A_46, %dot_general3A_47 {dimension_numbers = #tpu.dot_dimension_numbers<[1], [0], [0], [1], [0, 0, 1, 1], [], []>, transpose_lhs_hint = false} : vector<1280x128xbf16>, vector<128x128xbf16>, vector<1280x128xf32> -> vector<1280x128xf32>
    %add3A_49 = arith.addf %dot_general3A_41, %dot_general3A_48 : vector<1280x128xf32>
    %get3A_50 = arith.constant 0 : index
    %get3A_51 = arith.constant 0 : index
    %get3A_52 = vector.load %arg9[%get3A_50, %get3A_51] : memref<1x128xf32, #tpu.memory_space<vmem>>, vector<1x128xf32>
    %add3A_53 = vector.broadcast %get3A_52 : vector<1x128xf32> to vector<1280x128xf32>
    %add3A_54 = arith.addf %add3A_49, %add3A_53 : vector<1280x128xf32>
    %swap3A = arith.constant 0 : index
    %swap3A_55 = arith.constant 0 : index
    %swap3A_56 = vector.load %arg10[%swap3A, %swap3A_55] : memref<1280x128xf32, #tpu.memory_space<vmem>>, vector<1280x128xf32>
    tpu.vector_store %arg10[%swap3A, %swap3A_55], %add3A_54 {strides = array<i32>} : memref<1280x128xf32, #tpu.memory_space<vmem>>, vector<1280x128xf32>,
    return
  }
  func.func @transform_0(%arg0: i32) -> (i32, i32) {
    %c0_i32 = arith.constant 0 : i32
    %c0_i32_0 = arith.constant 0 : i32
    return %arg0, %c0_i32 : i32, i32
  }
  func.func @transform_1(%arg0: i32) -> (i32, i32) {
    %add3A = arith.constant 150 : i32
    %add3A_0 = arith.addi %arg0, %add3A : i32
    %c0_i32 = arith.constant 0 : i32
    %c0_i32_1 = arith.constant 0 : i32
    return %c0_i32, %add3A_0 : i32, i32
  }
  func.func @transform_2(%arg0: i32) -> (i32, i32) {
    %c0_i32 = arith.constant 0 : i32
    %c0_i32_0 = arith.constant 0 : i32
    %c0_i32_1 = arith.constant 0 : i32
    return %c0_i32, %c0_i32_0 : i32, i32
  }
  func.func @transform_3(%arg0: i32) -> (i32, i32) {
    %c0_i32 = arith.constant 0 : i32
    %c0_i32_0 = arith.constant 0 : i32
    %c0_i32_1 = arith.constant 0 : i32
    return %c0_i32, %c0_i32_0 : i32, i32
  }
  func.func @transform_4(%arg0: i32) -> (i32, i32) {
    %c0_i32 = arith.constant 0 : i32
    %c0_i32_0 = arith.constant 0 : i32
    %c0_i32_1 = arith.constant 0 : i32
    return %c0_i32, %c0_i32_0 : i32, i32
  }
  func.func @transform_5(%arg0: i32) -> (i32, i32) {
    %c0_i32 = arith.constant 0 : i32
    %c0_i32_0 = arith.constant 0 : i32
    %c0_i32_1 = arith.constant 0 : i32
    return %c0_i32, %c0_i32_0 : i32, i32
  }
  func.func @transform_6(%arg0: i32) -> (i32, i32) {
    %c0_i32 = arith.constant 0 : i32
    %c0_i32_0 = arith.constant 0 : i32
    %c0_i32_1 = arith.constant 0 : i32
    return %c0_i32, %c0_i32_0 : i32, i32
  }
  func.func @transform_7(%arg0: i32) -> (i32, i32) {
    %c0_i32 = arith.constant 0 : i32
    %c0_i32_0 = arith.constant 0 : i32
    %c0_i32_1 = arith.constant 0 : i32
    return %c0_i32, %c0_i32_0 : i32, i32
  }
  func.func @transform_8(%arg0: i32) -> (i32, i32) {
    %c0_i32 = arith.constant 0 : i32
    %c0_i32_0 = arith.constant 0 : i32
    %c0_i32_1 = arith.constant 0 : i32
    return %c0_i32, %c0_i32_0 : i32, i32
  }
  func.func @transform_9(%arg0: i32) -> (i32, i32) {
    %c0_i32 = arith.constant 0 : i32
    %c0_i32_0 = arith.constant 0 : i32
    return %arg0, %c0_i32 : i32, i32
  }
}

module attributes {stable_mosaic.version = 14 : i64} {
  func.func @_update_body(%arg0: i32, %arg1: memref<2000x256xf32, #tpu.memory_space<vmem>>, %arg2: memref<2x2000x128xf32, #tpu.memory_space<vmem>>, %arg3: memref<128x256xf32, #tpu.memory_space<vmem>>, %arg4: memref<256x128xf32, #tpu.memory_space<vmem>>, %arg5: memref<1x128xf32, #tpu.memory_space<vmem>>, %arg6: memref<2000x128xf32, #tpu.memory_space<vmem>>) attributes {dimension_semantics = [#tpu.dimension_semantics<arbitrary>], iteration_bounds = array<i64: 5>, scalar_prefetch = 0 : i64, scratch_operands = 0 : i64, tpu.core_type = #tpu.core_type<tc>, window_params = [{transform_indices = @transform_0, window_bounds = array<i64: 2000, 256>}, {transform_indices = @transform_1, window_bounds = array<i64: 2, 2000, 128>}, {pipeline_mode = #tpu.pipeline_mode<synchronous>, transform_indices = @transform_2, window_bounds = array<i64: 128, 256>}, {pipeline_mode = #tpu.pipeline_mode<synchronous>, transform_indices = @transform_3, window_bounds = array<i64: 256, 128>}, {pipeline_mode = #tpu.pipeline_mode<synchronous>, transform_indices = @transform_4, window_bounds = array<i64: 1, 128>}, {transform_indices = @transform_5, window_bounds = array<i64: 2000, 128>}]} {
    %get3A = arith.constant 0 : index
    %get3A_0 = arith.constant 0 : index
    %get3A_1 = arith.constant 0 : index
    %get3A_2 = vector.load %arg2[%get3A, %get3A_0, %get3A_1] : memref<2x2000x128xf32, #tpu.memory_space<vmem>>, vector<1x2000x128xf32>
    %get3A_3 = vector.shape_cast %get3A_2 : vector<1x2000x128xf32> to vector<2000x128xf32>
    %get3A_4 = arith.constant 1 : index
    %get3A_5 = arith.constant 0 : index
    %get3A_6 = arith.constant 0 : index
    %get3A_7 = vector.load %arg2[%get3A_4, %get3A_5, %get3A_6] : memref<2x2000x128xf32, #tpu.memory_space<vmem>>, vector<1x2000x128xf32>
    %get3A_8 = vector.shape_cast %get3A_7 : vector<1x2000x128xf32> to vector<2000x128xf32>
    %add3A = arith.addf %get3A_3, %get3A_8 : vector<2000x128xf32>
    %get3A_9 = arith.constant 0 : index
    %get3A_10 = arith.constant 0 : index
    %get3A_11 = vector.load %arg1[%get3A_9, %get3A_10] : memref<2000x256xf32, #tpu.memory_space<vmem>>, vector<2000x256xf32>
    %get3A_12 = arith.constant 0 : index
    %get3A_13 = arith.constant 0 : index
    %get3A_14 = vector.load %arg3[%get3A_12, %get3A_13] : memref<128x256xf32, #tpu.memory_space<vmem>>, vector<128x256xf32>
    %dot_general3A = arith.constant dense<0.000000e+00> : vector<2000x256xf32>
    %dot_general3A_15 = tpu.matmul %add3A, %get3A_14, %dot_general3A {dimension_numbers = #tpu.dot_dimension_numbers<[1], [0], [0], [1], [0, 0, 1, 1], [], []>, transpose_lhs_hint = false} : vector<2000x128xf32>, vector<128x256xf32>, vector<2000x256xf32> -> vector<2000x256xf32>
    %add3A_16 = arith.addf %get3A_11, %dot_general3A_15 : vector<2000x256xf32>
    %max3A = arith.constant 0.000000e+00 : f32
    %max3A_17 = vector.broadcast %max3A : f32 to vector<2000x256xf32>
    %max3A_18 = arith.maximumf %add3A_16, %max3A_17 : vector<2000x256xf32>
    %get3A_19 = arith.constant 0 : index
    %get3A_20 = arith.constant 0 : index
    %get3A_21 = vector.load %arg4[%get3A_19, %get3A_20] : memref<256x128xf32, #tpu.memory_space<vmem>>, vector<256x128xf32>
    %dot_general3A_22 = arith.constant dense<0.000000e+00> : vector<2000x128xf32>
    %dot_general3A_23 = tpu.matmul %max3A_18, %get3A_21, %dot_general3A_22 {dimension_numbers = #tpu.dot_dimension_numbers<[1], [0], [0], [1], [0, 0, 1, 1], [], []>, transpose_lhs_hint = false} : vector<2000x256xf32>, vector<256x128xf32>, vector<2000x128xf32> -> vector<2000x128xf32>
    %get3A_24 = arith.constant 0 : index
    %get3A_25 = arith.constant 0 : index
    %get3A_26 = vector.load %arg5[%get3A_24, %get3A_25] : memref<1x128xf32, #tpu.memory_space<vmem>>, vector<1x128xf32>
    %add3A_27 = vector.broadcast %get3A_26 : vector<1x128xf32> to vector<2000x128xf32>
    %add3A_28 = arith.addf %dot_general3A_23, %add3A_27 : vector<2000x128xf32>
    %swap3A = arith.constant 0 : index
    %swap3A_29 = arith.constant 0 : index
    %swap3A_30 = vector.load %arg6[%swap3A, %swap3A_29] : memref<2000x128xf32, #tpu.memory_space<vmem>>, vector<2000x128xf32>
    tpu.vector_store %arg6[%swap3A, %swap3A_29], %add3A_28 {strides = array<i32>} : memref<2000x128xf32, #tpu.memory_space<vmem>>, vector<2000x128xf32>,
    return
  }
  func.func @transform_0(%arg0: i32) -> (i32, i32) {
    %c0_i32 = arith.constant 0 : i32
    %c0_i32_0 = arith.constant 0 : i32
    return %arg0, %c0_i32 : i32, i32
  }
  func.func @transform_1(%arg0: i32) -> (i32, i32, i32) {
    %c0_i32 = arith.constant 0 : i32
    %c0_i32_0 = arith.constant 0 : i32
    %c0_i32_1 = arith.constant 0 : i32
    return %c0_i32, %arg0, %c0_i32_0 : i32, i32, i32
  }
  func.func @transform_2(%arg0: i32) -> (i32, i32) {
    %c0_i32 = arith.constant 0 : i32
    %c0_i32_0 = arith.constant 0 : i32
    %c0_i32_1 = arith.constant 0 : i32
    return %c0_i32, %c0_i32_0 : i32, i32
  }
  func.func @transform_3(%arg0: i32) -> (i32, i32) {
    %c0_i32 = arith.constant 0 : i32
    %c0_i32_0 = arith.constant 0 : i32
    %c0_i32_1 = arith.constant 0 : i32
    return %c0_i32, %c0_i32_0 : i32, i32
  }
  func.func @transform_4(%arg0: i32) -> (i32, i32) {
    %c0_i32 = arith.constant 0 : i32
    %c0_i32_0 = arith.constant 0 : i32
    %c0_i32_1 = arith.constant 0 : i32
    return %c0_i32, %c0_i32_0 : i32, i32
  }
  func.func @transform_5(%arg0: i32) -> (i32, i32) {
    %c0_i32 = arith.constant 0 : i32
    %c0_i32_0 = arith.constant 0 : i32
    return %arg0, %c0_i32 : i32, i32
  }
}

</mosaic_0001>

<sc_bundles>
// kernel: kernel.12.cloned.1.call-start
scs
__scs_entry_jumppad:
0x0: {  	(pc) =	sbr.rel $0x88, $3  }
0x1: {  	(tag) =	ssettag $0x0;
	lr =	simm.s32 $0x1  }
0x2: {  	[smem:$0x3F95] =	sst lr;
	_ =	strace $0xD0000000  }
0x3: {  	_ = 	snop  }
0x4: {  	_ = 	snop  }
0x5: {  	_ = 	snop  }
0x6: {  	_ = 	snop  }
0x7: {  	_ = 	snop  }
__scs_overlays_trampoline_lowered:
0x8: {  	[smem:$0x3FA4] =	sst s0  }
0x9: {  	[smem:$0x3FA5] =	sst s1  }
0xa: {  	[smem:$0x3FA6] =	sst s2  }
0xb: {  	[smem:$0x3FA7] =	sst s3  }
0xc: {  	[smem:$0x3FA8] =	sst s4  }
0xd: {  	[smem:$0x3FA9] =	sst s5  }
0xe: {  	[smem:$0x3FAA] =	sst s6  }
0xf: {  	[smem:$0x3FAB] =	sst s7  }
0x10: {  	[smem:$0x3FAC] =	sst s8  }
0x11: {  	[smem:$0x3FAD] =	sst s9;
	s0 =	simm.s32 @!p0 $0x0  }
0x12: {  	s1 =	sld [smem:$0x3F93];
	s0 =	simm.s32 @p0 $0x1  }
0x13: {  	[smem:$0x3FAE] =	sst s0;
	s0 =	simm.s32 @!p1 $0x0  }
0x14: {  	s2 =	sld [smem:$0x3F92];
	s0 =	simm.s32 @p1 $0x1  }
0x15: {  	[smem:$0x3FAF] =	sst s0;
	s0 =	simm.s32 @!p2 $0x0  }
0x16: {  	s3 =	sld [smem:$0x3FDB];
	s0 =	simm.s32 @p2 $0x1  }
0x17: {  	s4 =	simm.s32 $0x1BF5;
	[smem:$0x3FB1] =	sst s0  }
0x18: {  	s0 =	sld [smem:$0x3F94];
	_ =	swait.ge [sflag:s4], $0x0  }
0x19: {  	s7 =	sld [smem:$0x3F95]  }
0x1a: {  	s8 =	sadd.s32 $0xFFFFE003, lr  }
0x1b: {  	s9 =	sadd.s32 $0xFFFFFEF7, lr;
	s5 =	simm.s32 $0xFFFFFFFF;
	p2 =	slt.u32 s8, $0xFFFFF086  }
0x1c: {  	p1 =	slt.u32 s9, $0xF7A;
	s5 =	simm.s32 @!p2 $0x0  }
0x1d: {  	s5 =	simm.s32 @p1 $0x1;
	p0 =	seq.s32 s7, s2  }
0x1e: {  	s7 =	smul.u32 @!p0 $0xF7A, s2;
	p2 =	seq.s32 @!p0 s5, $0x0  }
0x1f: {  	s9 =	smul.u32 $0xF7A, s1;
	s8 =	simm.s32 @!p0 $0x1BF5;
	p2 =	por !p2, p0  }
0x20: {  	[sflag:s8] =	ssyncset.s32 @!p0 $0xFFFFF086;
	s6 =	sadd.s32 @!p0 s3, s7;
	s7 =	simm.s32 @!p0 $0x108  }
0x21: {  	s3 =	sadd.s32 s3, s9;
	s6 =	sadd.s32 @!p0 $0x88, s6;
	s7 =	simm.s32 @p2 $0x1082  }
0x22: {  	[simem:s7], [sflag:s8] =	dma.local @!p0 [hbm:s6], $0xF7A  }
0x23: {  	s9 =	sor.u32 $0xD0000000, s2;
	s6 =	simm.s32 $0x108;
	_ =	swait.ge @!p0 [sflag:s8], $0x0  }
0x24: {  	s3 =	sadd.s32 $0x88, s3;
	s6 =	simm.s32 @!p1 $0x1082;
	[sflag:s4] =	ssyncset.s32 $0xFFFFF086  }
0x25: {  	[simem:s6], [sflag:s4] =	dma.local [hbm:s3], $0xF7A  }
0x26: {  	[smem:$0x3F95] =	sst s1;
	(tag) =	ssettag s2;
	_ =	strace s9  }
0x27: {  	s1 =	sld [smem:$0x3FA5]  }
0x28: {  	s2 =	sld [smem:$0x3FA6]  }
0x29: {  	s4 =	sld [smem:$0x3FA8]  }
0x2a: {  	p0 =	seq.s32 s5, $0x0;
	s5 =	sld [smem:$0x3FA9]  }
0x2b: {  	s6 =	sld [smem:$0x3FAA]  }
0x2c: {  	s7 =	sld [smem:$0x3FAB]  }
0x2d: {  	s3 =	simm.s32 $0x108;
	s8 =	sld [smem:$0x3FAC]  }
0x2e: {  	s3 =	simm.s32 @!p0 $0x1082;
	s9 =	sld [smem:$0x3FAD]  }
0x2f: {  	lr =	sadd.s32 s0, s3;
	s0 =	sld [smem:$0x3FA4]  }
0x30: {  	s3 =	sld [smem:$0x3FA7]  }
0x31: {  	[smem:$0x3FB0] =	sst s10  }
0x32: {  	s10 =	sld [smem:$0x3FAE];
	_ =	sdelay $0x3  }
0x33: {  	p0 =	seq.s32 s10, $0x1;
	s10 =	sld [smem:$0x3FB0];
	_ =	sdelay $0x3  }
0x34: {  	[smem:$0x3FB0] =	sst s10  }
0x35: {  	s10 =	sld [smem:$0x3FAF];
	_ =	sdelay $0x3  }
0x36: {  	p1 =	seq.s32 s10, $0x1;
	s10 =	sld [smem:$0x3FB0];
	_ =	sdelay $0x3  }
0x37: {  	[smem:$0x3FB0] =	sst s10  }
0x38: {  	s10 =	sld [smem:$0x3FB1]  }
0x39: {  	_ = 	snop;
	(pc) =	sbr.ind lr, $3  }
0x3a: {  	_ = 	snop  }
0x3b: {  	_ = 	snop  }
0x3c: {  	p2 =	seq.s32 s10, $0x1;
	s10 =	sld [smem:$0x3FB0]  }
0x3d: {  	_ =	shalt  }
0x3e: {  	_ =	shalt  }
0x3f: {  	_ =	shalt  }
0x40: {  	_ =	shalt  }
0x41: {  	_ =	shalt  }
0x42: {  	_ =	shalt  }
0x43: {  	_ =	shalt  }
0x44: {  	_ =	shalt  }
0x45: {  	_ =	shalt  }
0x46: {  	_ =	shalt  }
0x47: {  	_ =	shalt  }
0x48: {  	_ =	shalt  }
0x49: {  	_ =	shalt  }
0x4a: {  	_ =	shalt  }
0x4b: {  	_ =	shalt  }
0x4c: {  	_ =	shalt  }
0x4d: {  	_ =	shalt  }
0x4e: {  	_ =	shalt  }
0x4f: {  	_ =	shalt  }
0x50: {  	_ =	shalt  }
0x51: {  	_ =	shalt  }
0x52: {  	_ =	shalt  }
0x53: {  	_ =	shalt  }
0x54: {  	_ =	shalt  }
0x55: {  	_ =	shalt  }
0x56: {  	_ =	shalt  }
0x57: {  	_ =	shalt  }
0x58: {  	_ =	shalt  }
0x59: {  	_ =	shalt  }
0x5a: {  	_ =	shalt  }
0x5b: {  	_ =	shalt  }
0x5c: {  	_ =	shalt  }
0x5d: {  	_ =	shalt  }
0x5e: {  	_ =	shalt  }
0x5f: {  	_ =	shalt  }
0x60: {  	_ =	shalt  }
0x61: {  	_ =	shalt  }
0x62: {  	_ =	shalt  }
0x63: {  	_ =	shalt  }
0x64: {  	_ =	shalt  }
0x65: {  	_ =	shalt  }
0x66: {  	_ =	shalt  }
0x67: {  	_ =	shalt  }
0x68: {  	_ =	shalt  }
0x69: {  	_ =	shalt  }
0x6a: {  	_ =	shalt  }
0x6b: {  	_ =	shalt  }
0x6c: {  	_ =	shalt  }
0x6d: {  	_ =	shalt  }
0x6e: {  	_ =	shalt  }
0x6f: {  	_ =	shalt  }
0x70: {  	_ =	shalt  }
0x71: {  	_ =	shalt  }
0x72: {  	_ =	shalt  }
0x73: {  	_ =	shalt  }
0x74: {  	_ =	shalt  }
0x75: {  	_ =	shalt  }
0x76: {  	_ =	shalt  }
0x77: {  	_ =	shalt  }
0x78: {  	_ =	shalt  }
0x79: {  	_ =	shalt  }
0x7a: {  	_ =	shalt  }
0x7b: {  	_ =	shalt  }
0x7c: {  	_ =	shalt  }
0x7d: {  	_ =	shalt  }
0x7e: {  	_ =	shalt  }
0x7f: {  	_ =	shalt  }
0x80: {  	_ =	shalt  }
0x81: {  	_ =	shalt  }
0x82: {  	_ =	shalt  }
0x83: {  	_ =	shalt  }
0x84: {  	_ =	shalt  }
0x85: {  	_ =	shalt  }
0x86: {  	_ =	shalt  }
0x87: {  	_ =	shalt  }
.Lfunc_end0:
.L_simem_size_0:
called_computation.1_lowered:
.L_overlay_start_0:
0x88: {  	s2 =	sld [smem:$0x3FD9]  }
0x89: {  	s3 =	sld [smem:$0x3FFE];
	_ =	sdelay $0x1  }
0x8a: {  	s1 =	srdreg.scid  }
0x8b: {  	s0 =	sand.u32 $0x1, s1  }
0x8c: {  	s17 =	sshll.u32 s0, $0xA;
	s2 =	sadd.s32 s3, s2  }
0x8d: {  	s2 =	sadd.s32 s2, s17  }
0x8e: {  	[smem:$0x3FBC] =	sst s2  }
0x8f: {  	_ = 	snop  }
0x90: {  	s18 =	sld [smem:$0x3FD0];
	(tm) =	ssettm $0x1  }
0x91: {  	s19 =	sld [smem:$0x3FFB];
	_ =	sdelay $0x3  }
0x92: {  	_ =	strace s19  }
0x93: {  	s2 =	sld [smem:$0x3FFC];
	_ =	sdelay $0x3  }
0x94: {  	_ =	strace s2  }
0x95: {  	s2 =	sld [smem:$0x3FFD];
	_ =	sdelay $0x3  }
0x96: {  	_ =	strace s2  }
0x97: {  	_ =	strace $0x8FFFFFFF  }
0x98: {  	s20 =	sld [smem:$0x3FDB];
	_ =	sdelay $0x1  }
0x99: {  	s4 =	simm.s32 $_scs_section_size  }
0x9a: {  	s5 =	simm.s32 $_size__tile_overlayer_lowered;
	s6 =	simm.s32 $_tile_overlayer_lowered  }
0x9b: {  	s7 =	simm.s32 $0x1BFF;
	s21 =	sshll.u32 s6, $0x1;
	s4 =	sadd.s32 s4, s20  }
0x9c: {  	s22 =	simm.s32 $0x0;
	s5 =	sshll.u32 s5, $0x1;
	s6 =	sadd.s32 s21, s4  }
0x9d: {  	[timem:s22], [sflag:s7] =	dma.local [hbm:s6], s5  }
0x9e: {  	_ =	swait.ge [sflag:s7], s5  }
0x9f: {  	s5 =	ssub.s32 $0x0, s5;
	[sflag:s7] =	ssyncset.done $0x0  }
0xa0: {  	[sflag:s7] =	ssyncadd.s32 s5;
	_ =	sdelay $0x1  }
0xa1: {  	s23 =	simm.s32 $0x1B8B  }
0xa2: {  	_ =	swait.ge [sflag:s23], $0x1  }
0xa3: {  	[sflag:s23] =	ssyncset.done $0x0  }
0xa4: {  	[sflag:s23] =	ssyncadd.s32 $0xFFFFFFFF  }
0xa5: {  	s5 =	sld [smem:$0x0]  }
0xa6: {  	s6 =	sand.u32 $0xFFFFFFFE, s1  }
0xa7: {  	p0 =	sne.s32 s1, s6  }
0xa8: {  	s6 =	sshll.u32 @p0 s6, $0xE  }
0xa9: {  	s6 =	sadd.s32 @p0 $0x11B8D, s6;
	s7 =	sshll.u32 @p0 s5, $0x11  }
0xaa: {  	s6 =	sor.u32 @p0 s7, s6  }
0xab: {  	[sflag:s6] =	ssyncadd.remote.s32 @p0 $0x1;
	_ =	sdelay $0x1  }
0xac: {  	s6 =	simm.s32 @p0 $0x1B8D  }
0xad: {  	_ =	swait.eq @p0 [sflag:s6], $0x1  }
0xae: {  	[sflag:s6] =	ssyncadd.s32 @p0 $0xFFFFFFFF  }
0xaf: {  	s7 =	sshll.u32 @!p0 s1, $0xE  }
0xb0: {  	s7 =	sor.u32 @!p0 $0x4000, s7;
	s6 =	simm.s32 @!p0 $0x1B8D  }
0xb1: {  	s5 =	sshll.u32 @!p0 s5, $0x11;
	s7 =	sadd.s32 @!p0 $0x11B8D, s7;
	_ =	swait.eq @!p0 [sflag:s6], $0x1  }
0xb2: {  	s5 =	sor.u32 @!p0 s5, s7;
	[sflag:s6] =	ssyncadd.s32 @!p0 $0xFFFFFFFF  }
0xb3: {  	s25 =	simm.s32 $0x1B8E;
	s24 =	sld [smem:$0x3FFE];
	[sflag:s5] =	ssyncadd.remote.s32 @!p0 $0x1  }
0xb4: {  	s26 =	simm.s32 $execute0_lowered;
	[smem:$0x3FD2] =	sst s25  }
0xb5: {  	s6 =	sshll.u32 s26, $0x1;
	_ =	strace $0x80000049;
	[dreg:$0x1] =	wrdreg $0xFFFFFFFF  }
0xb6: {  	s28 =	simm.s32 $_size_execute0_lowered;
	s4 =	sadd.s32 s4, s6;
	[dreg:$0x0] =	wrdreg $0x0  }
0xb7: {  	s6 =	sshll.u32 s28, $0x1;
	[dreg:$0x2] =	wrdreg s4  }
0xb8: {  	[dreg:$0x3] =	wrdreg s6  }
0xb9: {  	[dreg:$0x4] =	wrdreg $0xC0  }
0xba: {  	_ =	task [dreg:s22], $0x5FFFF  }
0xbb: {  	[dreg:$0x1] =	wrdreg $0xFFFFFFFF  }
0xbc: {  	[dreg:$0x0] =	wrdreg $0x60  }
0xbd: {  	[dreg:$0x2] =	wrdreg s18  }
0xbe: {  	[dreg:$0x3] =	wrdreg s24  }
0xbf: {  	[dreg:$0x4] =	wrdreg $0xA  }
0xc0: {  	_ =	task.clear_ibuf [dreg:s22], $0x5FFFF;
	_ =	strace $0x90000049  }
0xc1: {  	s29 =	simm.s32 $0xA;
	_ =	strace $0x8000004B  }
0xc2: {  	_ =	swait.ge [sflag:s29], $0x1  }
0xc3: {  	[sflag:s29] =	ssyncadd.s32 $0xFFFFFFFF  }
0xc4: {  	_ =	strace $0x9000004B  }
0xc5: {  	_ =	sfence  }
0xc6: {  	s30 =	sld [smem:$0x0];
	_ =	sdelay $0x2  }
0xc7: {  	s31 =	sshll.u32 s1, $0xD;
	s1 =	sshrl.u32 s1, $0x2  }
0xc8: {  	s4 =	sand.u32 $0x4000, s31;
	s1 =	sadd.s32 s1, s30  }
0xc9: {  	s0 =	sor.u32 s4, s0;
	s1 =	sshll.u32 s1, $0x11  }
0xca: {  	s0 =	sor.u32 s1, s0  }
0xcb: {  	s0 =	sadd.s32 $0x8F2B, s0  }
0xcc: {  	[sflag:s0] =	ssyncadd.remote.s32 $0x1  }
0xcd: {  	_ =	sfence.sel $0xFFFF  }
0xce: {  	[dreg:$0x0] =	wrdreg $0xFFFFFFFF;
	(pc) =	sbr.abs _section_cstart, $3  }
0xcf: {  	[dreg:$0x1] =	wrdreg $0xFFFFFFFF  }
0xd0: {  	_ =	task.clear_ibuf [dreg:s22], $0x2FFFF;
	_ =	strace $0x9FFFFFFF  }
0xd1: {  	(tm) =	ssettm $0x7FFFFFFF  }
tec
execute0_lowered:
.L_overlay_start_1:
0x0: {  	(tag) =	ssettag $0x1  }
0x1: {  	s2 =	rddreg [dreg:$0x0]  }
0x2: {  	s0 =	srdreg.scid;
	s3 =	stileid.u32  }
0x3: {  	s1 =	rddreg [dreg:$0x1];
	s12 =	simm.s32 $0xA;
	s14 =	simm.s32 $0x50  }
0x4: {  	s15 =	simm.s32 $0x2000;
	s16 =	simm.s32 $0x4800;
	s17 =	simm.s32 $0x1  }
0x5: {  	s18 =	simm.s32 $0x2;
	s19 =	simm.s32 $0x7000;
	s20 =	simm.s32 $0x9800  }
0x6: {  	s21 =	simm.s32 $0x3;
	s22 =	simm.s32 $0x4;
	s23 =	simm.s32 $0xC000  }
0x7: {  	s24 =	simm.s32 $0xE800;
	s0 =	sand.u32 $0x1, s0;
	s4 =	sshll.u32 s3, $0x1  }
0x8: {  	s28 =	simm.s32 $0x7;
	s3 =	simm.s32 $0x0;
	s5 =	sor.u32 s0, s4  }
0x9: {  	s29 =	simm.s32 $0x8;
	[smem:$0x7FF] =	sst s3;
	s4 =	smul.u32 $0xFA0, s5  }
0xa: {  	s0 =	ssub.s32 $0x2, s0;
	_ =	strace $0x8000004A;
	s7 =	smul.u32 $0x7D000, s5  }
0xb: {  	s5 =	sadd.s32 $0x5EA00, s1;
	s9 =	sshrl.u32 s0, $0x1;
	s6 =	sshrl.u32 s4, $0x3  }
0xc: {  	s0 =	ssub.s32 s0, s9;
	s25 =	sshrl.u32 s7, $0x3;
	s8 =	sadd.s32 s6, s1  }
0xd: {  	s11 =	smax.u32 s0, $0x1;
	s6 =	sadd.s32 $0x37BC00, s1;
	s26 =	sadd.s32 $0x373C00, s8  }
0xe: {  	s30 =	sadd.s32 $0x377C00, s8;
	s1 =	sadd.s32 s6, s25;
	[dreg:$0x3] =	wrdreg s26  }
0xf: {  	s0 =	simm.s32 $0x0;
	[dreg:$0x4] =	wrdreg s30;
	s31 =	sadd.s32 $0xF000, s1  }
0x10: {  	s25 =	simm.s32 $0x5;
	s1 =	sadd.s32 $0xF500, s1;
	[dreg:$0x5] =	wrdreg s31  }
0x11: {  	s26 =	simm.s32 $0x6;
	[dreg:$0x6] =	wrdreg s1;
	s1 =	simm.s32 $0x9  }
.LBB2_1:
0x12: {  	s7 =	rddreg [dreg:$0x3]  }
0x13: {  	[tilespmem:s3], [sflag:$0xA] =	stream.linear.gather [hbm4b:s7+s3], $0xFA0, $0x38;
	[tilespmem:$0x11000] =	vst v63  }
0x14: {  	_ =	swait.ge [sflag:s12], $0xFA0  }
0x15: {  	[sflag:s12] =	ssyncset.done $0x0  }
0x16: {  	s8 =	simm.s32 $0x1000;
	s31 =	rddreg [dreg:$0x4];
	[sflag:s12] =	ssyncadd.s32 $0xFFFFF060  }
0x17: {  	[tilespmem:s8], [sflag:$0xA] =	stream.linear.gather [hbm4b:s31+s3], $0xFA0, $0x38;
	[tilespmem:$0x11000] =	vst v63  }
0x18: {  	_ =	swait.ge [sflag:s12], $0xFA0  }
0x19: {  	[sflag:s12] =	ssyncset.done $0x0  }
0x1a: {  	[sflag:s12] =	ssyncadd.s32 $0xFFFFF060  }
0x1b: {  	[tilespmem:s15], [sflag:$0x1] =	stream.indirect.gather [hbm4b:s2+s14], $0x80, s3, s14, $0xb8;
	[tilespmem:$0x11000] =	vst v63  }
0x1c: {  	s30 =	simm.s32 $0x0  }
0x1d: {  	[tilespmem:s16], [sflag:$0x2] =	stream.indirect.gather [hbm4b:s5+s14], $0x80, s8, s14, $0xb8;
	[tilespmem:$0x11000] =	vst v63  }
.LBB2_2:
0x1e: {  	_ =	swait.ge [sflag:s17], $0x2800  }
0x1f: {  	[sflag:s17] =	ssyncset.done $0x0  }
0x20: {  	[sflag:s17] =	ssyncadd.s32 $0xFFFFD800  }
0x21: {  	_ =	swait.ge [sflag:s18], $0x2800  }
0x22: {  	p0 =	seq.s32 s30, $0x0;
	[sflag:s18] =	ssyncset.done $0x0  }
0x23: {  	s7 =	simm.s32 @!p0 $0x8;
	[sflag:s18] =	ssyncadd.s32 $0xFFFFD800  }
0x24: {  	s31 =	smul.u32 $0xF0, s30;
	_ =	swait.ge @!p0 [sflag:s7], $0x2800  }
0x25: {  	[sflag:s7] =	ssyncset.done @!p0 $0x0  }
0x26: {  	s13 =	sadd.s32 $0x50, s31;
	[sflag:s7] =	ssyncadd.s32 @!p0 $0xFFFFD800  }
0x27: {  	[tilespmem:s19], [sflag:$0x3] =	stream.indirect.gather [hbm4b:s2+s14], $0x80, s13, s14, $0xb8;
	[tilespmem:$0x11000] =	vst v63  }
0x28: {  	s10 =	sadd.s32 $0x1050, s31;
	s7 =	simm.s32 $0x0  }
0x29: {  	[tilespmem:s20], [sflag:$0x4] =	stream.indirect.gather [hbm4b:s5+s14], $0x80, s10, s14, $0xb8;
	[tilespmem:$0x11000] =	vst v63  }
0x2a: {  	v7 =	vld [tilespmem:s7+$0x4800]  }
0x2b: {  	v11 =	vld [tilespmem:s7+$0x4810]  }
0x2c: {  	v5 =	vld [tilespmem:s7+$0x4820]  }
0x2d: {  	v4 =	vld [tilespmem:s7+$0x4830]  }
0x2e: {  	v3 =	vld [tilespmem:s7+$0x4840]  }
0x2f: {  	v2 =	vld [tilespmem:s7+$0x4850]  }
0x30: {  	v1 =	vld [tilespmem:s7+$0x4860]  }
0x31: {  	v0 =	vld [tilespmem:s7+$0x4870]  }
0x32: {  	v12 =	vld [tilespmem:s7+$0x2000]  }
0x33: {  	v13 =	vld [tilespmem:s7+$0x2010]  }
0x34: {  	v10 =	vld [tilespmem:s7+$0x2020]  }
0x35: {  	v9 =	vld [tilespmem:s7+$0x2030]  }
0x36: {  	v8 =	vld [tilespmem:s7+$0x2040]  }
0x37: {  	v6 =	vld [tilespmem:s7+$0x2050];
	v12 =	vadd.bf16 v7, v12  }
0x38: {  	s8 =	simm.s32 $0x200;
	v11 =	vadd.bf16 v11, v13;
	v7 =	vld [tilespmem:s7+$0x2060]  }
.LBB2_3:
0x39: {  	s9 =	sshra.s32 s8, $0x2;
	p1 =	sne.s32 s8, $0x9E00;
	[tilespmem:s7+$0x2000] =	vst v12;
	v5 =	vadd.bf16 v5, v10;
	v10 =	vld [tilespmem:s7+$0x2070]  }
0x3a: {  	v12 =	vld [tilespmem:s9+$0x4800];
	[tilespmem:s7+$0x2010] =	vst v11;
	v4 =	vadd.bf16 v4, v9  }
0x3b: {  	v11 =	vld [tilespmem:s9+$0x4810];
	[tilespmem:s7+$0x2020] =	vst v5;
	v3 =	vadd.bf16 v3, v8  }
0x3c: {  	v5 =	vld [tilespmem:s9+$0x4820];
	[tilespmem:s7+$0x2030] =	vst v4;
	v2 =	vadd.bf16 v2, v6  }
0x3d: {  	v4 =	vld [tilespmem:s9+$0x4830];
	[tilespmem:s7+$0x2040] =	vst v3;
	v1 =	vadd.bf16 v1, v7  }
0x3e: {  	v3 =	vld [tilespmem:s9+$0x4840];
	[tilespmem:s7+$0x2050] =	vst v2;
	v0 =	vadd.bf16 v0, v10  }
0x3f: {  	v2 =	vld [tilespmem:s9+$0x4850];
	[tilespmem:s7+$0x2060] =	vst v1  }
0x40: {  	v1 =	vld [tilespmem:s9+$0x4860];
	[tilespmem:s7+$0x2070] =	vst v0;
	s7 =	smov.u32 s9  }
0x41: {  	v0 =	vld [tilespmem:s7+$0x4870]  }
0x42: {  	v6 =	vld [tilespmem:s7+$0x2000]  }
0x43: {  	v7 =	vld [tilespmem:s7+$0x2010]  }
.Ltmp0:
0x44: {  	v10 =	vld [tilespmem:s7+$0x2020];
	(pc) =	sbr.rel @p1 .LBB2_3-.Ltmp0, $4  }
0x45: {  	v9 =	vld [tilespmem:s7+$0x2030]  }
0x46: {  	v8 =	vld [tilespmem:s7+$0x2040]  }
0x47: {  	v12 =	vadd.bf16 v12, v6;
	v6 =	vld [tilespmem:s7+$0x2050]  }
0x48: {  	s8 =	sadd.s32 $0x200, s8;
	v11 =	vadd.bf16 v11, v7;
	v7 =	vld [tilespmem:s7+$0x2060]  }
0x49: {  	[tilespmem:s7+$0x2000] =	vst v12;
	v5 =	vadd.bf16 v5, v10;
	v10 =	vld [tilespmem:s7+$0x2070]  }
0x4a: {  	[tilespmem:s7+$0x2010] =	vst v11;
	v4 =	vadd.bf16 v4, v9  }
0x4b: {  	[tilespmem:s7+$0x2020] =	vst v5;
	v3 =	vadd.bf16 v3, v8  }
0x4c: {  	[tilespmem:s7+$0x2030] =	vst v4;
	v2 =	vadd.bf16 v2, v6  }
0x4d: {  	[tilespmem:s7+$0x2040] =	vst v3;
	v1 =	vadd.bf16 v1, v7  }
0x4e: {  	s8 =	sadd.s32 s4, s31;
	[tilespmem:s7+$0x2050] =	vst v2;
	v0 =	vadd.bf16 v0, v10  }
0x4f: {  	s8 =	sshll.u32 s8, $0x4;
	[tilespmem:s7+$0x2060] =	vst v1  }
0x50: {  	s9 =	sadd.s32 s6, s8;
	[tilespmem:s7+$0x2070] =	vst v0  }
0x51: {  	[hbm4b:s9+s3] =	stream.linear.scatter [tilespmem:s15], [sflag:$0x7], $0x2800, $0x38;
	[tilespmem:$0x11000] =	vst v63  }
0x52: {  	_ =	swait.ge [sflag:s21], $0x2800  }
0x53: {  	[sflag:s21] =	ssyncset.done $0x0  }
0x54: {  	[sflag:s21] =	ssyncadd.s32 $0xFFFFD800  }
0x55: {  	_ =	swait.ge [sflag:s22], $0x2800  }
0x56: {  	[sflag:s22] =	ssyncset.done $0x0  }
0x57: {  	s7 =	simm.s32 @!p0 $0x9;
	[sflag:s22] =	ssyncadd.s32 $0xFFFFD800  }
0x58: {  	_ =	swait.ge @!p0 [sflag:s7], $0x2800  }
0x59: {  	[sflag:s7] =	ssyncset.done @!p0 $0x0  }
0x5a: {  	[sflag:s7] =	ssyncadd.s32 @!p0 $0xFFFFD800;
	s7 =	sadd.s32 $0xA0, s31  }
0x5b: {  	[tilespmem:s23], [sflag:$0x5] =	stream.indirect.gather [hbm4b:s2+s14], $0x80, s7, s14, $0xb8;
	[tilespmem:$0x11000] =	vst v63  }
0x5c: {  	s10 =	sadd.s32 $0x10A0, s31;
	s8 =	simm.s32 $0x0  }
0x5d: {  	[tilespmem:s24], [sflag:$0x6] =	stream.indirect.gather [hbm4b:s5+s14], $0x80, s10, s14, $0xb8;
	[tilespmem:$0x11000] =	vst v63  }
0x5e: {  	v7 =	vld [tilespmem:s8+$0x9800]  }
0x5f: {  	v11 =	vld [tilespmem:s8+$0x9810]  }
0x60: {  	v5 =	vld [tilespmem:s8+$0x9820]  }
0x61: {  	v4 =	vld [tilespmem:s8+$0x9830]  }
0x62: {  	v3 =	vld [tilespmem:s8+$0x9840]  }
0x63: {  	v2 =	vld [tilespmem:s8+$0x9850]  }
0x64: {  	v1 =	vld [tilespmem:s8+$0x9860]  }
0x65: {  	v0 =	vld [tilespmem:s8+$0x9870]  }
0x66: {  	v12 =	vld [tilespmem:s8+$0x7000]  }
0x67: {  	v13 =	vld [tilespmem:s8+$0x7010]  }
0x68: {  	v10 =	vld [tilespmem:s8+$0x7020]  }
0x69: {  	v9 =	vld [tilespmem:s8+$0x7030]  }
0x6a: {  	v8 =	vld [tilespmem:s8+$0x7040]  }
0x6b: {  	v6 =	vld [tilespmem:s8+$0x7050];
	v12 =	vadd.bf16 v7, v12  }
0x6c: {  	s9 =	simm.s32 $0x200;
	v11 =	vadd.bf16 v11, v13;
	v7 =	vld [tilespmem:s8+$0x7060]  }
.LBB2_5:
0x6d: {  	s10 =	sshra.s32 s9, $0x2;
	p0 =	sne.s32 s9, $0x9E00;
	[tilespmem:s8+$0x7000] =	vst v12;
	v5 =	vadd.bf16 v5, v10;
	v10 =	vld [tilespmem:s8+$0x7070]  }
0x6e: {  	v12 =	vld [tilespmem:s10+$0x9800];
	[tilespmem:s8+$0x7010] =	vst v11;
	v4 =	vadd.bf16 v4, v9  }
0x6f: {  	v11 =	vld [tilespmem:s10+$0x9810];
	[tilespmem:s8+$0x7020] =	vst v5;
	v3 =	vadd.bf16 v3, v8  }
0x70: {  	v5 =	vld [tilespmem:s10+$0x9820];
	[tilespmem:s8+$0x7030] =	vst v4;
	v2 =	vadd.bf16 v2, v6  }
0x71: {  	v4 =	vld [tilespmem:s10+$0x9830];
	[tilespmem:s8+$0x7040] =	vst v3;
	v1 =	vadd.bf16 v1, v7  }
0x72: {  	v3 =	vld [tilespmem:s10+$0x9840];
	[tilespmem:s8+$0x7050] =	vst v2;
	v0 =	vadd.bf16 v0, v10  }
0x73: {  	v2 =	vld [tilespmem:s10+$0x9850];
	[tilespmem:s8+$0x7060] =	vst v1  }
0x74: {  	v1 =	vld [tilespmem:s10+$0x9860];
	[tilespmem:s8+$0x7070] =	vst v0;
	s8 =	smov.u32 s10  }
0x75: {  	v0 =	vld [tilespmem:s8+$0x9870]  }
0x76: {  	v6 =	vld [tilespmem:s8+$0x7000]  }
0x77: {  	v7 =	vld [tilespmem:s8+$0x7010]  }
.Ltmp1:
0x78: {  	v10 =	vld [tilespmem:s8+$0x7020];
	(pc) =	sbr.rel @p0 .LBB2_5-.Ltmp1, $4  }
0x79: {  	v9 =	vld [tilespmem:s8+$0x7030]  }
0x7a: {  	v8 =	vld [tilespmem:s8+$0x7040]  }
0x7b: {  	v12 =	vadd.bf16 v12, v6;
	v6 =	vld [tilespmem:s8+$0x7050]  }
0x7c: {  	s9 =	sadd.s32 $0x200, s9;
	v11 =	vadd.bf16 v11, v7;
	v7 =	vld [tilespmem:s8+$0x7060]  }
0x7d: {  	[tilespmem:s8+$0x7000] =	vst v12;
	v5 =	vadd.bf16 v5, v10;
	v10 =	vld [tilespmem:s8+$0x7070]  }
0x7e: {  	[tilespmem:s8+$0x7010] =	vst v11;
	v4 =	vadd.bf16 v4, v9  }
0x7f: {  	[tilespmem:s8+$0x7020] =	vst v5;
	v3 =	vadd.bf16 v3, v8  }
0x80: {  	[tilespmem:s8+$0x7030] =	vst v4;
	v2 =	vadd.bf16 v2, v6  }
0x81: {  	[tilespmem:s8+$0x7040] =	vst v3;
	v1 =	vadd.bf16 v1, v7  }
0x82: {  	s9 =	sadd.s32 s4, s13;
	[tilespmem:s8+$0x7050] =	vst v2;
	v0 =	vadd.bf16 v0, v10  }
0x83: {  	s9 =	sshll.u32 s9, $0x4;
	[tilespmem:s8+$0x7060] =	vst v1  }
0x84: {  	s10 =	simm.s32 $0x0;
	s9 =	sadd.s32 s6, s9;
	[tilespmem:s8+$0x7070] =	vst v0  }
0x85: {  	[hbm4b:s9+s10] =	stream.linear.scatter [tilespmem:s19], [sflag:$0x8], $0x2800, $0x38;
	[tilespmem:$0x11000] =	vst v63  }
0x86: {  	_ =	swait.ge [sflag:s25], $0x2800  }
0x87: {  	[sflag:s25] =	ssyncset.done $0x0  }
0x88: {  	[sflag:s25] =	ssyncadd.s32 $0xFFFFD800  }
0x89: {  	_ =	swait.ge [sflag:s26], $0x2800  }
0x8a: {  	[sflag:s26] =	ssyncset.done $0x0  }
0x8b: {  	[sflag:s26] =	ssyncadd.s32 $0xFFFFD800  }
0x8c: {  	_ =	swait.ge [sflag:s28], $0x2800  }
0x8d: {  	[sflag:s28] =	ssyncset.done $0x0  }
0x8e: {  	s13 =	sadd.s32 $0xF0, s31;
	[sflag:s28] =	ssyncadd.s32 $0xFFFFD800  }
0x8f: {  	[tilespmem:s15], [sflag:$0x1] =	stream.indirect.gather [hbm4b:s2+s14], $0x80, s13, s14, $0xb8;
	[tilespmem:$0x11000] =	vst v63  }
0x90: {  	s31 =	sadd.s32 $0x10F0, s31;
	s8 =	simm.s32 $0x0  }
0x91: {  	[tilespmem:s16], [sflag:$0x2] =	stream.indirect.gather [hbm4b:s5+s14], $0x80, s31, s14, $0xb8;
	[tilespmem:$0x11000] =	vst v63  }
0x92: {  	v7 =	vld [tilespmem:s8+$0xE800]  }
0x93: {  	v11 =	vld [tilespmem:s8+$0xE810]  }
0x94: {  	v5 =	vld [tilespmem:s8+$0xE820]  }
0x95: {  	v4 =	vld [tilespmem:s8+$0xE830]  }
0x96: {  	v3 =	vld [tilespmem:s8+$0xE840]  }
0x97: {  	v2 =	vld [tilespmem:s8+$0xE850]  }
0x98: {  	v1 =	vld [tilespmem:s8+$0xE860]  }
0x99: {  	v0 =	vld [tilespmem:s8+$0xE870]  }
0x9a: {  	v12 =	vld [tilespmem:s8+$0xC000]  }
0x9b: {  	v13 =	vld [tilespmem:s8+$0xC010]  }
0x9c: {  	v10 =	vld [tilespmem:s8+$0xC020]  }
0x9d: {  	v9 =	vld [tilespmem:s8+$0xC030]  }
0x9e: {  	v8 =	vld [tilespmem:s8+$0xC040]  }
0x9f: {  	v6 =	vld [tilespmem:s8+$0xC050];
	v12 =	vadd.bf16 v7, v12  }
0xa0: {  	s9 =	simm.s32 $0x200;
	v11 =	vadd.bf16 v11, v13;
	v7 =	vld [tilespmem:s8+$0xC060]  }
.LBB2_7:
0xa1: {  	s10 =	sshra.s32 s9, $0x2;
	p0 =	sne.s32 s9, $0x9E00;
	[tilespmem:s8+$0xC000] =	vst v12;
	v5 =	vadd.bf16 v5, v10;
	v10 =	vld [tilespmem:s8+$0xC070]  }
0xa2: {  	v12 =	vld [tilespmem:s10+$0xE800];
	[tilespmem:s8+$0xC010] =	vst v11;
	v4 =	vadd.bf16 v4, v9  }
0xa3: {  	v11 =	vld [tilespmem:s10+$0xE810];
	[tilespmem:s8+$0xC020] =	vst v5;
	v3 =	vadd.bf16 v3, v8  }
0xa4: {  	v5 =	vld [tilespmem:s10+$0xE820];
	[tilespmem:s8+$0xC030] =	vst v4;
	v2 =	vadd.bf16 v2, v6  }
0xa5: {  	v4 =	vld [tilespmem:s10+$0xE830];
	[tilespmem:s8+$0xC040] =	vst v3;
	v1 =	vadd.bf16 v1, v7  }
0xa6: {  	v3 =	vld [tilespmem:s10+$0xE840];
	[tilespmem:s8+$0xC050] =	vst v2;
	v0 =	vadd.bf16 v0, v10  }
0xa7: {  	v2 =	vld [tilespmem:s10+$0xE850];
	[tilespmem:s8+$0xC060] =	vst v1  }
0xa8: {  	v1 =	vld [tilespmem:s10+$0xE860];
	[tilespmem:s8+$0xC070] =	vst v0;
	s8 =	smov.u32 s10  }
0xa9: {  	v0 =	vld [tilespmem:s8+$0xE870]  }
0xaa: {  	v6 =	vld [tilespmem:s8+$0xC000]  }
0xab: {  	v7 =	vld [tilespmem:s8+$0xC010]  }
.Ltmp2:
0xac: {  	v10 =	vld [tilespmem:s8+$0xC020];
	(pc) =	sbr.rel @p0 .LBB2_7-.Ltmp2, $4  }
0xad: {  	v9 =	vld [tilespmem:s8+$0xC030]  }
0xae: {  	v8 =	vld [tilespmem:s8+$0xC040]  }
0xaf: {  	v12 =	vadd.bf16 v12, v6;
	v6 =	vld [tilespmem:s8+$0xC050]  }
0xb0: {  	s9 =	sadd.s32 $0x200, s9;
	v11 =	vadd.bf16 v11, v7;
	v7 =	vld [tilespmem:s8+$0xC060]  }
0xb1: {  	[tilespmem:s8+$0xC000] =	vst v12;
	v5 =	vadd.bf16 v5, v10;
	v63 =	vld [tilespmem:s8+$0xC070]  }
0xb2: {  	[tilespmem:s8+$0xC010] =	vst v11;
	v4 =	vadd.bf16 v4, v9  }
0xb3: {  	s30 =	sadd.s32 $0x1, s30;
	[tilespmem:s8+$0xC020] =	vst v5;
	v3 =	vadd.bf16 v3, v8  }
0xb4: {  	p0 =	sne.s32 s30, $0x10;
	[tilespmem:s8+$0xC030] =	vst v4;
	v2 =	vadd.bf16 v2, v6  }
.Ltmp3:
0xb5: {  	[tilespmem:s8+$0xC040] =	vst v3;
	v1 =	vadd.bf16 v1, v7;
	(pc) =	sbr.rel @p0 .LBB2_2-.Ltmp3, $4  }
0xb6: {  	s7 =	sadd.s32 s4, s7;
	[tilespmem:s8+$0xC050] =	vst v2;
	v0 =	vadd.bf16 v0, v63  }
0xb7: {  	s7 =	sshll.u32 s7, $0x4;
	[tilespmem:s8+$0xC060] =	vst v1  }
0xb8: {  	s7 =	sadd.s32 s6, s7;
	[tilespmem:s8+$0xC070] =	vst v0  }
0xb9: {  	[hbm4b:s7+s3] =	stream.linear.scatter [tilespmem:s23], [sflag:$0x9], $0x2800, $0x38;
	[tilespmem:$0x11000] =	vst v63  }
0xba: {  	_ =	swait.ge [sflag:s17], $0x2800  }
0xbb: {  	[sflag:s17] =	ssyncset.done $0x0  }
0xbc: {  	[sflag:s17] =	ssyncadd.s32 $0xFFFFD800  }
0xbd: {  	_ =	swait.ge [sflag:s18], $0x2800  }
0xbe: {  	[sflag:s18] =	ssyncset.done $0x0  }
0xbf: {  	[sflag:s18] =	ssyncadd.s32 $0xFFFFD800  }
0xc0: {  	_ =	swait.ge [sflag:s29], $0x2800  }
0xc1: {  	[sflag:s29] =	ssyncset.done $0x0  }
0xc2: {  	s7 =	simm.s32 $0xF50;
	[sflag:s29] =	ssyncadd.s32 $0xFFFFD800  }
0xc3: {  	[tilespmem:s19], [sflag:$0x3] =	stream.indirect.gather [hbm4b:s2+s14], $0x80, s7, s14, $0xb8;
	[tilespmem:$0x11000] =	vst v63  }
0xc4: {  	s31 =	simm.s32 $0x1F50;
	s7 =	simm.s32 $0x0  }
0xc5: {  	[tilespmem:s20], [sflag:$0x4] =	stream.indirect.gather [hbm4b:s5+s14], $0x80, s31, s14, $0xb8;
	[tilespmem:$0x11000] =	vst v63  }
0xc6: {  	v7 =	vld [tilespmem:s7+$0x4800]  }
0xc7: {  	v11 =	vld [tilespmem:s7+$0x4810]  }
0xc8: {  	v5 =	vld [tilespmem:s7+$0x4820]  }
0xc9: {  	v4 =	vld [tilespmem:s7+$0x4830]  }
0xca: {  	v3 =	vld [tilespmem:s7+$0x4840]  }
0xcb: {  	v2 =	vld [tilespmem:s7+$0x4850]  }
0xcc: {  	v1 =	vld [tilespmem:s7+$0x4860]  }
0xcd: {  	v0 =	vld [tilespmem:s7+$0x4870]  }
0xce: {  	v12 =	vld [tilespmem:s7+$0x2000]  }
0xcf: {  	v13 =	vld [tilespmem:s7+$0x2010]  }
0xd0: {  	v10 =	vld [tilespmem:s7+$0x2020]  }
0xd1: {  	v9 =	vld [tilespmem:s7+$0x2030]  }
0xd2: {  	v8 =	vld [tilespmem:s7+$0x2040]  }
0xd3: {  	v6 =	vld [tilespmem:s7+$0x2050];
	v12 =	vadd.bf16 v7, v12  }
0xd4: {  	s8 =	simm.s32 $0x200;
	v11 =	vadd.bf16 v11, v13;
	v7 =	vld [tilespmem:s7+$0x2060]  }
.LBB2_10:
0xd5: {  	s9 =	sshra.s32 s8, $0x2;
	p0 =	sne.s32 s8, $0x9E00;
	[tilespmem:s7+$0x2000] =	vst v12;
	v5 =	vadd.bf16 v5, v10;
	v10 =	vld [tilespmem:s7+$0x2070]  }
0xd6: {  	v12 =	vld [tilespmem:s9+$0x4800];
	[tilespmem:s7+$0x2010] =	vst v11;
	v4 =	vadd.bf16 v4, v9  }
0xd7: {  	v11 =	vld [tilespmem:s9+$0x4810];
	[tilespmem:s7+$0x2020] =	vst v5;
	v3 =	vadd.bf16 v3, v8  }
0xd8: {  	v5 =	vld [tilespmem:s9+$0x4820];
	[tilespmem:s7+$0x2030] =	vst v4;
	v2 =	vadd.bf16 v2, v6  }
0xd9: {  	v4 =	vld [tilespmem:s9+$0x4830];
	[tilespmem:s7+$0x2040] =	vst v3;
	v1 =	vadd.bf16 v1, v7  }
0xda: {  	v3 =	vld [tilespmem:s9+$0x4840];
	[tilespmem:s7+$0x2050] =	vst v2;
	v0 =	vadd.bf16 v0, v10  }
0xdb: {  	v2 =	vld [tilespmem:s9+$0x4850];
	[tilespmem:s7+$0x2060] =	vst v1  }
0xdc: {  	v1 =	vld [tilespmem:s9+$0x4860];
	[tilespmem:s7+$0x2070] =	vst v0;
	s7 =	smov.u32 s9  }
0xdd: {  	v0 =	vld [tilespmem:s7+$0x4870]  }
0xde: {  	v6 =	vld [tilespmem:s7+$0x2000]  }
0xdf: {  	v7 =	vld [tilespmem:s7+$0x2010]  }
.Ltmp4:
0xe0: {  	v10 =	vld [tilespmem:s7+$0x2020];
	(pc) =	sbr.rel @p0 .LBB2_10-.Ltmp4, $4  }
0xe1: {  	v9 =	vld [tilespmem:s7+$0x2030]  }
0xe2: {  	v8 =	vld [tilespmem:s7+$0x2040]  }
0xe3: {  	v12 =	vadd.bf16 v12, v6;
	v6 =	vld [tilespmem:s7+$0x2050]  }
0xe4: {  	s8 =	sadd.s32 $0x200, s8;
	v11 =	vadd.bf16 v11, v7;
	v7 =	vld [tilespmem:s7+$0x2060]  }
0xe5: {  	[tilespmem:s7+$0x2000] =	vst v12;
	v5 =	vadd.bf16 v5, v10;
	v10 =	vld [tilespmem:s7+$0x2070]  }
0xe6: {  	[tilespmem:s7+$0x2010] =	vst v11;
	v4 =	vadd.bf16 v4, v9  }
0xe7: {  	[tilespmem:s7+$0x2020] =	vst v5;
	v3 =	vadd.bf16 v3, v8  }
0xe8: {  	[tilespmem:s7+$0x2030] =	vst v4;
	v2 =	vadd.bf16 v2, v6  }
0xe9: {  	[tilespmem:s7+$0x2040] =	vst v3;
	v1 =	vadd.bf16 v1, v7  }
0xea: {  	[tilespmem:s7+$0x2050] =	vst v2;
	v0 =	vadd.bf16 v0, v10  }
0xeb: {  	[tilespmem:s7+$0x2060] =	vst v1  }
0xec: {  	s31 =	simm.s32 $0x0;
	s8 =	rddreg [dreg:$0x5];
	[tilespmem:s7+$0x2070] =	vst v0  }
0xed: {  	[hbm4b:s8+s31] =	stream.linear.scatter [tilespmem:s15], [sflag:$0x7], $0x2800, $0x38;
	[tilespmem:$0x11000] =	vst v63  }
0xee: {  	_ =	swait.ge [sflag:s21], $0x2800  }
0xef: {  	[sflag:s21] =	ssyncset.done $0x0  }
0xf0: {  	[sflag:s21] =	ssyncadd.s32 $0xFFFFD800  }
0xf1: {  	_ =	swait.ge [sflag:s22], $0x2800  }
0xf2: {  	[sflag:s22] =	ssyncset.done $0x0  }
0xf3: {  	s7 =	simm.s32 $0x0;
	[sflag:s22] =	ssyncadd.s32 $0xFFFFD800  }
0xf4: {  	v7 =	vld [tilespmem:s7+$0x9800]  }
0xf5: {  	v11 =	vld [tilespmem:s7+$0x9810]  }
0xf6: {  	v5 =	vld [tilespmem:s7+$0x9820]  }
0xf7: {  	v4 =	vld [tilespmem:s7+$0x9830]  }
0xf8: {  	v3 =	vld [tilespmem:s7+$0x9840]  }
0xf9: {  	v2 =	vld [tilespmem:s7+$0x9850]  }
0xfa: {  	v1 =	vld [tilespmem:s7+$0x9860]  }
0xfb: {  	v0 =	vld [tilespmem:s7+$0x9870]  }
0xfc: {  	v12 =	vld [tilespmem:s7+$0x7000]  }
0xfd: {  	v13 =	vld [tilespmem:s7+$0x7010]  }
0xfe: {  	v10 =	vld [tilespmem:s7+$0x7020]  }
0xff: {  	v9 =	vld [tilespmem:s7+$0x7030]  }
0x100: {  	v8 =	vld [tilespmem:s7+$0x7040]  }
0x101: {  	v6 =	vld [tilespmem:s7+$0x7050];
	v12 =	vadd.bf16 v7, v12  }
0x102: {  	s8 =	simm.s32 $0x200;
	v11 =	vadd.bf16 v11, v13;
	v7 =	vld [tilespmem:s7+$0x7060]  }
.LBB2_12:
0x103: {  	s9 =	sshra.s32 s8, $0x2;
	p0 =	sne.s32 s8, $0x9E00;
	[tilespmem:s7+$0x7000] =	vst v12;
	v5 =	vadd.bf16 v5, v10;
	v10 =	vld [tilespmem:s7+$0x7070]  }
0x104: {  	v12 =	vld [tilespmem:s9+$0x9800];
	[tilespmem:s7+$0x7010] =	vst v11;
	v4 =	vadd.bf16 v4, v9  }
0x105: {  	v11 =	vld [tilespmem:s9+$0x9810];
	[tilespmem:s7+$0x7020] =	vst v5;
	v3 =	vadd.bf16 v3, v8  }
0x106: {  	v5 =	vld [tilespmem:s9+$0x9820];
	[tilespmem:s7+$0x7030] =	vst v4;
	v2 =	vadd.bf16 v2, v6  }
0x107: {  	v4 =	vld [tilespmem:s9+$0x9830];
	[tilespmem:s7+$0x7040] =	vst v3;
	v1 =	vadd.bf16 v1, v7  }
0x108: {  	v3 =	vld [tilespmem:s9+$0x9840];
	[tilespmem:s7+$0x7050] =	vst v2;
	v0 =	vadd.bf16 v0, v10  }
0x109: {  	v2 =	vld [tilespmem:s9+$0x9850];
	[tilespmem:s7+$0x7060] =	vst v1  }
0x10a: {  	v1 =	vld [tilespmem:s9+$0x9860];
	[tilespmem:s7+$0x7070] =	vst v0;
	s7 =	smov.u32 s9  }
0x10b: {  	v0 =	vld [tilespmem:s7+$0x9870]  }
0x10c: {  	v6 =	vld [tilespmem:s7+$0x7000]  }
0x10d: {  	v7 =	vld [tilespmem:s7+$0x7010]  }
.Ltmp5:
0x10e: {  	v10 =	vld [tilespmem:s7+$0x7020];
	(pc) =	sbr.rel @p0 .LBB2_12-.Ltmp5, $4  }
0x10f: {  	v9 =	vld [tilespmem:s7+$0x7030]  }
0x110: {  	v8 =	vld [tilespmem:s7+$0x7040]  }
0x111: {  	v12 =	vadd.bf16 v12, v6;
	v6 =	vld [tilespmem:s7+$0x7050]  }
0x112: {  	s8 =	sadd.s32 $0x200, s8;
	v11 =	vadd.bf16 v11, v7;
	v7 =	vld [tilespmem:s7+$0x7060]  }
0x113: {  	[tilespmem:s7+$0x7000] =	vst v12;
	v5 =	vadd.bf16 v5, v10;
	v63 =	vld [tilespmem:s7+$0x7070]  }
0x114: {  	[tilespmem:s7+$0x7010] =	vst v11;
	v4 =	vadd.bf16 v4, v9  }
0x115: {  	[tilespmem:s7+$0x7020] =	vst v5;
	v3 =	vadd.bf16 v3, v8  }
0x116: {  	[tilespmem:s7+$0x7030] =	vst v4;
	v2 =	vadd.bf16 v2, v6  }
0x117: {  	[tilespmem:s7+$0x7040] =	vst v3;
	v1 =	vadd.bf16 v1, v7  }
0x118: {  	[tilespmem:s7+$0x7050] =	vst v2;
	v0 =	vadd.bf16 v0, v63  }
0x119: {  	[tilespmem:s7+$0x7060] =	vst v1  }
0x11a: {  	s31 =	rddreg [dreg:$0x6];
	[tilespmem:s7+$0x7070] =	vst v0  }
0x11b: {  	[hbm4b:s31+s3] =	stream.linear.scatter [tilespmem:s19], [sflag:$0x8], $0x2800, $0x38;
	[tilespmem:$0x11000] =	vst v63  }
0x11c: {  	_ =	swait.ge [sflag:s28], $0x2800  }
0x11d: {  	[sflag:s28] =	ssyncset.done $0x0  }
0x11e: {  	s0 =	sadd.s32 $0x1, s0;
	[sflag:s28] =	ssyncadd.s32 $0xFFFFD800  }
0x11f: {  	p0 =	sne.s32 s0, s11;
	_ =	swait.ge [sflag:s29], $0x2800  }
.Ltmp6:
0x120: {  	[sflag:s29] =	ssyncset.done $0x0;
	(pc) =	sbr.rel @p0 .LBB2_1-.Ltmp6, $4  }
0x121: {  	[sflag:s29] =	ssyncadd.s32 $0xFFFFD800  }
0x122: {  	_ =	swait.ge [sflag:s1], $0x2800  }
0x123: {  	[sflag:s1] =	ssyncset.done $0x0  }
0x124: {  	[sflag:s1] =	ssyncadd.s32 $0xFFFFD800  }
0x125: {  	_ =	sfence.sel $0x180000  }
0x126: {  	[bflag:$0x0] =	sbarrier.arrive $0xFFFF  }
0x127: {  	_ =	strace $0x9000004A  }
0x128: {  	s0 =	stileid.u32;
	[bflag:$0x2] =	sbarrier.arrive $0xFFFF  }
0x129: {  	p0 =	sne.s32 s0, $0x0;
	s0 =	rddreg [dreg:$0x2]  }
0x12a: {  	s0 =	sadd.s32 @!p0 $0x100000, s0  }
0x12b: {  	[sflag:s0] =	ssyncadd.tile.s32 @!p0 $0x1;
	_ =	shalt  }
.Lfunc_end2:
_tile_overlayer_lowered:
.L_overlay_start_2:
0x12c: {  	(tag) =	ssettag $0x2  }
0x12d: {  	s0 =	rddreg [dreg:$0x0];
	s2 =	stileid.u32  }
0x12e: {  	s1 =	rddreg [dreg:$0x1];
	p0 =	sne.s32 s2, $0x0  }
0x12f: {  	s3 =	rddreg [dreg:$0x2];
	[bflag:$0x3] =	sbarrier.arrive $0xFFFF;
	s2 =	simm.s32 @!p0 $0x1C0A  }
0x130: {  	[timem:s3], [sflag:s2] =	dma.local @!p0 [hbm:s0], s1  }
0x131: {  	s0 =	simm.s32 @!p0 $0xA  }
0x132: {  	_ =	swait.ge @!p0 [sflag:s0], s1  }
0x133: {  	s1 =	ssub.s32 @!p0 $0x0, s1;
	[sflag:s0] =	ssyncset.done @!p0 $0x0  }
0x134: {  	[sflag:s0] =	ssyncadd.s32 @!p0 s1  }
0x135: {  	[bflag:$0x3] =	sbarrier.arrive $0xFFFF  }
0x136: {  	_ =	shalt  }

// kernel: kernel.15.cloned.1.call-start
scs
__scs_entry_jumppad:
0x0: {  	(pc) =	sbr.rel $0x88, $3  }
0x1: {  	(tag) =	ssettag $0x0;
	lr =	simm.s32 $0x1  }
0x2: {  	[smem:$0x3F95] =	sst lr;
	_ =	strace $0xD0000000  }
0x3: {  	_ = 	snop  }
0x4: {  	_ = 	snop  }
0x5: {  	_ = 	snop  }
0x6: {  	_ = 	snop  }
0x7: {  	_ = 	snop  }
__scs_overlays_trampoline_lowered:
0x8: {  	[smem:$0x3FA4] =	sst s0  }
0x9: {  	[smem:$0x3FA5] =	sst s1  }
0xa: {  	[smem:$0x3FA6] =	sst s2  }
0xb: {  	[smem:$0x3FA7] =	sst s3  }
0xc: {  	[smem:$0x3FA8] =	sst s4  }
0xd: {  	[smem:$0x3FA9] =	sst s5  }
0xe: {  	[smem:$0x3FAA] =	sst s6  }
0xf: {  	[smem:$0x3FAB] =	sst s7  }
0x10: {  	[smem:$0x3FAC] =	sst s8  }
0x11: {  	[smem:$0x3FAD] =	sst s9;
	s0 =	simm.s32 @!p0 $0x0  }
0x12: {  	s1 =	sld [smem:$0x3F93];
	s0 =	simm.s32 @p0 $0x1  }
0x13: {  	[smem:$0x3FAE] =	sst s0;
	s0 =	simm.s32 @!p1 $0x0  }
0x14: {  	s2 =	sld [smem:$0x3F92];
	s0 =	simm.s32 @p1 $0x1  }
0x15: {  	[smem:$0x3FAF] =	sst s0;
	s0 =	simm.s32 @!p2 $0x0  }
0x16: {  	s3 =	sld [smem:$0x3FDB];
	s0 =	simm.s32 @p2 $0x1  }
0x17: {  	s4 =	simm.s32 $0x1BF5;
	[smem:$0x3FB1] =	sst s0  }
0x18: {  	s0 =	sld [smem:$0x3F94];
	_ =	swait.ge [sflag:s4], $0x0  }
0x19: {  	s7 =	sld [smem:$0x3F95]  }
0x1a: {  	s8 =	sadd.s32 $0xFFFFE003, lr  }
0x1b: {  	s9 =	sadd.s32 $0xFFFFFEF7, lr;
	s5 =	simm.s32 $0xFFFFFFFF;
	p2 =	slt.u32 s8, $0xFFFFF086  }
0x1c: {  	p1 =	slt.u32 s9, $0xF7A;
	s5 =	simm.s32 @!p2 $0x0  }
0x1d: {  	s5 =	simm.s32 @p1 $0x1;
	p0 =	seq.s32 s7, s2  }
0x1e: {  	s7 =	smul.u32 @!p0 $0xF7A, s2;
	p2 =	seq.s32 @!p0 s5, $0x0  }
0x1f: {  	s9 =	smul.u32 $0xF7A, s1;
	s8 =	simm.s32 @!p0 $0x1BF5;
	p2 =	por !p2, p0  }
0x20: {  	[sflag:s8] =	ssyncset.s32 @!p0 $0xFFFFF086;
	s6 =	sadd.s32 @!p0 s3, s7;
	s7 =	simm.s32 @!p0 $0x108  }
0x21: {  	s3 =	sadd.s32 s3, s9;
	s6 =	sadd.s32 @!p0 $0x88, s6;
	s7 =	simm.s32 @p2 $0x1082  }
0x22: {  	[simem:s7], [sflag:s8] =	dma.local @!p0 [hbm:s6], $0xF7A  }
0x23: {  	s9 =	sor.u32 $0xD0000000, s2;
	s6 =	simm.s32 $0x108;
	_ =	swait.ge @!p0 [sflag:s8], $0x0  }
0x24: {  	s3 =	sadd.s32 $0x88, s3;
	s6 =	simm.s32 @!p1 $0x1082;
	[sflag:s4] =	ssyncset.s32 $0xFFFFF086  }
0x25: {  	[simem:s6], [sflag:s4] =	dma.local [hbm:s3], $0xF7A  }
0x26: {  	[smem:$0x3F95] =	sst s1;
	(tag) =	ssettag s2;
	_ =	strace s9  }
0x27: {  	s1 =	sld [smem:$0x3FA5]  }
0x28: {  	s2 =	sld [smem:$0x3FA6]  }
0x29: {  	s4 =	sld [smem:$0x3FA8]  }
0x2a: {  	p0 =	seq.s32 s5, $0x0;
	s5 =	sld [smem:$0x3FA9]  }
0x2b: {  	s6 =	sld [smem:$0x3FAA]  }
0x2c: {  	s7 =	sld [smem:$0x3FAB]  }
0x2d: {  	s3 =	simm.s32 $0x108;
	s8 =	sld [smem:$0x3FAC]  }
0x2e: {  	s3 =	simm.s32 @!p0 $0x1082;
	s9 =	sld [smem:$0x3FAD]  }
0x2f: {  	lr =	sadd.s32 s0, s3;
	s0 =	sld [smem:$0x3FA4]  }
0x30: {  	s3 =	sld [smem:$0x3FA7]  }
0x31: {  	[smem:$0x3FB0] =	sst s10  }
0x32: {  	s10 =	sld [smem:$0x3FAE];
	_ =	sdelay $0x3  }
0x33: {  	p0 =	seq.s32 s10, $0x1;
	s10 =	sld [smem:$0x3FB0];
	_ =	sdelay $0x3  }
0x34: {  	[smem:$0x3FB0] =	sst s10  }
0x35: {  	s10 =	sld [smem:$0x3FAF];
	_ =	sdelay $0x3  }
0x36: {  	p1 =	seq.s32 s10, $0x1;
	s10 =	sld [smem:$0x3FB0];
	_ =	sdelay $0x3  }
0x37: {  	[smem:$0x3FB0] =	sst s10  }
0x38: {  	s10 =	sld [smem:$0x3FB1]  }
0x39: {  	_ = 	snop;
	(pc) =	sbr.ind lr, $3  }
0x3a: {  	_ = 	snop  }
0x3b: {  	_ = 	snop  }
0x3c: {  	p2 =	seq.s32 s10, $0x1;
	s10 =	sld [smem:$0x3FB0]  }
0x3d: {  	_ =	shalt  }
0x3e: {  	_ =	shalt  }
0x3f: {  	_ =	shalt  }
0x40: {  	_ =	shalt  }
0x41: {  	_ =	shalt  }
0x42: {  	_ =	shalt  }
0x43: {  	_ =	shalt  }
0x44: {  	_ =	shalt  }
0x45: {  	_ =	shalt  }
0x46: {  	_ =	shalt  }
0x47: {  	_ =	shalt  }
0x48: {  	_ =	shalt  }
0x49: {  	_ =	shalt  }
0x4a: {  	_ =	shalt  }
0x4b: {  	_ =	shalt  }
0x4c: {  	_ =	shalt  }
0x4d: {  	_ =	shalt  }
0x4e: {  	_ =	shalt  }
0x4f: {  	_ =	shalt  }
0x50: {  	_ =	shalt  }
0x51: {  	_ =	shalt  }
0x52: {  	_ =	shalt  }
0x53: {  	_ =	shalt  }
0x54: {  	_ =	shalt  }
0x55: {  	_ =	shalt  }
0x56: {  	_ =	shalt  }
0x57: {  	_ =	shalt  }
0x58: {  	_ =	shalt  }
0x59: {  	_ =	shalt  }
0x5a: {  	_ =	shalt  }
0x5b: {  	_ =	shalt  }
0x5c: {  	_ =	shalt  }
0x5d: {  	_ =	shalt  }
0x5e: {  	_ =	shalt  }
0x5f: {  	_ =	shalt  }
0x60: {  	_ =	shalt  }
0x61: {  	_ =	shalt  }
0x62: {  	_ =	shalt  }
0x63: {  	_ =	shalt  }
0x64: {  	_ =	shalt  }
0x65: {  	_ =	shalt  }
0x66: {  	_ =	shalt  }
0x67: {  	_ =	shalt  }
0x68: {  	_ =	shalt  }
0x69: {  	_ =	shalt  }
0x6a: {  	_ =	shalt  }
0x6b: {  	_ =	shalt  }
0x6c: {  	_ =	shalt  }
0x6d: {  	_ =	shalt  }
0x6e: {  	_ =	shalt  }
0x6f: {  	_ =	shalt  }
0x70: {  	_ =	shalt  }
0x71: {  	_ =	shalt  }
0x72: {  	_ =	shalt  }
0x73: {  	_ =	shalt  }
0x74: {  	_ =	shalt  }
0x75: {  	_ =	shalt  }
0x76: {  	_ =	shalt  }
0x77: {  	_ =	shalt  }
0x78: {  	_ =	shalt  }
0x79: {  	_ =	shalt  }
0x7a: {  	_ =	shalt  }
0x7b: {  	_ =	shalt  }
0x7c: {  	_ =	shalt  }
0x7d: {  	_ =	shalt  }
0x7e: {  	_ =	shalt  }
0x7f: {  	_ =	shalt  }
0x80: {  	_ =	shalt  }
0x81: {  	_ =	shalt  }
0x82: {  	_ =	shalt  }
0x83: {  	_ =	shalt  }
0x84: {  	_ =	shalt  }
0x85: {  	_ =	shalt  }
0x86: {  	_ =	shalt  }
0x87: {  	_ =	shalt  }
.Lfunc_end0:
.L_simem_size_0:
called_computation.2_lowered:
.L_overlay_start_0:
0x88: {  	s2 =	sld [smem:$0x3FD9]  }
0x89: {  	s3 =	sld [smem:$0x3FFE];
	_ =	sdelay $0x1  }
0x8a: {  	s1 =	srdreg.scid  }
0x8b: {  	s0 =	sand.u32 $0x1, s1  }
0x8c: {  	s16 =	sshll.u32 s0, $0xA;
	s2 =	sadd.s32 s3, s2  }
0x8d: {  	s2 =	sadd.s32 s2, s16  }
0x8e: {  	[smem:$0x3FBC] =	sst s2  }
0x8f: {  	_ = 	snop  }
0x90: {  	(tm) =	ssettm $0x1  }
0x91: {  	s17 =	sld [smem:$0x3FFB];
	_ =	sdelay $0x3  }
0x92: {  	_ =	strace s17  }
0x93: {  	s2 =	sld [smem:$0x3FFC];
	_ =	sdelay $0x3  }
0x94: {  	_ =	strace s2  }
0x95: {  	s2 =	sld [smem:$0x3FFD];
	_ =	sdelay $0x3  }
0x96: {  	_ =	strace s2  }
0x97: {  	_ =	strace $0x8FFFFFFF  }
0x98: {  	s18 =	sld [smem:$0x3FDB];
	_ =	sdelay $0x1  }
0x99: {  	s19 =	simm.s32 $_scs_section_size  }
0x9a: {  	s4 =	simm.s32 $_size__tile_overlayer_lowered;
	s5 =	simm.s32 $_tile_overlayer_lowered  }
0x9b: {  	s22 =	simm.s32 $0x1BFF;
	s21 =	sshll.u32 s5, $0x1;
	s2 =	sadd.s32 s19, s18  }
0x9c: {  	s6 =	simm.s32 $0x0;
	s20 =	sshll.u32 s4, $0x1;
	s4 =	sadd.s32 s21, s2  }
0x9d: {  	[timem:s6], [sflag:s22] =	dma.local [hbm:s4], s20  }
0x9e: {  	_ =	swait.ge [sflag:s22], s20  }
0x9f: {  	s3 =	ssub.s32 $0x0, s20;
	[sflag:s22] =	ssyncset.done $0x0  }
0xa0: {  	[sflag:s22] =	ssyncadd.s32 s3;
	_ =	sdelay $0x1  }
0xa1: {  	s23 =	simm.s32 $0x1B8B  }
0xa2: {  	_ =	swait.ge [sflag:s23], $0x1  }
0xa3: {  	[sflag:s23] =	ssyncset.done $0x0  }
0xa4: {  	s25 =	simm.s32 $0x1B8E;
	s24 =	sld [smem:$0x3FFE];
	[sflag:s23] =	ssyncadd.s32 $0xFFFFFFFF  }
0xa5: {  	s26 =	simm.s32 $execute0_lowered;
	[smem:$0x3FD2] =	sst s25  }
0xa6: {  	s4 =	sshll.u32 s26, $0x1;
	_ =	strace $0x8000004C;
	[dreg:$0x1] =	wrdreg $0xFFFFFFFF  }
0xa7: {  	s28 =	simm.s32 $_size_execute0_lowered;
	s2 =	sadd.s32 s2, s4;
	[dreg:$0x0] =	wrdreg $0x0  }
0xa8: {  	s4 =	sshll.u32 s28, $0x1;
	[dreg:$0x2] =	wrdreg s2  }
0xa9: {  	[dreg:$0x3] =	wrdreg s4  }
0xaa: {  	[dreg:$0x4] =	wrdreg $0xC0  }
0xab: {  	_ =	task [dreg:s6], $0x5FFFF  }
0xac: {  	[dreg:$0x1] =	wrdreg $0xFFFFFFFF  }
0xad: {  	[dreg:$0x0] =	wrdreg $0x60  }
0xae: {  	[dreg:$0x2] =	wrdreg s24  }
0xaf: {  	[dreg:$0x3] =	wrdreg $0xAC000  }
0xb0: {  	[dreg:$0x4] =	wrdreg $0x9  }
0xb1: {  	_ =	task.clear_ibuf [dreg:s6], $0x5FFFF;
	_ =	strace $0x9000004C  }
0xb2: {  	s29 =	simm.s32 $0x9;
	_ =	strace $0x8000004E  }
0xb3: {  	_ =	swait.ge [sflag:s29], $0x1  }
0xb4: {  	[sflag:s29] =	ssyncadd.s32 $0xFFFFFFFF  }
0xb5: {  	_ =	strace $0x9000004E  }
0xb6: {  	_ =	sfence  }
0xb7: {  	s30 =	sld [smem:$0x0];
	_ =	sdelay $0x2  }
0xb8: {  	s31 =	sshll.u32 s1, $0xD;
	s1 =	sshrl.u32 s1, $0x2  }
0xb9: {  	s3 =	sand.u32 $0x4000, s31;
	s1 =	sadd.s32 s1, s30  }
0xba: {  	s0 =	sor.u32 s3, s0;
	s1 =	sshll.u32 s1, $0x11  }
0xbb: {  	s0 =	sor.u32 s1, s0  }
0xbc: {  	s0 =	sadd.s32 $0x8F2B, s0  }
0xbd: {  	[sflag:s0] =	ssyncadd.remote.s32 $0x1  }
0xbe: {  	_ =	sfence.sel $0xFFFF  }
0xbf: {  	[dreg:$0x0] =	wrdreg $0xFFFFFFFF;
	(pc) =	sbr.abs _section_cstart, $3  }
0xc0: {  	[dreg:$0x1] =	wrdreg $0xFFFFFFFF  }
0xc1: {  	_ =	task.clear_ibuf [dreg:s6], $0x2FFFF;
	_ =	strace $0x9FFFFFFF  }
0xc2: {  	(tm) =	ssettm $0x7FFFFFFF  }
0xc3: {  	_ =	shalt  }
tec
execute0_lowered:
.L_overlay_start_1:
0x0: {  	(tag) =	ssettag $0x1  }
0x1: {  	s2 =	srdreg.scid;
	s13 =	stileid.u32  }
0x2: {  	s0 =	rddreg [dreg:$0x0];
	s2 =	sand.u32 $0x1, s2;
	s9 =	smul.u32 $0x4E000, s13  }
0x3: {  	s1 =	rddreg [dreg:$0x1];
	s14 =	smul.u32 $0x13800, s13;
	s4 =	sshll.u32 s2, $0x4  }
0x4: {  	s3 =	simm.s32 $0x0;
	s25 =	smul.u32 $0x138800, s2;
	s4 =	sor.u32 s13, s4  }
0x5: {  	[smem:$0x7FF] =	sst s3;
	s7 =	sadd.s32 $0x580C00, s0;
	s5 =	smul.u32 $0x500, s4  }
0x6: {  	s10 =	sadd.s32 $0x5EA00, s0;
	p0 =	sne.s32 s13, $0xF;
	s6 =	smul.u32 $0x380, s4  }
0x7: {  	s28 =	sadd.s32 $0x138000, s1;
	s8 =	ssub.s32 $0x2, s2;
	s23 =	smul.u32 $0x17700, s4  }
0x8: {  	_ =	strace $0x8000004D;
	s11 =	sshrl.u32 s8, $0x1;
	s17 =	smul.u32 $0xFA00, s4  }
0x9: {  	s9 =	sshrl.u32 s9, $0x2;
	s8 =	ssub.s32 s8, s11;
	s4 =	smul.u32 $0x7D000, s4  }
0xa: {  	s19 =	sadd.s32 s14, s25;
	s11 =	simm.s32 $0x50;
	s14 =	simm.s32 $0x4  }
0xb: {  	s5 =	sadd.s32 s5, s0;
	s6 =	sadd.s32 s6, s0;
	s0 =	sadd.s32 $0x252A00, s0  }
0xc: {  	s15 =	sadd.s32 s7, s23;
	s4 =	sshrl.u32 s4, $0x3;
	s5 =	sadd.s32 $0x56FC00, s5  }
0xd: {  	s20 =	sadd.s32 $0x579C00, s6;
	s6 =	sadd.s32 s9, s1;
	[dreg:$0x3] =	wrdreg s5  }
0xe: {  	s23 =	smul.u32 $0xFA00, s13;
	[dreg:$0x4] =	wrdreg s20;
	s21 =	sadd.s32 $0x1800, s6  }
0xf: {  	s4 =	sadd.s32 s10, s4;
	s22 =	sadd.s32 $0x3000, s6;
	[dreg:$0x5] =	wrdreg s21  }
0x10: {  	s29 =	sadd.s32 $0x500, s15;
	s9 =	sadd.s32 $0x4800, s6;
	[dreg:$0x6] =	wrdreg s22  }
0x11: {  	s30 =	sadd.s32 $0xA00, s15;
	s24 =	sadd.s32 $0x6000, s6;
	[dreg:$0x7] =	wrdreg s9  }
0x12: {  	s26 =	sadd.s32 $0x7800, s6;
	s12 =	sadd.s32 $0x9000, s6;
	[dreg:$0x8] =	wrdreg s24  }
0x13: {  	s16 =	sadd.s32 $0xC000, s6;
	s20 =	smul.u32 $0x177000, s2;
	[dreg:$0x9] =	wrdreg s26  }
0x14: {  	s5 =	sshrl.u32 s19, $0x3;
	s2 =	smul.u32 $0xFA000, s2;
	[dreg:$0xa] =	wrdreg s12  }
0x15: {  	s19 =	sadd.s32 s10, s17;
	s12 =	sadd.s32 $0xA800, s6;
	[dreg:$0xc] =	wrdreg s16  }
0x16: {  	s9 =	sshrl.u32 s25, $0x3;
	s5 =	sadd.s32 s0, s5;
	s21 =	smul.u32 $0x17700, s13  }
0x17: {  	s22 =	sadd.s32 $0xD800, s6;
	s24 =	sadd.s32 $0xF000, s6;
	[dreg:$0xb] =	wrdreg s12  }
0x18: {  	s25 =	sadd.s32 $0x10800, s6;
	s26 =	sadd.s32 $0xF500, s4;
	[dreg:$0xd] =	wrdreg s5  }
0x19: {  	s31 =	sadd.s32 $0x500, s19;
	s4 =	simm.s32 $0x2800;
	[dreg:$0xe] =	wrdreg s22  }
0x1a: {  	s13 =	simm.s32 $0x3;
	s16 =	simm.s32 $0x0;
	[dreg:$0xf] =	wrdreg s24  }
0x1b: {  	s0 =	sadd.s32 s0, s9;
	s7 =	sadd.s32 s20, s7;
	[dreg:$0x10] =	wrdreg s25  }
0x1c: {  	s2 =	sadd.s32 s2, s10;
	[dreg:$0x11] =	wrdreg s26;
	s25 =	smax.u32 s8, $0x1  }
0x1d: {  	s26 =	sadd.s32 $0x12000, s6;
	s5 =	simm.s32 $0x9400;
	s8 =	simm.s32 $0x4400  }
0x1e: {  	s9 =	simm.s32 $0x1;
	s10 =	simm.s32 $0x6C00;
	s12 =	simm.s32 $0x2  }
0x1f: {  	s18 =	sadd.s32 s21, s7;
	s21 =	sadd.s32 s23, s2;
	s24 =	sadd.s32 $0x27000, s0  }
0x20: {  	v0 =	vimm.f32 $0.0e+00;
	s0 =	sadd.s32 $0xA00, s19;
	s2 =	simm.s32 $0x6;
	s7 =	simm.s32 $0x5  }
.LBB2_1:
0x21: {  	s17 =	rddreg [dreg:$0x3]  }
0x22: {  	[tilespmem:s3], [sflag:$0x6] =	stream.linear.gather [hbm4b:s17+s3], $0x2580, $0x38;
	[tilespmem:$0x1E480] =	vst v63  }
0x23: {  	_ =	swait.ge [sflag:s2], $0x2580  }
0x24: {  	[sflag:s2] =	ssyncset.done $0x0  }
0x25: {  	s23 =	rddreg [dreg:$0x4];
	[sflag:s2] =	ssyncadd.s32 $0xFFFFDA80  }
0x26: {  	[tilespmem:s4], [sflag:$0x6] =	stream.linear.gather [hbm4b:s23+s3], $0x1900, $0x38;
	[tilespmem:$0x1E480] =	vst v63  }
0x27: {  	_ =	swait.ge [sflag:s2], $0x1900  }
0x28: {  	[sflag:s2] =	ssyncset.done $0x0  }
0x29: {  	s20 =	simm.s32 $0x200;
	s17 =	simm.s32 $0x0;
	[sflag:s2] =	ssyncadd.s32 $0xFFFFE700  }
.LBB2_2:
0x2a: {  	p1 =	sne.s32 s20, $0x5E00;
	[tilespmem:s17+$0x9470] =	vst v0  }
0x2b: {  	[tilespmem:s17+$0x9400] =	vst v0  }
0x2c: {  	[tilespmem:s17+$0x9410] =	vst v0  }
.Ltmp0:
0x2d: {  	[tilespmem:s17+$0x9420] =	vst v0;
	(pc) =	sbr.rel @p1 .LBB2_2-.Ltmp0, $4  }
0x2e: {  	[tilespmem:s17+$0x9430] =	vst v0  }
0x2f: {  	[tilespmem:s17+$0x9440] =	vst v0  }
0x30: {  	[tilespmem:s17+$0x9450] =	vst v0  }
0x31: {  	[tilespmem:s17+$0x9460] =	vst v0;
	s17 =	sshra.s32 s20, $0x2;
	s20 =	sadd.s32 $0x200, s20  }
0x32: {  	[tilespmem:s17+$0x9470] =	vst v0  }
0x33: {  	[tilespmem:s17+$0x9400] =	vst v0  }
0x34: {  	[tilespmem:s17+$0x9410] =	vst v0  }
0x35: {  	[tilespmem:s17+$0x9420] =	vst v0  }
0x36: {  	[tilespmem:s17+$0x9430] =	vst v0  }
0x37: {  	[tilespmem:s17+$0x9440] =	vst v0  }
0x38: {  	[tilespmem:s17+$0x9450] =	vst v0  }
0x39: {  	[tilespmem:s17+$0x9460] =	vst v0  }
0x3a: {  	[spmem:s6] =	stream.linear.scatter [tilespmem:s5], [sflag:$0x5], $0x1800, $0x38;
	[tilespmem:$0x1E480] =	vst v63  }
0x3b: {  	s20 =	rddreg [dreg:$0x5]  }
0x3c: {  	[spmem:s20] =	stream.linear.scatter [tilespmem:s5], [sflag:$0x5], $0x1800, $0x38;
	[tilespmem:$0x1E480] =	vst v63  }
0x3d: {  	s22 =	rddreg [dreg:$0x6]  }
0x3e: {  	[spmem:s22] =	stream.linear.scatter [tilespmem:s5], [sflag:$0x5], $0x1800, $0x38;
	[tilespmem:$0x1E480] =	vst v63  }
0x3f: {  	s23 =	rddreg [dreg:$0x7]  }
0x40: {  	[spmem:s23] =	stream.linear.scatter [tilespmem:s5], [sflag:$0x5], $0x1800, $0x38;
	[tilespmem:$0x1E480] =	vst v63  }
0x41: {  	s20 =	rddreg [dreg:$0x8]  }
0x42: {  	[spmem:s20] =	stream.linear.scatter [tilespmem:s5], [sflag:$0x5], $0x1800, $0x38;
	[tilespmem:$0x1E480] =	vst v63  }
0x43: {  	s22 =	rddreg [dreg:$0x9]  }
0x44: {  	[spmem:s22] =	stream.linear.scatter [tilespmem:s5], [sflag:$0x5], $0x1800, $0x38;
	[tilespmem:$0x1E480] =	vst v63  }
0x45: {  	s23 =	rddreg [dreg:$0xa]  }
0x46: {  	[spmem:s23] =	stream.linear.scatter [tilespmem:s5], [sflag:$0x5], $0x1800, $0x38;
	[tilespmem:$0x1E480] =	vst v63  }
0x47: {  	s20 =	rddreg [dreg:$0xb]  }
0x48: {  	[spmem:s20] =	stream.linear.scatter [tilespmem:s5], [sflag:$0x5], $0x1800, $0x38;
	[tilespmem:$0x1E480] =	vst v63  }
0x49: {  	s22 =	rddreg [dreg:$0xc]  }
0x4a: {  	[spmem:s22] =	stream.linear.scatter [tilespmem:s5], [sflag:$0x5], $0x1800, $0x38;
	[tilespmem:$0x1E480] =	vst v63  }
0x4b: {  	s23 =	rddreg [dreg:$0xe]  }
0x4c: {  	[spmem:s23] =	stream.linear.scatter [tilespmem:s5], [sflag:$0x5], $0x1800, $0x38;
	[tilespmem:$0x1E480] =	vst v63  }
0x4d: {  	s20 =	rddreg [dreg:$0xf]  }
0x4e: {  	[spmem:s20] =	stream.linear.scatter [tilespmem:s5], [sflag:$0x5], $0x1800, $0x38;
	[tilespmem:$0x1E480] =	vst v63  }
0x4f: {  	s22 =	rddreg [dreg:$0x10]  }
0x50: {  	[spmem:s22] =	stream.linear.scatter [tilespmem:s5], [sflag:$0x5], $0x1800, $0x38;
	[tilespmem:$0x1E480] =	vst v63  }
0x51: {  	_ = 	snop  }
0x52: {  	[spmem:s26] =	stream.linear.scatter [tilespmem:s5], [sflag:$0x5], $0x1800, $0x38;
	[tilespmem:$0x1E480] =	vst v63  }
0x53: {  	s17 =	simm.s32 @!p0 $0x9400  }
0x54: {  	[spmem:s28] =	stream.linear.scatter @!p0 [tilespmem:s17], [sflag:$0x5], $0x800, $0x38;
	[tilespmem:$0x1E480] =	vst v63  }
0x55: {  	s17 =	simm.s32 @!p0 $0x5  }
0x56: {  	_ =	swait.ge @!p0 [sflag:s17], $0x800  }
0x57: {  	[sflag:s17] =	ssyncset.done @!p0 $0x0  }
0x58: {  	[sflag:s17] =	ssyncadd.s32 @!p0 $0xFFFFF800  }
0x59: {  	_ =	swait.ge [sflag:s7], $0x1800  }
0x5a: {  	[sflag:s7] =	ssyncset.done $0x0  }
0x5b: {  	[sflag:s7] =	ssyncadd.s32 $0xFFFFE800  }
0x5c: {  	_ =	swait.ge [sflag:s7], $0x1800  }
0x5d: {  	[sflag:s7] =	ssyncset.done $0x0  }
0x5e: {  	[sflag:s7] =	ssyncadd.s32 $0xFFFFE800  }
0x5f: {  	_ =	swait.ge [sflag:s7], $0x1800  }
0x60: {  	[sflag:s7] =	ssyncset.done $0x0  }
0x61: {  	[sflag:s7] =	ssyncadd.s32 $0xFFFFE800  }
0x62: {  	_ =	swait.ge [sflag:s7], $0x1800  }
0x63: {  	[sflag:s7] =	ssyncset.done $0x0  }
0x64: {  	[sflag:s7] =	ssyncadd.s32 $0xFFFFE800  }
0x65: {  	_ =	swait.ge [sflag:s7], $0x1800  }
0x66: {  	[sflag:s7] =	ssyncset.done $0x0  }
0x67: {  	[sflag:s7] =	ssyncadd.s32 $0xFFFFE800  }
0x68: {  	_ =	swait.ge [sflag:s7], $0x1800  }
0x69: {  	[sflag:s7] =	ssyncset.done $0x0  }
0x6a: {  	[sflag:s7] =	ssyncadd.s32 $0xFFFFE800  }
0x6b: {  	_ =	swait.ge [sflag:s7], $0x1800  }
0x6c: {  	[sflag:s7] =	ssyncset.done $0x0  }
0x6d: {  	[sflag:s7] =	ssyncadd.s32 $0xFFFFE800  }
0x6e: {  	_ =	swait.ge [sflag:s7], $0x1800  }
0x6f: {  	[sflag:s7] =	ssyncset.done $0x0  }
0x70: {  	[sflag:s7] =	ssyncadd.s32 $0xFFFFE800  }
0x71: {  	_ =	swait.ge [sflag:s7], $0x1800  }
0x72: {  	[sflag:s7] =	ssyncset.done $0x0  }
0x73: {  	[sflag:s7] =	ssyncadd.s32 $0xFFFFE800  }
0x74: {  	_ =	swait.ge [sflag:s7], $0x1800  }
0x75: {  	[sflag:s7] =	ssyncset.done $0x0  }
0x76: {  	[sflag:s7] =	ssyncadd.s32 $0xFFFFE800  }
0x77: {  	_ =	swait.ge [sflag:s7], $0x1800  }
0x78: {  	[sflag:s7] =	ssyncset.done $0x0  }
0x79: {  	[sflag:s7] =	ssyncadd.s32 $0xFFFFE800  }
0x7a: {  	_ =	swait.ge [sflag:s7], $0x1800  }
0x7b: {  	[sflag:s7] =	ssyncset.done $0x0  }
0x7c: {  	[sflag:s7] =	ssyncadd.s32 $0xFFFFE800  }
0x7d: {  	_ =	swait.ge [sflag:s7], $0x1800  }
0x7e: {  	[sflag:s7] =	ssyncset.done $0x0  }
0x7f: {  	[sflag:s7] =	ssyncadd.s32 $0xFFFFE800  }
0x80: {  	s23 =	simm.s32 $0x0;
	[bflag:$0x0] =	sbarrier.arrive $0xFFFF  }
0x81: {  	[tilespmem:s8], [sflag:$0x1] =	stream.linear.gather [hbm4b:s15+s23], $0x2800, $0x38;
	[tilespmem:$0x1E480] =	vst v63  }
0x82: {  	_ =	swait.ge [sflag:s9], $0x2800  }
0x83: {  	[sflag:s9] =	ssyncset.done $0x0  }
0x84: {  	[sflag:s9] =	ssyncadd.s32 $0xFFFFD800  }
0x85: {  	[tilespmem:s10], [sflag:$0x2] =	stream.linear.gather [hbm4b:s29+s23], $0x2800, $0x38;
	[tilespmem:$0x1E480] =	vst v63  }
0x86: {  	_ = 	snop  }
0x87: {  	[spmem:s1] =	stream.indirect.scatter.add.f32 [tilespmem:s8], [sflag:$0x3], $0x80, s23, s11, $0xb8;
	[tilespmem:$0x1E480] =	vst v63  }
0x88: {  	_ =	swait.ge [sflag:s12], $0x2800  }
0x89: {  	[sflag:s12] =	ssyncset.done $0x0  }
0x8a: {  	[sflag:s12] =	ssyncadd.s32 $0xFFFFD800  }
0x8b: {  	_ =	swait.ge [sflag:s13], $0x2800  }
0x8c: {  	[sflag:s13] =	ssyncset.done $0x0  }
0x8d: {  	[sflag:s13] =	ssyncadd.s32 $0xFFFFD800  }
0x8e: {  	[tilespmem:s8], [sflag:$0x1] =	stream.linear.gather [hbm4b:s30+s23], $0x2800, $0x38;
	[tilespmem:$0x1E480] =	vst v63  }
0x8f: {  	s20 =	simm.s32 $0x80  }
0x90: {  	[spmem:s1] =	stream.indirect.scatter.add.f32 [tilespmem:s10], [sflag:$0x4], $0x80, s20, s11, $0xb8;
	[tilespmem:$0x1E480] =	vst v63  }
0x91: {  	_ =	swait.ge [sflag:s9], $0x2800  }
0x92: {  	[sflag:s9] =	ssyncset.done $0x0  }
0x93: {  	[sflag:s9] =	ssyncadd.s32 $0xFFFFD800  }
0x94: {  	_ =	swait.ge [sflag:s14], $0x2800  }
0x95: {  	s22 =	sadd.s32 $0x0, s18;
	[sflag:s14] =	ssyncset.done $0x0  }
0x96: {  	s20 =	sadd.s32 $0xF00, s22;
	[sflag:s14] =	ssyncadd.s32 $0xFFFFD800  }
0x97: {  	[tilespmem:s10], [sflag:$0x2] =	stream.linear.gather [hbm4b:s20+s3], $0x2800, $0x38;
	[tilespmem:$0x1E480] =	vst v63  }
0x98: {  	s23 =	simm.s32 $0x100  }
0x99: {  	[spmem:s1] =	stream.indirect.scatter.add.f32 [tilespmem:s8], [sflag:$0x3], $0x80, s23, s11, $0xb8;
	[tilespmem:$0x1E480] =	vst v63  }
0x9a: {  	_ =	swait.ge [sflag:s12], $0x2800  }
0x9b: {  	[sflag:s12] =	ssyncset.done $0x0  }
0x9c: {  	[sflag:s12] =	ssyncadd.s32 $0xFFFFD800  }
0x9d: {  	_ =	swait.ge [sflag:s13], $0x2800  }
0x9e: {  	[sflag:s13] =	ssyncset.done $0x0  }
0x9f: {  	s17 =	sadd.s32 $0x1400, s22;
	[sflag:s13] =	ssyncadd.s32 $0xFFFFD800  }
0xa0: {  	[tilespmem:s8], [sflag:$0x1] =	stream.linear.gather [hbm4b:s17+s3], $0x2800, $0x38;
	[tilespmem:$0x1E480] =	vst v63  }
0xa1: {  	s22 =	simm.s32 $0x180;
	s20 =	simm.s32 $0x200;
	s17 =	simm.s32 $0xA00  }
.LBB2_4:
0xa2: {  	[spmem:s1] =	stream.indirect.scatter.add.f32 [tilespmem:s10], [sflag:$0x4], $0x80, s22, s11, $0xb8;
	[tilespmem:$0x1E480] =	vst v63  }
0xa3: {  	s22 =	smov.u32 s17  }
0xa4: {  	p1 =	sne.s32 s17, $0x15E00;
	s17 =	sadd.s32 $0xA00, s17;
	_ =	swait.ge [sflag:s9], $0x2800  }
0xa5: {  	[sflag:s9] =	ssyncset.done $0x0  }
0xa6: {  	[sflag:s9] =	ssyncadd.s32 $0xFFFFD800  }
0xa7: {  	_ =	swait.ge [sflag:s14], $0x2800  }
0xa8: {  	s22 =	sadd.s32 s22, s18;
	[sflag:s14] =	ssyncset.done $0x0  }
0xa9: {  	s23 =	sadd.s32 $0xF00, s22;
	[sflag:s14] =	ssyncadd.s32 $0xFFFFD800  }
0xaa: {  	[tilespmem:s10], [sflag:$0x2] =	stream.linear.gather [hbm4b:s23+s3], $0x2800, $0x38;
	[tilespmem:$0x1E480] =	vst v63  }
0xab: {  	_ = 	snop  }
0xac: {  	[spmem:s1] =	stream.indirect.scatter.add.f32 [tilespmem:s8], [sflag:$0x3], $0x80, s20, s11, $0xb8;
	[tilespmem:$0x1E480] =	vst v63  }
0xad: {  	_ =	swait.ge [sflag:s12], $0x2800  }
0xae: {  	[sflag:s12] =	ssyncset.done $0x0  }
0xaf: {  	[sflag:s12] =	ssyncadd.s32 $0xFFFFD800  }
.Ltmp1:
0xb0: {  	_ =	swait.ge [sflag:s13], $0x2800;
	(pc) =	sbr.rel @p1 .LBB2_4-.Ltmp1, $4  }
0xb1: {  	[sflag:s13] =	ssyncset.done $0x0  }
0xb2: {  	s22 =	sadd.s32 $0x1400, s22;
	[sflag:s13] =	ssyncadd.s32 $0xFFFFD800  }
0xb3: {  	[tilespmem:s8], [sflag:$0x1] =	stream.linear.gather [hbm4b:s22+s3], $0x2800, $0x38;
	[tilespmem:$0x1E480] =	vst v63  }
0xb4: {  	s22 =	sadd.s32 $0x80, s20;
	s20 =	sadd.s32 $0x100, s20  }
0xb5: {  	[spmem:s1] =	stream.indirect.scatter.add.f32 [tilespmem:s10], [sflag:$0x4], $0x80, s22, s11, $0xb8;
	[tilespmem:$0x1E480] =	vst v63  }
0xb6: {  	_ =	swait.ge [sflag:s9], $0x2800  }
0xb7: {  	[sflag:s9] =	ssyncset.done $0x0  }
0xb8: {  	s17 =	simm.s32 $0x2500;
	[sflag:s9] =	ssyncadd.s32 $0xFFFFD800  }
0xb9: {  	[spmem:s1] =	stream.indirect.scatter.add.f32 [tilespmem:s8], [sflag:$0x3], $0x80, s17, s11, $0xb8;
	[tilespmem:$0x1E480] =	vst v63  }
0xba: {  	_ =	swait.ge [sflag:s14], $0x2800  }
0xbb: {  	[sflag:s14] =	ssyncset.done $0x0  }
0xbc: {  	[sflag:s14] =	ssyncadd.s32 $0xFFFFD800  }
0xbd: {  	_ =	swait.ge [sflag:s13], $0x2800  }
0xbe: {  	[sflag:s13] =	ssyncset.done $0x0  }
0xbf: {  	s23 =	simm.s32 $0x0;
	[sflag:s13] =	ssyncadd.s32 $0xFFFFD800  }
0xc0: {  	[tilespmem:s8], [sflag:$0x1] =	stream.linear.gather [hbm4b:s19+s23], $0x2800, $0x38;
	[tilespmem:$0x1E480] =	vst v63  }
0xc1: {  	_ =	swait.ge [sflag:s9], $0x2800  }
0xc2: {  	[sflag:s9] =	ssyncset.done $0x0  }
0xc3: {  	[sflag:s9] =	ssyncadd.s32 $0xFFFFD800  }
0xc4: {  	[tilespmem:s10], [sflag:$0x2] =	stream.linear.gather [hbm4b:s31+s23], $0x2800, $0x38;
	[tilespmem:$0x1E480] =	vst v63  }
0xc5: {  	_ = 	snop  }
0xc6: {  	[spmem:s1] =	stream.indirect.scatter.add.f32 [tilespmem:s8], [sflag:$0x3], $0x80, s4, s11, $0xb8;
	[tilespmem:$0x1E480] =	vst v63  }
0xc7: {  	_ =	swait.ge [sflag:s12], $0x2800  }
0xc8: {  	[sflag:s12] =	ssyncset.done $0x0  }
0xc9: {  	[sflag:s12] =	ssyncadd.s32 $0xFFFFD800  }
0xca: {  	_ =	swait.ge [sflag:s13], $0x2800  }
0xcb: {  	[sflag:s13] =	ssyncset.done $0x0  }
0xcc: {  	[sflag:s13] =	ssyncadd.s32 $0xFFFFD800  }
0xcd: {  	[tilespmem:s8], [sflag:$0x1] =	stream.linear.gather [hbm4b:s0+s23], $0x2800, $0x38;
	[tilespmem:$0x1E480] =	vst v63  }
0xce: {  	s20 =	simm.s32 $0x2880  }
0xcf: {  	[spmem:s1] =	stream.indirect.scatter.add.f32 [tilespmem:s10], [sflag:$0x4], $0x80, s20, s11, $0xb8;
	[tilespmem:$0x1E480] =	vst v63  }
0xd0: {  	_ =	swait.ge [sflag:s9], $0x2800  }
0xd1: {  	[sflag:s9] =	ssyncset.done $0x0  }
0xd2: {  	[sflag:s9] =	ssyncadd.s32 $0xFFFFD800  }
0xd3: {  	_ =	swait.ge [sflag:s14], $0x2800  }
0xd4: {  	s22 =	sadd.s32 $0x0, s21;
	[sflag:s14] =	ssyncset.done $0x0  }
0xd5: {  	s20 =	sadd.s32 $0xF00, s22;
	[sflag:s14] =	ssyncadd.s32 $0xFFFFD800  }
0xd6: {  	[tilespmem:s10], [sflag:$0x2] =	stream.linear.gather [hbm4b:s20+s3], $0x2800, $0x38;
	[tilespmem:$0x1E480] =	vst v63  }
0xd7: {  	s23 =	simm.s32 $0x2900  }
0xd8: {  	[spmem:s1] =	stream.indirect.scatter.add.f32 [tilespmem:s8], [sflag:$0x3], $0x80, s23, s11, $0xb8;
	[tilespmem:$0x1E480] =	vst v63  }
0xd9: {  	_ =	swait.ge [sflag:s12], $0x2800  }
0xda: {  	[sflag:s12] =	ssyncset.done $0x0  }
0xdb: {  	[sflag:s12] =	ssyncadd.s32 $0xFFFFD800  }
0xdc: {  	_ =	swait.ge [sflag:s13], $0x2800  }
0xdd: {  	[sflag:s13] =	ssyncset.done $0x0  }
0xde: {  	s17 =	sadd.s32 $0x1400, s22;
	[sflag:s13] =	ssyncadd.s32 $0xFFFFD800  }
0xdf: {  	[tilespmem:s8], [sflag:$0x1] =	stream.linear.gather [hbm4b:s17+s3], $0x2800, $0x38;
	[tilespmem:$0x1E480] =	vst v63  }
0xe0: {  	s22 =	simm.s32 $0x2980;
	s20 =	simm.s32 $0x2A00;
	s17 =	simm.s32 $0xA00  }
.LBB2_6:
0xe1: {  	[spmem:s1] =	stream.indirect.scatter.add.f32 [tilespmem:s10], [sflag:$0x4], $0x80, s22, s11, $0xb8;
	[tilespmem:$0x1E480] =	vst v63  }
0xe2: {  	s22 =	smov.u32 s17  }
0xe3: {  	p1 =	sne.s32 s17, $0xDC00;
	s17 =	sadd.s32 $0xA00, s17;
	_ =	swait.ge [sflag:s9], $0x2800  }
0xe4: {  	[sflag:s9] =	ssyncset.done $0x0  }
0xe5: {  	[sflag:s9] =	ssyncadd.s32 $0xFFFFD800  }
0xe6: {  	_ =	swait.ge [sflag:s14], $0x2800  }
0xe7: {  	s22 =	sadd.s32 s22, s21;
	[sflag:s14] =	ssyncset.done $0x0  }
0xe8: {  	s23 =	sadd.s32 $0xF00, s22;
	[sflag:s14] =	ssyncadd.s32 $0xFFFFD800  }
0xe9: {  	[tilespmem:s10], [sflag:$0x2] =	stream.linear.gather [hbm4b:s23+s3], $0x2800, $0x38;
	[tilespmem:$0x1E480] =	vst v63  }
0xea: {  	_ = 	snop  }
0xeb: {  	[spmem:s1] =	stream.indirect.scatter.add.f32 [tilespmem:s8], [sflag:$0x3], $0x80, s20, s11, $0xb8;
	[tilespmem:$0x1E480] =	vst v63  }
0xec: {  	_ =	swait.ge [sflag:s12], $0x2800  }
0xed: {  	[sflag:s12] =	ssyncset.done $0x0  }
0xee: {  	[sflag:s12] =	ssyncadd.s32 $0xFFFFD800  }
.Ltmp2:
0xef: {  	_ =	swait.ge [sflag:s13], $0x2800;
	(pc) =	sbr.rel @p1 .LBB2_6-.Ltmp2, $4  }
0xf0: {  	[sflag:s13] =	ssyncset.done $0x0  }
0xf1: {  	s22 =	sadd.s32 $0x1400, s22;
	[sflag:s13] =	ssyncadd.s32 $0xFFFFD800  }
0xf2: {  	[tilespmem:s8], [sflag:$0x1] =	stream.linear.gather [hbm4b:s22+s3], $0x2800, $0x38;
	[tilespmem:$0x1E480] =	vst v63  }
0xf3: {  	s22 =	sadd.s32 $0x80, s20;
	s20 =	sadd.s32 $0x100, s20  }
0xf4: {  	[spmem:s1] =	stream.indirect.scatter.add.f32 [tilespmem:s10], [sflag:$0x4], $0x80, s22, s11, $0xb8;
	[tilespmem:$0x1E480] =	vst v63  }
0xf5: {  	_ =	swait.ge [sflag:s9], $0x2800  }
0xf6: {  	[sflag:s9] =	ssyncset.done $0x0  }
0xf7: {  	[sflag:s9] =	ssyncadd.s32 $0xFFFFD800  }
0xf8: {  	_ =	swait.ge [sflag:s14], $0x2800  }
0xf9: {  	[sflag:s14] =	ssyncset.done $0x0  }
0xfa: {  	s17 =	rddreg [dreg:$0x11];
	[sflag:s14] =	ssyncadd.s32 $0xFFFFD800  }
0xfb: {  	[tilespmem:s10], [sflag:$0x2] =	stream.linear.gather [hbm4b:s17+s3], $0x2800, $0x38;
	[tilespmem:$0x1E480] =	vst v63  }
0xfc: {  	s23 =	simm.s32 $0x4000  }
0xfd: {  	[spmem:s1] =	stream.indirect.scatter.add.f32 [tilespmem:s8], [sflag:$0x3], $0x80, s23, s11, $0xb8;
	[tilespmem:$0x1E480] =	vst v63  }
0xfe: {  	_ =	swait.ge [sflag:s12], $0x2800  }
0xff: {  	[sflag:s12] =	ssyncset.done $0x0  }
0x100: {  	s20 =	simm.s32 $0x4080;
	[sflag:s12] =	ssyncadd.s32 $0xFFFFD800  }
0x101: {  	[spmem:s1] =	stream.indirect.scatter.add.f32 [tilespmem:s10], [sflag:$0x4], $0x80, s20, s11, $0xb8;
	[tilespmem:$0x1E480] =	vst v63  }
0x102: {  	_ =	swait.ge [sflag:s14], $0x2800  }
0x103: {  	[sflag:s14] =	ssyncset.done $0x0  }
0x104: {  	[sflag:s14] =	ssyncadd.s32 $0xFFFFD800  }
0x105: {  	_ =	swait.ge [sflag:s13], $0x2800  }
0x106: {  	[sflag:s13] =	ssyncset.done $0x0  }
0x107: {  	s22 =	stileid.u32;
	[sflag:s13] =	ssyncadd.s32 $0xFFFFD800  }
0x108: {  	s17 =	sshll.u32 s22, $0x6;
	[bflag:$0x0] =	sbarrier.arrive $0xFFFF  }
0x109: {  	s17 =	sor.u32 $0x1C06, s17;
	s20 =	sshrl.u32 s6, $0x3;
	s23 =	rddreg [dreg:$0xd]  }
0x10a: {  	[hbm:s23], [sflag:s17] =	dma.local [spmem:s20], $0x2700  }
0x10b: {  	_ =	swait.ge [sflag:s2], $0x2700  }
0x10c: {  	s16 =	sadd.s32 $0x1, s16;
	[sflag:s2] =	ssyncset.done $0x0  }
0x10d: {  	p1 =	sne.s32 s16, s25;
	s20 =	sshrl.u32 @!p0 s28, $0x3;
	[sflag:s2] =	ssyncadd.s32 $0xFFFFD900  }
0x10e: {  	[hbm:s24], [sflag:s17] =	dma.local @!p0 [spmem:s20], $0x100  }
.Ltmp3:
0x10f: {  	_ = 	snop;
	(pc) =	sbr.rel @p1 .LBB2_1-.Ltmp3, $4  }
0x110: {  	s17 =	simm.s32 @!p0 $0x6  }
0x111: {  	_ =	swait.ge @!p0 [sflag:s17], $0x100  }
0x112: {  	[sflag:s17] =	ssyncset.done @!p0 $0x0  }
0x113: {  	[sflag:s17] =	ssyncadd.s32 @!p0 $0xFFFFFF00  }
0x114: {  	_ =	sfence.sel $0x180000  }
0x115: {  	[bflag:$0x0] =	sbarrier.arrive $0xFFFF  }
0x116: {  	_ =	strace $0x9000004D  }
0x117: {  	s0 =	stileid.u32;
	[bflag:$0x2] =	sbarrier.arrive $0xFFFF  }
0x118: {  	p0 =	sne.s32 s0, $0x0;
	s0 =	rddreg [dreg:$0x2]  }
0x119: {  	s0 =	sadd.s32 @!p0 $0x100000, s0  }
0x11a: {  	[sflag:s0] =	ssyncadd.tile.s32 @!p0 $0x1;
	_ =	shalt  }
.Lfunc_end2:
_tile_overlayer_lowered:
.L_overlay_start_2:
0x11b: {  	(tag) =	ssettag $0x2  }
0x11c: {  	s0 =	rddreg [dreg:$0x0];
	s2 =	stileid.u32  }
0x11d: {  	s1 =	rddreg [dreg:$0x1];
	p0 =	sne.s32 s2, $0x0  }
0x11e: {  	s3 =	rddreg [dreg:$0x2];
	[bflag:$0x3] =	sbarrier.arrive $0xFFFF;
	s2 =	simm.s32 @!p0 $0x1C06  }
0x11f: {  	[timem:s3], [sflag:s2] =	dma.local @!p0 [hbm:s0], s1  }
0x120: {  	s0 =	simm.s32 @!p0 $0x6  }
0x121: {  	_ =	swait.ge @!p0 [sflag:s0], s1  }
0x122: {  	s1 =	ssub.s32 @!p0 $0x0, s1;
	[sflag:s0] =	ssyncset.done @!p0 $0x0  }
0x123: {  	[sflag:s0] =	ssyncadd.s32 @!p0 s1  }
0x124: {  	[bflag:$0x3] =	sbarrier.arrive $0xFFFF  }
0x125: {  	_ =	shalt  }

// kernel: kernel.9.cloned.1.call-start
scs
__scs_entry_jumppad:
0x0: {  	(pc) =	sbr.rel $0x88, $3  }
0x1: {  	(tag) =	ssettag $0x0;
	lr =	simm.s32 $0x1  }
0x2: {  	[smem:$0x3F95] =	sst lr;
	_ =	strace $0xD0000000  }
0x3: {  	_ = 	snop  }
0x4: {  	_ = 	snop  }
0x5: {  	_ = 	snop  }
0x6: {  	_ = 	snop  }
0x7: {  	_ = 	snop  }
__scs_overlays_trampoline_lowered:
0x8: {  	[smem:$0x3FA4] =	sst s0  }
0x9: {  	[smem:$0x3FA5] =	sst s1  }
0xa: {  	[smem:$0x3FA6] =	sst s2  }
0xb: {  	[smem:$0x3FA7] =	sst s3  }
0xc: {  	[smem:$0x3FA8] =	sst s4  }
0xd: {  	[smem:$0x3FA9] =	sst s5  }
0xe: {  	[smem:$0x3FAA] =	sst s6  }
0xf: {  	[smem:$0x3FAB] =	sst s7  }
0x10: {  	[smem:$0x3FAC] =	sst s8  }
0x11: {  	[smem:$0x3FAD] =	sst s9;
	s0 =	simm.s32 @!p0 $0x0  }
0x12: {  	s1 =	sld [smem:$0x3F93];
	s0 =	simm.s32 @p0 $0x1  }
0x13: {  	[smem:$0x3FAE] =	sst s0;
	s0 =	simm.s32 @!p1 $0x0  }
0x14: {  	s2 =	sld [smem:$0x3F92];
	s0 =	simm.s32 @p1 $0x1  }
0x15: {  	[smem:$0x3FAF] =	sst s0;
	s0 =	simm.s32 @!p2 $0x0  }
0x16: {  	s3 =	sld [smem:$0x3FDB];
	s0 =	simm.s32 @p2 $0x1  }
0x17: {  	s4 =	simm.s32 $0x1BF5;
	[smem:$0x3FB1] =	sst s0  }
0x18: {  	s0 =	sld [smem:$0x3F94];
	_ =	swait.ge [sflag:s4], $0x0  }
0x19: {  	s7 =	sld [smem:$0x3F95]  }
0x1a: {  	s8 =	sadd.s32 $0xFFFFE003, lr  }
0x1b: {  	s9 =	sadd.s32 $0xFFFFFEF7, lr;
	s5 =	simm.s32 $0xFFFFFFFF;
	p2 =	slt.u32 s8, $0xFFFFF086  }
0x1c: {  	p1 =	slt.u32 s9, $0xF7A;
	s5 =	simm.s32 @!p2 $0x0  }
0x1d: {  	s5 =	simm.s32 @p1 $0x1;
	p0 =	seq.s32 s7, s2  }
0x1e: {  	s7 =	smul.u32 @!p0 $0xF7A, s2;
	p2 =	seq.s32 @!p0 s5, $0x0  }
0x1f: {  	s9 =	smul.u32 $0xF7A, s1;
	s8 =	simm.s32 @!p0 $0x1BF5;
	p2 =	por !p2, p0  }
0x20: {  	[sflag:s8] =	ssyncset.s32 @!p0 $0xFFFFF086;
	s6 =	sadd.s32 @!p0 s3, s7;
	s7 =	simm.s32 @!p0 $0x108  }
0x21: {  	s3 =	sadd.s32 s3, s9;
	s6 =	sadd.s32 @!p0 $0x88, s6;
	s7 =	simm.s32 @p2 $0x1082  }
0x22: {  	[simem:s7], [sflag:s8] =	dma.local @!p0 [hbm:s6], $0xF7A  }
0x23: {  	s9 =	sor.u32 $0xD0000000, s2;
	s6 =	simm.s32 $0x108;
	_ =	swait.ge @!p0 [sflag:s8], $0x0  }
0x24: {  	s3 =	sadd.s32 $0x88, s3;
	s6 =	simm.s32 @!p1 $0x1082;
	[sflag:s4] =	ssyncset.s32 $0xFFFFF086  }
0x25: {  	[simem:s6], [sflag:s4] =	dma.local [hbm:s3], $0xF7A  }
0x26: {  	[smem:$0x3F95] =	sst s1;
	(tag) =	ssettag s2;
	_ =	strace s9  }
0x27: {  	s1 =	sld [smem:$0x3FA5]  }
0x28: {  	s2 =	sld [smem:$0x3FA6]  }
0x29: {  	s4 =	sld [smem:$0x3FA8]  }
0x2a: {  	p0 =	seq.s32 s5, $0x0;
	s5 =	sld [smem:$0x3FA9]  }
0x2b: {  	s6 =	sld [smem:$0x3FAA]  }
0x2c: {  	s7 =	sld [smem:$0x3FAB]  }
0x2d: {  	s3 =	simm.s32 $0x108;
	s8 =	sld [smem:$0x3FAC]  }
0x2e: {  	s3 =	simm.s32 @!p0 $0x1082;
	s9 =	sld [smem:$0x3FAD]  }
0x2f: {  	lr =	sadd.s32 s0, s3;
	s0 =	sld [smem:$0x3FA4]  }
0x30: {  	s3 =	sld [smem:$0x3FA7]  }
0x31: {  	[smem:$0x3FB0] =	sst s10  }
0x32: {  	s10 =	sld [smem:$0x3FAE];
	_ =	sdelay $0x3  }
0x33: {  	p0 =	seq.s32 s10, $0x1;
	s10 =	sld [smem:$0x3FB0];
	_ =	sdelay $0x3  }
0x34: {  	[smem:$0x3FB0] =	sst s10  }
0x35: {  	s10 =	sld [smem:$0x3FAF];
	_ =	sdelay $0x3  }
0x36: {  	p1 =	seq.s32 s10, $0x1;
	s10 =	sld [smem:$0x3FB0];
	_ =	sdelay $0x3  }
0x37: {  	[smem:$0x3FB0] =	sst s10  }
0x38: {  	s10 =	sld [smem:$0x3FB1]  }
0x39: {  	_ = 	snop;
	(pc) =	sbr.ind lr, $3  }
0x3a: {  	_ = 	snop  }
0x3b: {  	_ = 	snop  }
0x3c: {  	p2 =	seq.s32 s10, $0x1;
	s10 =	sld [smem:$0x3FB0]  }
0x3d: {  	_ =	shalt  }
0x3e: {  	_ =	shalt  }
0x3f: {  	_ =	shalt  }
0x40: {  	_ =	shalt  }
0x41: {  	_ =	shalt  }
0x42: {  	_ =	shalt  }
0x43: {  	_ =	shalt  }
0x44: {  	_ =	shalt  }
0x45: {  	_ =	shalt  }
0x46: {  	_ =	shalt  }
0x47: {  	_ =	shalt  }
0x48: {  	_ =	shalt  }
0x49: {  	_ =	shalt  }
0x4a: {  	_ =	shalt  }
0x4b: {  	_ =	shalt  }
0x4c: {  	_ =	shalt  }
0x4d: {  	_ =	shalt  }
0x4e: {  	_ =	shalt  }
0x4f: {  	_ =	shalt  }
0x50: {  	_ =	shalt  }
0x51: {  	_ =	shalt  }
0x52: {  	_ =	shalt  }
0x53: {  	_ =	shalt  }
0x54: {  	_ =	shalt  }
0x55: {  	_ =	shalt  }
0x56: {  	_ =	shalt  }
0x57: {  	_ =	shalt  }
0x58: {  	_ =	shalt  }
0x59: {  	_ =	shalt  }
0x5a: {  	_ =	shalt  }
0x5b: {  	_ =	shalt  }
0x5c: {  	_ =	shalt  }
0x5d: {  	_ =	shalt  }
0x5e: {  	_ =	shalt  }
0x5f: {  	_ =	shalt  }
0x60: {  	_ =	shalt  }
0x61: {  	_ =	shalt  }
0x62: {  	_ =	shalt  }
0x63: {  	_ =	shalt  }
0x64: {  	_ =	shalt  }
0x65: {  	_ =	shalt  }
0x66: {  	_ =	shalt  }
0x67: {  	_ =	shalt  }
0x68: {  	_ =	shalt  }
0x69: {  	_ =	shalt  }
0x6a: {  	_ =	shalt  }
0x6b: {  	_ =	shalt  }
0x6c: {  	_ =	shalt  }
0x6d: {  	_ =	shalt  }
0x6e: {  	_ =	shalt  }
0x6f: {  	_ =	shalt  }
0x70: {  	_ =	shalt  }
0x71: {  	_ =	shalt  }
0x72: {  	_ =	shalt  }
0x73: {  	_ =	shalt  }
0x74: {  	_ =	shalt  }
0x75: {  	_ =	shalt  }
0x76: {  	_ =	shalt  }
0x77: {  	_ =	shalt  }
0x78: {  	_ =	shalt  }
0x79: {  	_ =	shalt  }
0x7a: {  	_ =	shalt  }
0x7b: {  	_ =	shalt  }
0x7c: {  	_ =	shalt  }
0x7d: {  	_ =	shalt  }
0x7e: {  	_ =	shalt  }
0x7f: {  	_ =	shalt  }
0x80: {  	_ =	shalt  }
0x81: {  	_ =	shalt  }
0x82: {  	_ =	shalt  }
0x83: {  	_ =	shalt  }
0x84: {  	_ =	shalt  }
0x85: {  	_ =	shalt  }
0x86: {  	_ =	shalt  }
0x87: {  	_ =	shalt  }
.Lfunc_end0:
.L_simem_size_0:
called_computation_lowered:
.L_overlay_start_0:
0x88: {  	s2 =	sld [smem:$0x3FD9]  }
0x89: {  	s3 =	sld [smem:$0x3FFE];
	_ =	sdelay $0x1  }
0x8a: {  	s1 =	srdreg.scid  }
0x8b: {  	s0 =	sand.u32 $0x1, s1  }
0x8c: {  	s17 =	sshll.u32 s0, $0xA;
	s2 =	sadd.s32 s3, s2  }
0x8d: {  	s2 =	sadd.s32 s2, s17  }
0x8e: {  	[smem:$0x3FBC] =	sst s2  }
0x8f: {  	_ = 	snop  }
0x90: {  	s2 =	sld [smem:$0x3FD0];
	(tm) =	ssettm $0x1  }
0x91: {  	s18 =	sld [smem:$0x3FFB];
	_ =	sdelay $0x3  }
0x92: {  	_ =	strace s18  }
0x93: {  	s3 =	sld [smem:$0x3FFC];
	_ =	sdelay $0x3  }
0x94: {  	_ =	strace s3  }
0x95: {  	s3 =	sld [smem:$0x3FFD];
	_ =	sdelay $0x3  }
0x96: {  	_ =	strace s3  }
0x97: {  	_ =	strace $0x8FFFFFFF  }
0x98: {  	s19 =	sld [smem:$0x3FDB];
	_ =	sdelay $0x1  }
0x99: {  	s4 =	simm.s32 $_scs_section_size  }
0x9a: {  	s5 =	simm.s32 $_size__tile_overlayer_lowered;
	s6 =	simm.s32 $_tile_overlayer_lowered  }
0x9b: {  	s22 =	simm.s32 $0x1BFF;
	s21 =	sshll.u32 s6, $0x1;
	s3 =	sadd.s32 s4, s19  }
0x9c: {  	s7 =	simm.s32 $0x0;
	s20 =	sshll.u32 s5, $0x1;
	s5 =	sadd.s32 s21, s3  }
0x9d: {  	[timem:s7], [sflag:s22] =	dma.local [hbm:s5], s20  }
0x9e: {  	_ =	swait.ge [sflag:s22], s20  }
0x9f: {  	s4 =	ssub.s32 $0x0, s20;
	[sflag:s22] =	ssyncset.done $0x0  }
0xa0: {  	[sflag:s22] =	ssyncadd.s32 s4;
	_ =	sdelay $0x1  }
0xa1: {  	s23 =	simm.s32 $0x1B8B  }
0xa2: {  	_ =	swait.ge [sflag:s23], $0x1  }
0xa3: {  	[sflag:s23] =	ssyncset.done $0x0  }
0xa4: {  	s25 =	simm.s32 $0x1B8E;
	s24 =	sld [smem:$0x3FFE];
	[sflag:s23] =	ssyncadd.s32 $0xFFFFFFFF  }
0xa5: {  	s26 =	simm.s32 $execute0_lowered;
	[smem:$0x3FD2] =	sst s25  }
0xa6: {  	s5 =	sshll.u32 s26, $0x1;
	_ =	strace $0x80000046;
	[dreg:$0x1] =	wrdreg $0xFFFFFFFF  }
0xa7: {  	s28 =	simm.s32 $_size_execute0_lowered;
	s3 =	sadd.s32 s3, s5;
	[dreg:$0x0] =	wrdreg $0x0  }
0xa8: {  	s5 =	sshll.u32 s28, $0x1;
	[dreg:$0x2] =	wrdreg s3  }
0xa9: {  	[dreg:$0x3] =	wrdreg s5  }
0xaa: {  	[dreg:$0x4] =	wrdreg $0xC0  }
0xab: {  	_ =	task [dreg:s7], $0x5FFFF  }
0xac: {  	[dreg:$0x1] =	wrdreg $0xFFFFFFFF  }
0xad: {  	[dreg:$0x0] =	wrdreg $0x60  }
0xae: {  	[dreg:$0x2] =	wrdreg s2  }
0xaf: {  	[dreg:$0x3] =	wrdreg s24  }
0xb0: {  	[dreg:$0x4] =	wrdreg $0x9  }
0xb1: {  	_ =	task.clear_ibuf [dreg:s7], $0x5FFFF;
	_ =	strace $0x90000046  }
0xb2: {  	s29 =	simm.s32 $0x9;
	_ =	strace $0x80000048  }
0xb3: {  	_ =	swait.ge [sflag:s29], $0x1  }
0xb4: {  	[sflag:s29] =	ssyncadd.s32 $0xFFFFFFFF  }
0xb5: {  	_ =	strace $0x90000048  }
0xb6: {  	_ =	sfence  }
0xb7: {  	s30 =	sld [smem:$0x0];
	_ =	sdelay $0x2  }
0xb8: {  	s31 =	sshll.u32 s1, $0xD;
	s1 =	sshrl.u32 s1, $0x2  }
0xb9: {  	s3 =	sand.u32 $0x4000, s31;
	s1 =	sadd.s32 s1, s30  }
0xba: {  	s0 =	sor.u32 s3, s0;
	s1 =	sshll.u32 s1, $0x11  }
0xbb: {  	s0 =	sor.u32 s1, s0  }
0xbc: {  	s0 =	sadd.s32 $0x8F2B, s0  }
0xbd: {  	[sflag:s0] =	ssyncadd.remote.s32 $0x1  }
0xbe: {  	_ =	sfence.sel $0xFFFF  }
0xbf: {  	[dreg:$0x0] =	wrdreg $0xFFFFFFFF;
	(pc) =	sbr.abs _section_cstart, $3  }
0xc0: {  	[dreg:$0x1] =	wrdreg $0xFFFFFFFF  }
0xc1: {  	_ =	task.clear_ibuf [dreg:s7], $0x2FFFF;
	_ =	strace $0x9FFFFFFF  }
0xc2: {  	(tm) =	ssettm $0x7FFFFFFF  }
0xc3: {  	_ =	shalt  }
tec
execute0_lowered:
.L_overlay_start_1:
0x0: {  	(tag) =	ssettag $0x1  }
0x1: {  	s2 =	rddreg [dreg:$0x0]  }
0x2: {  	s0 =	srdreg.scid;
	s3 =	stileid.u32  }
0x3: {  	s1 =	rddreg [dreg:$0x1];
	s12 =	simm.s32 $0xA;
	s14 =	simm.s32 $0x78  }
0x4: {  	s15 =	simm.s32 $0x2F00;
	s16 =	simm.s32 $0x6B00;
	s17 =	simm.s32 $0x1  }
0x5: {  	s18 =	simm.s32 $0x2;
	s19 =	simm.s32 $0xA700;
	s20 =	simm.s32 $0xE300  }
0x6: {  	s21 =	simm.s32 $0x3;
	s22 =	simm.s32 $0x4;
	s23 =	simm.s32 $0x11F00  }
0x7: {  	s24 =	simm.s32 $0x15B00;
	s0 =	sand.u32 $0x1, s0;
	s4 =	sshll.u32 s3, $0x1  }
0x8: {  	s28 =	simm.s32 $0x7;
	s3 =	simm.s32 $0x0;
	s5 =	sor.u32 s0, s4  }
0x9: {  	s29 =	simm.s32 $0x8;
	[smem:$0x7FF] =	sst s3;
	s4 =	smul.u32 $0x1770, s5  }
0xa: {  	s0 =	ssub.s32 $0x2, s0;
	_ =	strace $0x80000047;
	s7 =	smul.u32 $0xBB800, s5  }
0xb: {  	s5 =	sadd.s32 $0x5EA00, s1;
	s9 =	sshrl.u32 s0, $0x1;
	s6 =	sshrl.u32 s4, $0x3  }
0xc: {  	s0 =	ssub.s32 s0, s9;
	s25 =	sshrl.u32 s7, $0x3;
	s8 =	sadd.s32 s6, s1  }
0xd: {  	s11 =	smax.u32 s0, $0x1;
	s6 =	sadd.s32 $0x85C00, s1;
	s26 =	sadd.s32 $0xAA00, s8  }
0xe: {  	s30 =	sadd.s32 $0x4C00, s8;
	s1 =	sadd.s32 s6, s25;
	[dreg:$0x3] =	wrdreg s26  }
0xf: {  	s0 =	simm.s32 $0x0;
	[dreg:$0x4] =	wrdreg s30;
	s31 =	sadd.s32 $0x16800, s1  }
0x10: {  	s25 =	simm.s32 $0x5;
	s1 =	sadd.s32 $0x16F80, s1;
	[dreg:$0x5] =	wrdreg s31  }
0x11: {  	s26 =	simm.s32 $0x6;
	[dreg:$0x6] =	wrdreg s1;
	s1 =	simm.s32 $0x9  }
.LBB2_1:
0x12: {  	s7 =	rddreg [dreg:$0x3]  }
0x13: {  	[tilespmem:s3], [sflag:$0xA] =	stream.linear.gather [hbm4b:s7+s3], $0x1770, $0x38;
	[tilespmem:$0x19700] =	vst v63  }
0x14: {  	_ =	swait.ge [sflag:s12], $0x1770  }
0x15: {  	[sflag:s12] =	ssyncset.done $0x0  }
0x16: {  	s8 =	simm.s32 $0x1780;
	s31 =	rddreg [dreg:$0x4];
	[sflag:s12] =	ssyncadd.s32 $0xFFFFE890  }
0x17: {  	[tilespmem:s8], [sflag:$0xA] =	stream.linear.gather [hbm4b:s31+s3], $0x1770, $0x38;
	[tilespmem:$0x19700] =	vst v63  }
0x18: {  	_ =	swait.ge [sflag:s12], $0x1770  }
0x19: {  	[sflag:s12] =	ssyncset.done $0x0  }
0x1a: {  	[sflag:s12] =	ssyncadd.s32 $0xFFFFE890  }
0x1b: {  	[tilespmem:s15], [sflag:$0x1] =	stream.indirect.gather [hbm4b:s2+s14], $0x80, s3, s14, $0xb8;
	[tilespmem:$0x19700] =	vst v63  }
0x1c: {  	s30 =	simm.s32 $0x0  }
0x1d: {  	[tilespmem:s16], [sflag:$0x2] =	stream.indirect.gather [hbm4b:s5+s14], $0x80, s8, s14, $0xb8;
	[tilespmem:$0x19700] =	vst v63  }
.LBB2_2:
0x1e: {  	_ =	swait.ge [sflag:s17], $0x3C00  }
0x1f: {  	[sflag:s17] =	ssyncset.done $0x0  }
0x20: {  	[sflag:s17] =	ssyncadd.s32 $0xFFFFC400  }
0x21: {  	_ =	swait.ge [sflag:s18], $0x3C00  }
0x22: {  	p0 =	seq.s32 s30, $0x0;
	[sflag:s18] =	ssyncset.done $0x0  }
0x23: {  	s7 =	simm.s32 @!p0 $0x8;
	[sflag:s18] =	ssyncadd.s32 $0xFFFFC400  }
0x24: {  	s31 =	smul.u32 $0x168, s30;
	_ =	swait.ge @!p0 [sflag:s7], $0x3C00  }
0x25: {  	[sflag:s7] =	ssyncset.done @!p0 $0x0  }
0x26: {  	s13 =	sadd.s32 $0x78, s31;
	[sflag:s7] =	ssyncadd.s32 @!p0 $0xFFFFC400  }
0x27: {  	[tilespmem:s19], [sflag:$0x3] =	stream.indirect.gather [hbm4b:s2+s14], $0x80, s13, s14, $0xb8;
	[tilespmem:$0x19700] =	vst v63  }
0x28: {  	s10 =	sadd.s32 $0x17F8, s31;
	s7 =	simm.s32 $0x0  }
0x29: {  	[tilespmem:s20], [sflag:$0x4] =	stream.indirect.gather [hbm4b:s5+s14], $0x80, s10, s14, $0xb8;
	[tilespmem:$0x19700] =	vst v63  }
0x2a: {  	v7 =	vld [tilespmem:s7+$0x6B00]  }
0x2b: {  	v11 =	vld [tilespmem:s7+$0x6B10]  }
0x2c: {  	v5 =	vld [tilespmem:s7+$0x6B20]  }
0x2d: {  	v4 =	vld [tilespmem:s7+$0x6B30]  }
0x2e: {  	v3 =	vld [tilespmem:s7+$0x6B40]  }
0x2f: {  	v2 =	vld [tilespmem:s7+$0x6B50]  }
0x30: {  	v1 =	vld [tilespmem:s7+$0x6B60]  }
0x31: {  	v0 =	vld [tilespmem:s7+$0x6B70]  }
0x32: {  	v12 =	vld [tilespmem:s7+$0x2F00]  }
0x33: {  	v13 =	vld [tilespmem:s7+$0x2F10]  }
0x34: {  	v10 =	vld [tilespmem:s7+$0x2F20]  }
0x35: {  	v9 =	vld [tilespmem:s7+$0x2F30]  }
0x36: {  	v8 =	vld [tilespmem:s7+$0x2F40]  }
0x37: {  	v6 =	vld [tilespmem:s7+$0x2F50];
	v12 =	vadd.bf16 v7, v12  }
0x38: {  	s8 =	simm.s32 $0x200;
	v11 =	vadd.bf16 v11, v13;
	v7 =	vld [tilespmem:s7+$0x2F60]  }
.LBB2_3:
0x39: {  	s9 =	sshra.s32 s8, $0x2;
	p1 =	sne.s32 s8, $0xEE00;
	[tilespmem:s7+$0x2F00] =	vst v12;
	v5 =	vadd.bf16 v5, v10;
	v10 =	vld [tilespmem:s7+$0x2F70]  }
0x3a: {  	v12 =	vld [tilespmem:s9+$0x6B00];
	[tilespmem:s7+$0x2F10] =	vst v11;
	v4 =	vadd.bf16 v4, v9  }
0x3b: {  	v11 =	vld [tilespmem:s9+$0x6B10];
	[tilespmem:s7+$0x2F20] =	vst v5;
	v3 =	vadd.bf16 v3, v8  }
0x3c: {  	v5 =	vld [tilespmem:s9+$0x6B20];
	[tilespmem:s7+$0x2F30] =	vst v4;
	v2 =	vadd.bf16 v2, v6  }
0x3d: {  	v4 =	vld [tilespmem:s9+$0x6B30];
	[tilespmem:s7+$0x2F40] =	vst v3;
	v1 =	vadd.bf16 v1, v7  }
0x3e: {  	v3 =	vld [tilespmem:s9+$0x6B40];
	[tilespmem:s7+$0x2F50] =	vst v2;
	v0 =	vadd.bf16 v0, v10  }
0x3f: {  	v2 =	vld [tilespmem:s9+$0x6B50];
	[tilespmem:s7+$0x2F60] =	vst v1  }
0x40: {  	v1 =	vld [tilespmem:s9+$0x6B60];
	[tilespmem:s7+$0x2F70] =	vst v0;
	s7 =	smov.u32 s9  }
0x41: {  	v0 =	vld [tilespmem:s7+$0x6B70]  }
0x42: {  	v6 =	vld [tilespmem:s7+$0x2F00]  }
0x43: {  	v7 =	vld [tilespmem:s7+$0x2F10]  }
.Ltmp0:
0x44: {  	v10 =	vld [tilespmem:s7+$0x2F20];
	(pc) =	sbr.rel @p1 .LBB2_3-.Ltmp0, $4  }
0x45: {  	v9 =	vld [tilespmem:s7+$0x2F30]  }
0x46: {  	v8 =	vld [tilespmem:s7+$0x2F40]  }
0x47: {  	v12 =	vadd.bf16 v12, v6;
	v6 =	vld [tilespmem:s7+$0x2F50]  }
0x48: {  	s8 =	sadd.s32 $0x200, s8;
	v11 =	vadd.bf16 v11, v7;
	v7 =	vld [tilespmem:s7+$0x2F60]  }
0x49: {  	[tilespmem:s7+$0x2F00] =	vst v12;
	v5 =	vadd.bf16 v5, v10;
	v10 =	vld [tilespmem:s7+$0x2F70]  }
0x4a: {  	[tilespmem:s7+$0x2F10] =	vst v11;
	v4 =	vadd.bf16 v4, v9  }
0x4b: {  	[tilespmem:s7+$0x2F20] =	vst v5;
	v3 =	vadd.bf16 v3, v8  }
0x4c: {  	[tilespmem:s7+$0x2F30] =	vst v4;
	v2 =	vadd.bf16 v2, v6  }
0x4d: {  	[tilespmem:s7+$0x2F40] =	vst v3;
	v1 =	vadd.bf16 v1, v7  }
0x4e: {  	s8 =	sadd.s32 s4, s31;
	[tilespmem:s7+$0x2F50] =	vst v2;
	v0 =	vadd.bf16 v0, v10  }
0x4f: {  	s8 =	sshll.u32 s8, $0x4;
	[tilespmem:s7+$0x2F60] =	vst v1  }
0x50: {  	s9 =	sadd.s32 s6, s8;
	[tilespmem:s7+$0x2F70] =	vst v0  }
0x51: {  	[hbm4b:s9+s3] =	stream.linear.scatter [tilespmem:s15], [sflag:$0x7], $0x3C00, $0x38;
	[tilespmem:$0x19700] =	vst v63  }
0x52: {  	_ =	swait.ge [sflag:s21], $0x3C00  }
0x53: {  	[sflag:s21] =	ssyncset.done $0x0  }
0x54: {  	[sflag:s21] =	ssyncadd.s32 $0xFFFFC400  }
0x55: {  	_ =	swait.ge [sflag:s22], $0x3C00  }
0x56: {  	[sflag:s22] =	ssyncset.done $0x0  }
0x57: {  	s7 =	simm.s32 @!p0 $0x9;
	[sflag:s22] =	ssyncadd.s32 $0xFFFFC400  }
0x58: {  	_ =	swait.ge @!p0 [sflag:s7], $0x3C00  }
0x59: {  	[sflag:s7] =	ssyncset.done @!p0 $0x0  }
0x5a: {  	[sflag:s7] =	ssyncadd.s32 @!p0 $0xFFFFC400;
	s7 =	sadd.s32 $0xF0, s31  }
0x5b: {  	[tilespmem:s23], [sflag:$0x5] =	stream.indirect.gather [hbm4b:s2+s14], $0x80, s7, s14, $0xb8;
	[tilespmem:$0x19700] =	vst v63  }
0x5c: {  	s10 =	sadd.s32 $0x1870, s31;
	s8 =	simm.s32 $0x0  }
0x5d: {  	[tilespmem:s24], [sflag:$0x6] =	stream.indirect.gather [hbm4b:s5+s14], $0x80, s10, s14, $0xb8;
	[tilespmem:$0x19700] =	vst v63  }
0x5e: {  	v7 =	vld [tilespmem:s8+$0xE300]  }
0x5f: {  	v11 =	vld [tilespmem:s8+$0xE310]  }
0x60: {  	v5 =	vld [tilespmem:s8+$0xE320]  }
0x61: {  	v4 =	vld [tilespmem:s8+$0xE330]  }
0x62: {  	v3 =	vld [tilespmem:s8+$0xE340]  }
0x63: {  	v2 =	vld [tilespmem:s8+$0xE350]  }
0x64: {  	v1 =	vld [tilespmem:s8+$0xE360]  }
0x65: {  	v0 =	vld [tilespmem:s8+$0xE370]  }
0x66: {  	v12 =	vld [tilespmem:s8+$0xA700]  }
0x67: {  	v13 =	vld [tilespmem:s8+$0xA710]  }
0x68: {  	v10 =	vld [tilespmem:s8+$0xA720]  }
0x69: {  	v9 =	vld [tilespmem:s8+$0xA730]  }
0x6a: {  	v8 =	vld [tilespmem:s8+$0xA740]  }
0x6b: {  	v6 =	vld [tilespmem:s8+$0xA750];
	v12 =	vadd.bf16 v7, v12  }
0x6c: {  	s9 =	simm.s32 $0x200;
	v11 =	vadd.bf16 v11, v13;
	v7 =	vld [tilespmem:s8+$0xA760]  }
.LBB2_5:
0x6d: {  	s10 =	sshra.s32 s9, $0x2;
	p0 =	sne.s32 s9, $0xEE00;
	[tilespmem:s8+$0xA700] =	vst v12;
	v5 =	vadd.bf16 v5, v10;
	v10 =	vld [tilespmem:s8+$0xA770]  }
0x6e: {  	v12 =	vld [tilespmem:s10+$0xE300];
	[tilespmem:s8+$0xA710] =	vst v11;
	v4 =	vadd.bf16 v4, v9  }
0x6f: {  	v11 =	vld [tilespmem:s10+$0xE310];
	[tilespmem:s8+$0xA720] =	vst v5;
	v3 =	vadd.bf16 v3, v8  }
0x70: {  	v5 =	vld [tilespmem:s10+$0xE320];
	[tilespmem:s8+$0xA730] =	vst v4;
	v2 =	vadd.bf16 v2, v6  }
0x71: {  	v4 =	vld [tilespmem:s10+$0xE330];
	[tilespmem:s8+$0xA740] =	vst v3;
	v1 =	vadd.bf16 v1, v7  }
0x72: {  	v3 =	vld [tilespmem:s10+$0xE340];
	[tilespmem:s8+$0xA750] =	vst v2;
	v0 =	vadd.bf16 v0, v10  }
0x73: {  	v2 =	vld [tilespmem:s10+$0xE350];
	[tilespmem:s8+$0xA760] =	vst v1  }
0x74: {  	v1 =	vld [tilespmem:s10+$0xE360];
	[tilespmem:s8+$0xA770] =	vst v0;
	s8 =	smov.u32 s10  }
0x75: {  	v0 =	vld [tilespmem:s8+$0xE370]  }
0x76: {  	v6 =	vld [tilespmem:s8+$0xA700]  }
0x77: {  	v7 =	vld [tilespmem:s8+$0xA710]  }
.Ltmp1:
0x78: {  	v10 =	vld [tilespmem:s8+$0xA720];
	(pc) =	sbr.rel @p0 .LBB2_5-.Ltmp1, $4  }
0x79: {  	v9 =	vld [tilespmem:s8+$0xA730]  }
0x7a: {  	v8 =	vld [tilespmem:s8+$0xA740]  }
0x7b: {  	v12 =	vadd.bf16 v12, v6;
	v6 =	vld [tilespmem:s8+$0xA750]  }
0x7c: {  	s9 =	sadd.s32 $0x200, s9;
	v11 =	vadd.bf16 v11, v7;
	v7 =	vld [tilespmem:s8+$0xA760]  }
0x7d: {  	[tilespmem:s8+$0xA700] =	vst v12;
	v5 =	vadd.bf16 v5, v10;
	v10 =	vld [tilespmem:s8+$0xA770]  }
0x7e: {  	[tilespmem:s8+$0xA710] =	vst v11;
	v4 =	vadd.bf16 v4, v9  }
0x7f: {  	[tilespmem:s8+$0xA720] =	vst v5;
	v3 =	vadd.bf16 v3, v8  }
0x80: {  	[tilespmem:s8+$0xA730] =	vst v4;
	v2 =	vadd.bf16 v2, v6  }
0x81: {  	[tilespmem:s8+$0xA740] =	vst v3;
	v1 =	vadd.bf16 v1, v7  }
0x82: {  	s9 =	sadd.s32 s4, s13;
	[tilespmem:s8+$0xA750] =	vst v2;
	v0 =	vadd.bf16 v0, v10  }
0x83: {  	s9 =	sshll.u32 s9, $0x4;
	[tilespmem:s8+$0xA760] =	vst v1  }
0x84: {  	s10 =	simm.s32 $0x0;
	s9 =	sadd.s32 s6, s9;
	[tilespmem:s8+$0xA770] =	vst v0  }
0x85: {  	[hbm4b:s9+s10] =	stream.linear.scatter [tilespmem:s19], [sflag:$0x8], $0x3C00, $0x38;
	[tilespmem:$0x19700] =	vst v63  }
0x86: {  	_ =	swait.ge [sflag:s25], $0x3C00  }
0x87: {  	[sflag:s25] =	ssyncset.done $0x0  }
0x88: {  	[sflag:s25] =	ssyncadd.s32 $0xFFFFC400  }
0x89: {  	_ =	swait.ge [sflag:s26], $0x3C00  }
0x8a: {  	[sflag:s26] =	ssyncset.done $0x0  }
0x8b: {  	[sflag:s26] =	ssyncadd.s32 $0xFFFFC400  }
0x8c: {  	_ =	swait.ge [sflag:s28], $0x3C00  }
0x8d: {  	[sflag:s28] =	ssyncset.done $0x0  }
0x8e: {  	s13 =	sadd.s32 $0x168, s31;
	[sflag:s28] =	ssyncadd.s32 $0xFFFFC400  }
0x8f: {  	[tilespmem:s15], [sflag:$0x1] =	stream.indirect.gather [hbm4b:s2+s14], $0x80, s13, s14, $0xb8;
	[tilespmem:$0x19700] =	vst v63  }
0x90: {  	s31 =	sadd.s32 $0x18E8, s31;
	s8 =	simm.s32 $0x0  }
0x91: {  	[tilespmem:s16], [sflag:$0x2] =	stream.indirect.gather [hbm4b:s5+s14], $0x80, s31, s14, $0xb8;
	[tilespmem:$0x19700] =	vst v63  }
0x92: {  	v7 =	vld [tilespmem:s8+$0x15B00]  }
0x93: {  	v11 =	vld [tilespmem:s8+$0x15B10]  }
0x94: {  	v5 =	vld [tilespmem:s8+$0x15B20]  }
0x95: {  	v4 =	vld [tilespmem:s8+$0x15B30]  }
0x96: {  	v3 =	vld [tilespmem:s8+$0x15B40]  }
0x97: {  	v2 =	vld [tilespmem:s8+$0x15B50]  }
0x98: {  	v1 =	vld [tilespmem:s8+$0x15B60]  }
0x99: {  	v0 =	vld [tilespmem:s8+$0x15B70]  }
0x9a: {  	v12 =	vld [tilespmem:s8+$0x11F00]  }
0x9b: {  	v13 =	vld [tilespmem:s8+$0x11F10]  }
0x9c: {  	v10 =	vld [tilespmem:s8+$0x11F20]  }
0x9d: {  	v9 =	vld [tilespmem:s8+$0x11F30]  }
0x9e: {  	v8 =	vld [tilespmem:s8+$0x11F40]  }
0x9f: {  	v6 =	vld [tilespmem:s8+$0x11F50];
	v12 =	vadd.bf16 v7, v12  }
0xa0: {  	s9 =	simm.s32 $0x200;
	v11 =	vadd.bf16 v11, v13;
	v7 =	vld [tilespmem:s8+$0x11F60]  }
.LBB2_7:
0xa1: {  	s10 =	sshra.s32 s9, $0x2;
	p0 =	sne.s32 s9, $0xEE00;
	[tilespmem:s8+$0x11F00] =	vst v12;
	v5 =	vadd.bf16 v5, v10;
	v10 =	vld [tilespmem:s8+$0x11F70]  }
0xa2: {  	v12 =	vld [tilespmem:s10+$0x15B00];
	[tilespmem:s8+$0x11F10] =	vst v11;
	v4 =	vadd.bf16 v4, v9  }
0xa3: {  	v11 =	vld [tilespmem:s10+$0x15B10];
	[tilespmem:s8+$0x11F20] =	vst v5;
	v3 =	vadd.bf16 v3, v8  }
0xa4: {  	v5 =	vld [tilespmem:s10+$0x15B20];
	[tilespmem:s8+$0x11F30] =	vst v4;
	v2 =	vadd.bf16 v2, v6  }
0xa5: {  	v4 =	vld [tilespmem:s10+$0x15B30];
	[tilespmem:s8+$0x11F40] =	vst v3;
	v1 =	vadd.bf16 v1, v7  }
0xa6: {  	v3 =	vld [tilespmem:s10+$0x15B40];
	[tilespmem:s8+$0x11F50] =	vst v2;
	v0 =	vadd.bf16 v0, v10  }
0xa7: {  	v2 =	vld [tilespmem:s10+$0x15B50];
	[tilespmem:s8+$0x11F60] =	vst v1  }
0xa8: {  	v1 =	vld [tilespmem:s10+$0x15B60];
	[tilespmem:s8+$0x11F70] =	vst v0;
	s8 =	smov.u32 s10  }
0xa9: {  	v0 =	vld [tilespmem:s8+$0x15B70]  }
0xaa: {  	v6 =	vld [tilespmem:s8+$0x11F00]  }
0xab: {  	v7 =	vld [tilespmem:s8+$0x11F10]  }
.Ltmp2:
0xac: {  	v10 =	vld [tilespmem:s8+$0x11F20];
	(pc) =	sbr.rel @p0 .LBB2_7-.Ltmp2, $4  }
0xad: {  	v9 =	vld [tilespmem:s8+$0x11F30]  }
0xae: {  	v8 =	vld [tilespmem:s8+$0x11F40]  }
0xaf: {  	v12 =	vadd.bf16 v12, v6;
	v6 =	vld [tilespmem:s8+$0x11F50]  }
0xb0: {  	s9 =	sadd.s32 $0x200, s9;
	v11 =	vadd.bf16 v11, v7;
	v7 =	vld [tilespmem:s8+$0x11F60]  }
0xb1: {  	[tilespmem:s8+$0x11F00] =	vst v12;
	v5 =	vadd.bf16 v5, v10;
	v63 =	vld [tilespmem:s8+$0x11F70]  }
0xb2: {  	[tilespmem:s8+$0x11F10] =	vst v11;
	v4 =	vadd.bf16 v4, v9  }
0xb3: {  	s30 =	sadd.s32 $0x1, s30;
	[tilespmem:s8+$0x11F20] =	vst v5;
	v3 =	vadd.bf16 v3, v8  }
0xb4: {  	p0 =	sne.s32 s30, $0x10;
	[tilespmem:s8+$0x11F30] =	vst v4;
	v2 =	vadd.bf16 v2, v6  }
.Ltmp3:
0xb5: {  	[tilespmem:s8+$0x11F40] =	vst v3;
	v1 =	vadd.bf16 v1, v7;
	(pc) =	sbr.rel @p0 .LBB2_2-.Ltmp3, $4  }
0xb6: {  	s7 =	sadd.s32 s4, s7;
	[tilespmem:s8+$0x11F50] =	vst v2;
	v0 =	vadd.bf16 v0, v63  }
0xb7: {  	s7 =	sshll.u32 s7, $0x4;
	[tilespmem:s8+$0x11F60] =	vst v1  }
0xb8: {  	s7 =	sadd.s32 s6, s7;
	[tilespmem:s8+$0x11F70] =	vst v0  }
0xb9: {  	[hbm4b:s7+s3] =	stream.linear.scatter [tilespmem:s23], [sflag:$0x9], $0x3C00, $0x38;
	[tilespmem:$0x19700] =	vst v63  }
0xba: {  	_ =	swait.ge [sflag:s17], $0x3C00  }
0xbb: {  	[sflag:s17] =	ssyncset.done $0x0  }
0xbc: {  	[sflag:s17] =	ssyncadd.s32 $0xFFFFC400  }
0xbd: {  	_ =	swait.ge [sflag:s18], $0x3C00  }
0xbe: {  	[sflag:s18] =	ssyncset.done $0x0  }
0xbf: {  	[sflag:s18] =	ssyncadd.s32 $0xFFFFC400  }
0xc0: {  	_ =	swait.ge [sflag:s29], $0x3C00  }
0xc1: {  	[sflag:s29] =	ssyncset.done $0x0  }
0xc2: {  	s7 =	simm.s32 $0x16F8;
	[sflag:s29] =	ssyncadd.s32 $0xFFFFC400  }
0xc3: {  	[tilespmem:s19], [sflag:$0x3] =	stream.indirect.gather [hbm4b:s2+s14], $0x80, s7, s14, $0xb8;
	[tilespmem:$0x19700] =	vst v63  }
0xc4: {  	s31 =	simm.s32 $0x2E78;
	s7 =	simm.s32 $0x0  }
0xc5: {  	[tilespmem:s20], [sflag:$0x4] =	stream.indirect.gather [hbm4b:s5+s14], $0x80, s31, s14, $0xb8;
	[tilespmem:$0x19700] =	vst v63  }
0xc6: {  	v7 =	vld [tilespmem:s7+$0x6B00]  }
0xc7: {  	v11 =	vld [tilespmem:s7+$0x6B10]  }
0xc8: {  	v5 =	vld [tilespmem:s7+$0x6B20]  }
0xc9: {  	v4 =	vld [tilespmem:s7+$0x6B30]  }
0xca: {  	v3 =	vld [tilespmem:s7+$0x6B40]  }
0xcb: {  	v2 =	vld [tilespmem:s7+$0x6B50]  }
0xcc: {  	v1 =	vld [tilespmem:s7+$0x6B60]  }
0xcd: {  	v0 =	vld [tilespmem:s7+$0x6B70]  }
0xce: {  	v12 =	vld [tilespmem:s7+$0x2F00]  }
0xcf: {  	v13 =	vld [tilespmem:s7+$0x2F10]  }
0xd0: {  	v10 =	vld [tilespmem:s7+$0x2F20]  }
0xd1: {  	v9 =	vld [tilespmem:s7+$0x2F30]  }
0xd2: {  	v8 =	vld [tilespmem:s7+$0x2F40]  }
0xd3: {  	v6 =	vld [tilespmem:s7+$0x2F50];
	v12 =	vadd.bf16 v7, v12  }
0xd4: {  	s8 =	simm.s32 $0x200;
	v11 =	vadd.bf16 v11, v13;
	v7 =	vld [tilespmem:s7+$0x2F60]  }
.LBB2_10:
0xd5: {  	s9 =	sshra.s32 s8, $0x2;
	p0 =	sne.s32 s8, $0xEE00;
	[tilespmem:s7+$0x2F00] =	vst v12;
	v5 =	vadd.bf16 v5, v10;
	v10 =	vld [tilespmem:s7+$0x2F70]  }
0xd6: {  	v12 =	vld [tilespmem:s9+$0x6B00];
	[tilespmem:s7+$0x2F10] =	vst v11;
	v4 =	vadd.bf16 v4, v9  }
0xd7: {  	v11 =	vld [tilespmem:s9+$0x6B10];
	[tilespmem:s7+$0x2F20] =	vst v5;
	v3 =	vadd.bf16 v3, v8  }
0xd8: {  	v5 =	vld [tilespmem:s9+$0x6B20];
	[tilespmem:s7+$0x2F30] =	vst v4;
	v2 =	vadd.bf16 v2, v6  }
0xd9: {  	v4 =	vld [tilespmem:s9+$0x6B30];
	[tilespmem:s7+$0x2F40] =	vst v3;
	v1 =	vadd.bf16 v1, v7  }
0xda: {  	v3 =	vld [tilespmem:s9+$0x6B40];
	[tilespmem:s7+$0x2F50] =	vst v2;
	v0 =	vadd.bf16 v0, v10  }
0xdb: {  	v2 =	vld [tilespmem:s9+$0x6B50];
	[tilespmem:s7+$0x2F60] =	vst v1  }
0xdc: {  	v1 =	vld [tilespmem:s9+$0x6B60];
	[tilespmem:s7+$0x2F70] =	vst v0;
	s7 =	smov.u32 s9  }
0xdd: {  	v0 =	vld [tilespmem:s7+$0x6B70]  }
0xde: {  	v6 =	vld [tilespmem:s7+$0x2F00]  }
0xdf: {  	v7 =	vld [tilespmem:s7+$0x2F10]  }
.Ltmp4:
0xe0: {  	v10 =	vld [tilespmem:s7+$0x2F20];
	(pc) =	sbr.rel @p0 .LBB2_10-.Ltmp4, $4  }
0xe1: {  	v9 =	vld [tilespmem:s7+$0x2F30]  }
0xe2: {  	v8 =	vld [tilespmem:s7+$0x2F40]  }
0xe3: {  	v12 =	vadd.bf16 v12, v6;
	v6 =	vld [tilespmem:s7+$0x2F50]  }
0xe4: {  	s8 =	sadd.s32 $0x200, s8;
	v11 =	vadd.bf16 v11, v7;
	v7 =	vld [tilespmem:s7+$0x2F60]  }
0xe5: {  	[tilespmem:s7+$0x2F00] =	vst v12;
	v5 =	vadd.bf16 v5, v10;
	v10 =	vld [tilespmem:s7+$0x2F70]  }
0xe6: {  	[tilespmem:s7+$0x2F10] =	vst v11;
	v4 =	vadd.bf16 v4, v9  }
0xe7: {  	[tilespmem:s7+$0x2F20] =	vst v5;
	v3 =	vadd.bf16 v3, v8  }
0xe8: {  	[tilespmem:s7+$0x2F30] =	vst v4;
	v2 =	vadd.bf16 v2, v6  }
0xe9: {  	[tilespmem:s7+$0x2F40] =	vst v3;
	v1 =	vadd.bf16 v1, v7  }
0xea: {  	[tilespmem:s7+$0x2F50] =	vst v2;
	v0 =	vadd.bf16 v0, v10  }
0xeb: {  	[tilespmem:s7+$0x2F60] =	vst v1  }
0xec: {  	s31 =	simm.s32 $0x0;
	s8 =	rddreg [dreg:$0x5];
	[tilespmem:s7+$0x2F70] =	vst v0  }
0xed: {  	[hbm4b:s8+s31] =	stream.linear.scatter [tilespmem:s15], [sflag:$0x7], $0x3C00, $0x38;
	[tilespmem:$0x19700] =	vst v63  }
0xee: {  	_ =	swait.ge [sflag:s21], $0x3C00  }
0xef: {  	[sflag:s21] =	ssyncset.done $0x0  }
0xf0: {  	[sflag:s21] =	ssyncadd.s32 $0xFFFFC400  }
0xf1: {  	_ =	swait.ge [sflag:s22], $0x3C00  }
0xf2: {  	[sflag:s22] =	ssyncset.done $0x0  }
0xf3: {  	s7 =	simm.s32 $0x0;
	[sflag:s22] =	ssyncadd.s32 $0xFFFFC400  }
0xf4: {  	v7 =	vld [tilespmem:s7+$0xE300]  }
0xf5: {  	v11 =	vld [tilespmem:s7+$0xE310]  }
0xf6: {  	v5 =	vld [tilespmem:s7+$0xE320]  }
0xf7: {  	v4 =	vld [tilespmem:s7+$0xE330]  }
0xf8: {  	v3 =	vld [tilespmem:s7+$0xE340]  }
0xf9: {  	v2 =	vld [tilespmem:s7+$0xE350]  }
0xfa: {  	v1 =	vld [tilespmem:s7+$0xE360]  }
0xfb: {  	v0 =	vld [tilespmem:s7+$0xE370]  }
0xfc: {  	v12 =	vld [tilespmem:s7+$0xA700]  }
0xfd: {  	v13 =	vld [tilespmem:s7+$0xA710]  }
0xfe: {  	v10 =	vld [tilespmem:s7+$0xA720]  }
0xff: {  	v9 =	vld [tilespmem:s7+$0xA730]  }
0x100: {  	v8 =	vld [tilespmem:s7+$0xA740]  }
0x101: {  	v6 =	vld [tilespmem:s7+$0xA750];
	v12 =	vadd.bf16 v7, v12  }
0x102: {  	s8 =	simm.s32 $0x200;
	v11 =	vadd.bf16 v11, v13;
	v7 =	vld [tilespmem:s7+$0xA760]  }
.LBB2_12:
0x103: {  	s9 =	sshra.s32 s8, $0x2;
	p0 =	sne.s32 s8, $0xEE00;
	[tilespmem:s7+$0xA700] =	vst v12;
	v5 =	vadd.bf16 v5, v10;
	v10 =	vld [tilespmem:s7+$0xA770]  }
0x104: {  	v12 =	vld [tilespmem:s9+$0xE300];
	[tilespmem:s7+$0xA710] =	vst v11;
	v4 =	vadd.bf16 v4, v9  }
0x105: {  	v11 =	vld [tilespmem:s9+$0xE310];
	[tilespmem:s7+$0xA720] =	vst v5;
	v3 =	vadd.bf16 v3, v8  }
0x106: {  	v5 =	vld [tilespmem:s9+$0xE320];
	[tilespmem:s7+$0xA730] =	vst v4;
	v2 =	vadd.bf16 v2, v6  }
0x107: {  	v4 =	vld [tilespmem:s9+$0xE330];
	[tilespmem:s7+$0xA740] =	vst v3;
	v1 =	vadd.bf16 v1, v7  }
0x108: {  	v3 =	vld [tilespmem:s9+$0xE340];
	[tilespmem:s7+$0xA750] =	vst v2;
	v0 =	vadd.bf16 v0, v10  }
0x109: {  	v2 =	vld [tilespmem:s9+$0xE350];
	[tilespmem:s7+$0xA760] =	vst v1  }
0x10a: {  	v1 =	vld [tilespmem:s9+$0xE360];
	[tilespmem:s7+$0xA770] =	vst v0;
	s7 =	smov.u32 s9  }
0x10b: {  	v0 =	vld [tilespmem:s7+$0xE370]  }
0x10c: {  	v6 =	vld [tilespmem:s7+$0xA700]  }
0x10d: {  	v7 =	vld [tilespmem:s7+$0xA710]  }
.Ltmp5:
0x10e: {  	v10 =	vld [tilespmem:s7+$0xA720];
	(pc) =	sbr.rel @p0 .LBB2_12-.Ltmp5, $4  }
0x10f: {  	v9 =	vld [tilespmem:s7+$0xA730]  }
0x110: {  	v8 =	vld [tilespmem:s7+$0xA740]  }
0x111: {  	v12 =	vadd.bf16 v12, v6;
	v6 =	vld [tilespmem:s7+$0xA750]  }
0x112: {  	s8 =	sadd.s32 $0x200, s8;
	v11 =	vadd.bf16 v11, v7;
	v7 =	vld [tilespmem:s7+$0xA760]  }
0x113: {  	[tilespmem:s7+$0xA700] =	vst v12;
	v5 =	vadd.bf16 v5, v10;
	v63 =	vld [tilespmem:s7+$0xA770]  }
0x114: {  	[tilespmem:s7+$0xA710] =	vst v11;
	v4 =	vadd.bf16 v4, v9  }
0x115: {  	[tilespmem:s7+$0xA720] =	vst v5;
	v3 =	vadd.bf16 v3, v8  }
0x116: {  	[tilespmem:s7+$0xA730] =	vst v4;
	v2 =	vadd.bf16 v2, v6  }
0x117: {  	[tilespmem:s7+$0xA740] =	vst v3;
	v1 =	vadd.bf16 v1, v7  }
0x118: {  	[tilespmem:s7+$0xA750] =	vst v2;
	v0 =	vadd.bf16 v0, v63  }
0x119: {  	[tilespmem:s7+$0xA760] =	vst v1  }
0x11a: {  	s31 =	rddreg [dreg:$0x6];
	[tilespmem:s7+$0xA770] =	vst v0  }
0x11b: {  	[hbm4b:s31+s3] =	stream.linear.scatter [tilespmem:s19], [sflag:$0x8], $0x3C00, $0x38;
	[tilespmem:$0x19700] =	vst v63  }
0x11c: {  	_ =	swait.ge [sflag:s28], $0x3C00  }
0x11d: {  	[sflag:s28] =	ssyncset.done $0x0  }
0x11e: {  	s0 =	sadd.s32 $0x1, s0;
	[sflag:s28] =	ssyncadd.s32 $0xFFFFC400  }
0x11f: {  	p0 =	sne.s32 s0, s11;
	_ =	swait.ge [sflag:s29], $0x3C00  }
.Ltmp6:
0x120: {  	[sflag:s29] =	ssyncset.done $0x0;
	(pc) =	sbr.rel @p0 .LBB2_1-.Ltmp6, $4  }
0x121: {  	[sflag:s29] =	ssyncadd.s32 $0xFFFFC400  }
0x122: {  	_ =	swait.ge [sflag:s1], $0x3C00  }
0x123: {  	[sflag:s1] =	ssyncset.done $0x0  }
0x124: {  	[sflag:s1] =	ssyncadd.s32 $0xFFFFC400  }
0x125: {  	_ =	sfence.sel $0x180000  }
0x126: {  	[bflag:$0x0] =	sbarrier.arrive $0xFFFF  }
0x127: {  	_ =	strace $0x90000047  }
0x128: {  	s0 =	stileid.u32;
	[bflag:$0x2] =	sbarrier.arrive $0xFFFF  }
0x129: {  	p0 =	sne.s32 s0, $0x0;
	s0 =	rddreg [dreg:$0x2]  }
0x12a: {  	s0 =	sadd.s32 @!p0 $0x100000, s0  }
0x12b: {  	[sflag:s0] =	ssyncadd.tile.s32 @!p0 $0x1;
	_ =	shalt  }
.Lfunc_end2:
_tile_overlayer_lowered:
.L_overlay_start_2:
0x12c: {  	(tag) =	ssettag $0x2  }
0x12d: {  	s0 =	rddreg [dreg:$0x0];
	s2 =	stileid.u32  }
0x12e: {  	s1 =	rddreg [dreg:$0x1];
	p0 =	sne.s32 s2, $0x0  }
0x12f: {  	s3 =	rddreg [dreg:$0x2];
	[bflag:$0x3] =	sbarrier.arrive $0xFFFF;
	s2 =	simm.s32 @!p0 $0x1C0A  }
0x130: {  	[timem:s3], [sflag:s2] =	dma.local @!p0 [hbm:s0], s1  }
0x131: {  	s0 =	simm.s32 @!p0 $0xA  }
0x132: {  	_ =	swait.ge @!p0 [sflag:s0], s1  }
0x133: {  	s1 =	ssub.s32 @!p0 $0x0, s1;
	[sflag:s0] =	ssyncset.done @!p0 $0x0  }
0x134: {  	[sflag:s0] =	ssyncadd.s32 @!p0 s1  }
0x135: {  	[bflag:$0x3] =	sbarrier.arrive $0xFFFF  }
0x136: {  	_ =	shalt  }

</sc_bundles>
